<compile_context>
chip_gen: v7x
topology: tpu7x:2x2x1
jax: 0.10.2.dev20260603
libtpu: 0.0.44.dev20260713+nightly
codegen_flags: <defaults>
</compile_context>

<pallas_src>
import functools

import jax
import jax.numpy as jnp
from jax import lax
from jax.experimental import pallas as pl
from jax.experimental.pallas import tpu as pltpu
from jax.experimental.pallas import tpu_sc as plsc

_N = 10000
_E = 320000
_C = 128
_K = 27
_KC = _K * _C

_NC = 2
_NS = 16
_NW = _NC * _NS
_CHUNK = 64
_NCHUNKS = 160
_NPAIRS = 80
_EPW = _NCHUNKS * _CHUNK
_EPAD = _NW * _EPW
_NPAD = 10112
_ROWS_PER_TILE = _NPAD // _NS
_ACC_ROWS = _NPAD

_BN = 400



def _prep_body(src_ref, kid_ref, o_ref):
    o_ref[...] = kid_ref[...] * _N + src_ref[...]


def _prep(src, kid):
    s2 = src.reshape(_E // _C, _C)
    k2 = kid.reshape(_E // _C, _C)
    out = pl.pallas_call(
        _prep_body,
        out_shape=jax.ShapeDtypeStruct((_E // _C, _C), jnp.int32),
    )(s2, k2)
    return out.reshape(_E)


def _mm_body(x_ref, w_ref, o_ref):
    for k in range(_K):
        o_ref[k] = jnp.dot(x_ref[...], w_ref[k],
                           preferred_element_type=jnp.float32)


def _mm(x, w):
    return pl.pallas_call(
        _mm_body,
        grid=(_N // _BN,),
        in_specs=[pl.BlockSpec((_BN, _C), lambda i: (i, 0)),
                  pl.BlockSpec((_K, _C, _C), lambda i: (0, 0, 0))],
        out_specs=pl.BlockSpec((_K, _BN, _C), lambda i: (0, i, 0)),
        out_shape=jax.ShapeDtypeStruct((_K, _N, _C), jnp.float32),
    )(x, w)


def _mm_fused_body(p0_ref, p1_ref, w_ref, o_ref):
    h = jnp.maximum(p0_ref[...] + p1_ref[...], 0.0)
    for k in range(_K):
        o_ref[k] = jnp.dot(h, w_ref[k], preferred_element_type=jnp.float32)


def _mm_fused(p, w):
    return pl.pallas_call(
        _mm_fused_body,
        grid=(_N // _BN,),
        in_specs=[pl.BlockSpec((_BN, _C), lambda i: (i, 0)),
                  pl.BlockSpec((_BN, _C), lambda i: (i, 0)),
                  pl.BlockSpec((_K, _C, _C), lambda i: (0, 0, 0))],
        out_specs=pl.BlockSpec((_K, _BN, _C), lambda i: (0, i, 0)),
        out_shape=jax.ShapeDtypeStruct((_K, _N, _C), jnp.float32),
    )(p[0], p[1], w)


def _final_body(q0_ref, q1_ref, x_ref, o_ref):
    o_ref[...] = jnp.maximum(q0_ref[...] + q1_ref[...] + x_ref[...], 0.0)


def _final(q, x):
    bn = 2000
    return pl.pallas_call(
        _final_body,
        grid=(_N // bn,),
        in_specs=[pl.BlockSpec((bn, _C), lambda i: (i, 0)),
                  pl.BlockSpec((bn, _C), lambda i: (i, 0)),
                  pl.BlockSpec((bn, _C), lambda i: (i, 0))],
        out_specs=pl.BlockSpec((bn, _C), lambda i: (i, 0)),
        out_shape=jax.ShapeDtypeStruct((_N, _C), jnp.float32),
    )(q[0], q[1], x)



_mesh = plsc.VectorSubcoreMesh(core_axis_name="c", subcore_axis_name="s")


_NBUF = 2
_ISLOTS = 8


@functools.partial(
    pl.kernel,
    mesh=_mesh,
    out_type=jax.ShapeDtypeStruct((_NC, _NPAD, _C), jnp.float32),
    scratch_types=[
        pltpu.VMEM((_ISLOTS, 1, _CHUNK), jnp.int32),
        pltpu.VMEM((_NPAIRS, 2 * _CHUNK), jnp.int32),
        pltpu.VMEM((2 * _CHUNK, _C), jnp.float32),
        pltpu.VMEM((2 * _CHUNK, _C), jnp.float32),
        pltpu.VMEM_SHARED((_ACC_ROWS, _C), jnp.float32),
        pltpu.SemaphoreType.DMA((4,)),
        pltpu.SemaphoreType.DMA((_ISLOTS,)),
    ],
)
def _gather_scatter(gidx_hbm, didx_hbm, table_hbm, zeros_hbm, out_hbm,
                    gidx_r, didx_v, pair0, pair1, acc_sh, gsem, isem):
    pair_bufs = (pair0, pair1)
    cid = lax.axis_index("c")
    sid = lax.axis_index("s")
    wid = sid * _NC + cid
    r0 = sid * _ROWS_PER_TILE

    pltpu.sync_copy(zeros_hbm.at[pl.ds(r0, _ROWS_PER_TILE)],
                    acc_sh.at[pl.ds(r0, _ROWS_PER_TILE)])
    pltpu.sync_copy(didx_hbm.at[wid], didx_v)

    def i_start(i, slot):
        pltpu.async_copy(gidx_hbm.at[wid * _NCHUNKS + i], gidx_r.at[slot],
                         isem.at[slot])

    def i_wait(i, slot):
        pltpu.make_async_copy(gidx_hbm.at[wid * _NCHUNKS + i], gidx_r.at[slot],
                              isem.at[slot]).wait()

    def g_start(i, slot, q, h):
        pltpu.async_copy(table_hbm.at[gidx_r.at[slot, 0]],
                         pair_bufs[q].at[pl.ds(h * _CHUNK, _CHUNK)],
                         gsem.at[2 * q + h])

    def g_wait(i, slot, q, h):
        pltpu.make_async_copy(table_hbm.at[gidx_r.at[slot, 0]],
                              pair_bufs[q].at[pl.ds(h * _CHUNK, _CHUNK)],
                              gsem.at[2 * q + h]).wait()

    plsc.subcore_barrier()

    for c in range(_ISLOTS):
        i_start(c, c)
    for c in range(4):
        i_wait(c, c)
        g_start(c, c, (c // 2) % 2, c % 2)

    def outer(step, carry):
        base = step * _ISLOTS
        for c in range(_ISLOTS):
            i = base + c
            q = (c // 2) % 2
            h = c % 2
            g_wait(i, c, q, h)

            @pl.when(i + _ISLOTS < _NCHUNKS)
            def _():
                i_start(i + _ISLOTS, c)

            if h == 1:
                pltpu.sync_copy(pair_bufs[q], acc_sh.at[didx_v.at[i // 2]],
                                add=True)
                for h2 in range(2):
                    inew = i - 1 + h2 + 4
                    cnew = (c - 1 + h2 + 4) % _ISLOTS

                    @pl.when(inew < _NCHUNKS)
                    def _():
                        i_wait(inew, cnew)
                        g_start(inew, cnew, q, h2)
        return carry

    lax.fori_loop(0, _NCHUNKS // _ISLOTS, outer, 0)
    plsc.subcore_barrier()
    pltpu.sync_copy(acc_sh.at[pl.ds(r0, _ROWS_PER_TILE)],
                    out_hbm.at[cid, pl.ds(r0, _ROWS_PER_TILE)])



def kernel(x, edge_index, kernel_id, W1, W2):
    src = edge_index[0]
    dst = edge_index[1]

    gidx = _prep(src, kernel_id)
    pad = _EPAD - _E
    gidx_p = jnp.concatenate(
        [gidx, jnp.zeros((pad,), jnp.int32)]).reshape(_NW * _NCHUNKS, 1, _CHUNK)
    didx_p = jnp.concatenate(
        [dst, jnp.full((pad,), _N, jnp.int32)]).reshape(_NW, _NPAIRS, 2 * _CHUNK)
    zeros = jnp.zeros((_NPAD, _C), jnp.float32)

    y1 = _mm(x, W1).reshape(_N * _K, _C)
    p = _gather_scatter(gidx_p, didx_p, y1, zeros)
    y2 = _mm_fused(p, W2).reshape(_N * _K, _C)
    q = _gather_scatter(gidx_p, didx_p, y2, zeros)
    return _final(q, x)

# --- scband reference (transcript-rebuilt; emitter-appended) ---
"""Pipeline reference for scband-residual-block-4037269258944 (READ-ONLY COPY).

The authoritative reference and input builder live on the scoring server;
editing this copy changes nothing except your own understanding.
"""

import jax, jax.numpy as jnp
import numpy as np

N = 10000   # active voxels (sparse tensor rows)
E = 320000  # kernel-map entries (in_idx -> out_idx pairs across all 27 offsets)
C = 128     # inc == outc
K = 27      # 3x3x3 kernel offsets


def setup_inputs(seed: int = 0) -> dict:
    key = jax.random.key(seed)
    k1, k2, k3, k4, k5 = jax.random.split(key, 5)
    x = jax.random.normal(k1, (N, C), dtype=jnp.float32)
    edge_index = jax.random.randint(k2, (2, E), 0, N, dtype=jnp.int32)
    kernel_id = jax.random.randint(k3, (E,), 0, K, dtype=jnp.int32)
    # learned params: per-offset weight matrices for the two sparse convs
    # (torchsparse spnn.Conv3d stores weight as [K^3, Cin, Cout], no bias)
    W1 = jax.random.normal(k4, (K, C, C), dtype=jnp.float32) * 0.05
    W2 = jax.random.normal(k5, (K, C, C), dtype=jnp.float32) * 0.05
    return {"x": x, "edge_index": edge_index, "kernel_id": kernel_id, "W1": W1, "W2": W2}


def reference(x, edge_index, kernel_id, W1, W2):
    # Submanifold sparse 3D conv (stride=1) expressed as gather -> scatter-add
    # bucketed by kernel offset, then per-offset matmul.
    src = edge_index[0]
    dst = edge_index[1]
    seg = dst * K + kernel_id  # combined segment id: (output voxel, kernel offset)

    def sparse_conv(h, W):
        msgs = h[src]                                              # gather [E, Cin]
        agg = jax.ops.segment_sum(msgs, seg, num_segments=N * K)  # scatter-add
        agg = agg.reshape(N, K, h.shape[1])                       # [N, K, Cin]
        return jnp.einsum('nki,kio->no', agg, W)                  # [N, Cout]

    out = jax.nn.relu(sparse_conv(x, W1))
    out = sparse_conv(out, W2)
    # inc == outc and stride == 1 -> identity downsample branch
    return jax.nn.relu(out + x)

if __name__ == "__main__":
    import jax
    _d = setup_inputs()
    print(jax.jit(kernel)(*tuple(_d.values())))

</pallas_src>

<mosaic_0001>
#map = affine_map<(d0, d1) -> (0, 0, 0)>
#map1 = affine_map<(d0, d1) -> (0, 0)>
module attributes {stable_mosaic.version = 14 : i64} {
  func.func @_gather_scatter(%arg0: i32, %arg1: i32, %arg2: memref<5120x1x64xi32, #tpu.memory_space<hbm>>, %arg3: memref<32x80x128xi32, #tpu.memory_space<hbm>>, %arg4: memref<270000x128xf32, #tpu.memory_space<hbm>>, %arg5: memref<10112x128xf32, #tpu.memory_space<hbm>>, %arg6: memref<2x10112x128xf32, #tpu.memory_space<hbm>>, %arg7: memref<8x1x64xi32, #tpu.memory_space<vmem>>, %arg8: memref<80x128xi32, #tpu.memory_space<vmem>>, %arg9: memref<128x128xf32, #tpu.memory_space<vmem>>, %arg10: memref<128x128xf32, #tpu.memory_space<vmem>>, %arg11: memref<10112x128xf32, #tpu.memory_space<vmem_shared>>, %arg12: memref<4x!tpu.dma_semaphore, #tpu.memory_space<semaphore_mem>>, %arg13: memref<8x!tpu.dma_semaphore, #tpu.memory_space<semaphore_mem>>) attributes {dimension_semantics = [#tpu.dimension_semantics<core_parallel>, #tpu.dimension_semantics<subcore_parallel>], iteration_bounds = array<i64: 2, 16>, scalar_prefetch = 0 : i64, scratch_operands = 7 : i64, tpu.core_type = #tpu.core_type<sc_vector_subcore>, window_params = [{transform_indices = #map}, {transform_indices = #map}, {transform_indices = #map1}, {transform_indices = #map1}, {transform_indices = #map}]} {
    %mul3A = arith.constant 2 : i32
    %mul3A_0 = arith.muli %arg1, %mul3A : i32
    %add3A = arith.addi %mul3A_0, %arg0 : i32
    %mul3A_1 = arith.constant 632 : i32
    %mul3A_2 = arith.muli %arg1, %mul3A_1 : i32
    "tpu.region"() ({
      %run_scoped3A = tpu.sem_alloc : memref<!tpu.dma_semaphore, #tpu.memory_space<semaphore_mem>>
      %dma_start3A_351 = arith.constant 0 : i32
      %dma_start3A_352 = tpu.memref_slice %arg11[%mul3A_2, %dma_start3A_351] : memref<10112x128xf32, #tpu.memory_space<vmem_shared>> -> memref<632x128xf32, #tpu.memory_space<vmem_shared>>
      %dma_start3A_353 = arith.constant 0 : i32
      %dma_start3A_354 = tpu.memref_slice %arg5[%mul3A_2, %dma_start3A_353] : memref<10112x128xf32, #tpu.memory_space<hbm>> -> memref<632x128xf32, #tpu.memory_space<hbm>>
      tpu.enqueue_dma source(%dma_start3A_354 : memref<632x128xf32, #tpu.memory_space<hbm>>) target(%dma_start3A_352 : memref<632x128xf32, #tpu.memory_space<vmem_shared>>) target_semaphore(%run_scoped3A : memref<!tpu.dma_semaphore, #tpu.memory_space<semaphore_mem>>)
      %dma_wait3A_355 = arith.constant 0 : i32
      %dma_wait3A_356 = tpu.memref_slice %arg11[%mul3A_2, %dma_wait3A_355] : memref<10112x128xf32, #tpu.memory_space<vmem_shared>> -> memref<632x128xf32, #tpu.memory_space<vmem_shared>>
      %dma_wait3A_357 = arith.constant 0 : i32
      %dma_wait3A_358 = tpu.memref_slice %arg5[%mul3A_2, %dma_wait3A_357] : memref<10112x128xf32, #tpu.memory_space<hbm>> -> memref<632x128xf32, #tpu.memory_space<hbm>>
      tpu.wait_dma2 semaphore(%run_scoped3A : memref<!tpu.dma_semaphore, #tpu.memory_space<semaphore_mem>>) src(%dma_wait3A_358 : memref<632x128xf32, #tpu.memory_space<hbm>>) dst(%dma_wait3A_356 : memref<632x128xf32, #tpu.memory_space<vmem_shared>>)
      tpu.yield
    }) : () -> ()
    "tpu.region"() ({
      %run_scoped3A = tpu.sem_alloc : memref<!tpu.dma_semaphore, #tpu.memory_space<semaphore_mem>>
      %dma_start3A_351 = arith.constant 0 : i32
      %dma_start3A_352 = arith.constant 0 : i32
      %dma_start3A_353 = tpu.memref_slice %arg3[%add3A, %dma_start3A_351, %dma_start3A_352] : memref<32x80x128xi32, #tpu.memory_space<hbm>> -> memref<1x80x128xi32, #tpu.memory_space<hbm>>
      %dma_start3A_354 = tpu.memref_squeeze %dma_start3A_353 : memref<1x80x128xi32, #tpu.memory_space<hbm>> -> memref<80x128xi32, #tpu.memory_space<hbm>>
      %dma_start3A_355 = arith.constant 0 : i32
      %dma_start3A_356 = arith.constant 0 : i32
      %dma_start3A_357 = tpu.memref_slice %arg3[%add3A, %dma_start3A_355, %dma_start3A_356] : memref<32x80x128xi32, #tpu.memory_space<hbm>> -> memref<1x80x128xi32, #tpu.memory_space<hbm>>
      %dma_start3A_358 = tpu.memref_squeeze %dma_start3A_357 : memref<1x80x128xi32, #tpu.memory_space<hbm>> -> memref<80x128xi32, #tpu.memory_space<hbm>>
      tpu.enqueue_dma source(%dma_start3A_358 : memref<80x128xi32, #tpu.memory_space<hbm>>) target(%arg8 : memref<80x128xi32, #tpu.memory_space<vmem>>) target_semaphore(%run_scoped3A : memref<!tpu.dma_semaphore, #tpu.memory_space<semaphore_mem>>)
      %dma_wait3A_359 = arith.constant 0 : i32
      %dma_wait3A_360 = arith.constant 0 : i32
      %dma_wait3A_361 = tpu.memref_slice %arg3[%add3A, %dma_wait3A_359, %dma_wait3A_360] : memref<32x80x128xi32, #tpu.memory_space<hbm>> -> memref<1x80x128xi32, #tpu.memory_space<hbm>>
      %dma_wait3A_362 = tpu.memref_squeeze %dma_wait3A_361 : memref<1x80x128xi32, #tpu.memory_space<hbm>> -> memref<80x128xi32, #tpu.memory_space<hbm>>
      %dma_wait3A_363 = arith.constant 0 : i32
      %dma_wait3A_364 = arith.constant 0 : i32
      %dma_wait3A_365 = tpu.memref_slice %arg3[%add3A, %dma_wait3A_363, %dma_wait3A_364] : memref<32x80x128xi32, #tpu.memory_space<hbm>> -> memref<1x80x128xi32, #tpu.memory_space<hbm>>
      %dma_wait3A_366 = tpu.memref_squeeze %dma_wait3A_365 : memref<1x80x128xi32, #tpu.memory_space<hbm>> -> memref<80x128xi32, #tpu.memory_space<hbm>>
      tpu.wait_dma2 semaphore(%run_scoped3A : memref<!tpu.dma_semaphore, #tpu.memory_space<semaphore_mem>>) src(%dma_wait3A_366 : memref<80x128xi32, #tpu.memory_space<hbm>>) dst(%arg8 : memref<80x128xi32, #tpu.memory_space<vmem>>)
      tpu.yield
    }) : () -> ()
    %barrier3A = arith.constant 0 : index
    tpu.barrier barrier_id(%barrier3A)
    %mul3A_3 = arith.constant 160 : i32
    %mul3A_4 = arith.muli %add3A, %mul3A_3 : i32
    %add3A_5 = arith.constant 0 : i32
    %add3A_6 = arith.addi %mul3A_4, %add3A_5 : i32
    %dma_start3A = arith.constant 0 : i32
    %dma_start3A_7 = arith.constant 0 : i32
    %dma_start3A_8 = arith.constant 0 : i32
    %dma_start3A_9 = arith.constant 0 : i32
    %dma_start3A_10 = tpu.memref_slice %arg7[%dma_start3A, %dma_start3A_8, %dma_start3A_9] : memref<8x1x64xi32, #tpu.memory_space<vmem>> -> memref<1x1x64xi32, #tpu.memory_space<vmem>>
    %dma_start3A_11 = tpu.memref_squeeze %dma_start3A_10 : memref<1x1x64xi32, #tpu.memory_space<vmem>> -> memref<1x64xi32, #tpu.memory_space<vmem>>
    %dma_start3A_12 = arith.constant 0 : i32
    %dma_start3A_13 = arith.constant 0 : i32
    %dma_start3A_14 = tpu.memref_slice %arg2[%add3A_6, %dma_start3A_12, %dma_start3A_13] : memref<5120x1x64xi32, #tpu.memory_space<hbm>> -> memref<1x1x64xi32, #tpu.memory_space<hbm>>
    %dma_start3A_15 = tpu.memref_squeeze %dma_start3A_14 : memref<1x1x64xi32, #tpu.memory_space<hbm>> -> memref<1x64xi32, #tpu.memory_space<hbm>>
    %dma_start3A_16 = tpu.memref_slice %arg13[%dma_start3A_7] : memref<8x!tpu.dma_semaphore, #tpu.memory_space<semaphore_mem>> -> memref<1x!tpu.dma_semaphore, #tpu.memory_space<semaphore_mem>>
    %dma_start3A_17 = tpu.memref_squeeze %dma_start3A_16 : memref<1x!tpu.dma_semaphore, #tpu.memory_space<semaphore_mem>> -> memref<!tpu.dma_semaphore, #tpu.memory_space<semaphore_mem>>
    %dma_start3A_18 = arith.constant 0 : i32
    %dma_start3A_19 = arith.constant 0 : i32
    %dma_start3A_20 = tpu.memref_slice %arg7[%dma_start3A, %dma_start3A_18, %dma_start3A_19] : memref<8x1x64xi32, #tpu.memory_space<vmem>> -> memref<1x1x64xi32, #tpu.memory_space<vmem>>
    %dma_start3A_21 = tpu.memref_squeeze %dma_start3A_20 : memref<1x1x64xi32, #tpu.memory_space<vmem>> -> memref<1x64xi32, #tpu.memory_space<vmem>>
    %dma_start3A_22 = arith.constant 0 : i32
    %dma_start3A_23 = arith.constant 0 : i32
    %dma_start3A_24 = tpu.memref_slice %arg2[%add3A_6, %dma_start3A_22, %dma_start3A_23] : memref<5120x1x64xi32, #tpu.memory_space<hbm>> -> memref<1x1x64xi32, #tpu.memory_space<hbm>>
    %dma_start3A_25 = tpu.memref_squeeze %dma_start3A_24 : memref<1x1x64xi32, #tpu.memory_space<hbm>> -> memref<1x64xi32, #tpu.memory_space<hbm>>
    tpu.enqueue_dma source(%dma_start3A_25 : memref<1x64xi32, #tpu.memory_space<hbm>>) target(%dma_start3A_21 : memref<1x64xi32, #tpu.memory_space<vmem>>) target_semaphore(%dma_start3A_17 : memref<!tpu.dma_semaphore, #tpu.memory_space<semaphore_mem>>)
    %mul3A_26 = arith.constant 160 : i32
    %mul3A_27 = arith.muli %add3A, %mul3A_26 : i32
    %add3A_28 = arith.constant 1 : i32
    %add3A_29 = arith.addi %mul3A_27, %add3A_28 : i32
    %dma_start3A_30 = arith.constant 1 : i32
    %dma_start3A_31 = arith.constant 1 : i32
    %dma_start3A_32 = arith.constant 0 : i32
    %dma_start3A_33 = arith.constant 0 : i32
    %dma_start3A_34 = tpu.memref_slice %arg7[%dma_start3A_30, %dma_start3A_32, %dma_start3A_33] : memref<8x1x64xi32, #tpu.memory_space<vmem>> -> memref<1x1x64xi32, #tpu.memory_space<vmem>>
    %dma_start3A_35 = tpu.memref_squeeze %dma_start3A_34 : memref<1x1x64xi32, #tpu.memory_space<vmem>> -> memref<1x64xi32, #tpu.memory_space<vmem>>
    %dma_start3A_36 = arith.constant 0 : i32
    %dma_start3A_37 = arith.constant 0 : i32
    %dma_start3A_38 = tpu.memref_slice %arg2[%add3A_29, %dma_start3A_36, %dma_start3A_37] : memref<5120x1x64xi32, #tpu.memory_space<hbm>> -> memref<1x1x64xi32, #tpu.memory_space<hbm>>
    %dma_start3A_39 = tpu.memref_squeeze %dma_start3A_38 : memref<1x1x64xi32, #tpu.memory_space<hbm>> -> memref<1x64xi32, #tpu.memory_space<hbm>>
    %dma_start3A_40 = tpu.memref_slice %arg13[%dma_start3A_31] : memref<8x!tpu.dma_semaphore, #tpu.memory_space<semaphore_mem>> -> memref<1x!tpu.dma_semaphore, #tpu.memory_space<semaphore_mem>>
    %dma_start3A_41 = tpu.memref_squeeze %dma_start3A_40 : memref<1x!tpu.dma_semaphore, #tpu.memory_space<semaphore_mem>> -> memref<!tpu.dma_semaphore, #tpu.memory_space<semaphore_mem>>
    %dma_start3A_42 = arith.constant 0 : i32
    %dma_start3A_43 = arith.constant 0 : i32
    %dma_start3A_44 = tpu.memref_slice %arg7[%dma_start3A_30, %dma_start3A_42, %dma_start3A_43] : memref<8x1x64xi32, #tpu.memory_space<vmem>> -> memref<1x1x64xi32, #tpu.memory_space<vmem>>
    %dma_start3A_45 = tpu.memref_squeeze %dma_start3A_44 : memref<1x1x64xi32, #tpu.memory_space<vmem>> -> memref<1x64xi32, #tpu.memory_space<vmem>>
    %dma_start3A_46 = arith.constant 0 : i32
    %dma_start3A_47 = arith.constant 0 : i32
    %dma_start3A_48 = tpu.memref_slice %arg2[%add3A_29, %dma_start3A_46, %dma_start3A_47] : memref<5120x1x64xi32, #tpu.memory_space<hbm>> -> memref<1x1x64xi32, #tpu.memory_space<hbm>>
    %dma_start3A_49 = tpu.memref_squeeze %dma_start3A_48 : memref<1x1x64xi32, #tpu.memory_space<hbm>> -> memref<1x64xi32, #tpu.memory_space<hbm>>
    tpu.enqueue_dma source(%dma_start3A_49 : memref<1x64xi32, #tpu.memory_space<hbm>>) target(%dma_start3A_45 : memref<1x64xi32, #tpu.memory_space<vmem>>) target_semaphore(%dma_start3A_41 : memref<!tpu.dma_semaphore, #tpu.memory_space<semaphore_mem>>)
    %mul3A_50 = arith.constant 160 : i32
    %mul3A_51 = arith.muli %add3A, %mul3A_50 : i32
    %add3A_52 = arith.constant 2 : i32
    %add3A_53 = arith.addi %mul3A_51, %add3A_52 : i32
    %dma_start3A_54 = arith.constant 2 : i32
    %dma_start3A_55 = arith.constant 2 : i32
    %dma_start3A_56 = arith.constant 0 : i32
    %dma_start3A_57 = arith.constant 0 : i32
    %dma_start3A_58 = tpu.memref_slice %arg7[%dma_start3A_54, %dma_start3A_56, %dma_start3A_57] : memref<8x1x64xi32, #tpu.memory_space<vmem>> -> memref<1x1x64xi32, #tpu.memory_space<vmem>>
    %dma_start3A_59 = tpu.memref_squeeze %dma_start3A_58 : memref<1x1x64xi32, #tpu.memory_space<vmem>> -> memref<1x64xi32, #tpu.memory_space<vmem>>
    %dma_start3A_60 = arith.constant 0 : i32
    %dma_start3A_61 = arith.constant 0 : i32
    %dma_start3A_62 = tpu.memref_slice %arg2[%add3A_53, %dma_start3A_60, %dma_start3A_61] : memref<5120x1x64xi32, #tpu.memory_space<hbm>> -> memref<1x1x64xi32, #tpu.memory_space<hbm>>
    %dma_start3A_63 = tpu.memref_squeeze %dma_start3A_62 : memref<1x1x64xi32, #tpu.memory_space<hbm>> -> memref<1x64xi32, #tpu.memory_space<hbm>>
    %dma_start3A_64 = tpu.memref_slice %arg13[%dma_start3A_55] : memref<8x!tpu.dma_semaphore, #tpu.memory_space<semaphore_mem>> -> memref<1x!tpu.dma_semaphore, #tpu.memory_space<semaphore_mem>>
    %dma_start3A_65 = tpu.memref_squeeze %dma_start3A_64 : memref<1x!tpu.dma_semaphore, #tpu.memory_space<semaphore_mem>> -> memref<!tpu.dma_semaphore, #tpu.memory_space<semaphore_mem>>
    %dma_start3A_66 = arith.constant 0 : i32
    %dma_start3A_67 = arith.constant 0 : i32
    %dma_start3A_68 = tpu.memref_slice %arg7[%dma_start3A_54, %dma_start3A_66, %dma_start3A_67] : memref<8x1x64xi32, #tpu.memory_space<vmem>> -> memref<1x1x64xi32, #tpu.memory_space<vmem>>
    %dma_start3A_69 = tpu.memref_squeeze %dma_start3A_68 : memref<1x1x64xi32, #tpu.memory_space<vmem>> -> memref<1x64xi32, #tpu.memory_space<vmem>>
    %dma_start3A_70 = arith.constant 0 : i32
    %dma_start3A_71 = arith.constant 0 : i32
    %dma_start3A_72 = tpu.memref_slice %arg2[%add3A_53, %dma_start3A_70, %dma_start3A_71] : memref<5120x1x64xi32, #tpu.memory_space<hbm>> -> memref<1x1x64xi32, #tpu.memory_space<hbm>>
    %dma_start3A_73 = tpu.memref_squeeze %dma_start3A_72 : memref<1x1x64xi32, #tpu.memory_space<hbm>> -> memref<1x64xi32, #tpu.memory_space<hbm>>
    tpu.enqueue_dma source(%dma_start3A_73 : memref<1x64xi32, #tpu.memory_space<hbm>>) target(%dma_start3A_69 : memref<1x64xi32, #tpu.memory_space<vmem>>) target_semaphore(%dma_start3A_65 : memref<!tpu.dma_semaphore, #tpu.memory_space<semaphore_mem>>)
    %mul3A_74 = arith.constant 160 : i32
    %mul3A_75 = arith.muli %add3A, %mul3A_74 : i32
    %add3A_76 = arith.constant 3 : i32
    %add3A_77 = arith.addi %mul3A_75, %add3A_76 : i32
    %dma_start3A_78 = arith.constant 3 : i32
    %dma_start3A_79 = arith.constant 3 : i32
    %dma_start3A_80 = arith.constant 0 : i32
    %dma_start3A_81 = arith.constant 0 : i32
    %dma_start3A_82 = tpu.memref_slice %arg7[%dma_start3A_78, %dma_start3A_80, %dma_start3A_81] : memref<8x1x64xi32, #tpu.memory_space<vmem>> -> memref<1x1x64xi32, #tpu.memory_space<vmem>>
    %dma_start3A_83 = tpu.memref_squeeze %dma_start3A_82 : memref<1x1x64xi32, #tpu.memory_space<vmem>> -> memref<1x64xi32, #tpu.memory_space<vmem>>
    %dma_start3A_84 = arith.constant 0 : i32
    %dma_start3A_85 = arith.constant 0 : i32
    %dma_start3A_86 = tpu.memref_slice %arg2[%add3A_77, %dma_start3A_84, %dma_start3A_85] : memref<5120x1x64xi32, #tpu.memory_space<hbm>> -> memref<1x1x64xi32, #tpu.memory_space<hbm>>
    %dma_start3A_87 = tpu.memref_squeeze %dma_start3A_86 : memref<1x1x64xi32, #tpu.memory_space<hbm>> -> memref<1x64xi32, #tpu.memory_space<hbm>>
    %dma_start3A_88 = tpu.memref_slice %arg13[%dma_start3A_79] : memref<8x!tpu.dma_semaphore, #tpu.memory_space<semaphore_mem>> -> memref<1x!tpu.dma_semaphore, #tpu.memory_space<semaphore_mem>>
    %dma_start3A_89 = tpu.memref_squeeze %dma_start3A_88 : memref<1x!tpu.dma_semaphore, #tpu.memory_space<semaphore_mem>> -> memref<!tpu.dma_semaphore, #tpu.memory_space<semaphore_mem>>
    %dma_start3A_90 = arith.constant 0 : i32
    %dma_start3A_91 = arith.constant 0 : i32
    %dma_start3A_92 = tpu.memref_slice %arg7[%dma_start3A_78, %dma_start3A_90, %dma_start3A_91] : memref<8x1x64xi32, #tpu.memory_space<vmem>> -> memref<1x1x64xi32, #tpu.memory_space<vmem>>
    %dma_start3A_93 = tpu.memref_squeeze %dma_start3A_92 : memref<1x1x64xi32, #tpu.memory_space<vmem>> -> memref<1x64xi32, #tpu.memory_space<vmem>>
    %dma_start3A_94 = arith.constant 0 : i32
    %dma_start3A_95 = arith.constant 0 : i32
    %dma_start3A_96 = tpu.memref_slice %arg2[%add3A_77, %dma_start3A_94, %dma_start3A_95] : memref<5120x1x64xi32, #tpu.memory_space<hbm>> -> memref<1x1x64xi32, #tpu.memory_space<hbm>>
    %dma_start3A_97 = tpu.memref_squeeze %dma_start3A_96 : memref<1x1x64xi32, #tpu.memory_space<hbm>> -> memref<1x64xi32, #tpu.memory_space<hbm>>
    tpu.enqueue_dma source(%dma_start3A_97 : memref<1x64xi32, #tpu.memory_space<hbm>>) target(%dma_start3A_93 : memref<1x64xi32, #tpu.memory_space<vmem>>) target_semaphore(%dma_start3A_89 : memref<!tpu.dma_semaphore, #tpu.memory_space<semaphore_mem>>)
    %mul3A_98 = arith.constant 160 : i32
    %mul3A_99 = arith.muli %add3A, %mul3A_98 : i32
    %add3A_100 = arith.constant 4 : i32
    %add3A_101 = arith.addi %mul3A_99, %add3A_100 : i32
    %dma_start3A_102 = arith.constant 4 : i32
    %dma_start3A_103 = arith.constant 4 : i32
    %dma_start3A_104 = arith.constant 0 : i32
    %dma_start3A_105 = arith.constant 0 : i32
    %dma_start3A_106 = tpu.memref_slice %arg7[%dma_start3A_102, %dma_start3A_104, %dma_start3A_105] : memref<8x1x64xi32, #tpu.memory_space<vmem>> -> memref<1x1x64xi32, #tpu.memory_space<vmem>>
    %dma_start3A_107 = tpu.memref_squeeze %dma_start3A_106 : memref<1x1x64xi32, #tpu.memory_space<vmem>> -> memref<1x64xi32, #tpu.memory_space<vmem>>
    %dma_start3A_108 = arith.constant 0 : i32
    %dma_start3A_109 = arith.constant 0 : i32
    %dma_start3A_110 = tpu.memref_slice %arg2[%add3A_101, %dma_start3A_108, %dma_start3A_109] : memref<5120x1x64xi32, #tpu.memory_space<hbm>> -> memref<1x1x64xi32, #tpu.memory_space<hbm>>
    %dma_start3A_111 = tpu.memref_squeeze %dma_start3A_110 : memref<1x1x64xi32, #tpu.memory_space<hbm>> -> memref<1x64xi32, #tpu.memory_space<hbm>>
    %dma_start3A_112 = tpu.memref_slice %arg13[%dma_start3A_103] : memref<8x!tpu.dma_semaphore, #tpu.memory_space<semaphore_mem>> -> memref<1x!tpu.dma_semaphore, #tpu.memory_space<semaphore_mem>>
    %dma_start3A_113 = tpu.memref_squeeze %dma_start3A_112 : memref<1x!tpu.dma_semaphore, #tpu.memory_space<semaphore_mem>> -> memref<!tpu.dma_semaphore, #tpu.memory_space<semaphore_mem>>
    %dma_start3A_114 = arith.constant 0 : i32
    %dma_start3A_115 = arith.constant 0 : i32
    %dma_start3A_116 = tpu.memref_slice %arg7[%dma_start3A_102, %dma_start3A_114, %dma_start3A_115] : memref<8x1x64xi32, #tpu.memory_space<vmem>> -> memref<1x1x64xi32, #tpu.memory_space<vmem>>
    %dma_start3A_117 = tpu.memref_squeeze %dma_start3A_116 : memref<1x1x64xi32, #tpu.memory_space<vmem>> -> memref<1x64xi32, #tpu.memory_space<vmem>>
    %dma_start3A_118 = arith.constant 0 : i32
    %dma_start3A_119 = arith.constant 0 : i32
    %dma_start3A_120 = tpu.memref_slice %arg2[%add3A_101, %dma_start3A_118, %dma_start3A_119] : memref<5120x1x64xi32, #tpu.memory_space<hbm>> -> memref<1x1x64xi32, #tpu.memory_space<hbm>>
    %dma_start3A_121 = tpu.memref_squeeze %dma_start3A_120 : memref<1x1x64xi32, #tpu.memory_space<hbm>> -> memref<1x64xi32, #tpu.memory_space<hbm>>
    tpu.enqueue_dma source(%dma_start3A_121 : memref<1x64xi32, #tpu.memory_space<hbm>>) target(%dma_start3A_117 : memref<1x64xi32, #tpu.memory_space<vmem>>) target_semaphore(%dma_start3A_113 : memref<!tpu.dma_semaphore, #tpu.memory_space<semaphore_mem>>)
    %mul3A_122 = arith.constant 160 : i32
    %mul3A_123 = arith.muli %add3A, %mul3A_122 : i32
    %add3A_124 = arith.constant 5 : i32
    %add3A_125 = arith.addi %mul3A_123, %add3A_124 : i32
    %dma_start3A_126 = arith.constant 5 : i32
    %dma_start3A_127 = arith.constant 5 : i32
    %dma_start3A_128 = arith.constant 0 : i32
    %dma_start3A_129 = arith.constant 0 : i32
    %dma_start3A_130 = tpu.memref_slice %arg7[%dma_start3A_126, %dma_start3A_128, %dma_start3A_129] : memref<8x1x64xi32, #tpu.memory_space<vmem>> -> memref<1x1x64xi32, #tpu.memory_space<vmem>>
    %dma_start3A_131 = tpu.memref_squeeze %dma_start3A_130 : memref<1x1x64xi32, #tpu.memory_space<vmem>> -> memref<1x64xi32, #tpu.memory_space<vmem>>
    %dma_start3A_132 = arith.constant 0 : i32
    %dma_start3A_133 = arith.constant 0 : i32
    %dma_start3A_134 = tpu.memref_slice %arg2[%add3A_125, %dma_start3A_132, %dma_start3A_133] : memref<5120x1x64xi32, #tpu.memory_space<hbm>> -> memref<1x1x64xi32, #tpu.memory_space<hbm>>
    %dma_start3A_135 = tpu.memref_squeeze %dma_start3A_134 : memref<1x1x64xi32, #tpu.memory_space<hbm>> -> memref<1x64xi32, #tpu.memory_space<hbm>>
    %dma_start3A_136 = tpu.memref_slice %arg13[%dma_start3A_127] : memref<8x!tpu.dma_semaphore, #tpu.memory_space<semaphore_mem>> -> memref<1x!tpu.dma_semaphore, #tpu.memory_space<semaphore_mem>>
    %dma_start3A_137 = tpu.memref_squeeze %dma_start3A_136 : memref<1x!tpu.dma_semaphore, #tpu.memory_space<semaphore_mem>> -> memref<!tpu.dma_semaphore, #tpu.memory_space<semaphore_mem>>
    %dma_start3A_138 = arith.constant 0 : i32
    %dma_start3A_139 = arith.constant 0 : i32
    %dma_start3A_140 = tpu.memref_slice %arg7[%dma_start3A_126, %dma_start3A_138, %dma_start3A_139] : memref<8x1x64xi32, #tpu.memory_space<vmem>> -> memref<1x1x64xi32, #tpu.memory_space<vmem>>
    %dma_start3A_141 = tpu.memref_squeeze %dma_start3A_140 : memref<1x1x64xi32, #tpu.memory_space<vmem>> -> memref<1x64xi32, #tpu.memory_space<vmem>>
    %dma_start3A_142 = arith.constant 0 : i32
    %dma_start3A_143 = arith.constant 0 : i32
    %dma_start3A_144 = tpu.memref_slice %arg2[%add3A_125, %dma_start3A_142, %dma_start3A_143] : memref<5120x1x64xi32, #tpu.memory_space<hbm>> -> memref<1x1x64xi32, #tpu.memory_space<hbm>>
    %dma_start3A_145 = tpu.memref_squeeze %dma_start3A_144 : memref<1x1x64xi32, #tpu.memory_space<hbm>> -> memref<1x64xi32, #tpu.memory_space<hbm>>
    tpu.enqueue_dma source(%dma_start3A_145 : memref<1x64xi32, #tpu.memory_space<hbm>>) target(%dma_start3A_141 : memref<1x64xi32, #tpu.memory_space<vmem>>) target_semaphore(%dma_start3A_137 : memref<!tpu.dma_semaphore, #tpu.memory_space<semaphore_mem>>)
    %mul3A_146 = arith.constant 160 : i32
    %mul3A_147 = arith.muli %add3A, %mul3A_146 : i32
    %add3A_148 = arith.constant 6 : i32
    %add3A_149 = arith.addi %mul3A_147, %add3A_148 : i32
    %dma_start3A_150 = arith.constant 6 : i32
    %dma_start3A_151 = arith.constant 6 : i32
    %dma_start3A_152 = arith.constant 0 : i32
    %dma_start3A_153 = arith.constant 0 : i32
    %dma_start3A_154 = tpu.memref_slice %arg7[%dma_start3A_150, %dma_start3A_152, %dma_start3A_153] : memref<8x1x64xi32, #tpu.memory_space<vmem>> -> memref<1x1x64xi32, #tpu.memory_space<vmem>>
    %dma_start3A_155 = tpu.memref_squeeze %dma_start3A_154 : memref<1x1x64xi32, #tpu.memory_space<vmem>> -> memref<1x64xi32, #tpu.memory_space<vmem>>
    %dma_start3A_156 = arith.constant 0 : i32
    %dma_start3A_157 = arith.constant 0 : i32
    %dma_start3A_158 = tpu.memref_slice %arg2[%add3A_149, %dma_start3A_156, %dma_start3A_157] : memref<5120x1x64xi32, #tpu.memory_space<hbm>> -> memref<1x1x64xi32, #tpu.memory_space<hbm>>
    %dma_start3A_159 = tpu.memref_squeeze %dma_start3A_158 : memref<1x1x64xi32, #tpu.memory_space<hbm>> -> memref<1x64xi32, #tpu.memory_space<hbm>>
    %dma_start3A_160 = tpu.memref_slice %arg13[%dma_start3A_151] : memref<8x!tpu.dma_semaphore, #tpu.memory_space<semaphore_mem>> -> memref<1x!tpu.dma_semaphore, #tpu.memory_space<semaphore_mem>>
    %dma_start3A_161 = tpu.memref_squeeze %dma_start3A_160 : memref<1x!tpu.dma_semaphore, #tpu.memory_space<semaphore_mem>> -> memref<!tpu.dma_semaphore, #tpu.memory_space<semaphore_mem>>
    %dma_start3A_162 = arith.constant 0 : i32
    %dma_start3A_163 = arith.constant 0 : i32
    %dma_start3A_164 = tpu.memref_slice %arg7[%dma_start3A_150, %dma_start3A_162, %dma_start3A_163] : memref<8x1x64xi32, #tpu.memory_space<vmem>> -> memref<1x1x64xi32, #tpu.memory_space<vmem>>
    %dma_start3A_165 = tpu.memref_squeeze %dma_start3A_164 : memref<1x1x64xi32, #tpu.memory_space<vmem>> -> memref<1x64xi32, #tpu.memory_space<vmem>>
    %dma_start3A_166 = arith.constant 0 : i32
    %dma_start3A_167 = arith.constant 0 : i32
    %dma_start3A_168 = tpu.memref_slice %arg2[%add3A_149, %dma_start3A_166, %dma_start3A_167] : memref<5120x1x64xi32, #tpu.memory_space<hbm>> -> memref<1x1x64xi32, #tpu.memory_space<hbm>>
    %dma_start3A_169 = tpu.memref_squeeze %dma_start3A_168 : memref<1x1x64xi32, #tpu.memory_space<hbm>> -> memref<1x64xi32, #tpu.memory_space<hbm>>
    tpu.enqueue_dma source(%dma_start3A_169 : memref<1x64xi32, #tpu.memory_space<hbm>>) target(%dma_start3A_165 : memref<1x64xi32, #tpu.memory_space<vmem>>) target_semaphore(%dma_start3A_161 : memref<!tpu.dma_semaphore, #tpu.memory_space<semaphore_mem>>)
    %mul3A_170 = arith.constant 160 : i32
    %mul3A_171 = arith.muli %add3A, %mul3A_170 : i32
    %add3A_172 = arith.constant 7 : i32
    %add3A_173 = arith.addi %mul3A_171, %add3A_172 : i32
    %dma_start3A_174 = arith.constant 7 : i32
    %dma_start3A_175 = arith.constant 7 : i32
    %dma_start3A_176 = arith.constant 0 : i32
    %dma_start3A_177 = arith.constant 0 : i32
    %dma_start3A_178 = tpu.memref_slice %arg7[%dma_start3A_174, %dma_start3A_176, %dma_start3A_177] : memref<8x1x64xi32, #tpu.memory_space<vmem>> -> memref<1x1x64xi32, #tpu.memory_space<vmem>>
    %dma_start3A_179 = tpu.memref_squeeze %dma_start3A_178 : memref<1x1x64xi32, #tpu.memory_space<vmem>> -> memref<1x64xi32, #tpu.memory_space<vmem>>
    %dma_start3A_180 = arith.constant 0 : i32
    %dma_start3A_181 = arith.constant 0 : i32
    %dma_start3A_182 = tpu.memref_slice %arg2[%add3A_173, %dma_start3A_180, %dma_start3A_181] : memref<5120x1x64xi32, #tpu.memory_space<hbm>> -> memref<1x1x64xi32, #tpu.memory_space<hbm>>
    %dma_start3A_183 = tpu.memref_squeeze %dma_start3A_182 : memref<1x1x64xi32, #tpu.memory_space<hbm>> -> memref<1x64xi32, #tpu.memory_space<hbm>>
    %dma_start3A_184 = tpu.memref_slice %arg13[%dma_start3A_175] : memref<8x!tpu.dma_semaphore, #tpu.memory_space<semaphore_mem>> -> memref<1x!tpu.dma_semaphore, #tpu.memory_space<semaphore_mem>>
    %dma_start3A_185 = tpu.memref_squeeze %dma_start3A_184 : memref<1x!tpu.dma_semaphore, #tpu.memory_space<semaphore_mem>> -> memref<!tpu.dma_semaphore, #tpu.memory_space<semaphore_mem>>
    %dma_start3A_186 = arith.constant 0 : i32
    %dma_start3A_187 = arith.constant 0 : i32
    %dma_start3A_188 = tpu.memref_slice %arg7[%dma_start3A_174, %dma_start3A_186, %dma_start3A_187] : memref<8x1x64xi32, #tpu.memory_space<vmem>> -> memref<1x1x64xi32, #tpu.memory_space<vmem>>
    %dma_start3A_189 = tpu.memref_squeeze %dma_start3A_188 : memref<1x1x64xi32, #tpu.memory_space<vmem>> -> memref<1x64xi32, #tpu.memory_space<vmem>>
    %dma_start3A_190 = arith.constant 0 : i32
    %dma_start3A_191 = arith.constant 0 : i32
    %dma_start3A_192 = tpu.memref_slice %arg2[%add3A_173, %dma_start3A_190, %dma_start3A_191] : memref<5120x1x64xi32, #tpu.memory_space<hbm>> -> memref<1x1x64xi32, #tpu.memory_space<hbm>>
    %dma_start3A_193 = tpu.memref_squeeze %dma_start3A_192 : memref<1x1x64xi32, #tpu.memory_space<hbm>> -> memref<1x64xi32, #tpu.memory_space<hbm>>
    tpu.enqueue_dma source(%dma_start3A_193 : memref<1x64xi32, #tpu.memory_space<hbm>>) target(%dma_start3A_189 : memref<1x64xi32, #tpu.memory_space<vmem>>) target_semaphore(%dma_start3A_185 : memref<!tpu.dma_semaphore, #tpu.memory_space<semaphore_mem>>)
    %mul3A_194 = arith.constant 160 : i32
    %mul3A_195 = arith.muli %add3A, %mul3A_194 : i32
    %add3A_196 = arith.constant 0 : i32
    %add3A_197 = arith.addi %mul3A_195, %add3A_196 : i32
    %dma_wait3A = arith.constant 0 : i32
    %dma_wait3A_198 = arith.constant 0 : i32
    %dma_wait3A_199 = arith.constant 0 : i32
    %dma_wait3A_200 = arith.constant 0 : i32
    %dma_wait3A_201 = tpu.memref_slice %arg7[%dma_wait3A, %dma_wait3A_199, %dma_wait3A_200] : memref<8x1x64xi32, #tpu.memory_space<vmem>> -> memref<1x1x64xi32, #tpu.memory_space<vmem>>
    %dma_wait3A_202 = tpu.memref_squeeze %dma_wait3A_201 : memref<1x1x64xi32, #tpu.memory_space<vmem>> -> memref<1x64xi32, #tpu.memory_space<vmem>>
    %dma_wait3A_203 = arith.constant 0 : i32
    %dma_wait3A_204 = arith.constant 0 : i32
    %dma_wait3A_205 = tpu.memref_slice %arg2[%add3A_197, %dma_wait3A_203, %dma_wait3A_204] : memref<5120x1x64xi32, #tpu.memory_space<hbm>> -> memref<1x1x64xi32, #tpu.memory_space<hbm>>
    %dma_wait3A_206 = tpu.memref_squeeze %dma_wait3A_205 : memref<1x1x64xi32, #tpu.memory_space<hbm>> -> memref<1x64xi32, #tpu.memory_space<hbm>>
    %dma_wait3A_207 = tpu.memref_slice %arg13[%dma_wait3A_198] : memref<8x!tpu.dma_semaphore, #tpu.memory_space<semaphore_mem>> -> memref<1x!tpu.dma_semaphore, #tpu.memory_space<semaphore_mem>>
    %dma_wait3A_208 = tpu.memref_squeeze %dma_wait3A_207 : memref<1x!tpu.dma_semaphore, #tpu.memory_space<semaphore_mem>> -> memref<!tpu.dma_semaphore, #tpu.memory_space<semaphore_mem>>
    %dma_wait3A_209 = arith.constant 0 : i32
    %dma_wait3A_210 = arith.constant 0 : i32
    %dma_wait3A_211 = tpu.memref_slice %arg7[%dma_wait3A, %dma_wait3A_209, %dma_wait3A_210] : memref<8x1x64xi32, #tpu.memory_space<vmem>> -> memref<1x1x64xi32, #tpu.memory_space<vmem>>
    %dma_wait3A_212 = tpu.memref_squeeze %dma_wait3A_211 : memref<1x1x64xi32, #tpu.memory_space<vmem>> -> memref<1x64xi32, #tpu.memory_space<vmem>>
    %dma_wait3A_213 = arith.constant 0 : i32
    %dma_wait3A_214 = arith.constant 0 : i32
    %dma_wait3A_215 = tpu.memref_slice %arg2[%add3A_197, %dma_wait3A_213, %dma_wait3A_214] : memref<5120x1x64xi32, #tpu.memory_space<hbm>> -> memref<1x1x64xi32, #tpu.memory_space<hbm>>
    %dma_wait3A_216 = tpu.memref_squeeze %dma_wait3A_215 : memref<1x1x64xi32, #tpu.memory_space<hbm>> -> memref<1x64xi32, #tpu.memory_space<hbm>>
    tpu.wait_dma2 semaphore(%dma_wait3A_208 : memref<!tpu.dma_semaphore, #tpu.memory_space<semaphore_mem>>) src(%dma_wait3A_216 : memref<1x64xi32, #tpu.memory_space<hbm>>) dst(%dma_wait3A_212 : memref<1x64xi32, #tpu.memory_space<vmem>>)
    %dma_start3A_217 = arith.constant 0 : i32
    %dma_start3A_218 = arith.constant 0 : i32
    %dma_start3A_219 = arith.constant 0 : i32
    %dma_start3A_220 = arith.constant 0 : i32
    %dma_start3A_221 = arith.constant 0 : i32
    %dma_start3A_222 = tpu.memref_slice %arg9[%dma_start3A_220, %dma_start3A_221] : memref<128x128xf32, #tpu.memory_space<vmem>> -> memref<64x128xf32, #tpu.memory_space<vmem>>
    %dma_start3A_223 = arith.constant 0 : i32
    %dma_start3A_224 = tpu.memref_slice %arg7[%dma_start3A_217, %dma_start3A_218, %dma_start3A_223] : memref<8x1x64xi32, #tpu.memory_space<vmem>> -> memref<1x1x64xi32, #tpu.memory_space<vmem>>
    %dma_start3A_225 = tpu.memref_squeeze %dma_start3A_224 : memref<1x1x64xi32, #tpu.memory_space<vmem>> -> memref<64xi32, #tpu.memory_space<vmem>>
    %dma_start3A_226 = arith.constant 0 : i32
    %dma_start3A_227 = arith.constant 0 : i32
    %dma_start3A_228 = tpu.memref_slice %arg4[%dma_start3A_226, %dma_start3A_227] : memref<270000x128xf32, #tpu.memory_space<hbm>> -> memref<270000x128xf32, #tpu.memory_space<hbm>>
    %dma_start3A_229 = tpu.memref_slice %arg12[%dma_start3A_219] : memref<4x!tpu.dma_semaphore, #tpu.memory_space<semaphore_mem>> -> memref<1x!tpu.dma_semaphore, #tpu.memory_space<semaphore_mem>>
    %dma_start3A_230 = tpu.memref_squeeze %dma_start3A_229 : memref<1x!tpu.dma_semaphore, #tpu.memory_space<semaphore_mem>> -> memref<!tpu.dma_semaphore, #tpu.memory_space<semaphore_mem>>
    tpu.enqueue_indirect_dma source(%dma_start3A_228 : memref<270000x128xf32, #tpu.memory_space<hbm>>) target(%dma_start3A_222 : memref<64x128xf32, #tpu.memory_space<vmem>>) offsets(%dma_start3A_225 : memref<64xi32, #tpu.memory_space<vmem>>) semaphore(%dma_start3A_230 : memref<!tpu.dma_semaphore, #tpu.memory_space<semaphore_mem>>)
    %mul3A_231 = arith.constant 160 : i32
    %mul3A_232 = arith.muli %add3A, %mul3A_231 : i32
    %add3A_233 = arith.constant 1 : i32
    %add3A_234 = arith.addi %mul3A_232, %add3A_233 : i32
    %dma_wait3A_235 = arith.constant 1 : i32
    %dma_wait3A_236 = arith.constant 1 : i32
    %dma_wait3A_237 = arith.constant 0 : i32
    %dma_wait3A_238 = arith.constant 0 : i32
    %dma_wait3A_239 = tpu.memref_slice %arg7[%dma_wait3A_235, %dma_wait3A_237, %dma_wait3A_238] : memref<8x1x64xi32, #tpu.memory_space<vmem>> -> memref<1x1x64xi32, #tpu.memory_space<vmem>>
    %dma_wait3A_240 = tpu.memref_squeeze %dma_wait3A_239 : memref<1x1x64xi32, #tpu.memory_space<vmem>> -> memref<1x64xi32, #tpu.memory_space<vmem>>
    %dma_wait3A_241 = arith.constant 0 : i32
    %dma_wait3A_242 = arith.constant 0 : i32
    %dma_wait3A_243 = tpu.memref_slice %arg2[%add3A_234, %dma_wait3A_241, %dma_wait3A_242] : memref<5120x1x64xi32, #tpu.memory_space<hbm>> -> memref<1x1x64xi32, #tpu.memory_space<hbm>>
    %dma_wait3A_244 = tpu.memref_squeeze %dma_wait3A_243 : memref<1x1x64xi32, #tpu.memory_space<hbm>> -> memref<1x64xi32, #tpu.memory_space<hbm>>
    %dma_wait3A_245 = tpu.memref_slice %arg13[%dma_wait3A_236] : memref<8x!tpu.dma_semaphore, #tpu.memory_space<semaphore_mem>> -> memref<1x!tpu.dma_semaphore, #tpu.memory_space<semaphore_mem>>
    %dma_wait3A_246 = tpu.memref_squeeze %dma_wait3A_245 : memref<1x!tpu.dma_semaphore, #tpu.memory_space<semaphore_mem>> -> memref<!tpu.dma_semaphore, #tpu.memory_space<semaphore_mem>>
    %dma_wait3A_247 = arith.constant 0 : i32
    %dma_wait3A_248 = arith.constant 0 : i32
    %dma_wait3A_249 = tpu.memref_slice %arg7[%dma_wait3A_235, %dma_wait3A_247, %dma_wait3A_248] : memref<8x1x64xi32, #tpu.memory_space<vmem>> -> memref<1x1x64xi32, #tpu.memory_space<vmem>>
    %dma_wait3A_250 = tpu.memref_squeeze %dma_wait3A_249 : memref<1x1x64xi32, #tpu.memory_space<vmem>> -> memref<1x64xi32, #tpu.memory_space<vmem>>
    %dma_wait3A_251 = arith.constant 0 : i32
    %dma_wait3A_252 = arith.constant 0 : i32
    %dma_wait3A_253 = tpu.memref_slice %arg2[%add3A_234, %dma_wait3A_251, %dma_wait3A_252] : memref<5120x1x64xi32, #tpu.memory_space<hbm>> -> memref<1x1x64xi32, #tpu.memory_space<hbm>>
    %dma_wait3A_254 = tpu.memref_squeeze %dma_wait3A_253 : memref<1x1x64xi32, #tpu.memory_space<hbm>> -> memref<1x64xi32, #tpu.memory_space<hbm>>
    tpu.wait_dma2 semaphore(%dma_wait3A_246 : memref<!tpu.dma_semaphore, #tpu.memory_space<semaphore_mem>>) src(%dma_wait3A_254 : memref<1x64xi32, #tpu.memory_space<hbm>>) dst(%dma_wait3A_250 : memref<1x64xi32, #tpu.memory_space<vmem>>)
    %dma_start3A_255 = arith.constant 1 : i32
    %dma_start3A_256 = arith.constant 0 : i32
    %dma_start3A_257 = arith.constant 1 : i32
    %dma_start3A_258 = arith.constant 64 : i32
    %dma_start3A_259 = arith.constant 0 : i32
    %dma_start3A_260 = tpu.memref_slice %arg9[%dma_start3A_258, %dma_start3A_259] : memref<128x128xf32, #tpu.memory_space<vmem>> -> memref<64x128xf32, #tpu.memory_space<vmem>>
    %dma_start3A_261 = arith.constant 0 : i32
    %dma_start3A_262 = tpu.memref_slice %arg7[%dma_start3A_255, %dma_start3A_256, %dma_start3A_261] : memref<8x1x64xi32, #tpu.memory_space<vmem>> -> memref<1x1x64xi32, #tpu.memory_space<vmem>>
    %dma_start3A_263 = tpu.memref_squeeze %dma_start3A_262 : memref<1x1x64xi32, #tpu.memory_space<vmem>> -> memref<64xi32, #tpu.memory_space<vmem>>
    %dma_start3A_264 = arith.constant 0 : i32
    %dma_start3A_265 = arith.constant 0 : i32
    %dma_start3A_266 = tpu.memref_slice %arg4[%dma_start3A_264, %dma_start3A_265] : memref<270000x128xf32, #tpu.memory_space<hbm>> -> memref<270000x128xf32, #tpu.memory_space<hbm>>
    %dma_start3A_267 = tpu.memref_slice %arg12[%dma_start3A_257] : memref<4x!tpu.dma_semaphore, #tpu.memory_space<semaphore_mem>> -> memref<1x!tpu.dma_semaphore, #tpu.memory_space<semaphore_mem>>
    %dma_start3A_268 = tpu.memref_squeeze %dma_start3A_267 : memref<1x!tpu.dma_semaphore, #tpu.memory_space<semaphore_mem>> -> memref<!tpu.dma_semaphore, #tpu.memory_space<semaphore_mem>>
    tpu.enqueue_indirect_dma source(%dma_start3A_266 : memref<270000x128xf32, #tpu.memory_space<hbm>>) target(%dma_start3A_260 : memref<64x128xf32, #tpu.memory_space<vmem>>) offsets(%dma_start3A_263 : memref<64xi32, #tpu.memory_space<vmem>>) semaphore(%dma_start3A_268 : memref<!tpu.dma_semaphore, #tpu.memory_space<semaphore_mem>>)
    %mul3A_269 = arith.constant 160 : i32
    %mul3A_270 = arith.muli %add3A, %mul3A_269 : i32
    %add3A_271 = arith.constant 2 : i32
    %add3A_272 = arith.addi %mul3A_270, %add3A_271 : i32
    %dma_wait3A_273 = arith.constant 2 : i32
    %dma_wait3A_274 = arith.constant 2 : i32
    %dma_wait3A_275 = arith.constant 0 : i32
    %dma_wait3A_276 = arith.constant 0 : i32
    %dma_wait3A_277 = tpu.memref_slice %arg7[%dma_wait3A_273, %dma_wait3A_275, %dma_wait3A_276] : memref<8x1x64xi32, #tpu.memory_space<vmem>> -> memref<1x1x64xi32, #tpu.memory_space<vmem>>
    %dma_wait3A_278 = tpu.memref_squeeze %dma_wait3A_277 : memref<1x1x64xi32, #tpu.memory_space<vmem>> -> memref<1x64xi32, #tpu.memory_space<vmem>>
    %dma_wait3A_279 = arith.constant 0 : i32
    %dma_wait3A_280 = arith.constant 0 : i32
    %dma_wait3A_281 = tpu.memref_slice %arg2[%add3A_272, %dma_wait3A_279, %dma_wait3A_280] : memref<5120x1x64xi32, #tpu.memory_space<hbm>> -> memref<1x1x64xi32, #tpu.memory_space<hbm>>
    %dma_wait3A_282 = tpu.memref_squeeze %dma_wait3A_281 : memref<1x1x64xi32, #tpu.memory_space<hbm>> -> memref<1x64xi32, #tpu.memory_space<hbm>>
    %dma_wait3A_283 = tpu.memref_slice %arg13[%dma_wait3A_274] : memref<8x!tpu.dma_semaphore, #tpu.memory_space<semaphore_mem>> -> memref<1x!tpu.dma_semaphore, #tpu.memory_space<semaphore_mem>>
    %dma_wait3A_284 = tpu.memref_squeeze %dma_wait3A_283 : memref<1x!tpu.dma_semaphore, #tpu.memory_space<semaphore_mem>> -> memref<!tpu.dma_semaphore, #tpu.memory_space<semaphore_mem>>
    %dma_wait3A_285 = arith.constant 0 : i32
    %dma_wait3A_286 = arith.constant 0 : i32
    %dma_wait3A_287 = tpu.memref_slice %arg7[%dma_wait3A_273, %dma_wait3A_285, %dma_wait3A_286] : memref<8x1x64xi32, #tpu.memory_space<vmem>> -> memref<1x1x64xi32, #tpu.memory_space<vmem>>
    %dma_wait3A_288 = tpu.memref_squeeze %dma_wait3A_287 : memref<1x1x64xi32, #tpu.memory_space<vmem>> -> memref<1x64xi32, #tpu.memory_space<vmem>>
    %dma_wait3A_289 = arith.constant 0 : i32
    %dma_wait3A_290 = arith.constant 0 : i32
    %dma_wait3A_291 = tpu.memref_slice %arg2[%add3A_272, %dma_wait3A_289, %dma_wait3A_290] : memref<5120x1x64xi32, #tpu.memory_space<hbm>> -> memref<1x1x64xi32, #tpu.memory_space<hbm>>
    %dma_wait3A_292 = tpu.memref_squeeze %dma_wait3A_291 : memref<1x1x64xi32, #tpu.memory_space<hbm>> -> memref<1x64xi32, #tpu.memory_space<hbm>>
    tpu.wait_dma2 semaphore(%dma_wait3A_284 : memref<!tpu.dma_semaphore, #tpu.memory_space<semaphore_mem>>) src(%dma_wait3A_292 : memref<1x64xi32, #tpu.memory_space<hbm>>) dst(%dma_wait3A_288 : memref<1x64xi32, #tpu.memory_space<vmem>>)
    %dma_start3A_293 = arith.constant 2 : i32
    %dma_start3A_294 = arith.constant 0 : i32
    %dma_start3A_295 = arith.constant 2 : i32
    %dma_start3A_296 = arith.constant 0 : i32
    %dma_start3A_297 = arith.constant 0 : i32
    %dma_start3A_298 = tpu.memref_slice %arg10[%dma_start3A_296, %dma_start3A_297] : memref<128x128xf32, #tpu.memory_space<vmem>> -> memref<64x128xf32, #tpu.memory_space<vmem>>
    %dma_start3A_299 = arith.constant 0 : i32
    %dma_start3A_300 = tpu.memref_slice %arg7[%dma_start3A_293, %dma_start3A_294, %dma_start3A_299] : memref<8x1x64xi32, #tpu.memory_space<vmem>> -> memref<1x1x64xi32, #tpu.memory_space<vmem>>
    %dma_start3A_301 = tpu.memref_squeeze %dma_start3A_300 : memref<1x1x64xi32, #tpu.memory_space<vmem>> -> memref<64xi32, #tpu.memory_space<vmem>>
    %dma_start3A_302 = arith.constant 0 : i32
    %dma_start3A_303 = arith.constant 0 : i32
    %dma_start3A_304 = tpu.memref_slice %arg4[%dma_start3A_302, %dma_start3A_303] : memref<270000x128xf32, #tpu.memory_space<hbm>> -> memref<270000x128xf32, #tpu.memory_space<hbm>>
    %dma_start3A_305 = tpu.memref_slice %arg12[%dma_start3A_295] : memref<4x!tpu.dma_semaphore, #tpu.memory_space<semaphore_mem>> -> memref<1x!tpu.dma_semaphore, #tpu.memory_space<semaphore_mem>>
    %dma_start3A_306 = tpu.memref_squeeze %dma_start3A_305 : memref<1x!tpu.dma_semaphore, #tpu.memory_space<semaphore_mem>> -> memref<!tpu.dma_semaphore, #tpu.memory_space<semaphore_mem>>
    tpu.enqueue_indirect_dma source(%dma_start3A_304 : memref<270000x128xf32, #tpu.memory_space<hbm>>) target(%dma_start3A_298 : memref<64x128xf32, #tpu.memory_space<vmem>>) offsets(%dma_start3A_301 : memref<64xi32, #tpu.memory_space<vmem>>) semaphore(%dma_start3A_306 : memref<!tpu.dma_semaphore, #tpu.memory_space<semaphore_mem>>)
    %mul3A_307 = arith.constant 160 : i32
    %mul3A_308 = arith.muli %add3A, %mul3A_307 : i32
    %add3A_309 = arith.constant 3 : i32
    %add3A_310 = arith.addi %mul3A_308, %add3A_309 : i32
    %dma_wait3A_311 = arith.constant 3 : i32
    %dma_wait3A_312 = arith.constant 3 : i32
    %dma_wait3A_313 = arith.constant 0 : i32
    %dma_wait3A_314 = arith.constant 0 : i32
    %dma_wait3A_315 = tpu.memref_slice %arg7[%dma_wait3A_311, %dma_wait3A_313, %dma_wait3A_314] : memref<8x1x64xi32, #tpu.memory_space<vmem>> -> memref<1x1x64xi32, #tpu.memory_space<vmem>>
    %dma_wait3A_316 = tpu.memref_squeeze %dma_wait3A_315 : memref<1x1x64xi32, #tpu.memory_space<vmem>> -> memref<1x64xi32, #tpu.memory_space<vmem>>
    %dma_wait3A_317 = arith.constant 0 : i32
    %dma_wait3A_318 = arith.constant 0 : i32
    %dma_wait3A_319 = tpu.memref_slice %arg2[%add3A_310, %dma_wait3A_317, %dma_wait3A_318] : memref<5120x1x64xi32, #tpu.memory_space<hbm>> -> memref<1x1x64xi32, #tpu.memory_space<hbm>>
    %dma_wait3A_320 = tpu.memref_squeeze %dma_wait3A_319 : memref<1x1x64xi32, #tpu.memory_space<hbm>> -> memref<1x64xi32, #tpu.memory_space<hbm>>
    %dma_wait3A_321 = tpu.memref_slice %arg13[%dma_wait3A_312] : memref<8x!tpu.dma_semaphore, #tpu.memory_space<semaphore_mem>> -> memref<1x!tpu.dma_semaphore, #tpu.memory_space<semaphore_mem>>
    %dma_wait3A_322 = tpu.memref_squeeze %dma_wait3A_321 : memref<1x!tpu.dma_semaphore, #tpu.memory_space<semaphore_mem>> -> memref<!tpu.dma_semaphore, #tpu.memory_space<semaphore_mem>>
    %dma_wait3A_323 = arith.constant 0 : i32
    %dma_wait3A_324 = arith.constant 0 : i32
    %dma_wait3A_325 = tpu.memref_slice %arg7[%dma_wait3A_311, %dma_wait3A_323, %dma_wait3A_324] : memref<8x1x64xi32, #tpu.memory_space<vmem>> -> memref<1x1x64xi32, #tpu.memory_space<vmem>>
    %dma_wait3A_326 = tpu.memref_squeeze %dma_wait3A_325 : memref<1x1x64xi32, #tpu.memory_space<vmem>> -> memref<1x64xi32, #tpu.memory_space<vmem>>
    %dma_wait3A_327 = arith.constant 0 : i32
    %dma_wait3A_328 = arith.constant 0 : i32
    %dma_wait3A_329 = tpu.memref_slice %arg2[%add3A_310, %dma_wait3A_327, %dma_wait3A_328] : memref<5120x1x64xi32, #tpu.memory_space<hbm>> -> memref<1x1x64xi32, #tpu.memory_space<hbm>>
    %dma_wait3A_330 = tpu.memref_squeeze %dma_wait3A_329 : memref<1x1x64xi32, #tpu.memory_space<hbm>> -> memref<1x64xi32, #tpu.memory_space<hbm>>
    tpu.wait_dma2 semaphore(%dma_wait3A_322 : memref<!tpu.dma_semaphore, #tpu.memory_space<semaphore_mem>>) src(%dma_wait3A_330 : memref<1x64xi32, #tpu.memory_space<hbm>>) dst(%dma_wait3A_326 : memref<1x64xi32, #tpu.memory_space<vmem>>)
    %dma_start3A_331 = arith.constant 3 : i32
    %dma_start3A_332 = arith.constant 0 : i32
    %dma_start3A_333 = arith.constant 3 : i32
    %dma_start3A_334 = arith.constant 64 : i32
    %dma_start3A_335 = arith.constant 0 : i32
    %dma_start3A_336 = tpu.memref_slice %arg10[%dma_start3A_334, %dma_start3A_335] : memref<128x128xf32, #tpu.memory_space<vmem>> -> memref<64x128xf32, #tpu.memory_space<vmem>>
    %dma_start3A_337 = arith.constant 0 : i32
    %dma_start3A_338 = tpu.memref_slice %arg7[%dma_start3A_331, %dma_start3A_332, %dma_start3A_337] : memref<8x1x64xi32, #tpu.memory_space<vmem>> -> memref<1x1x64xi32, #tpu.memory_space<vmem>>
    %dma_start3A_339 = tpu.memref_squeeze %dma_start3A_338 : memref<1x1x64xi32, #tpu.memory_space<vmem>> -> memref<64xi32, #tpu.memory_space<vmem>>
    %dma_start3A_340 = arith.constant 0 : i32
    %dma_start3A_341 = arith.constant 0 : i32
    %dma_start3A_342 = tpu.memref_slice %arg4[%dma_start3A_340, %dma_start3A_341] : memref<270000x128xf32, #tpu.memory_space<hbm>> -> memref<270000x128xf32, #tpu.memory_space<hbm>>
    %dma_start3A_343 = tpu.memref_slice %arg12[%dma_start3A_333] : memref<4x!tpu.dma_semaphore, #tpu.memory_space<semaphore_mem>> -> memref<1x!tpu.dma_semaphore, #tpu.memory_space<semaphore_mem>>
    %dma_start3A_344 = tpu.memref_squeeze %dma_start3A_343 : memref<1x!tpu.dma_semaphore, #tpu.memory_space<semaphore_mem>> -> memref<!tpu.dma_semaphore, #tpu.memory_space<semaphore_mem>>
    tpu.enqueue_indirect_dma source(%dma_start3A_342 : memref<270000x128xf32, #tpu.memory_space<hbm>>) target(%dma_start3A_336 : memref<64x128xf32, #tpu.memory_space<vmem>>) offsets(%dma_start3A_339 : memref<64xi32, #tpu.memory_space<vmem>>) semaphore(%dma_start3A_344 : memref<!tpu.dma_semaphore, #tpu.memory_space<semaphore_mem>>)
    %scan3A = arith.constant 0 : i32
    %scan3A_345 = arith.constant 0 : i32
    %scan3A_346 = arith.constant 20 : i32
    %scan3A_347 = arith.addi %scan3A_345, %scan3A_346 : i32
    %scan3A_348 = arith.constant 1 : i32
    scf.for %scan3A_351 = %scan3A_345 to %scan3A_347 step %scan3A_348  : i32 {
      %mul3A_352 = arith.constant 8 : i32
      %mul3A_353 = arith.muli %scan3A_351, %mul3A_352 : i32
      %add3A_354 = arith.constant 0 : i32
      %add3A_355 = arith.addi %mul3A_353, %add3A_354 : i32
      %dma_wait3A_356 = arith.constant 0 : i32
      %dma_wait3A_357 = arith.constant 0 : i32
      %dma_wait3A_358 = arith.constant 0 : i32
      %dma_wait3A_359 = arith.constant 0 : i32
      %dma_wait3A_360 = arith.constant 0 : i32
      %dma_wait3A_361 = tpu.memref_slice %arg9[%dma_wait3A_359, %dma_wait3A_360] : memref<128x128xf32, #tpu.memory_space<vmem>> -> memref<64x128xf32, #tpu.memory_space<vmem>>
      %dma_wait3A_362 = arith.constant 0 : i32
      %dma_wait3A_363 = tpu.memref_slice %arg7[%dma_wait3A_356, %dma_wait3A_357, %dma_wait3A_362] : memref<8x1x64xi32, #tpu.memory_space<vmem>> -> memref<1x1x64xi32, #tpu.memory_space<vmem>>
      %dma_wait3A_364 = tpu.memref_squeeze %dma_wait3A_363 : memref<1x1x64xi32, #tpu.memory_space<vmem>> -> memref<64xi32, #tpu.memory_space<vmem>>
      %dma_wait3A_365 = arith.constant 0 : i32
      %dma_wait3A_366 = arith.constant 0 : i32
      %dma_wait3A_367 = tpu.memref_slice %arg4[%dma_wait3A_365, %dma_wait3A_366] : memref<270000x128xf32, #tpu.memory_space<hbm>> -> memref<270000x128xf32, #tpu.memory_space<hbm>>
      %dma_wait3A_368 = tpu.memref_slice %arg12[%dma_wait3A_358] : memref<4x!tpu.dma_semaphore, #tpu.memory_space<semaphore_mem>> -> memref<1x!tpu.dma_semaphore, #tpu.memory_space<semaphore_mem>>
      %dma_wait3A_369 = tpu.memref_squeeze %dma_wait3A_368 : memref<1x!tpu.dma_semaphore, #tpu.memory_space<semaphore_mem>> -> memref<!tpu.dma_semaphore, #tpu.memory_space<semaphore_mem>>
      tpu.wait_indirect_dma semaphore(%dma_wait3A_369 : memref<!tpu.dma_semaphore, #tpu.memory_space<semaphore_mem>>) src(%dma_wait3A_367 : memref<270000x128xf32, #tpu.memory_space<hbm>>) dst(%dma_wait3A_361 : memref<64x128xf32, #tpu.memory_space<vmem>>)
      %add3A_370 = arith.constant 8 : i32
      %add3A_371 = arith.addi %add3A_355, %add3A_370 : i32
      %lt3A = arith.constant 160 : i32
      %lt3A_372 = arith.cmpi slt, %add3A_371, %lt3A : i32
      %convert_element_type3A = arith.extui %lt3A_372 : i1 to i32
      %cond3A = arith.constant 0 : i32
      %cond3A_373 = arith.cmpi ne, %convert_element_type3A, %cond3A : i32
      scf.if %cond3A_373 {
        %add3A_711 = arith.constant 8 : i32
        %add3A_712 = arith.addi %add3A_355, %add3A_711 : i32
        %mul3A_713 = arith.constant 160 : i32
        %mul3A_714 = arith.muli %add3A, %mul3A_713 : i32
        %add3A_715 = arith.addi %mul3A_714, %add3A_712 : i32
        %dma_start3A_716 = arith.constant 0 : i32
        %dma_start3A_717 = arith.constant 0 : i32
        %dma_start3A_718 = arith.constant 0 : i32
        %dma_start3A_719 = arith.constant 0 : i32
        %dma_start3A_720 = tpu.memref_slice %arg7[%dma_start3A_716, %dma_start3A_718, %dma_start3A_719] : memref<8x1x64xi32, #tpu.memory_space<vmem>> -> memref<1x1x64xi32, #tpu.memory_space<vmem>>
        %dma_start3A_721 = tpu.memref_squeeze %dma_start3A_720 : memref<1x1x64xi32, #tpu.memory_space<vmem>> -> memref<1x64xi32, #tpu.memory_space<vmem>>
        %dma_start3A_722 = arith.constant 0 : i32
        %dma_start3A_723 = arith.constant 0 : i32
        %dma_start3A_724 = tpu.memref_slice %arg2[%add3A_715, %dma_start3A_722, %dma_start3A_723] : memref<5120x1x64xi32, #tpu.memory_space<hbm>> -> memref<1x1x64xi32, #tpu.memory_space<hbm>>
        %dma_start3A_725 = tpu.memref_squeeze %dma_start3A_724 : memref<1x1x64xi32, #tpu.memory_space<hbm>> -> memref<1x64xi32, #tpu.memory_space<hbm>>
        %dma_start3A_726 = tpu.memref_slice %arg13[%dma_start3A_717] : memref<8x!tpu.dma_semaphore, #tpu.memory_space<semaphore_mem>> -> memref<1x!tpu.dma_semaphore, #tpu.memory_space<semaphore_mem>>
        %dma_start3A_727 = tpu.memref_squeeze %dma_start3A_726 : memref<1x!tpu.dma_semaphore, #tpu.memory_space<semaphore_mem>> -> memref<!tpu.dma_semaphore, #tpu.memory_space<semaphore_mem>>
        %dma_start3A_728 = arith.constant 0 : i32
        %dma_start3A_729 = arith.constant 0 : i32
        %dma_start3A_730 = tpu.memref_slice %arg7[%dma_start3A_716, %dma_start3A_728, %dma_start3A_729] : memref<8x1x64xi32, #tpu.memory_space<vmem>> -> memref<1x1x64xi32, #tpu.memory_space<vmem>>
        %dma_start3A_731 = tpu.memref_squeeze %dma_start3A_730 : memref<1x1x64xi32, #tpu.memory_space<vmem>> -> memref<1x64xi32, #tpu.memory_space<vmem>>
        %dma_start3A_732 = arith.constant 0 : i32
        %dma_start3A_733 = arith.constant 0 : i32
        %dma_start3A_734 = tpu.memref_slice %arg2[%add3A_715, %dma_start3A_732, %dma_start3A_733] : memref<5120x1x64xi32, #tpu.memory_space<hbm>> -> memref<1x1x64xi32, #tpu.memory_space<hbm>>
        %dma_start3A_735 = tpu.memref_squeeze %dma_start3A_734 : memref<1x1x64xi32, #tpu.memory_space<hbm>> -> memref<1x64xi32, #tpu.memory_space<hbm>>
        tpu.enqueue_dma source(%dma_start3A_735 : memref<1x64xi32, #tpu.memory_space<hbm>>) target(%dma_start3A_731 : memref<1x64xi32, #tpu.memory_space<vmem>>) target_semaphore(%dma_start3A_727 : memref<!tpu.dma_semaphore, #tpu.memory_space<semaphore_mem>>)
      } else {
      }
      %add3A_374 = arith.constant 1 : i32
      %add3A_375 = arith.addi %mul3A_353, %add3A_374 : i32
      %dma_wait3A_376 = arith.constant 1 : i32
      %dma_wait3A_377 = arith.constant 0 : i32
      %dma_wait3A_378 = arith.constant 1 : i32
      %dma_wait3A_379 = arith.constant 64 : i32
      %dma_wait3A_380 = arith.constant 0 : i32
      %dma_wait3A_381 = tpu.memref_slice %arg9[%dma_wait3A_379, %dma_wait3A_380] : memref<128x128xf32, #tpu.memory_space<vmem>> -> memref<64x128xf32, #tpu.memory_space<vmem>>
      %dma_wait3A_382 = arith.constant 0 : i32
      %dma_wait3A_383 = tpu.memref_slice %arg7[%dma_wait3A_376, %dma_wait3A_377, %dma_wait3A_382] : memref<8x1x64xi32, #tpu.memory_space<vmem>> -> memref<1x1x64xi32, #tpu.memory_space<vmem>>
      %dma_wait3A_384 = tpu.memref_squeeze %dma_wait3A_383 : memref<1x1x64xi32, #tpu.memory_space<vmem>> -> memref<64xi32, #tpu.memory_space<vmem>>
      %dma_wait3A_385 = arith.constant 0 : i32
      %dma_wait3A_386 = arith.constant 0 : i32
      %dma_wait3A_387 = tpu.memref_slice %arg4[%dma_wait3A_385, %dma_wait3A_386] : memref<270000x128xf32, #tpu.memory_space<hbm>> -> memref<270000x128xf32, #tpu.memory_space<hbm>>
      %dma_wait3A_388 = tpu.memref_slice %arg12[%dma_wait3A_378] : memref<4x!tpu.dma_semaphore, #tpu.memory_space<semaphore_mem>> -> memref<1x!tpu.dma_semaphore, #tpu.memory_space<semaphore_mem>>
      %dma_wait3A_389 = tpu.memref_squeeze %dma_wait3A_388 : memref<1x!tpu.dma_semaphore, #tpu.memory_space<semaphore_mem>> -> memref<!tpu.dma_semaphore, #tpu.memory_space<semaphore_mem>>
      tpu.wait_indirect_dma semaphore(%dma_wait3A_389 : memref<!tpu.dma_semaphore, #tpu.memory_space<semaphore_mem>>) src(%dma_wait3A_387 : memref<270000x128xf32, #tpu.memory_space<hbm>>) dst(%dma_wait3A_381 : memref<64x128xf32, #tpu.memory_space<vmem>>)
      %add3A_390 = arith.constant 8 : i32
      %add3A_391 = arith.addi %add3A_375, %add3A_390 : i32
      %lt3A_392 = arith.constant 160 : i32
      %lt3A_393 = arith.cmpi slt, %add3A_391, %lt3A_392 : i32
      %convert_element_type3A_394 = arith.extui %lt3A_393 : i1 to i32
      %cond3A_395 = arith.constant 0 : i32
      %cond3A_396 = arith.cmpi ne, %convert_element_type3A_394, %cond3A_395 : i32
      scf.if %cond3A_396 {
        %add3A_711 = arith.constant 8 : i32
        %add3A_712 = arith.addi %add3A_375, %add3A_711 : i32
        %mul3A_713 = arith.constant 160 : i32
        %mul3A_714 = arith.muli %add3A, %mul3A_713 : i32
        %add3A_715 = arith.addi %mul3A_714, %add3A_712 : i32
        %dma_start3A_716 = arith.constant 1 : i32
        %dma_start3A_717 = arith.constant 1 : i32
        %dma_start3A_718 = arith.constant 0 : i32
        %dma_start3A_719 = arith.constant 0 : i32
        %dma_start3A_720 = tpu.memref_slice %arg7[%dma_start3A_716, %dma_start3A_718, %dma_start3A_719] : memref<8x1x64xi32, #tpu.memory_space<vmem>> -> memref<1x1x64xi32, #tpu.memory_space<vmem>>
        %dma_start3A_721 = tpu.memref_squeeze %dma_start3A_720 : memref<1x1x64xi32, #tpu.memory_space<vmem>> -> memref<1x64xi32, #tpu.memory_space<vmem>>
        %dma_start3A_722 = arith.constant 0 : i32
        %dma_start3A_723 = arith.constant 0 : i32
        %dma_start3A_724 = tpu.memref_slice %arg2[%add3A_715, %dma_start3A_722, %dma_start3A_723] : memref<5120x1x64xi32, #tpu.memory_space<hbm>> -> memref<1x1x64xi32, #tpu.memory_space<hbm>>
        %dma_start3A_725 = tpu.memref_squeeze %dma_start3A_724 : memref<1x1x64xi32, #tpu.memory_space<hbm>> -> memref<1x64xi32, #tpu.memory_space<hbm>>
        %dma_start3A_726 = tpu.memref_slice %arg13[%dma_start3A_717] : memref<8x!tpu.dma_semaphore, #tpu.memory_space<semaphore_mem>> -> memref<1x!tpu.dma_semaphore, #tpu.memory_space<semaphore_mem>>
        %dma_start3A_727 = tpu.memref_squeeze %dma_start3A_726 : memref<1x!tpu.dma_semaphore, #tpu.memory_space<semaphore_mem>> -> memref<!tpu.dma_semaphore, #tpu.memory_space<semaphore_mem>>
        %dma_start3A_728 = arith.constant 0 : i32
        %dma_start3A_729 = arith.constant 0 : i32
        %dma_start3A_730 = tpu.memref_slice %arg7[%dma_start3A_716, %dma_start3A_728, %dma_start3A_729] : memref<8x1x64xi32, #tpu.memory_space<vmem>> -> memref<1x1x64xi32, #tpu.memory_space<vmem>>
        %dma_start3A_731 = tpu.memref_squeeze %dma_start3A_730 : memref<1x1x64xi32, #tpu.memory_space<vmem>> -> memref<1x64xi32, #tpu.memory_space<vmem>>
        %dma_start3A_732 = arith.constant 0 : i32
        %dma_start3A_733 = arith.constant 0 : i32
        %dma_start3A_734 = tpu.memref_slice %arg2[%add3A_715, %dma_start3A_732, %dma_start3A_733] : memref<5120x1x64xi32, #tpu.memory_space<hbm>> -> memref<1x1x64xi32, #tpu.memory_space<hbm>>
        %dma_start3A_735 = tpu.memref_squeeze %dma_start3A_734 : memref<1x1x64xi32, #tpu.memory_space<hbm>> -> memref<1x64xi32, #tpu.memory_space<hbm>>
        tpu.enqueue_dma source(%dma_start3A_735 : memref<1x64xi32, #tpu.memory_space<hbm>>) target(%dma_start3A_731 : memref<1x64xi32, #tpu.memory_space<vmem>>) target_semaphore(%dma_start3A_727 : memref<!tpu.dma_semaphore, #tpu.memory_space<semaphore_mem>>)
      } else {
      }
      %jit3A = arith.constant 2 : i32
      %div3A = arith.divsi %add3A_375, %jit3A : i32
      %sign3A = arith.constant 0 : i32
      %sign3A_397 = arith.cmpi sgt, %add3A_375, %sign3A : i32
      %sign3A_398 = arith.extui %sign3A_397 : i1 to i32
      %sign3A_399 = arith.constant 0 : i32
      %sign3A_400 = arith.cmpi slt, %add3A_375, %sign3A_399 : i32
      %sign3A_401 = arith.extui %sign3A_400 : i1 to i32
      %sign3A_402 = arith.subi %sign3A_398, %sign3A_401 : i32
      %sign3A_403 = arith.constant 0 : i32
      %sign3A_404 = arith.cmpi sgt, %jit3A, %sign3A_403 : i32
      %sign3A_405 = arith.extui %sign3A_404 : i1 to i32
      %sign3A_406 = arith.constant 0 : i32
      %sign3A_407 = arith.cmpi slt, %jit3A, %sign3A_406 : i32
      %sign3A_408 = arith.extui %sign3A_407 : i1 to i32
      %sign3A_409 = arith.subi %sign3A_405, %sign3A_408 : i32
      %ne3A = arith.cmpi ne, %sign3A_402, %sign3A_409 : i32
      %rem3A = arith.remsi %add3A_375, %jit3A : i32
      %ne3A_410 = arith.constant 0 : i32
      %ne3A_411 = arith.cmpi ne, %rem3A, %ne3A_410 : i32
      %and3A = arith.andi %ne3A, %ne3A_411 : i1
      %sub3A = arith.constant 1 : i32
      %sub3A_412 = arith.subi %div3A, %sub3A : i32
      %select_n3A = arith.select %and3A, %sub3A_412, %div3A : i32
      "tpu.region"() ({
        %run_scoped3A = tpu.sem_alloc : memref<!tpu.dma_semaphore, #tpu.memory_space<semaphore_mem>>
        %dma_start3A_711 = arith.constant 0 : i32
        %dma_start3A_712 = tpu.memref_slice %arg8[%select_n3A, %dma_start3A_711] : memref<80x128xi32, #tpu.memory_space<vmem>> -> memref<1x128xi32, #tpu.memory_space<vmem>>
        %dma_start3A_713 = tpu.memref_squeeze %dma_start3A_712 : memref<1x128xi32, #tpu.memory_space<vmem>> -> memref<128xi32, #tpu.memory_space<vmem>>
        %dma_start3A_714 = arith.constant 0 : i32
        %dma_start3A_715 = arith.constant 0 : i32
        %dma_start3A_716 = tpu.memref_slice %arg11[%dma_start3A_714, %dma_start3A_715] : memref<10112x128xf32, #tpu.memory_space<vmem_shared>> -> memref<10112x128xf32, #tpu.memory_space<vmem_shared>>
        tpu.enqueue_indirect_dma source(%arg9 : memref<128x128xf32, #tpu.memory_space<vmem>>) target(%dma_start3A_716 : memref<10112x128xf32, #tpu.memory_space<vmem_shared>>) offsets(%dma_start3A_713 : memref<128xi32, #tpu.memory_space<vmem>>) semaphore(%run_scoped3A : memref<!tpu.dma_semaphore, #tpu.memory_space<semaphore_mem>>) {add = true}
        %dma_wait3A_717 = arith.constant 0 : i32
        %dma_wait3A_718 = tpu.memref_slice %arg8[%select_n3A, %dma_wait3A_717] : memref<80x128xi32, #tpu.memory_space<vmem>> -> memref<1x128xi32, #tpu.memory_space<vmem>>
        %dma_wait3A_719 = tpu.memref_squeeze %dma_wait3A_718 : memref<1x128xi32, #tpu.memory_space<vmem>> -> memref<128xi32, #tpu.memory_space<vmem>>
        %dma_wait3A_720 = arith.constant 0 : i32
        %dma_wait3A_721 = arith.constant 0 : i32
        %dma_wait3A_722 = tpu.memref_slice %arg11[%dma_wait3A_720, %dma_wait3A_721] : memref<10112x128xf32, #tpu.memory_space<vmem_shared>> -> memref<10112x128xf32, #tpu.memory_space<vmem_shared>>
        tpu.wait_indirect_dma semaphore(%run_scoped3A : memref<!tpu.dma_semaphore, #tpu.memory_space<semaphore_mem>>) src(%arg9 : memref<128x128xf32, #tpu.memory_space<vmem>>) dst(%dma_wait3A_722 : memref<10112x128xf32, #tpu.memory_space<vmem_shared>>)
        tpu.yield
      }) : () -> ()
      %sub3A_413 = arith.constant 1 : i32
      %sub3A_414 = arith.subi %add3A_375, %sub3A_413 : i32
      %add3A_415 = arith.constant 0 : i32
      %add3A_416 = arith.addi %sub3A_414, %add3A_415 : i32
      %add3A_417 = arith.constant 4 : i32
      %add3A_418 = arith.addi %add3A_416, %add3A_417 : i32
      %lt3A_419 = arith.constant 160 : i32
      %lt3A_420 = arith.cmpi slt, %add3A_418, %lt3A_419 : i32
      %convert_element_type3A_421 = arith.extui %lt3A_420 : i1 to i32
      %cond3A_422 = arith.constant 0 : i32
      %cond3A_423 = arith.cmpi ne, %convert_element_type3A_421, %cond3A_422 : i32
      scf.if %cond3A_423 {
        %mul3A_711 = arith.constant 160 : i32
        %mul3A_712 = arith.muli %add3A, %mul3A_711 : i32
        %add3A_713 = arith.addi %mul3A_712, %add3A_418 : i32
        %dma_wait3A_714 = arith.constant 4 : i32
        %dma_wait3A_715 = arith.constant 4 : i32
        %dma_wait3A_716 = arith.constant 0 : i32
        %dma_wait3A_717 = arith.constant 0 : i32
        %dma_wait3A_718 = tpu.memref_slice %arg7[%dma_wait3A_714, %dma_wait3A_716, %dma_wait3A_717] : memref<8x1x64xi32, #tpu.memory_space<vmem>> -> memref<1x1x64xi32, #tpu.memory_space<vmem>>
        %dma_wait3A_719 = tpu.memref_squeeze %dma_wait3A_718 : memref<1x1x64xi32, #tpu.memory_space<vmem>> -> memref<1x64xi32, #tpu.memory_space<vmem>>
        %dma_wait3A_720 = arith.constant 0 : i32
        %dma_wait3A_721 = arith.constant 0 : i32
        %dma_wait3A_722 = tpu.memref_slice %arg2[%add3A_713, %dma_wait3A_720, %dma_wait3A_721] : memref<5120x1x64xi32, #tpu.memory_space<hbm>> -> memref<1x1x64xi32, #tpu.memory_space<hbm>>
        %dma_wait3A_723 = tpu.memref_squeeze %dma_wait3A_722 : memref<1x1x64xi32, #tpu.memory_space<hbm>> -> memref<1x64xi32, #tpu.memory_space<hbm>>
        %dma_wait3A_724 = tpu.memref_slice %arg13[%dma_wait3A_715] : memref<8x!tpu.dma_semaphore, #tpu.memory_space<semaphore_mem>> -> memref<1x!tpu.dma_semaphore, #tpu.memory_space<semaphore_mem>>
        %dma_wait3A_725 = tpu.memref_squeeze %dma_wait3A_724 : memref<1x!tpu.dma_semaphore, #tpu.memory_space<semaphore_mem>> -> memref<!tpu.dma_semaphore, #tpu.memory_space<semaphore_mem>>
        %dma_wait3A_726 = arith.constant 0 : i32
        %dma_wait3A_727 = arith.constant 0 : i32
        %dma_wait3A_728 = tpu.memref_slice %arg7[%dma_wait3A_714, %dma_wait3A_726, %dma_wait3A_727] : memref<8x1x64xi32, #tpu.memory_space<vmem>> -> memref<1x1x64xi32, #tpu.memory_space<vmem>>
        %dma_wait3A_729 = tpu.memref_squeeze %dma_wait3A_728 : memref<1x1x64xi32, #tpu.memory_space<vmem>> -> memref<1x64xi32, #tpu.memory_space<vmem>>
        %dma_wait3A_730 = arith.constant 0 : i32
        %dma_wait3A_731 = arith.constant 0 : i32
        %dma_wait3A_732 = tpu.memref_slice %arg2[%add3A_713, %dma_wait3A_730, %dma_wait3A_731] : memref<5120x1x64xi32, #tpu.memory_space<hbm>> -> memref<1x1x64xi32, #tpu.memory_space<hbm>>
        %dma_wait3A_733 = tpu.memref_squeeze %dma_wait3A_732 : memref<1x1x64xi32, #tpu.memory_space<hbm>> -> memref<1x64xi32, #tpu.memory_space<hbm>>
        tpu.wait_dma2 semaphore(%dma_wait3A_725 : memref<!tpu.dma_semaphore, #tpu.memory_space<semaphore_mem>>) src(%dma_wait3A_733 : memref<1x64xi32, #tpu.memory_space<hbm>>) dst(%dma_wait3A_729 : memref<1x64xi32, #tpu.memory_space<vmem>>)
        %dma_start3A_734 = arith.constant 4 : i32
        %dma_start3A_735 = arith.constant 0 : i32
        %dma_start3A_736 = arith.constant 0 : i32
        %dma_start3A_737 = arith.constant 0 : i32
        %dma_start3A_738 = arith.constant 0 : i32
        %dma_start3A_739 = tpu.memref_slice %arg9[%dma_start3A_737, %dma_start3A_738] : memref<128x128xf32, #tpu.memory_space<vmem>> -> memref<64x128xf32, #tpu.memory_space<vmem>>
        %dma_start3A_740 = arith.constant 0 : i32
        %dma_start3A_741 = tpu.memref_slice %arg7[%dma_start3A_734, %dma_start3A_735, %dma_start3A_740] : memref<8x1x64xi32, #tpu.memory_space<vmem>> -> memref<1x1x64xi32, #tpu.memory_space<vmem>>
        %dma_start3A_742 = tpu.memref_squeeze %dma_start3A_741 : memref<1x1x64xi32, #tpu.memory_space<vmem>> -> memref<64xi32, #tpu.memory_space<vmem>>
        %dma_start3A_743 = arith.constant 0 : i32
        %dma_start3A_744 = arith.constant 0 : i32
        %dma_start3A_745 = tpu.memref_slice %arg4[%dma_start3A_743, %dma_start3A_744] : memref<270000x128xf32, #tpu.memory_space<hbm>> -> memref<270000x128xf32, #tpu.memory_space<hbm>>
        %dma_start3A_746 = tpu.memref_slice %arg12[%dma_start3A_736] : memref<4x!tpu.dma_semaphore, #tpu.memory_space<semaphore_mem>> -> memref<1x!tpu.dma_semaphore, #tpu.memory_space<semaphore_mem>>
        %dma_start3A_747 = tpu.memref_squeeze %dma_start3A_746 : memref<1x!tpu.dma_semaphore, #tpu.memory_space<semaphore_mem>> -> memref<!tpu.dma_semaphore, #tpu.memory_space<semaphore_mem>>
        tpu.enqueue_indirect_dma source(%dma_start3A_745 : memref<270000x128xf32, #tpu.memory_space<hbm>>) target(%dma_start3A_739 : memref<64x128xf32, #tpu.memory_space<vmem>>) offsets(%dma_start3A_742 : memref<64xi32, #tpu.memory_space<vmem>>) semaphore(%dma_start3A_747 : memref<!tpu.dma_semaphore, #tpu.memory_space<semaphore_mem>>)
      } else {
      }
      %sub3A_424 = arith.constant 1 : i32
      %sub3A_425 = arith.subi %add3A_375, %sub3A_424 : i32
      %add3A_426 = arith.constant 1 : i32
      %add3A_427 = arith.addi %sub3A_425, %add3A_426 : i32
      %add3A_428 = arith.constant 4 : i32
      %add3A_429 = arith.addi %add3A_427, %add3A_428 : i32
      %lt3A_430 = arith.constant 160 : i32
      %lt3A_431 = arith.cmpi slt, %add3A_429, %lt3A_430 : i32
      %convert_element_type3A_432 = arith.extui %lt3A_431 : i1 to i32
      %cond3A_433 = arith.constant 0 : i32
      %cond3A_434 = arith.cmpi ne, %convert_element_type3A_432, %cond3A_433 : i32
      scf.if %cond3A_434 {
        %mul3A_711 = arith.constant 160 : i32
        %mul3A_712 = arith.muli %add3A, %mul3A_711 : i32
        %add3A_713 = arith.addi %mul3A_712, %add3A_429 : i32
        %dma_wait3A_714 = arith.constant 5 : i32
        %dma_wait3A_715 = arith.constant 5 : i32
        %dma_wait3A_716 = arith.constant 0 : i32
        %dma_wait3A_717 = arith.constant 0 : i32
        %dma_wait3A_718 = tpu.memref_slice %arg7[%dma_wait3A_714, %dma_wait3A_716, %dma_wait3A_717] : memref<8x1x64xi32, #tpu.memory_space<vmem>> -> memref<1x1x64xi32, #tpu.memory_space<vmem>>
        %dma_wait3A_719 = tpu.memref_squeeze %dma_wait3A_718 : memref<1x1x64xi32, #tpu.memory_space<vmem>> -> memref<1x64xi32, #tpu.memory_space<vmem>>
        %dma_wait3A_720 = arith.constant 0 : i32
        %dma_wait3A_721 = arith.constant 0 : i32
        %dma_wait3A_722 = tpu.memref_slice %arg2[%add3A_713, %dma_wait3A_720, %dma_wait3A_721] : memref<5120x1x64xi32, #tpu.memory_space<hbm>> -> memref<1x1x64xi32, #tpu.memory_space<hbm>>
        %dma_wait3A_723 = tpu.memref_squeeze %dma_wait3A_722 : memref<1x1x64xi32, #tpu.memory_space<hbm>> -> memref<1x64xi32, #tpu.memory_space<hbm>>
        %dma_wait3A_724 = tpu.memref_slice %arg13[%dma_wait3A_715] : memref<8x!tpu.dma_semaphore, #tpu.memory_space<semaphore_mem>> -> memref<1x!tpu.dma_semaphore, #tpu.memory_space<semaphore_mem>>
        %dma_wait3A_725 = tpu.memref_squeeze %dma_wait3A_724 : memref<1x!tpu.dma_semaphore, #tpu.memory_space<semaphore_mem>> -> memref<!tpu.dma_semaphore, #tpu.memory_space<semaphore_mem>>
        %dma_wait3A_726 = arith.constant 0 : i32
        %dma_wait3A_727 = arith.constant 0 : i32
        %dma_wait3A_728 = tpu.memref_slice %arg7[%dma_wait3A_714, %dma_wait3A_726, %dma_wait3A_727] : memref<8x1x64xi32, #tpu.memory_space<vmem>> -> memref<1x1x64xi32, #tpu.memory_space<vmem>>
        %dma_wait3A_729 = tpu.memref_squeeze %dma_wait3A_728 : memref<1x1x64xi32, #tpu.memory_space<vmem>> -> memref<1x64xi32, #tpu.memory_space<vmem>>
        %dma_wait3A_730 = arith.constant 0 : i32
        %dma_wait3A_731 = arith.constant 0 : i32
        %dma_wait3A_732 = tpu.memref_slice %arg2[%add3A_713, %dma_wait3A_730, %dma_wait3A_731] : memref<5120x1x64xi32, #tpu.memory_space<hbm>> -> memref<1x1x64xi32, #tpu.memory_space<hbm>>
        %dma_wait3A_733 = tpu.memref_squeeze %dma_wait3A_732 : memref<1x1x64xi32, #tpu.memory_space<hbm>> -> memref<1x64xi32, #tpu.memory_space<hbm>>
        tpu.wait_dma2 semaphore(%dma_wait3A_725 : memref<!tpu.dma_semaphore, #tpu.memory_space<semaphore_mem>>) src(%dma_wait3A_733 : memref<1x64xi32, #tpu.memory_space<hbm>>) dst(%dma_wait3A_729 : memref<1x64xi32, #tpu.memory_space<vmem>>)
        %dma_start3A_734 = arith.constant 5 : i32
        %dma_start3A_735 = arith.constant 0 : i32
        %dma_start3A_736 = arith.constant 1 : i32
        %dma_start3A_737 = arith.constant 64 : i32
        %dma_start3A_738 = arith.constant 0 : i32
        %dma_start3A_739 = tpu.memref_slice %arg9[%dma_start3A_737, %dma_start3A_738] : memref<128x128xf32, #tpu.memory_space<vmem>> -> memref<64x128xf32, #tpu.memory_space<vmem>>
        %dma_start3A_740 = arith.constant 0 : i32
        %dma_start3A_741 = tpu.memref_slice %arg7[%dma_start3A_734, %dma_start3A_735, %dma_start3A_740] : memref<8x1x64xi32, #tpu.memory_space<vmem>> -> memref<1x1x64xi32, #tpu.memory_space<vmem>>
        %dma_start3A_742 = tpu.memref_squeeze %dma_start3A_741 : memref<1x1x64xi32, #tpu.memory_space<vmem>> -> memref<64xi32, #tpu.memory_space<vmem>>
        %dma_start3A_743 = arith.constant 0 : i32
        %dma_start3A_744 = arith.constant 0 : i32
        %dma_start3A_745 = tpu.memref_slice %arg4[%dma_start3A_743, %dma_start3A_744] : memref<270000x128xf32, #tpu.memory_space<hbm>> -> memref<270000x128xf32, #tpu.memory_space<hbm>>
        %dma_start3A_746 = tpu.memref_slice %arg12[%dma_start3A_736] : memref<4x!tpu.dma_semaphore, #tpu.memory_space<semaphore_mem>> -> memref<1x!tpu.dma_semaphore, #tpu.memory_space<semaphore_mem>>
        %dma_start3A_747 = tpu.memref_squeeze %dma_start3A_746 : memref<1x!tpu.dma_semaphore, #tpu.memory_space<semaphore_mem>> -> memref<!tpu.dma_semaphore, #tpu.memory_space<semaphore_mem>>
        tpu.enqueue_indirect_dma source(%dma_start3A_745 : memref<270000x128xf32, #tpu.memory_space<hbm>>) target(%dma_start3A_739 : memref<64x128xf32, #tpu.memory_space<vmem>>) offsets(%dma_start3A_742 : memref<64xi32, #tpu.memory_space<vmem>>) semaphore(%dma_start3A_747 : memref<!tpu.dma_semaphore, #tpu.memory_space<semaphore_mem>>)
      } else {
      }
      %add3A_435 = arith.constant 2 : i32
      %add3A_436 = arith.addi %mul3A_353, %add3A_435 : i32
      %dma_wait3A_437 = arith.constant 2 : i32
      %dma_wait3A_438 = arith.constant 0 : i32
      %dma_wait3A_439 = arith.constant 2 : i32
      %dma_wait3A_440 = arith.constant 0 : i32
      %dma_wait3A_441 = arith.constant 0 : i32
      %dma_wait3A_442 = tpu.memref_slice %arg10[%dma_wait3A_440, %dma_wait3A_441] : memref<128x128xf32, #tpu.memory_space<vmem>> -> memref<64x128xf32, #tpu.memory_space<vmem>>
      %dma_wait3A_443 = arith.constant 0 : i32
      %dma_wait3A_444 = tpu.memref_slice %arg7[%dma_wait3A_437, %dma_wait3A_438, %dma_wait3A_443] : memref<8x1x64xi32, #tpu.memory_space<vmem>> -> memref<1x1x64xi32, #tpu.memory_space<vmem>>
      %dma_wait3A_445 = tpu.memref_squeeze %dma_wait3A_444 : memref<1x1x64xi32, #tpu.memory_space<vmem>> -> memref<64xi32, #tpu.memory_space<vmem>>
      %dma_wait3A_446 = arith.constant 0 : i32
      %dma_wait3A_447 = arith.constant 0 : i32
      %dma_wait3A_448 = tpu.memref_slice %arg4[%dma_wait3A_446, %dma_wait3A_447] : memref<270000x128xf32, #tpu.memory_space<hbm>> -> memref<270000x128xf32, #tpu.memory_space<hbm>>
      %dma_wait3A_449 = tpu.memref_slice %arg12[%dma_wait3A_439] : memref<4x!tpu.dma_semaphore, #tpu.memory_space<semaphore_mem>> -> memref<1x!tpu.dma_semaphore, #tpu.memory_space<semaphore_mem>>
      %dma_wait3A_450 = tpu.memref_squeeze %dma_wait3A_449 : memref<1x!tpu.dma_semaphore, #tpu.memory_space<semaphore_mem>> -> memref<!tpu.dma_semaphore, #tpu.memory_space<semaphore_mem>>
      tpu.wait_indirect_dma semaphore(%dma_wait3A_450 : memref<!tpu.dma_semaphore, #tpu.memory_space<semaphore_mem>>) src(%dma_wait3A_448 : memref<270000x128xf32, #tpu.memory_space<hbm>>) dst(%dma_wait3A_442 : memref<64x128xf32, #tpu.memory_space<vmem>>)
      %add3A_451 = arith.constant 8 : i32
      %add3A_452 = arith.addi %add3A_436, %add3A_451 : i32
      %lt3A_453 = arith.constant 160 : i32
      %lt3A_454 = arith.cmpi slt, %add3A_452, %lt3A_453 : i32
      %convert_element_type3A_455 = arith.extui %lt3A_454 : i1 to i32
      %cond3A_456 = arith.constant 0 : i32
      %cond3A_457 = arith.cmpi ne, %convert_element_type3A_455, %cond3A_456 : i32
      scf.if %cond3A_457 {
        %add3A_711 = arith.constant 8 : i32
        %add3A_712 = arith.addi %add3A_436, %add3A_711 : i32
        %mul3A_713 = arith.constant 160 : i32
        %mul3A_714 = arith.muli %add3A, %mul3A_713 : i32
        %add3A_715 = arith.addi %mul3A_714, %add3A_712 : i32
        %dma_start3A_716 = arith.constant 2 : i32
        %dma_start3A_717 = arith.constant 2 : i32
        %dma_start3A_718 = arith.constant 0 : i32
        %dma_start3A_719 = arith.constant 0 : i32
        %dma_start3A_720 = tpu.memref_slice %arg7[%dma_start3A_716, %dma_start3A_718, %dma_start3A_719] : memref<8x1x64xi32, #tpu.memory_space<vmem>> -> memref<1x1x64xi32, #tpu.memory_space<vmem>>
        %dma_start3A_721 = tpu.memref_squeeze %dma_start3A_720 : memref<1x1x64xi32, #tpu.memory_space<vmem>> -> memref<1x64xi32, #tpu.memory_space<vmem>>
        %dma_start3A_722 = arith.constant 0 : i32
        %dma_start3A_723 = arith.constant 0 : i32
        %dma_start3A_724 = tpu.memref_slice %arg2[%add3A_715, %dma_start3A_722, %dma_start3A_723] : memref<5120x1x64xi32, #tpu.memory_space<hbm>> -> memref<1x1x64xi32, #tpu.memory_space<hbm>>
        %dma_start3A_725 = tpu.memref_squeeze %dma_start3A_724 : memref<1x1x64xi32, #tpu.memory_space<hbm>> -> memref<1x64xi32, #tpu.memory_space<hbm>>
        %dma_start3A_726 = tpu.memref_slice %arg13[%dma_start3A_717] : memref<8x!tpu.dma_semaphore, #tpu.memory_space<semaphore_mem>> -> memref<1x!tpu.dma_semaphore, #tpu.memory_space<semaphore_mem>>
        %dma_start3A_727 = tpu.memref_squeeze %dma_start3A_726 : memref<1x!tpu.dma_semaphore, #tpu.memory_space<semaphore_mem>> -> memref<!tpu.dma_semaphore, #tpu.memory_space<semaphore_mem>>
        %dma_start3A_728 = arith.constant 0 : i32
        %dma_start3A_729 = arith.constant 0 : i32
        %dma_start3A_730 = tpu.memref_slice %arg7[%dma_start3A_716, %dma_start3A_728, %dma_start3A_729] : memref<8x1x64xi32, #tpu.memory_space<vmem>> -> memref<1x1x64xi32, #tpu.memory_space<vmem>>
        %dma_start3A_731 = tpu.memref_squeeze %dma_start3A_730 : memref<1x1x64xi32, #tpu.memory_space<vmem>> -> memref<1x64xi32, #tpu.memory_space<vmem>>
        %dma_start3A_732 = arith.constant 0 : i32
        %dma_start3A_733 = arith.constant 0 : i32
        %dma_start3A_734 = tpu.memref_slice %arg2[%add3A_715, %dma_start3A_732, %dma_start3A_733] : memref<5120x1x64xi32, #tpu.memory_space<hbm>> -> memref<1x1x64xi32, #tpu.memory_space<hbm>>
        %dma_start3A_735 = tpu.memref_squeeze %dma_start3A_734 : memref<1x1x64xi32, #tpu.memory_space<hbm>> -> memref<1x64xi32, #tpu.memory_space<hbm>>
        tpu.enqueue_dma source(%dma_start3A_735 : memref<1x64xi32, #tpu.memory_space<hbm>>) target(%dma_start3A_731 : memref<1x64xi32, #tpu.memory_space<vmem>>) target_semaphore(%dma_start3A_727 : memref<!tpu.dma_semaphore, #tpu.memory_space<semaphore_mem>>)
      } else {
      }
      %add3A_458 = arith.constant 3 : i32
      %add3A_459 = arith.addi %mul3A_353, %add3A_458 : i32
      %dma_wait3A_460 = arith.constant 3 : i32
      %dma_wait3A_461 = arith.constant 0 : i32
      %dma_wait3A_462 = arith.constant 3 : i32
      %dma_wait3A_463 = arith.constant 64 : i32
      %dma_wait3A_464 = arith.constant 0 : i32
      %dma_wait3A_465 = tpu.memref_slice %arg10[%dma_wait3A_463, %dma_wait3A_464] : memref<128x128xf32, #tpu.memory_space<vmem>> -> memref<64x128xf32, #tpu.memory_space<vmem>>
      %dma_wait3A_466 = arith.constant 0 : i32
      %dma_wait3A_467 = tpu.memref_slice %arg7[%dma_wait3A_460, %dma_wait3A_461, %dma_wait3A_466] : memref<8x1x64xi32, #tpu.memory_space<vmem>> -> memref<1x1x64xi32, #tpu.memory_space<vmem>>
      %dma_wait3A_468 = tpu.memref_squeeze %dma_wait3A_467 : memref<1x1x64xi32, #tpu.memory_space<vmem>> -> memref<64xi32, #tpu.memory_space<vmem>>
      %dma_wait3A_469 = arith.constant 0 : i32
      %dma_wait3A_470 = arith.constant 0 : i32
      %dma_wait3A_471 = tpu.memref_slice %arg4[%dma_wait3A_469, %dma_wait3A_470] : memref<270000x128xf32, #tpu.memory_space<hbm>> -> memref<270000x128xf32, #tpu.memory_space<hbm>>
      %dma_wait3A_472 = tpu.memref_slice %arg12[%dma_wait3A_462] : memref<4x!tpu.dma_semaphore, #tpu.memory_space<semaphore_mem>> -> memref<1x!tpu.dma_semaphore, #tpu.memory_space<semaphore_mem>>
      %dma_wait3A_473 = tpu.memref_squeeze %dma_wait3A_472 : memref<1x!tpu.dma_semaphore, #tpu.memory_space<semaphore_mem>> -> memref<!tpu.dma_semaphore, #tpu.memory_space<semaphore_mem>>
      tpu.wait_indirect_dma semaphore(%dma_wait3A_473 : memref<!tpu.dma_semaphore, #tpu.memory_space<semaphore_mem>>) src(%dma_wait3A_471 : memref<270000x128xf32, #tpu.memory_space<hbm>>) dst(%dma_wait3A_465 : memref<64x128xf32, #tpu.memory_space<vmem>>)
      %add3A_474 = arith.constant 8 : i32
      %add3A_475 = arith.addi %add3A_459, %add3A_474 : i32
      %lt3A_476 = arith.constant 160 : i32
      %lt3A_477 = arith.cmpi slt, %add3A_475, %lt3A_476 : i32
      %convert_element_type3A_478 = arith.extui %lt3A_477 : i1 to i32
      %cond3A_479 = arith.constant 0 : i32
      %cond3A_480 = arith.cmpi ne, %convert_element_type3A_478, %cond3A_479 : i32
      scf.if %cond3A_480 {
        %add3A_711 = arith.constant 8 : i32
        %add3A_712 = arith.addi %add3A_459, %add3A_711 : i32
        %mul3A_713 = arith.constant 160 : i32
        %mul3A_714 = arith.muli %add3A, %mul3A_713 : i32
        %add3A_715 = arith.addi %mul3A_714, %add3A_712 : i32
        %dma_start3A_716 = arith.constant 3 : i32
        %dma_start3A_717 = arith.constant 3 : i32
        %dma_start3A_718 = arith.constant 0 : i32
        %dma_start3A_719 = arith.constant 0 : i32
        %dma_start3A_720 = tpu.memref_slice %arg7[%dma_start3A_716, %dma_start3A_718, %dma_start3A_719] : memref<8x1x64xi32, #tpu.memory_space<vmem>> -> memref<1x1x64xi32, #tpu.memory_space<vmem>>
        %dma_start3A_721 = tpu.memref_squeeze %dma_start3A_720 : memref<1x1x64xi32, #tpu.memory_space<vmem>> -> memref<1x64xi32, #tpu.memory_space<vmem>>
        %dma_start3A_722 = arith.constant 0 : i32
        %dma_start3A_723 = arith.constant 0 : i32
        %dma_start3A_724 = tpu.memref_slice %arg2[%add3A_715, %dma_start3A_722, %dma_start3A_723] : memref<5120x1x64xi32, #tpu.memory_space<hbm>> -> memref<1x1x64xi32, #tpu.memory_space<hbm>>
        %dma_start3A_725 = tpu.memref_squeeze %dma_start3A_724 : memref<1x1x64xi32, #tpu.memory_space<hbm>> -> memref<1x64xi32, #tpu.memory_space<hbm>>
        %dma_start3A_726 = tpu.memref_slice %arg13[%dma_start3A_717] : memref<8x!tpu.dma_semaphore, #tpu.memory_space<semaphore_mem>> -> memref<1x!tpu.dma_semaphore, #tpu.memory_space<semaphore_mem>>
        %dma_start3A_727 = tpu.memref_squeeze %dma_start3A_726 : memref<1x!tpu.dma_semaphore, #tpu.memory_space<semaphore_mem>> -> memref<!tpu.dma_semaphore, #tpu.memory_space<semaphore_mem>>
        %dma_start3A_728 = arith.constant 0 : i32
        %dma_start3A_729 = arith.constant 0 : i32
        %dma_start3A_730 = tpu.memref_slice %arg7[%dma_start3A_716, %dma_start3A_728, %dma_start3A_729] : memref<8x1x64xi32, #tpu.memory_space<vmem>> -> memref<1x1x64xi32, #tpu.memory_space<vmem>>
        %dma_start3A_731 = tpu.memref_squeeze %dma_start3A_730 : memref<1x1x64xi32, #tpu.memory_space<vmem>> -> memref<1x64xi32, #tpu.memory_space<vmem>>
        %dma_start3A_732 = arith.constant 0 : i32
        %dma_start3A_733 = arith.constant 0 : i32
        %dma_start3A_734 = tpu.memref_slice %arg2[%add3A_715, %dma_start3A_732, %dma_start3A_733] : memref<5120x1x64xi32, #tpu.memory_space<hbm>> -> memref<1x1x64xi32, #tpu.memory_space<hbm>>
        %dma_start3A_735 = tpu.memref_squeeze %dma_start3A_734 : memref<1x1x64xi32, #tpu.memory_space<hbm>> -> memref<1x64xi32, #tpu.memory_space<hbm>>
        tpu.enqueue_dma source(%dma_start3A_735 : memref<1x64xi32, #tpu.memory_space<hbm>>) target(%dma_start3A_731 : memref<1x64xi32, #tpu.memory_space<vmem>>) target_semaphore(%dma_start3A_727 : memref<!tpu.dma_semaphore, #tpu.memory_space<semaphore_mem>>)
      } else {
      }
      %jit3A_481 = arith.constant 2 : i32
      %div3A_482 = arith.divsi %add3A_459, %jit3A_481 : i32
      %sign3A_483 = arith.constant 0 : i32
      %sign3A_484 = arith.cmpi sgt, %add3A_459, %sign3A_483 : i32
      %sign3A_485 = arith.extui %sign3A_484 : i1 to i32
      %sign3A_486 = arith.constant 0 : i32
      %sign3A_487 = arith.cmpi slt, %add3A_459, %sign3A_486 : i32
      %sign3A_488 = arith.extui %sign3A_487 : i1 to i32
      %sign3A_489 = arith.subi %sign3A_485, %sign3A_488 : i32
      %sign3A_490 = arith.constant 0 : i32
      %sign3A_491 = arith.cmpi sgt, %jit3A_481, %sign3A_490 : i32
      %sign3A_492 = arith.extui %sign3A_491 : i1 to i32
      %sign3A_493 = arith.constant 0 : i32
      %sign3A_494 = arith.cmpi slt, %jit3A_481, %sign3A_493 : i32
      %sign3A_495 = arith.extui %sign3A_494 : i1 to i32
      %sign3A_496 = arith.subi %sign3A_492, %sign3A_495 : i32
      %ne3A_497 = arith.cmpi ne, %sign3A_489, %sign3A_496 : i32
      %rem3A_498 = arith.remsi %add3A_459, %jit3A_481 : i32
      %ne3A_499 = arith.constant 0 : i32
      %ne3A_500 = arith.cmpi ne, %rem3A_498, %ne3A_499 : i32
      %and3A_501 = arith.andi %ne3A_497, %ne3A_500 : i1
      %sub3A_502 = arith.constant 1 : i32
      %sub3A_503 = arith.subi %div3A_482, %sub3A_502 : i32
      %select_n3A_504 = arith.select %and3A_501, %sub3A_503, %div3A_482 : i32
      "tpu.region"() ({
        %run_scoped3A = tpu.sem_alloc : memref<!tpu.dma_semaphore, #tpu.memory_space<semaphore_mem>>
        %dma_start3A_711 = arith.constant 0 : i32
        %dma_start3A_712 = tpu.memref_slice %arg8[%select_n3A_504, %dma_start3A_711] : memref<80x128xi32, #tpu.memory_space<vmem>> -> memref<1x128xi32, #tpu.memory_space<vmem>>
        %dma_start3A_713 = tpu.memref_squeeze %dma_start3A_712 : memref<1x128xi32, #tpu.memory_space<vmem>> -> memref<128xi32, #tpu.memory_space<vmem>>
        %dma_start3A_714 = arith.constant 0 : i32
        %dma_start3A_715 = arith.constant 0 : i32
        %dma_start3A_716 = tpu.memref_slice %arg11[%dma_start3A_714, %dma_start3A_715] : memref<10112x128xf32, #tpu.memory_space<vmem_shared>> -> memref<10112x128xf32, #tpu.memory_space<vmem_shared>>
        tpu.enqueue_indirect_dma source(%arg10 : memref<128x128xf32, #tpu.memory_space<vmem>>) target(%dma_start3A_716 : memref<10112x128xf32, #tpu.memory_space<vmem_shared>>) offsets(%dma_start3A_713 : memref<128xi32, #tpu.memory_space<vmem>>) semaphore(%run_scoped3A : memref<!tpu.dma_semaphore, #tpu.memory_space<semaphore_mem>>) {add = true}
        %dma_wait3A_717 = arith.constant 0 : i32
        %dma_wait3A_718 = tpu.memref_slice %arg8[%select_n3A_504, %dma_wait3A_717] : memref<80x128xi32, #tpu.memory_space<vmem>> -> memref<1x128xi32, #tpu.memory_space<vmem>>
        %dma_wait3A_719 = tpu.memref_squeeze %dma_wait3A_718 : memref<1x128xi32, #tpu.memory_space<vmem>> -> memref<128xi32, #tpu.memory_space<vmem>>
        %dma_wait3A_720 = arith.constant 0 : i32
        %dma_wait3A_721 = arith.constant 0 : i32
        %dma_wait3A_722 = tpu.memref_slice %arg11[%dma_wait3A_720, %dma_wait3A_721] : memref<10112x128xf32, #tpu.memory_space<vmem_shared>> -> memref<10112x128xf32, #tpu.memory_space<vmem_shared>>
        tpu.wait_indirect_dma semaphore(%run_scoped3A : memref<!tpu.dma_semaphore, #tpu.memory_space<semaphore_mem>>) src(%arg10 : memref<128x128xf32, #tpu.memory_space<vmem>>) dst(%dma_wait3A_722 : memref<10112x128xf32, #tpu.memory_space<vmem_shared>>)
        tpu.yield
      }) : () -> ()
      %sub3A_505 = arith.constant 1 : i32
      %sub3A_506 = arith.subi %add3A_459, %sub3A_505 : i32
      %add3A_507 = arith.constant 0 : i32
      %add3A_508 = arith.addi %sub3A_506, %add3A_507 : i32
      %add3A_509 = arith.constant 4 : i32
      %add3A_510 = arith.addi %add3A_508, %add3A_509 : i32
      %lt3A_511 = arith.constant 160 : i32
      %lt3A_512 = arith.cmpi slt, %add3A_510, %lt3A_511 : i32
      %convert_element_type3A_513 = arith.extui %lt3A_512 : i1 to i32
      %cond3A_514 = arith.constant 0 : i32
      %cond3A_515 = arith.cmpi ne, %convert_element_type3A_513, %cond3A_514 : i32
      scf.if %cond3A_515 {
        %mul3A_711 = arith.constant 160 : i32
        %mul3A_712 = arith.muli %add3A, %mul3A_711 : i32
        %add3A_713 = arith.addi %mul3A_712, %add3A_510 : i32
        %dma_wait3A_714 = arith.constant 6 : i32
        %dma_wait3A_715 = arith.constant 6 : i32
        %dma_wait3A_716 = arith.constant 0 : i32
        %dma_wait3A_717 = arith.constant 0 : i32
        %dma_wait3A_718 = tpu.memref_slice %arg7[%dma_wait3A_714, %dma_wait3A_716, %dma_wait3A_717] : memref<8x1x64xi32, #tpu.memory_space<vmem>> -> memref<1x1x64xi32, #tpu.memory_space<vmem>>
        %dma_wait3A_719 = tpu.memref_squeeze %dma_wait3A_718 : memref<1x1x64xi32, #tpu.memory_space<vmem>> -> memref<1x64xi32, #tpu.memory_space<vmem>>
        %dma_wait3A_720 = arith.constant 0 : i32
        %dma_wait3A_721 = arith.constant 0 : i32
        %dma_wait3A_722 = tpu.memref_slice %arg2[%add3A_713, %dma_wait3A_720, %dma_wait3A_721] : memref<5120x1x64xi32, #tpu.memory_space<hbm>> -> memref<1x1x64xi32, #tpu.memory_space<hbm>>
        %dma_wait3A_723 = tpu.memref_squeeze %dma_wait3A_722 : memref<1x1x64xi32, #tpu.memory_space<hbm>> -> memref<1x64xi32, #tpu.memory_space<hbm>>
        %dma_wait3A_724 = tpu.memref_slice %arg13[%dma_wait3A_715] : memref<8x!tpu.dma_semaphore, #tpu.memory_space<semaphore_mem>> -> memref<1x!tpu.dma_semaphore, #tpu.memory_space<semaphore_mem>>
        %dma_wait3A_725 = tpu.memref_squeeze %dma_wait3A_724 : memref<1x!tpu.dma_semaphore, #tpu.memory_space<semaphore_mem>> -> memref<!tpu.dma_semaphore, #tpu.memory_space<semaphore_mem>>
        %dma_wait3A_726 = arith.constant 0 : i32
        %dma_wait3A_727 = arith.constant 0 : i32
        %dma_wait3A_728 = tpu.memref_slice %arg7[%dma_wait3A_714, %dma_wait3A_726, %dma_wait3A_727] : memref<8x1x64xi32, #tpu.memory_space<vmem>> -> memref<1x1x64xi32, #tpu.memory_space<vmem>>
        %dma_wait3A_729 = tpu.memref_squeeze %dma_wait3A_728 : memref<1x1x64xi32, #tpu.memory_space<vmem>> -> memref<1x64xi32, #tpu.memory_space<vmem>>
        %dma_wait3A_730 = arith.constant 0 : i32
        %dma_wait3A_731 = arith.constant 0 : i32
        %dma_wait3A_732 = tpu.memref_slice %arg2[%add3A_713, %dma_wait3A_730, %dma_wait3A_731] : memref<5120x1x64xi32, #tpu.memory_space<hbm>> -> memref<1x1x64xi32, #tpu.memory_space<hbm>>
        %dma_wait3A_733 = tpu.memref_squeeze %dma_wait3A_732 : memref<1x1x64xi32, #tpu.memory_space<hbm>> -> memref<1x64xi32, #tpu.memory_space<hbm>>
        tpu.wait_dma2 semaphore(%dma_wait3A_725 : memref<!tpu.dma_semaphore, #tpu.memory_space<semaphore_mem>>) src(%dma_wait3A_733 : memref<1x64xi32, #tpu.memory_space<hbm>>) dst(%dma_wait3A_729 : memref<1x64xi32, #tpu.memory_space<vmem>>)
        %dma_start3A_734 = arith.constant 6 : i32
        %dma_start3A_735 = arith.constant 0 : i32
        %dma_start3A_736 = arith.constant 2 : i32
        %dma_start3A_737 = arith.constant 0 : i32
        %dma_start3A_738 = arith.constant 0 : i32
        %dma_start3A_739 = tpu.memref_slice %arg10[%dma_start3A_737, %dma_start3A_738] : memref<128x128xf32, #tpu.memory_space<vmem>> -> memref<64x128xf32, #tpu.memory_space<vmem>>
        %dma_start3A_740 = arith.constant 0 : i32
        %dma_start3A_741 = tpu.memref_slice %arg7[%dma_start3A_734, %dma_start3A_735, %dma_start3A_740] : memref<8x1x64xi32, #tpu.memory_space<vmem>> -> memref<1x1x64xi32, #tpu.memory_space<vmem>>
        %dma_start3A_742 = tpu.memref_squeeze %dma_start3A_741 : memref<1x1x64xi32, #tpu.memory_space<vmem>> -> memref<64xi32, #tpu.memory_space<vmem>>
        %dma_start3A_743 = arith.constant 0 : i32
        %dma_start3A_744 = arith.constant 0 : i32
        %dma_start3A_745 = tpu.memref_slice %arg4[%dma_start3A_743, %dma_start3A_744] : memref<270000x128xf32, #tpu.memory_space<hbm>> -> memref<270000x128xf32, #tpu.memory_space<hbm>>
        %dma_start3A_746 = tpu.memref_slice %arg12[%dma_start3A_736] : memref<4x!tpu.dma_semaphore, #tpu.memory_space<semaphore_mem>> -> memref<1x!tpu.dma_semaphore, #tpu.memory_space<semaphore_mem>>
        %dma_start3A_747 = tpu.memref_squeeze %dma_start3A_746 : memref<1x!tpu.dma_semaphore, #tpu.memory_space<semaphore_mem>> -> memref<!tpu.dma_semaphore, #tpu.memory_space<semaphore_mem>>
        tpu.enqueue_indirect_dma source(%dma_start3A_745 : memref<270000x128xf32, #tpu.memory_space<hbm>>) target(%dma_start3A_739 : memref<64x128xf32, #tpu.memory_space<vmem>>) offsets(%dma_start3A_742 : memref<64xi32, #tpu.memory_space<vmem>>) semaphore(%dma_start3A_747 : memref<!tpu.dma_semaphore, #tpu.memory_space<semaphore_mem>>)
      } else {
      }
      %sub3A_516 = arith.constant 1 : i32
      %sub3A_517 = arith.subi %add3A_459, %sub3A_516 : i32
      %add3A_518 = arith.constant 1 : i32
      %add3A_519 = arith.addi %sub3A_517, %add3A_518 : i32
      %add3A_520 = arith.constant 4 : i32
      %add3A_521 = arith.addi %add3A_519, %add3A_520 : i32
      %lt3A_522 = arith.constant 160 : i32
      %lt3A_523 = arith.cmpi slt, %add3A_521, %lt3A_522 : i32
      %convert_element_type3A_524 = arith.extui %lt3A_523 : i1 to i32
      %cond3A_525 = arith.constant 0 : i32
      %cond3A_526 = arith.cmpi ne, %convert_element_type3A_524, %cond3A_525 : i32
      scf.if %cond3A_526 {
        %mul3A_711 = arith.constant 160 : i32
        %mul3A_712 = arith.muli %add3A, %mul3A_711 : i32
        %add3A_713 = arith.addi %mul3A_712, %add3A_521 : i32
        %dma_wait3A_714 = arith.constant 7 : i32
        %dma_wait3A_715 = arith.constant 7 : i32
        %dma_wait3A_716 = arith.constant 0 : i32
        %dma_wait3A_717 = arith.constant 0 : i32
        %dma_wait3A_718 = tpu.memref_slice %arg7[%dma_wait3A_714, %dma_wait3A_716, %dma_wait3A_717] : memref<8x1x64xi32, #tpu.memory_space<vmem>> -> memref<1x1x64xi32, #tpu.memory_space<vmem>>
        %dma_wait3A_719 = tpu.memref_squeeze %dma_wait3A_718 : memref<1x1x64xi32, #tpu.memory_space<vmem>> -> memref<1x64xi32, #tpu.memory_space<vmem>>
        %dma_wait3A_720 = arith.constant 0 : i32
        %dma_wait3A_721 = arith.constant 0 : i32
        %dma_wait3A_722 = tpu.memref_slice %arg2[%add3A_713, %dma_wait3A_720, %dma_wait3A_721] : memref<5120x1x64xi32, #tpu.memory_space<hbm>> -> memref<1x1x64xi32, #tpu.memory_space<hbm>>
        %dma_wait3A_723 = tpu.memref_squeeze %dma_wait3A_722 : memref<1x1x64xi32, #tpu.memory_space<hbm>> -> memref<1x64xi32, #tpu.memory_space<hbm>>
        %dma_wait3A_724 = tpu.memref_slice %arg13[%dma_wait3A_715] : memref<8x!tpu.dma_semaphore, #tpu.memory_space<semaphore_mem>> -> memref<1x!tpu.dma_semaphore, #tpu.memory_space<semaphore_mem>>
        %dma_wait3A_725 = tpu.memref_squeeze %dma_wait3A_724 : memref<1x!tpu.dma_semaphore, #tpu.memory_space<semaphore_mem>> -> memref<!tpu.dma_semaphore, #tpu.memory_space<semaphore_mem>>
        %dma_wait3A_726 = arith.constant 0 : i32
        %dma_wait3A_727 = arith.constant 0 : i32
        %dma_wait3A_728 = tpu.memref_slice %arg7[%dma_wait3A_714, %dma_wait3A_726, %dma_wait3A_727] : memref<8x1x64xi32, #tpu.memory_space<vmem>> -> memref<1x1x64xi32, #tpu.memory_space<vmem>>
        %dma_wait3A_729 = tpu.memref_squeeze %dma_wait3A_728 : memref<1x1x64xi32, #tpu.memory_space<vmem>> -> memref<1x64xi32, #tpu.memory_space<vmem>>
        %dma_wait3A_730 = arith.constant 0 : i32
        %dma_wait3A_731 = arith.constant 0 : i32
        %dma_wait3A_732 = tpu.memref_slice %arg2[%add3A_713, %dma_wait3A_730, %dma_wait3A_731] : memref<5120x1x64xi32, #tpu.memory_space<hbm>> -> memref<1x1x64xi32, #tpu.memory_space<hbm>>
        %dma_wait3A_733 = tpu.memref_squeeze %dma_wait3A_732 : memref<1x1x64xi32, #tpu.memory_space<hbm>> -> memref<1x64xi32, #tpu.memory_space<hbm>>
        tpu.wait_dma2 semaphore(%dma_wait3A_725 : memref<!tpu.dma_semaphore, #tpu.memory_space<semaphore_mem>>) src(%dma_wait3A_733 : memref<1x64xi32, #tpu.memory_space<hbm>>) dst(%dma_wait3A_729 : memref<1x64xi32, #tpu.memory_space<vmem>>)
        %dma_start3A_734 = arith.constant 7 : i32
        %dma_start3A_735 = arith.constant 0 : i32
        %dma_start3A_736 = arith.constant 3 : i32
        %dma_start3A_737 = arith.constant 64 : i32
        %dma_start3A_738 = arith.constant 0 : i32
        %dma_start3A_739 = tpu.memref_slice %arg10[%dma_start3A_737, %dma_start3A_738] : memref<128x128xf32, #tpu.memory_space<vmem>> -> memref<64x128xf32, #tpu.memory_space<vmem>>
        %dma_start3A_740 = arith.constant 0 : i32
        %dma_start3A_741 = tpu.memref_slice %arg7[%dma_start3A_734, %dma_start3A_735, %dma_start3A_740] : memref<8x1x64xi32, #tpu.memory_space<vmem>> -> memref<1x1x64xi32, #tpu.memory_space<vmem>>
        %dma_start3A_742 = tpu.memref_squeeze %dma_start3A_741 : memref<1x1x64xi32, #tpu.memory_space<vmem>> -> memref<64xi32, #tpu.memory_space<vmem>>
        %dma_start3A_743 = arith.constant 0 : i32
        %dma_start3A_744 = arith.constant 0 : i32
        %dma_start3A_745 = tpu.memref_slice %arg4[%dma_start3A_743, %dma_start3A_744] : memref<270000x128xf32, #tpu.memory_space<hbm>> -> memref<270000x128xf32, #tpu.memory_space<hbm>>
        %dma_start3A_746 = tpu.memref_slice %arg12[%dma_start3A_736] : memref<4x!tpu.dma_semaphore, #tpu.memory_space<semaphore_mem>> -> memref<1x!tpu.dma_semaphore, #tpu.memory_space<semaphore_mem>>
        %dma_start3A_747 = tpu.memref_squeeze %dma_start3A_746 : memref<1x!tpu.dma_semaphore, #tpu.memory_space<semaphore_mem>> -> memref<!tpu.dma_semaphore, #tpu.memory_space<semaphore_mem>>
        tpu.enqueue_indirect_dma source(%dma_start3A_745 : memref<270000x128xf32, #tpu.memory_space<hbm>>) target(%dma_start3A_739 : memref<64x128xf32, #tpu.memory_space<vmem>>) offsets(%dma_start3A_742 : memref<64xi32, #tpu.memory_space<vmem>>) semaphore(%dma_start3A_747 : memref<!tpu.dma_semaphore, #tpu.memory_space<semaphore_mem>>)
      } else {
      }
      %add3A_527 = arith.constant 4 : i32
      %add3A_528 = arith.addi %mul3A_353, %add3A_527 : i32
      %dma_wait3A_529 = arith.constant 4 : i32
      %dma_wait3A_530 = arith.constant 0 : i32
      %dma_wait3A_531 = arith.constant 0 : i32
      %dma_wait3A_532 = arith.constant 0 : i32
      %dma_wait3A_533 = arith.constant 0 : i32
      %dma_wait3A_534 = tpu.memref_slice %arg9[%dma_wait3A_532, %dma_wait3A_533] : memref<128x128xf32, #tpu.memory_space<vmem>> -> memref<64x128xf32, #tpu.memory_space<vmem>>
      %dma_wait3A_535 = arith.constant 0 : i32
      %dma_wait3A_536 = tpu.memref_slice %arg7[%dma_wait3A_529, %dma_wait3A_530, %dma_wait3A_535] : memref<8x1x64xi32, #tpu.memory_space<vmem>> -> memref<1x1x64xi32, #tpu.memory_space<vmem>>
      %dma_wait3A_537 = tpu.memref_squeeze %dma_wait3A_536 : memref<1x1x64xi32, #tpu.memory_space<vmem>> -> memref<64xi32, #tpu.memory_space<vmem>>
      %dma_wait3A_538 = arith.constant 0 : i32
      %dma_wait3A_539 = arith.constant 0 : i32
      %dma_wait3A_540 = tpu.memref_slice %arg4[%dma_wait3A_538, %dma_wait3A_539] : memref<270000x128xf32, #tpu.memory_space<hbm>> -> memref<270000x128xf32, #tpu.memory_space<hbm>>
      %dma_wait3A_541 = tpu.memref_slice %arg12[%dma_wait3A_531] : memref<4x!tpu.dma_semaphore, #tpu.memory_space<semaphore_mem>> -> memref<1x!tpu.dma_semaphore, #tpu.memory_space<semaphore_mem>>
      %dma_wait3A_542 = tpu.memref_squeeze %dma_wait3A_541 : memref<1x!tpu.dma_semaphore, #tpu.memory_space<semaphore_mem>> -> memref<!tpu.dma_semaphore, #tpu.memory_space<semaphore_mem>>
      tpu.wait_indirect_dma semaphore(%dma_wait3A_542 : memref<!tpu.dma_semaphore, #tpu.memory_space<semaphore_mem>>) src(%dma_wait3A_540 : memref<270000x128xf32, #tpu.memory_space<hbm>>) dst(%dma_wait3A_534 : memref<64x128xf32, #tpu.memory_space<vmem>>)
      %add3A_543 = arith.constant 8 : i32
      %add3A_544 = arith.addi %add3A_528, %add3A_543 : i32
      %lt3A_545 = arith.constant 160 : i32
      %lt3A_546 = arith.cmpi slt, %add3A_544, %lt3A_545 : i32
      %convert_element_type3A_547 = arith.extui %lt3A_546 : i1 to i32
      %cond3A_548 = arith.constant 0 : i32
      %cond3A_549 = arith.cmpi ne, %convert_element_type3A_547, %cond3A_548 : i32
      scf.if %cond3A_549 {
        %add3A_711 = arith.constant 8 : i32
        %add3A_712 = arith.addi %add3A_528, %add3A_711 : i32
        %mul3A_713 = arith.constant 160 : i32
        %mul3A_714 = arith.muli %add3A, %mul3A_713 : i32
        %add3A_715 = arith.addi %mul3A_714, %add3A_712 : i32
        %dma_start3A_716 = arith.constant 4 : i32
        %dma_start3A_717 = arith.constant 4 : i32
        %dma_start3A_718 = arith.constant 0 : i32
        %dma_start3A_719 = arith.constant 0 : i32
        %dma_start3A_720 = tpu.memref_slice %arg7[%dma_start3A_716, %dma_start3A_718, %dma_start3A_719] : memref<8x1x64xi32, #tpu.memory_space<vmem>> -> memref<1x1x64xi32, #tpu.memory_space<vmem>>
        %dma_start3A_721 = tpu.memref_squeeze %dma_start3A_720 : memref<1x1x64xi32, #tpu.memory_space<vmem>> -> memref<1x64xi32, #tpu.memory_space<vmem>>
        %dma_start3A_722 = arith.constant 0 : i32
        %dma_start3A_723 = arith.constant 0 : i32
        %dma_start3A_724 = tpu.memref_slice %arg2[%add3A_715, %dma_start3A_722, %dma_start3A_723] : memref<5120x1x64xi32, #tpu.memory_space<hbm>> -> memref<1x1x64xi32, #tpu.memory_space<hbm>>
        %dma_start3A_725 = tpu.memref_squeeze %dma_start3A_724 : memref<1x1x64xi32, #tpu.memory_space<hbm>> -> memref<1x64xi32, #tpu.memory_space<hbm>>
        %dma_start3A_726 = tpu.memref_slice %arg13[%dma_start3A_717] : memref<8x!tpu.dma_semaphore, #tpu.memory_space<semaphore_mem>> -> memref<1x!tpu.dma_semaphore, #tpu.memory_space<semaphore_mem>>
        %dma_start3A_727 = tpu.memref_squeeze %dma_start3A_726 : memref<1x!tpu.dma_semaphore, #tpu.memory_space<semaphore_mem>> -> memref<!tpu.dma_semaphore, #tpu.memory_space<semaphore_mem>>
        %dma_start3A_728 = arith.constant 0 : i32
        %dma_start3A_729 = arith.constant 0 : i32
        %dma_start3A_730 = tpu.memref_slice %arg7[%dma_start3A_716, %dma_start3A_728, %dma_start3A_729] : memref<8x1x64xi32, #tpu.memory_space<vmem>> -> memref<1x1x64xi32, #tpu.memory_space<vmem>>
        %dma_start3A_731 = tpu.memref_squeeze %dma_start3A_730 : memref<1x1x64xi32, #tpu.memory_space<vmem>> -> memref<1x64xi32, #tpu.memory_space<vmem>>
        %dma_start3A_732 = arith.constant 0 : i32
        %dma_start3A_733 = arith.constant 0 : i32
        %dma_start3A_734 = tpu.memref_slice %arg2[%add3A_715, %dma_start3A_732, %dma_start3A_733] : memref<5120x1x64xi32, #tpu.memory_space<hbm>> -> memref<1x1x64xi32, #tpu.memory_space<hbm>>
        %dma_start3A_735 = tpu.memref_squeeze %dma_start3A_734 : memref<1x1x64xi32, #tpu.memory_space<hbm>> -> memref<1x64xi32, #tpu.memory_space<hbm>>
        tpu.enqueue_dma source(%dma_start3A_735 : memref<1x64xi32, #tpu.memory_space<hbm>>) target(%dma_start3A_731 : memref<1x64xi32, #tpu.memory_space<vmem>>) target_semaphore(%dma_start3A_727 : memref<!tpu.dma_semaphore, #tpu.memory_space<semaphore_mem>>)
      } else {
      }
      %add3A_550 = arith.constant 5 : i32
      %add3A_551 = arith.addi %mul3A_353, %add3A_550 : i32
      %dma_wait3A_552 = arith.constant 5 : i32
      %dma_wait3A_553 = arith.constant 0 : i32
      %dma_wait3A_554 = arith.constant 1 : i32
      %dma_wait3A_555 = arith.constant 64 : i32
      %dma_wait3A_556 = arith.constant 0 : i32
      %dma_wait3A_557 = tpu.memref_slice %arg9[%dma_wait3A_555, %dma_wait3A_556] : memref<128x128xf32, #tpu.memory_space<vmem>> -> memref<64x128xf32, #tpu.memory_space<vmem>>
      %dma_wait3A_558 = arith.constant 0 : i32
      %dma_wait3A_559 = tpu.memref_slice %arg7[%dma_wait3A_552, %dma_wait3A_553, %dma_wait3A_558] : memref<8x1x64xi32, #tpu.memory_space<vmem>> -> memref<1x1x64xi32, #tpu.memory_space<vmem>>
      %dma_wait3A_560 = tpu.memref_squeeze %dma_wait3A_559 : memref<1x1x64xi32, #tpu.memory_space<vmem>> -> memref<64xi32, #tpu.memory_space<vmem>>
      %dma_wait3A_561 = arith.constant 0 : i32
      %dma_wait3A_562 = arith.constant 0 : i32
      %dma_wait3A_563 = tpu.memref_slice %arg4[%dma_wait3A_561, %dma_wait3A_562] : memref<270000x128xf32, #tpu.memory_space<hbm>> -> memref<270000x128xf32, #tpu.memory_space<hbm>>
      %dma_wait3A_564 = tpu.memref_slice %arg12[%dma_wait3A_554] : memref<4x!tpu.dma_semaphore, #tpu.memory_space<semaphore_mem>> -> memref<1x!tpu.dma_semaphore, #tpu.memory_space<semaphore_mem>>
      %dma_wait3A_565 = tpu.memref_squeeze %dma_wait3A_564 : memref<1x!tpu.dma_semaphore, #tpu.memory_space<semaphore_mem>> -> memref<!tpu.dma_semaphore, #tpu.memory_space<semaphore_mem>>
      tpu.wait_indirect_dma semaphore(%dma_wait3A_565 : memref<!tpu.dma_semaphore, #tpu.memory_space<semaphore_mem>>) src(%dma_wait3A_563 : memref<270000x128xf32, #tpu.memory_space<hbm>>) dst(%dma_wait3A_557 : memref<64x128xf32, #tpu.memory_space<vmem>>)
      %add3A_566 = arith.constant 8 : i32
      %add3A_567 = arith.addi %add3A_551, %add3A_566 : i32
      %lt3A_568 = arith.constant 160 : i32
      %lt3A_569 = arith.cmpi slt, %add3A_567, %lt3A_568 : i32
      %convert_element_type3A_570 = arith.extui %lt3A_569 : i1 to i32
      %cond3A_571 = arith.constant 0 : i32
      %cond3A_572 = arith.cmpi ne, %convert_element_type3A_570, %cond3A_571 : i32
      scf.if %cond3A_572 {
        %add3A_711 = arith.constant 8 : i32
        %add3A_712 = arith.addi %add3A_551, %add3A_711 : i32
        %mul3A_713 = arith.constant 160 : i32
        %mul3A_714 = arith.muli %add3A, %mul3A_713 : i32
        %add3A_715 = arith.addi %mul3A_714, %add3A_712 : i32
        %dma_start3A_716 = arith.constant 5 : i32
        %dma_start3A_717 = arith.constant 5 : i32
        %dma_start3A_718 = arith.constant 0 : i32
        %dma_start3A_719 = arith.constant 0 : i32
        %dma_start3A_720 = tpu.memref_slice %arg7[%dma_start3A_716, %dma_start3A_718, %dma_start3A_719] : memref<8x1x64xi32, #tpu.memory_space<vmem>> -> memref<1x1x64xi32, #tpu.memory_space<vmem>>
        %dma_start3A_721 = tpu.memref_squeeze %dma_start3A_720 : memref<1x1x64xi32, #tpu.memory_space<vmem>> -> memref<1x64xi32, #tpu.memory_space<vmem>>
        %dma_start3A_722 = arith.constant 0 : i32
        %dma_start3A_723 = arith.constant 0 : i32
        %dma_start3A_724 = tpu.memref_slice %arg2[%add3A_715, %dma_start3A_722, %dma_start3A_723] : memref<5120x1x64xi32, #tpu.memory_space<hbm>> -> memref<1x1x64xi32, #tpu.memory_space<hbm>>
        %dma_start3A_725 = tpu.memref_squeeze %dma_start3A_724 : memref<1x1x64xi32, #tpu.memory_space<hbm>> -> memref<1x64xi32, #tpu.memory_space<hbm>>
        %dma_start3A_726 = tpu.memref_slice %arg13[%dma_start3A_717] : memref<8x!tpu.dma_semaphore, #tpu.memory_space<semaphore_mem>> -> memref<1x!tpu.dma_semaphore, #tpu.memory_space<semaphore_mem>>
        %dma_start3A_727 = tpu.memref_squeeze %dma_start3A_726 : memref<1x!tpu.dma_semaphore, #tpu.memory_space<semaphore_mem>> -> memref<!tpu.dma_semaphore, #tpu.memory_space<semaphore_mem>>
        %dma_start3A_728 = arith.constant 0 : i32
        %dma_start3A_729 = arith.constant 0 : i32
        %dma_start3A_730 = tpu.memref_slice %arg7[%dma_start3A_716, %dma_start3A_728, %dma_start3A_729] : memref<8x1x64xi32, #tpu.memory_space<vmem>> -> memref<1x1x64xi32, #tpu.memory_space<vmem>>
        %dma_start3A_731 = tpu.memref_squeeze %dma_start3A_730 : memref<1x1x64xi32, #tpu.memory_space<vmem>> -> memref<1x64xi32, #tpu.memory_space<vmem>>
        %dma_start3A_732 = arith.constant 0 : i32
        %dma_start3A_733 = arith.constant 0 : i32
        %dma_start3A_734 = tpu.memref_slice %arg2[%add3A_715, %dma_start3A_732, %dma_start3A_733] : memref<5120x1x64xi32, #tpu.memory_space<hbm>> -> memref<1x1x64xi32, #tpu.memory_space<hbm>>
        %dma_start3A_735 = tpu.memref_squeeze %dma_start3A_734 : memref<1x1x64xi32, #tpu.memory_space<hbm>> -> memref<1x64xi32, #tpu.memory_space<hbm>>
        tpu.enqueue_dma source(%dma_start3A_735 : memref<1x64xi32, #tpu.memory_space<hbm>>) target(%dma_start3A_731 : memref<1x64xi32, #tpu.memory_space<vmem>>) target_semaphore(%dma_start3A_727 : memref<!tpu.dma_semaphore, #tpu.memory_space<semaphore_mem>>)
      } else {
      }
      %jit3A_573 = arith.constant 2 : i32
      %div3A_574 = arith.divsi %add3A_551, %jit3A_573 : i32
      %sign3A_575 = arith.constant 0 : i32
      %sign3A_576 = arith.cmpi sgt, %add3A_551, %sign3A_575 : i32
      %sign3A_577 = arith.extui %sign3A_576 : i1 to i32
      %sign3A_578 = arith.constant 0 : i32
      %sign3A_579 = arith.cmpi slt, %add3A_551, %sign3A_578 : i32
      %sign3A_580 = arith.extui %sign3A_579 : i1 to i32
      %sign3A_581 = arith.subi %sign3A_577, %sign3A_580 : i32
      %sign3A_582 = arith.constant 0 : i32
      %sign3A_583 = arith.cmpi sgt, %jit3A_573, %sign3A_582 : i32
      %sign3A_584 = arith.extui %sign3A_583 : i1 to i32
      %sign3A_585 = arith.constant 0 : i32
      %sign3A_586 = arith.cmpi slt, %jit3A_573, %sign3A_585 : i32
      %sign3A_587 = arith.extui %sign3A_586 : i1 to i32
      %sign3A_588 = arith.subi %sign3A_584, %sign3A_587 : i32
      %ne3A_589 = arith.cmpi ne, %sign3A_581, %sign3A_588 : i32
      %rem3A_590 = arith.remsi %add3A_551, %jit3A_573 : i32
      %ne3A_591 = arith.constant 0 : i32
      %ne3A_592 = arith.cmpi ne, %rem3A_590, %ne3A_591 : i32
      %and3A_593 = arith.andi %ne3A_589, %ne3A_592 : i1
      %sub3A_594 = arith.constant 1 : i32
      %sub3A_595 = arith.subi %div3A_574, %sub3A_594 : i32
      %select_n3A_596 = arith.select %and3A_593, %sub3A_595, %div3A_574 : i32
      "tpu.region"() ({
        %run_scoped3A = tpu.sem_alloc : memref<!tpu.dma_semaphore, #tpu.memory_space<semaphore_mem>>
        %dma_start3A_711 = arith.constant 0 : i32
        %dma_start3A_712 = tpu.memref_slice %arg8[%select_n3A_596, %dma_start3A_711] : memref<80x128xi32, #tpu.memory_space<vmem>> -> memref<1x128xi32, #tpu.memory_space<vmem>>
        %dma_start3A_713 = tpu.memref_squeeze %dma_start3A_712 : memref<1x128xi32, #tpu.memory_space<vmem>> -> memref<128xi32, #tpu.memory_space<vmem>>
        %dma_start3A_714 = arith.constant 0 : i32
        %dma_start3A_715 = arith.constant 0 : i32
        %dma_start3A_716 = tpu.memref_slice %arg11[%dma_start3A_714, %dma_start3A_715] : memref<10112x128xf32, #tpu.memory_space<vmem_shared>> -> memref<10112x128xf32, #tpu.memory_space<vmem_shared>>
        tpu.enqueue_indirect_dma source(%arg9 : memref<128x128xf32, #tpu.memory_space<vmem>>) target(%dma_start3A_716 : memref<10112x128xf32, #tpu.memory_space<vmem_shared>>) offsets(%dma_start3A_713 : memref<128xi32, #tpu.memory_space<vmem>>) semaphore(%run_scoped3A : memref<!tpu.dma_semaphore, #tpu.memory_space<semaphore_mem>>) {add = true}
        %dma_wait3A_717 = arith.constant 0 : i32
        %dma_wait3A_718 = tpu.memref_slice %arg8[%select_n3A_596, %dma_wait3A_717] : memref<80x128xi32, #tpu.memory_space<vmem>> -> memref<1x128xi32, #tpu.memory_space<vmem>>
        %dma_wait3A_719 = tpu.memref_squeeze %dma_wait3A_718 : memref<1x128xi32, #tpu.memory_space<vmem>> -> memref<128xi32, #tpu.memory_space<vmem>>
        %dma_wait3A_720 = arith.constant 0 : i32
        %dma_wait3A_721 = arith.constant 0 : i32
        %dma_wait3A_722 = tpu.memref_slice %arg11[%dma_wait3A_720, %dma_wait3A_721] : memref<10112x128xf32, #tpu.memory_space<vmem_shared>> -> memref<10112x128xf32, #tpu.memory_space<vmem_shared>>
        tpu.wait_indirect_dma semaphore(%run_scoped3A : memref<!tpu.dma_semaphore, #tpu.memory_space<semaphore_mem>>) src(%arg9 : memref<128x128xf32, #tpu.memory_space<vmem>>) dst(%dma_wait3A_722 : memref<10112x128xf32, #tpu.memory_space<vmem_shared>>)
        tpu.yield
      }) : () -> ()
      %sub3A_597 = arith.constant 1 : i32
      %sub3A_598 = arith.subi %add3A_551, %sub3A_597 : i32
      %add3A_599 = arith.constant 0 : i32
      %add3A_600 = arith.addi %sub3A_598, %add3A_599 : i32
      %add3A_601 = arith.constant 4 : i32
      %add3A_602 = arith.addi %add3A_600, %add3A_601 : i32
      %lt3A_603 = arith.constant 160 : i32
      %lt3A_604 = arith.cmpi slt, %add3A_602, %lt3A_603 : i32
      %convert_element_type3A_605 = arith.extui %lt3A_604 : i1 to i32
      %cond3A_606 = arith.constant 0 : i32
      %cond3A_607 = arith.cmpi ne, %convert_element_type3A_605, %cond3A_606 : i32
      scf.if %cond3A_607 {
        %mul3A_711 = arith.constant 160 : i32
        %mul3A_712 = arith.muli %add3A, %mul3A_711 : i32
        %add3A_713 = arith.addi %mul3A_712, %add3A_602 : i32
        %dma_wait3A_714 = arith.constant 0 : i32
        %dma_wait3A_715 = arith.constant 0 : i32
        %dma_wait3A_716 = arith.constant 0 : i32
        %dma_wait3A_717 = arith.constant 0 : i32
        %dma_wait3A_718 = tpu.memref_slice %arg7[%dma_wait3A_714, %dma_wait3A_716, %dma_wait3A_717] : memref<8x1x64xi32, #tpu.memory_space<vmem>> -> memref<1x1x64xi32, #tpu.memory_space<vmem>>
        %dma_wait3A_719 = tpu.memref_squeeze %dma_wait3A_718 : memref<1x1x64xi32, #tpu.memory_space<vmem>> -> memref<1x64xi32, #tpu.memory_space<vmem>>
        %dma_wait3A_720 = arith.constant 0 : i32
        %dma_wait3A_721 = arith.constant 0 : i32
        %dma_wait3A_722 = tpu.memref_slice %arg2[%add3A_713, %dma_wait3A_720, %dma_wait3A_721] : memref<5120x1x64xi32, #tpu.memory_space<hbm>> -> memref<1x1x64xi32, #tpu.memory_space<hbm>>
        %dma_wait3A_723 = tpu.memref_squeeze %dma_wait3A_722 : memref<1x1x64xi32, #tpu.memory_space<hbm>> -> memref<1x64xi32, #tpu.memory_space<hbm>>
        %dma_wait3A_724 = tpu.memref_slice %arg13[%dma_wait3A_715] : memref<8x!tpu.dma_semaphore, #tpu.memory_space<semaphore_mem>> -> memref<1x!tpu.dma_semaphore, #tpu.memory_space<semaphore_mem>>
        %dma_wait3A_725 = tpu.memref_squeeze %dma_wait3A_724 : memref<1x!tpu.dma_semaphore, #tpu.memory_space<semaphore_mem>> -> memref<!tpu.dma_semaphore, #tpu.memory_space<semaphore_mem>>
        %dma_wait3A_726 = arith.constant 0 : i32
        %dma_wait3A_727 = arith.constant 0 : i32
        %dma_wait3A_728 = tpu.memref_slice %arg7[%dma_wait3A_714, %dma_wait3A_726, %dma_wait3A_727] : memref<8x1x64xi32, #tpu.memory_space<vmem>> -> memref<1x1x64xi32, #tpu.memory_space<vmem>>
        %dma_wait3A_729 = tpu.memref_squeeze %dma_wait3A_728 : memref<1x1x64xi32, #tpu.memory_space<vmem>> -> memref<1x64xi32, #tpu.memory_space<vmem>>
        %dma_wait3A_730 = arith.constant 0 : i32
        %dma_wait3A_731 = arith.constant 0 : i32
        %dma_wait3A_732 = tpu.memref_slice %arg2[%add3A_713, %dma_wait3A_730, %dma_wait3A_731] : memref<5120x1x64xi32, #tpu.memory_space<hbm>> -> memref<1x1x64xi32, #tpu.memory_space<hbm>>
        %dma_wait3A_733 = tpu.memref_squeeze %dma_wait3A_732 : memref<1x1x64xi32, #tpu.memory_space<hbm>> -> memref<1x64xi32, #tpu.memory_space<hbm>>
        tpu.wait_dma2 semaphore(%dma_wait3A_725 : memref<!tpu.dma_semaphore, #tpu.memory_space<semaphore_mem>>) src(%dma_wait3A_733 : memref<1x64xi32, #tpu.memory_space<hbm>>) dst(%dma_wait3A_729 : memref<1x64xi32, #tpu.memory_space<vmem>>)
        %dma_start3A_734 = arith.constant 0 : i32
        %dma_start3A_735 = arith.constant 0 : i32
        %dma_start3A_736 = arith.constant 0 : i32
        %dma_start3A_737 = arith.constant 0 : i32
        %dma_start3A_738 = arith.constant 0 : i32
        %dma_start3A_739 = tpu.memref_slice %arg9[%dma_start3A_737, %dma_start3A_738] : memref<128x128xf32, #tpu.memory_space<vmem>> -> memref<64x128xf32, #tpu.memory_space<vmem>>
        %dma_start3A_740 = arith.constant 0 : i32
        %dma_start3A_741 = tpu.memref_slice %arg7[%dma_start3A_734, %dma_start3A_735, %dma_start3A_740] : memref<8x1x64xi32, #tpu.memory_space<vmem>> -> memref<1x1x64xi32, #tpu.memory_space<vmem>>
        %dma_start3A_742 = tpu.memref_squeeze %dma_start3A_741 : memref<1x1x64xi32, #tpu.memory_space<vmem>> -> memref<64xi32, #tpu.memory_space<vmem>>
        %dma_start3A_743 = arith.constant 0 : i32
        %dma_start3A_744 = arith.constant 0 : i32
        %dma_start3A_745 = tpu.memref_slice %arg4[%dma_start3A_743, %dma_start3A_744] : memref<270000x128xf32, #tpu.memory_space<hbm>> -> memref<270000x128xf32, #tpu.memory_space<hbm>>
        %dma_start3A_746 = tpu.memref_slice %arg12[%dma_start3A_736] : memref<4x!tpu.dma_semaphore, #tpu.memory_space<semaphore_mem>> -> memref<1x!tpu.dma_semaphore, #tpu.memory_space<semaphore_mem>>
        %dma_start3A_747 = tpu.memref_squeeze %dma_start3A_746 : memref<1x!tpu.dma_semaphore, #tpu.memory_space<semaphore_mem>> -> memref<!tpu.dma_semaphore, #tpu.memory_space<semaphore_mem>>
        tpu.enqueue_indirect_dma source(%dma_start3A_745 : memref<270000x128xf32, #tpu.memory_space<hbm>>) target(%dma_start3A_739 : memref<64x128xf32, #tpu.memory_space<vmem>>) offsets(%dma_start3A_742 : memref<64xi32, #tpu.memory_space<vmem>>) semaphore(%dma_start3A_747 : memref<!tpu.dma_semaphore, #tpu.memory_space<semaphore_mem>>)
      } else {
      }
      %sub3A_608 = arith.constant 1 : i32
      %sub3A_609 = arith.subi %add3A_551, %sub3A_608 : i32
      %add3A_610 = arith.constant 1 : i32
      %add3A_611 = arith.addi %sub3A_609, %add3A_610 : i32
      %add3A_612 = arith.constant 4 : i32
      %add3A_613 = arith.addi %add3A_611, %add3A_612 : i32
      %lt3A_614 = arith.constant 160 : i32
      %lt3A_615 = arith.cmpi slt, %add3A_613, %lt3A_614 : i32
      %convert_element_type3A_616 = arith.extui %lt3A_615 : i1 to i32
      %cond3A_617 = arith.constant 0 : i32
      %cond3A_618 = arith.cmpi ne, %convert_element_type3A_616, %cond3A_617 : i32
      scf.if %cond3A_618 {
        %mul3A_711 = arith.constant 160 : i32
        %mul3A_712 = arith.muli %add3A, %mul3A_711 : i32
        %add3A_713 = arith.addi %mul3A_712, %add3A_613 : i32
        %dma_wait3A_714 = arith.constant 1 : i32
        %dma_wait3A_715 = arith.constant 1 : i32
        %dma_wait3A_716 = arith.constant 0 : i32
        %dma_wait3A_717 = arith.constant 0 : i32
        %dma_wait3A_718 = tpu.memref_slice %arg7[%dma_wait3A_714, %dma_wait3A_716, %dma_wait3A_717] : memref<8x1x64xi32, #tpu.memory_space<vmem>> -> memref<1x1x64xi32, #tpu.memory_space<vmem>>
        %dma_wait3A_719 = tpu.memref_squeeze %dma_wait3A_718 : memref<1x1x64xi32, #tpu.memory_space<vmem>> -> memref<1x64xi32, #tpu.memory_space<vmem>>
        %dma_wait3A_720 = arith.constant 0 : i32
        %dma_wait3A_721 = arith.constant 0 : i32
        %dma_wait3A_722 = tpu.memref_slice %arg2[%add3A_713, %dma_wait3A_720, %dma_wait3A_721] : memref<5120x1x64xi32, #tpu.memory_space<hbm>> -> memref<1x1x64xi32, #tpu.memory_space<hbm>>
        %dma_wait3A_723 = tpu.memref_squeeze %dma_wait3A_722 : memref<1x1x64xi32, #tpu.memory_space<hbm>> -> memref<1x64xi32, #tpu.memory_space<hbm>>
        %dma_wait3A_724 = tpu.memref_slice %arg13[%dma_wait3A_715] : memref<8x!tpu.dma_semaphore, #tpu.memory_space<semaphore_mem>> -> memref<1x!tpu.dma_semaphore, #tpu.memory_space<semaphore_mem>>
        %dma_wait3A_725 = tpu.memref_squeeze %dma_wait3A_724 : memref<1x!tpu.dma_semaphore, #tpu.memory_space<semaphore_mem>> -> memref<!tpu.dma_semaphore, #tpu.memory_space<semaphore_mem>>
        %dma_wait3A_726 = arith.constant 0 : i32
        %dma_wait3A_727 = arith.constant 0 : i32
        %dma_wait3A_728 = tpu.memref_slice %arg7[%dma_wait3A_714, %dma_wait3A_726, %dma_wait3A_727] : memref<8x1x64xi32, #tpu.memory_space<vmem>> -> memref<1x1x64xi32, #tpu.memory_space<vmem>>
        %dma_wait3A_729 = tpu.memref_squeeze %dma_wait3A_728 : memref<1x1x64xi32, #tpu.memory_space<vmem>> -> memref<1x64xi32, #tpu.memory_space<vmem>>
        %dma_wait3A_730 = arith.constant 0 : i32
        %dma_wait3A_731 = arith.constant 0 : i32
        %dma_wait3A_732 = tpu.memref_slice %arg2[%add3A_713, %dma_wait3A_730, %dma_wait3A_731] : memref<5120x1x64xi32, #tpu.memory_space<hbm>> -> memref<1x1x64xi32, #tpu.memory_space<hbm>>
        %dma_wait3A_733 = tpu.memref_squeeze %dma_wait3A_732 : memref<1x1x64xi32, #tpu.memory_space<hbm>> -> memref<1x64xi32, #tpu.memory_space<hbm>>
        tpu.wait_dma2 semaphore(%dma_wait3A_725 : memref<!tpu.dma_semaphore, #tpu.memory_space<semaphore_mem>>) src(%dma_wait3A_733 : memref<1x64xi32, #tpu.memory_space<hbm>>) dst(%dma_wait3A_729 : memref<1x64xi32, #tpu.memory_space<vmem>>)
        %dma_start3A_734 = arith.constant 1 : i32
        %dma_start3A_735 = arith.constant 0 : i32
        %dma_start3A_736 = arith.constant 1 : i32
        %dma_start3A_737 = arith.constant 64 : i32
        %dma_start3A_738 = arith.constant 0 : i32
        %dma_start3A_739 = tpu.memref_slice %arg9[%dma_start3A_737, %dma_start3A_738] : memref<128x128xf32, #tpu.memory_space<vmem>> -> memref<64x128xf32, #tpu.memory_space<vmem>>
        %dma_start3A_740 = arith.constant 0 : i32
        %dma_start3A_741 = tpu.memref_slice %arg7[%dma_start3A_734, %dma_start3A_735, %dma_start3A_740] : memref<8x1x64xi32, #tpu.memory_space<vmem>> -> memref<1x1x64xi32, #tpu.memory_space<vmem>>
        %dma_start3A_742 = tpu.memref_squeeze %dma_start3A_741 : memref<1x1x64xi32, #tpu.memory_space<vmem>> -> memref<64xi32, #tpu.memory_space<vmem>>
        %dma_start3A_743 = arith.constant 0 : i32
        %dma_start3A_744 = arith.constant 0 : i32
        %dma_start3A_745 = tpu.memref_slice %arg4[%dma_start3A_743, %dma_start3A_744] : memref<270000x128xf32, #tpu.memory_space<hbm>> -> memref<270000x128xf32, #tpu.memory_space<hbm>>
        %dma_start3A_746 = tpu.memref_slice %arg12[%dma_start3A_736] : memref<4x!tpu.dma_semaphore, #tpu.memory_space<semaphore_mem>> -> memref<1x!tpu.dma_semaphore, #tpu.memory_space<semaphore_mem>>
        %dma_start3A_747 = tpu.memref_squeeze %dma_start3A_746 : memref<1x!tpu.dma_semaphore, #tpu.memory_space<semaphore_mem>> -> memref<!tpu.dma_semaphore, #tpu.memory_space<semaphore_mem>>
        tpu.enqueue_indirect_dma source(%dma_start3A_745 : memref<270000x128xf32, #tpu.memory_space<hbm>>) target(%dma_start3A_739 : memref<64x128xf32, #tpu.memory_space<vmem>>) offsets(%dma_start3A_742 : memref<64xi32, #tpu.memory_space<vmem>>) semaphore(%dma_start3A_747 : memref<!tpu.dma_semaphore, #tpu.memory_space<semaphore_mem>>)
      } else {
      }
      %add3A_619 = arith.constant 6 : i32
      %add3A_620 = arith.addi %mul3A_353, %add3A_619 : i32
      %dma_wait3A_621 = arith.constant 6 : i32
      %dma_wait3A_622 = arith.constant 0 : i32
      %dma_wait3A_623 = arith.constant 2 : i32
      %dma_wait3A_624 = arith.constant 0 : i32
      %dma_wait3A_625 = arith.constant 0 : i32
      %dma_wait3A_626 = tpu.memref_slice %arg10[%dma_wait3A_624, %dma_wait3A_625] : memref<128x128xf32, #tpu.memory_space<vmem>> -> memref<64x128xf32, #tpu.memory_space<vmem>>
      %dma_wait3A_627 = arith.constant 0 : i32
      %dma_wait3A_628 = tpu.memref_slice %arg7[%dma_wait3A_621, %dma_wait3A_622, %dma_wait3A_627] : memref<8x1x64xi32, #tpu.memory_space<vmem>> -> memref<1x1x64xi32, #tpu.memory_space<vmem>>
      %dma_wait3A_629 = tpu.memref_squeeze %dma_wait3A_628 : memref<1x1x64xi32, #tpu.memory_space<vmem>> -> memref<64xi32, #tpu.memory_space<vmem>>
      %dma_wait3A_630 = arith.constant 0 : i32
      %dma_wait3A_631 = arith.constant 0 : i32
      %dma_wait3A_632 = tpu.memref_slice %arg4[%dma_wait3A_630, %dma_wait3A_631] : memref<270000x128xf32, #tpu.memory_space<hbm>> -> memref<270000x128xf32, #tpu.memory_space<hbm>>
      %dma_wait3A_633 = tpu.memref_slice %arg12[%dma_wait3A_623] : memref<4x!tpu.dma_semaphore, #tpu.memory_space<semaphore_mem>> -> memref<1x!tpu.dma_semaphore, #tpu.memory_space<semaphore_mem>>
      %dma_wait3A_634 = tpu.memref_squeeze %dma_wait3A_633 : memref<1x!tpu.dma_semaphore, #tpu.memory_space<semaphore_mem>> -> memref<!tpu.dma_semaphore, #tpu.memory_space<semaphore_mem>>
      tpu.wait_indirect_dma semaphore(%dma_wait3A_634 : memref<!tpu.dma_semaphore, #tpu.memory_space<semaphore_mem>>) src(%dma_wait3A_632 : memref<270000x128xf32, #tpu.memory_space<hbm>>) dst(%dma_wait3A_626 : memref<64x128xf32, #tpu.memory_space<vmem>>)
      %add3A_635 = arith.constant 8 : i32
      %add3A_636 = arith.addi %add3A_620, %add3A_635 : i32
      %lt3A_637 = arith.constant 160 : i32
      %lt3A_638 = arith.cmpi slt, %add3A_636, %lt3A_637 : i32
      %convert_element_type3A_639 = arith.extui %lt3A_638 : i1 to i32
      %cond3A_640 = arith.constant 0 : i32
      %cond3A_641 = arith.cmpi ne, %convert_element_type3A_639, %cond3A_640 : i32
      scf.if %cond3A_641 {
        %add3A_711 = arith.constant 8 : i32
        %add3A_712 = arith.addi %add3A_620, %add3A_711 : i32
        %mul3A_713 = arith.constant 160 : i32
        %mul3A_714 = arith.muli %add3A, %mul3A_713 : i32
        %add3A_715 = arith.addi %mul3A_714, %add3A_712 : i32
        %dma_start3A_716 = arith.constant 6 : i32
        %dma_start3A_717 = arith.constant 6 : i32
        %dma_start3A_718 = arith.constant 0 : i32
        %dma_start3A_719 = arith.constant 0 : i32
        %dma_start3A_720 = tpu.memref_slice %arg7[%dma_start3A_716, %dma_start3A_718, %dma_start3A_719] : memref<8x1x64xi32, #tpu.memory_space<vmem>> -> memref<1x1x64xi32, #tpu.memory_space<vmem>>
        %dma_start3A_721 = tpu.memref_squeeze %dma_start3A_720 : memref<1x1x64xi32, #tpu.memory_space<vmem>> -> memref<1x64xi32, #tpu.memory_space<vmem>>
        %dma_start3A_722 = arith.constant 0 : i32
        %dma_start3A_723 = arith.constant 0 : i32
        %dma_start3A_724 = tpu.memref_slice %arg2[%add3A_715, %dma_start3A_722, %dma_start3A_723] : memref<5120x1x64xi32, #tpu.memory_space<hbm>> -> memref<1x1x64xi32, #tpu.memory_space<hbm>>
        %dma_start3A_725 = tpu.memref_squeeze %dma_start3A_724 : memref<1x1x64xi32, #tpu.memory_space<hbm>> -> memref<1x64xi32, #tpu.memory_space<hbm>>
        %dma_start3A_726 = tpu.memref_slice %arg13[%dma_start3A_717] : memref<8x!tpu.dma_semaphore, #tpu.memory_space<semaphore_mem>> -> memref<1x!tpu.dma_semaphore, #tpu.memory_space<semaphore_mem>>
        %dma_start3A_727 = tpu.memref_squeeze %dma_start3A_726 : memref<1x!tpu.dma_semaphore, #tpu.memory_space<semaphore_mem>> -> memref<!tpu.dma_semaphore, #tpu.memory_space<semaphore_mem>>
        %dma_start3A_728 = arith.constant 0 : i32
        %dma_start3A_729 = arith.constant 0 : i32
        %dma_start3A_730 = tpu.memref_slice %arg7[%dma_start3A_716, %dma_start3A_728, %dma_start3A_729] : memref<8x1x64xi32, #tpu.memory_space<vmem>> -> memref<1x1x64xi32, #tpu.memory_space<vmem>>
        %dma_start3A_731 = tpu.memref_squeeze %dma_start3A_730 : memref<1x1x64xi32, #tpu.memory_space<vmem>> -> memref<1x64xi32, #tpu.memory_space<vmem>>
        %dma_start3A_732 = arith.constant 0 : i32
        %dma_start3A_733 = arith.constant 0 : i32
        %dma_start3A_734 = tpu.memref_slice %arg2[%add3A_715, %dma_start3A_732, %dma_start3A_733] : memref<5120x1x64xi32, #tpu.memory_space<hbm>> -> memref<1x1x64xi32, #tpu.memory_space<hbm>>
        %dma_start3A_735 = tpu.memref_squeeze %dma_start3A_734 : memref<1x1x64xi32, #tpu.memory_space<hbm>> -> memref<1x64xi32, #tpu.memory_space<hbm>>
        tpu.enqueue_dma source(%dma_start3A_735 : memref<1x64xi32, #tpu.memory_space<hbm>>) target(%dma_start3A_731 : memref<1x64xi32, #tpu.memory_space<vmem>>) target_semaphore(%dma_start3A_727 : memref<!tpu.dma_semaphore, #tpu.memory_space<semaphore_mem>>)
      } else {
      }
      %add3A_642 = arith.constant 7 : i32
      %add3A_643 = arith.addi %mul3A_353, %add3A_642 : i32
      %dma_wait3A_644 = arith.constant 7 : i32
      %dma_wait3A_645 = arith.constant 0 : i32
      %dma_wait3A_646 = arith.constant 3 : i32
      %dma_wait3A_647 = arith.constant 64 : i32
      %dma_wait3A_648 = arith.constant 0 : i32
      %dma_wait3A_649 = tpu.memref_slice %arg10[%dma_wait3A_647, %dma_wait3A_648] : memref<128x128xf32, #tpu.memory_space<vmem>> -> memref<64x128xf32, #tpu.memory_space<vmem>>
      %dma_wait3A_650 = arith.constant 0 : i32
      %dma_wait3A_651 = tpu.memref_slice %arg7[%dma_wait3A_644, %dma_wait3A_645, %dma_wait3A_650] : memref<8x1x64xi32, #tpu.memory_space<vmem>> -> memref<1x1x64xi32, #tpu.memory_space<vmem>>
      %dma_wait3A_652 = tpu.memref_squeeze %dma_wait3A_651 : memref<1x1x64xi32, #tpu.memory_space<vmem>> -> memref<64xi32, #tpu.memory_space<vmem>>
      %dma_wait3A_653 = arith.constant 0 : i32
      %dma_wait3A_654 = arith.constant 0 : i32
      %dma_wait3A_655 = tpu.memref_slice %arg4[%dma_wait3A_653, %dma_wait3A_654] : memref<270000x128xf32, #tpu.memory_space<hbm>> -> memref<270000x128xf32, #tpu.memory_space<hbm>>
      %dma_wait3A_656 = tpu.memref_slice %arg12[%dma_wait3A_646] : memref<4x!tpu.dma_semaphore, #tpu.memory_space<semaphore_mem>> -> memref<1x!tpu.dma_semaphore, #tpu.memory_space<semaphore_mem>>
      %dma_wait3A_657 = tpu.memref_squeeze %dma_wait3A_656 : memref<1x!tpu.dma_semaphore, #tpu.memory_space<semaphore_mem>> -> memref<!tpu.dma_semaphore, #tpu.memory_space<semaphore_mem>>
      tpu.wait_indirect_dma semaphore(%dma_wait3A_657 : memref<!tpu.dma_semaphore, #tpu.memory_space<semaphore_mem>>) src(%dma_wait3A_655 : memref<270000x128xf32, #tpu.memory_space<hbm>>) dst(%dma_wait3A_649 : memref<64x128xf32, #tpu.memory_space<vmem>>)
      %add3A_658 = arith.constant 8 : i32
      %add3A_659 = arith.addi %add3A_643, %add3A_658 : i32
      %lt3A_660 = arith.constant 160 : i32
      %lt3A_661 = arith.cmpi slt, %add3A_659, %lt3A_660 : i32
      %convert_element_type3A_662 = arith.extui %lt3A_661 : i1 to i32
      %cond3A_663 = arith.constant 0 : i32
      %cond3A_664 = arith.cmpi ne, %convert_element_type3A_662, %cond3A_663 : i32
      scf.if %cond3A_664 {
        %add3A_711 = arith.constant 8 : i32
        %add3A_712 = arith.addi %add3A_643, %add3A_711 : i32
        %mul3A_713 = arith.constant 160 : i32
        %mul3A_714 = arith.muli %add3A, %mul3A_713 : i32
        %add3A_715 = arith.addi %mul3A_714, %add3A_712 : i32
        %dma_start3A_716 = arith.constant 7 : i32
        %dma_start3A_717 = arith.constant 7 : i32
        %dma_start3A_718 = arith.constant 0 : i32
        %dma_start3A_719 = arith.constant 0 : i32
        %dma_start3A_720 = tpu.memref_slice %arg7[%dma_start3A_716, %dma_start3A_718, %dma_start3A_719] : memref<8x1x64xi32, #tpu.memory_space<vmem>> -> memref<1x1x64xi32, #tpu.memory_space<vmem>>
        %dma_start3A_721 = tpu.memref_squeeze %dma_start3A_720 : memref<1x1x64xi32, #tpu.memory_space<vmem>> -> memref<1x64xi32, #tpu.memory_space<vmem>>
        %dma_start3A_722 = arith.constant 0 : i32
        %dma_start3A_723 = arith.constant 0 : i32
        %dma_start3A_724 = tpu.memref_slice %arg2[%add3A_715, %dma_start3A_722, %dma_start3A_723] : memref<5120x1x64xi32, #tpu.memory_space<hbm>> -> memref<1x1x64xi32, #tpu.memory_space<hbm>>
        %dma_start3A_725 = tpu.memref_squeeze %dma_start3A_724 : memref<1x1x64xi32, #tpu.memory_space<hbm>> -> memref<1x64xi32, #tpu.memory_space<hbm>>
        %dma_start3A_726 = tpu.memref_slice %arg13[%dma_start3A_717] : memref<8x!tpu.dma_semaphore, #tpu.memory_space<semaphore_mem>> -> memref<1x!tpu.dma_semaphore, #tpu.memory_space<semaphore_mem>>
        %dma_start3A_727 = tpu.memref_squeeze %dma_start3A_726 : memref<1x!tpu.dma_semaphore, #tpu.memory_space<semaphore_mem>> -> memref<!tpu.dma_semaphore, #tpu.memory_space<semaphore_mem>>
        %dma_start3A_728 = arith.constant 0 : i32
        %dma_start3A_729 = arith.constant 0 : i32
        %dma_start3A_730 = tpu.memref_slice %arg7[%dma_start3A_716, %dma_start3A_728, %dma_start3A_729] : memref<8x1x64xi32, #tpu.memory_space<vmem>> -> memref<1x1x64xi32, #tpu.memory_space<vmem>>
        %dma_start3A_731 = tpu.memref_squeeze %dma_start3A_730 : memref<1x1x64xi32, #tpu.memory_space<vmem>> -> memref<1x64xi32, #tpu.memory_space<vmem>>
        %dma_start3A_732 = arith.constant 0 : i32
        %dma_start3A_733 = arith.constant 0 : i32
        %dma_start3A_734 = tpu.memref_slice %arg2[%add3A_715, %dma_start3A_732, %dma_start3A_733] : memref<5120x1x64xi32, #tpu.memory_space<hbm>> -> memref<1x1x64xi32, #tpu.memory_space<hbm>>
        %dma_start3A_735 = tpu.memref_squeeze %dma_start3A_734 : memref<1x1x64xi32, #tpu.memory_space<hbm>> -> memref<1x64xi32, #tpu.memory_space<hbm>>
        tpu.enqueue_dma source(%dma_start3A_735 : memref<1x64xi32, #tpu.memory_space<hbm>>) target(%dma_start3A_731 : memref<1x64xi32, #tpu.memory_space<vmem>>) target_semaphore(%dma_start3A_727 : memref<!tpu.dma_semaphore, #tpu.memory_space<semaphore_mem>>)
      } else {
      }
      %jit3A_665 = arith.constant 2 : i32
      %div3A_666 = arith.divsi %add3A_643, %jit3A_665 : i32
      %sign3A_667 = arith.constant 0 : i32
      %sign3A_668 = arith.cmpi sgt, %add3A_643, %sign3A_667 : i32
      %sign3A_669 = arith.extui %sign3A_668 : i1 to i32
      %sign3A_670 = arith.constant 0 : i32
      %sign3A_671 = arith.cmpi slt, %add3A_643, %sign3A_670 : i32
      %sign3A_672 = arith.extui %sign3A_671 : i1 to i32
      %sign3A_673 = arith.subi %sign3A_669, %sign3A_672 : i32
      %sign3A_674 = arith.constant 0 : i32
      %sign3A_675 = arith.cmpi sgt, %jit3A_665, %sign3A_674 : i32
      %sign3A_676 = arith.extui %sign3A_675 : i1 to i32
      %sign3A_677 = arith.constant 0 : i32
      %sign3A_678 = arith.cmpi slt, %jit3A_665, %sign3A_677 : i32
      %sign3A_679 = arith.extui %sign3A_678 : i1 to i32
      %sign3A_680 = arith.subi %sign3A_676, %sign3A_679 : i32
      %ne3A_681 = arith.cmpi ne, %sign3A_673, %sign3A_680 : i32
      %rem3A_682 = arith.remsi %add3A_643, %jit3A_665 : i32
      %ne3A_683 = arith.constant 0 : i32
      %ne3A_684 = arith.cmpi ne, %rem3A_682, %ne3A_683 : i32
      %and3A_685 = arith.andi %ne3A_681, %ne3A_684 : i1
      %sub3A_686 = arith.constant 1 : i32
      %sub3A_687 = arith.subi %div3A_666, %sub3A_686 : i32
      %select_n3A_688 = arith.select %and3A_685, %sub3A_687, %div3A_666 : i32
      "tpu.region"() ({
        %run_scoped3A = tpu.sem_alloc : memref<!tpu.dma_semaphore, #tpu.memory_space<semaphore_mem>>
        %dma_start3A_711 = arith.constant 0 : i32
        %dma_start3A_712 = tpu.memref_slice %arg8[%select_n3A_688, %dma_start3A_711] : memref<80x128xi32, #tpu.memory_space<vmem>> -> memref<1x128xi32, #tpu.memory_space<vmem>>
        %dma_start3A_713 = tpu.memref_squeeze %dma_start3A_712 : memref<1x128xi32, #tpu.memory_space<vmem>> -> memref<128xi32, #tpu.memory_space<vmem>>
        %dma_start3A_714 = arith.constant 0 : i32
        %dma_start3A_715 = arith.constant 0 : i32
        %dma_start3A_716 = tpu.memref_slice %arg11[%dma_start3A_714, %dma_start3A_715] : memref<10112x128xf32, #tpu.memory_space<vmem_shared>> -> memref<10112x128xf32, #tpu.memory_space<vmem_shared>>
        tpu.enqueue_indirect_dma source(%arg10 : memref<128x128xf32, #tpu.memory_space<vmem>>) target(%dma_start3A_716 : memref<10112x128xf32, #tpu.memory_space<vmem_shared>>) offsets(%dma_start3A_713 : memref<128xi32, #tpu.memory_space<vmem>>) semaphore(%run_scoped3A : memref<!tpu.dma_semaphore, #tpu.memory_space<semaphore_mem>>) {add = true}
        %dma_wait3A_717 = arith.constant 0 : i32
        %dma_wait3A_718 = tpu.memref_slice %arg8[%select_n3A_688, %dma_wait3A_717] : memref<80x128xi32, #tpu.memory_space<vmem>> -> memref<1x128xi32, #tpu.memory_space<vmem>>
        %dma_wait3A_719 = tpu.memref_squeeze %dma_wait3A_718 : memref<1x128xi32, #tpu.memory_space<vmem>> -> memref<128xi32, #tpu.memory_space<vmem>>
        %dma_wait3A_720 = arith.constant 0 : i32
        %dma_wait3A_721 = arith.constant 0 : i32
        %dma_wait3A_722 = tpu.memref_slice %arg11[%dma_wait3A_720, %dma_wait3A_721] : memref<10112x128xf32, #tpu.memory_space<vmem_shared>> -> memref<10112x128xf32, #tpu.memory_space<vmem_shared>>
        tpu.wait_indirect_dma semaphore(%run_scoped3A : memref<!tpu.dma_semaphore, #tpu.memory_space<semaphore_mem>>) src(%arg10 : memref<128x128xf32, #tpu.memory_space<vmem>>) dst(%dma_wait3A_722 : memref<10112x128xf32, #tpu.memory_space<vmem_shared>>)
        tpu.yield
      }) : () -> ()
      %sub3A_689 = arith.constant 1 : i32
      %sub3A_690 = arith.subi %add3A_643, %sub3A_689 : i32
      %add3A_691 = arith.constant 0 : i32
      %add3A_692 = arith.addi %sub3A_690, %add3A_691 : i32
      %add3A_693 = arith.constant 4 : i32
      %add3A_694 = arith.addi %add3A_692, %add3A_693 : i32
      %lt3A_695 = arith.constant 160 : i32
      %lt3A_696 = arith.cmpi slt, %add3A_694, %lt3A_695 : i32
      %convert_element_type3A_697 = arith.extui %lt3A_696 : i1 to i32
      %cond3A_698 = arith.constant 0 : i32
      %cond3A_699 = arith.cmpi ne, %convert_element_type3A_697, %cond3A_698 : i32
      scf.if %cond3A_699 {
        %mul3A_711 = arith.constant 160 : i32
        %mul3A_712 = arith.muli %add3A, %mul3A_711 : i32
        %add3A_713 = arith.addi %mul3A_712, %add3A_694 : i32
        %dma_wait3A_714 = arith.constant 2 : i32
        %dma_wait3A_715 = arith.constant 2 : i32
        %dma_wait3A_716 = arith.constant 0 : i32
        %dma_wait3A_717 = arith.constant 0 : i32
        %dma_wait3A_718 = tpu.memref_slice %arg7[%dma_wait3A_714, %dma_wait3A_716, %dma_wait3A_717] : memref<8x1x64xi32, #tpu.memory_space<vmem>> -> memref<1x1x64xi32, #tpu.memory_space<vmem>>
        %dma_wait3A_719 = tpu.memref_squeeze %dma_wait3A_718 : memref<1x1x64xi32, #tpu.memory_space<vmem>> -> memref<1x64xi32, #tpu.memory_space<vmem>>
        %dma_wait3A_720 = arith.constant 0 : i32
        %dma_wait3A_721 = arith.constant 0 : i32
        %dma_wait3A_722 = tpu.memref_slice %arg2[%add3A_713, %dma_wait3A_720, %dma_wait3A_721] : memref<5120x1x64xi32, #tpu.memory_space<hbm>> -> memref<1x1x64xi32, #tpu.memory_space<hbm>>
        %dma_wait3A_723 = tpu.memref_squeeze %dma_wait3A_722 : memref<1x1x64xi32, #tpu.memory_space<hbm>> -> memref<1x64xi32, #tpu.memory_space<hbm>>
        %dma_wait3A_724 = tpu.memref_slice %arg13[%dma_wait3A_715] : memref<8x!tpu.dma_semaphore, #tpu.memory_space<semaphore_mem>> -> memref<1x!tpu.dma_semaphore, #tpu.memory_space<semaphore_mem>>
        %dma_wait3A_725 = tpu.memref_squeeze %dma_wait3A_724 : memref<1x!tpu.dma_semaphore, #tpu.memory_space<semaphore_mem>> -> memref<!tpu.dma_semaphore, #tpu.memory_space<semaphore_mem>>
        %dma_wait3A_726 = arith.constant 0 : i32
        %dma_wait3A_727 = arith.constant 0 : i32
        %dma_wait3A_728 = tpu.memref_slice %arg7[%dma_wait3A_714, %dma_wait3A_726, %dma_wait3A_727] : memref<8x1x64xi32, #tpu.memory_space<vmem>> -> memref<1x1x64xi32, #tpu.memory_space<vmem>>
        %dma_wait3A_729 = tpu.memref_squeeze %dma_wait3A_728 : memref<1x1x64xi32, #tpu.memory_space<vmem>> -> memref<1x64xi32, #tpu.memory_space<vmem>>
        %dma_wait3A_730 = arith.constant 0 : i32
        %dma_wait3A_731 = arith.constant 0 : i32
        %dma_wait3A_732 = tpu.memref_slice %arg2[%add3A_713, %dma_wait3A_730, %dma_wait3A_731] : memref<5120x1x64xi32, #tpu.memory_space<hbm>> -> memref<1x1x64xi32, #tpu.memory_space<hbm>>
        %dma_wait3A_733 = tpu.memref_squeeze %dma_wait3A_732 : memref<1x1x64xi32, #tpu.memory_space<hbm>> -> memref<1x64xi32, #tpu.memory_space<hbm>>
        tpu.wait_dma2 semaphore(%dma_wait3A_725 : memref<!tpu.dma_semaphore, #tpu.memory_space<semaphore_mem>>) src(%dma_wait3A_733 : memref<1x64xi32, #tpu.memory_space<hbm>>) dst(%dma_wait3A_729 : memref<1x64xi32, #tpu.memory_space<vmem>>)
        %dma_start3A_734 = arith.constant 2 : i32
        %dma_start3A_735 = arith.constant 0 : i32
        %dma_start3A_736 = arith.constant 2 : i32
        %dma_start3A_737 = arith.constant 0 : i32
        %dma_start3A_738 = arith.constant 0 : i32
        %dma_start3A_739 = tpu.memref_slice %arg10[%dma_start3A_737, %dma_start3A_738] : memref<128x128xf32, #tpu.memory_space<vmem>> -> memref<64x128xf32, #tpu.memory_space<vmem>>
        %dma_start3A_740 = arith.constant 0 : i32
        %dma_start3A_741 = tpu.memref_slice %arg7[%dma_start3A_734, %dma_start3A_735, %dma_start3A_740] : memref<8x1x64xi32, #tpu.memory_space<vmem>> -> memref<1x1x64xi32, #tpu.memory_space<vmem>>
        %dma_start3A_742 = tpu.memref_squeeze %dma_start3A_741 : memref<1x1x64xi32, #tpu.memory_space<vmem>> -> memref<64xi32, #tpu.memory_space<vmem>>
        %dma_start3A_743 = arith.constant 0 : i32
        %dma_start3A_744 = arith.constant 0 : i32
        %dma_start3A_745 = tpu.memref_slice %arg4[%dma_start3A_743, %dma_start3A_744] : memref<270000x128xf32, #tpu.memory_space<hbm>> -> memref<270000x128xf32, #tpu.memory_space<hbm>>
        %dma_start3A_746 = tpu.memref_slice %arg12[%dma_start3A_736] : memref<4x!tpu.dma_semaphore, #tpu.memory_space<semaphore_mem>> -> memref<1x!tpu.dma_semaphore, #tpu.memory_space<semaphore_mem>>
        %dma_start3A_747 = tpu.memref_squeeze %dma_start3A_746 : memref<1x!tpu.dma_semaphore, #tpu.memory_space<semaphore_mem>> -> memref<!tpu.dma_semaphore, #tpu.memory_space<semaphore_mem>>
        tpu.enqueue_indirect_dma source(%dma_start3A_745 : memref<270000x128xf32, #tpu.memory_space<hbm>>) target(%dma_start3A_739 : memref<64x128xf32, #tpu.memory_space<vmem>>) offsets(%dma_start3A_742 : memref<64xi32, #tpu.memory_space<vmem>>) semaphore(%dma_start3A_747 : memref<!tpu.dma_semaphore, #tpu.memory_space<semaphore_mem>>)
      } else {
      }
      %sub3A_700 = arith.constant 1 : i32
      %sub3A_701 = arith.subi %add3A_643, %sub3A_700 : i32
      %add3A_702 = arith.constant 1 : i32
      %add3A_703 = arith.addi %sub3A_701, %add3A_702 : i32
      %add3A_704 = arith.constant 4 : i32
      %add3A_705 = arith.addi %add3A_703, %add3A_704 : i32
      %lt3A_706 = arith.constant 160 : i32
      %lt3A_707 = arith.cmpi slt, %add3A_705, %lt3A_706 : i32
      %convert_element_type3A_708 = arith.extui %lt3A_707 : i1 to i32
      %cond3A_709 = arith.constant 0 : i32
      %cond3A_710 = arith.cmpi ne, %convert_element_type3A_708, %cond3A_709 : i32
      scf.if %cond3A_710 {
        %mul3A_711 = arith.constant 160 : i32
        %mul3A_712 = arith.muli %add3A, %mul3A_711 : i32
        %add3A_713 = arith.addi %mul3A_712, %add3A_705 : i32
        %dma_wait3A_714 = arith.constant 3 : i32
        %dma_wait3A_715 = arith.constant 3 : i32
        %dma_wait3A_716 = arith.constant 0 : i32
        %dma_wait3A_717 = arith.constant 0 : i32
        %dma_wait3A_718 = tpu.memref_slice %arg7[%dma_wait3A_714, %dma_wait3A_716, %dma_wait3A_717] : memref<8x1x64xi32, #tpu.memory_space<vmem>> -> memref<1x1x64xi32, #tpu.memory_space<vmem>>
        %dma_wait3A_719 = tpu.memref_squeeze %dma_wait3A_718 : memref<1x1x64xi32, #tpu.memory_space<vmem>> -> memref<1x64xi32, #tpu.memory_space<vmem>>
        %dma_wait3A_720 = arith.constant 0 : i32
        %dma_wait3A_721 = arith.constant 0 : i32
        %dma_wait3A_722 = tpu.memref_slice %arg2[%add3A_713, %dma_wait3A_720, %dma_wait3A_721] : memref<5120x1x64xi32, #tpu.memory_space<hbm>> -> memref<1x1x64xi32, #tpu.memory_space<hbm>>
        %dma_wait3A_723 = tpu.memref_squeeze %dma_wait3A_722 : memref<1x1x64xi32, #tpu.memory_space<hbm>> -> memref<1x64xi32, #tpu.memory_space<hbm>>
        %dma_wait3A_724 = tpu.memref_slice %arg13[%dma_wait3A_715] : memref<8x!tpu.dma_semaphore, #tpu.memory_space<semaphore_mem>> -> memref<1x!tpu.dma_semaphore, #tpu.memory_space<semaphore_mem>>
        %dma_wait3A_725 = tpu.memref_squeeze %dma_wait3A_724 : memref<1x!tpu.dma_semaphore, #tpu.memory_space<semaphore_mem>> -> memref<!tpu.dma_semaphore, #tpu.memory_space<semaphore_mem>>
        %dma_wait3A_726 = arith.constant 0 : i32
        %dma_wait3A_727 = arith.constant 0 : i32
        %dma_wait3A_728 = tpu.memref_slice %arg7[%dma_wait3A_714, %dma_wait3A_726, %dma_wait3A_727] : memref<8x1x64xi32, #tpu.memory_space<vmem>> -> memref<1x1x64xi32, #tpu.memory_space<vmem>>
        %dma_wait3A_729 = tpu.memref_squeeze %dma_wait3A_728 : memref<1x1x64xi32, #tpu.memory_space<vmem>> -> memref<1x64xi32, #tpu.memory_space<vmem>>
        %dma_wait3A_730 = arith.constant 0 : i32
        %dma_wait3A_731 = arith.constant 0 : i32
        %dma_wait3A_732 = tpu.memref_slice %arg2[%add3A_713, %dma_wait3A_730, %dma_wait3A_731] : memref<5120x1x64xi32, #tpu.memory_space<hbm>> -> memref<1x1x64xi32, #tpu.memory_space<hbm>>
        %dma_wait3A_733 = tpu.memref_squeeze %dma_wait3A_732 : memref<1x1x64xi32, #tpu.memory_space<hbm>> -> memref<1x64xi32, #tpu.memory_space<hbm>>
        tpu.wait_dma2 semaphore(%dma_wait3A_725 : memref<!tpu.dma_semaphore, #tpu.memory_space<semaphore_mem>>) src(%dma_wait3A_733 : memref<1x64xi32, #tpu.memory_space<hbm>>) dst(%dma_wait3A_729 : memref<1x64xi32, #tpu.memory_space<vmem>>)
        %dma_start3A_734 = arith.constant 3 : i32
        %dma_start3A_735 = arith.constant 0 : i32
        %dma_start3A_736 = arith.constant 3 : i32
        %dma_start3A_737 = arith.constant 64 : i32
        %dma_start3A_738 = arith.constant 0 : i32
        %dma_start3A_739 = tpu.memref_slice %arg10[%dma_start3A_737, %dma_start3A_738] : memref<128x128xf32, #tpu.memory_space<vmem>> -> memref<64x128xf32, #tpu.memory_space<vmem>>
        %dma_start3A_740 = arith.constant 0 : i32
        %dma_start3A_741 = tpu.memref_slice %arg7[%dma_start3A_734, %dma_start3A_735, %dma_start3A_740] : memref<8x1x64xi32, #tpu.memory_space<vmem>> -> memref<1x1x64xi32, #tpu.memory_space<vmem>>
        %dma_start3A_742 = tpu.memref_squeeze %dma_start3A_741 : memref<1x1x64xi32, #tpu.memory_space<vmem>> -> memref<64xi32, #tpu.memory_space<vmem>>
        %dma_start3A_743 = arith.constant 0 : i32
        %dma_start3A_744 = arith.constant 0 : i32
        %dma_start3A_745 = tpu.memref_slice %arg4[%dma_start3A_743, %dma_start3A_744] : memref<270000x128xf32, #tpu.memory_space<hbm>> -> memref<270000x128xf32, #tpu.memory_space<hbm>>
        %dma_start3A_746 = tpu.memref_slice %arg12[%dma_start3A_736] : memref<4x!tpu.dma_semaphore, #tpu.memory_space<semaphore_mem>> -> memref<1x!tpu.dma_semaphore, #tpu.memory_space<semaphore_mem>>
        %dma_start3A_747 = tpu.memref_squeeze %dma_start3A_746 : memref<1x!tpu.dma_semaphore, #tpu.memory_space<semaphore_mem>> -> memref<!tpu.dma_semaphore, #tpu.memory_space<semaphore_mem>>
        tpu.enqueue_indirect_dma source(%dma_start3A_745 : memref<270000x128xf32, #tpu.memory_space<hbm>>) target(%dma_start3A_739 : memref<64x128xf32, #tpu.memory_space<vmem>>) offsets(%dma_start3A_742 : memref<64xi32, #tpu.memory_space<vmem>>) semaphore(%dma_start3A_747 : memref<!tpu.dma_semaphore, #tpu.memory_space<semaphore_mem>>)
      } else {
      }
    }
    %scan3A_349 = arith.constant 20 : i32
    %barrier3A_350 = arith.constant 0 : index
    tpu.barrier barrier_id(%barrier3A_350)
    "tpu.region"() ({
      %run_scoped3A = tpu.sem_alloc : memref<!tpu.dma_semaphore, #tpu.memory_space<semaphore_mem>>
      %dma_start3A_351 = arith.constant 0 : i32
      %dma_start3A_352 = tpu.memref_slice %arg6[%arg0, %mul3A_2, %dma_start3A_351] : memref<2x10112x128xf32, #tpu.memory_space<hbm>> -> memref<1x632x128xf32, #tpu.memory_space<hbm>>
      %dma_start3A_353 = tpu.memref_squeeze %dma_start3A_352 : memref<1x632x128xf32, #tpu.memory_space<hbm>> -> memref<632x128xf32, #tpu.memory_space<hbm>>
      %dma_start3A_354 = arith.constant 0 : i32
      %dma_start3A_355 = tpu.memref_slice %arg11[%mul3A_2, %dma_start3A_354] : memref<10112x128xf32, #tpu.memory_space<vmem_shared>> -> memref<632x128xf32, #tpu.memory_space<vmem_shared>>
      tpu.enqueue_dma source(%dma_start3A_355 : memref<632x128xf32, #tpu.memory_space<vmem_shared>>) target(%dma_start3A_353 : memref<632x128xf32, #tpu.memory_space<hbm>>) target_semaphore(%run_scoped3A : memref<!tpu.dma_semaphore, #tpu.memory_space<semaphore_mem>>)
      %dma_wait3A_356 = arith.constant 0 : i32
      %dma_wait3A_357 = tpu.memref_slice %arg6[%arg0, %mul3A_2, %dma_wait3A_356] : memref<2x10112x128xf32, #tpu.memory_space<hbm>> -> memref<1x632x128xf32, #tpu.memory_space<hbm>>
      %dma_wait3A_358 = tpu.memref_squeeze %dma_wait3A_357 : memref<1x632x128xf32, #tpu.memory_space<hbm>> -> memref<632x128xf32, #tpu.memory_space<hbm>>
      %dma_wait3A_359 = arith.constant 0 : i32
      %dma_wait3A_360 = tpu.memref_slice %arg11[%mul3A_2, %dma_wait3A_359] : memref<10112x128xf32, #tpu.memory_space<vmem_shared>> -> memref<632x128xf32, #tpu.memory_space<vmem_shared>>
      tpu.wait_dma2 semaphore(%run_scoped3A : memref<!tpu.dma_semaphore, #tpu.memory_space<semaphore_mem>>) src(%dma_wait3A_360 : memref<632x128xf32, #tpu.memory_space<vmem_shared>>) dst(%dma_wait3A_358 : memref<632x128xf32, #tpu.memory_space<hbm>>)
      tpu.yield
    }) : () -> ()
    return
  }
}

#map = affine_map<(d0, d1) -> (0, 0, 0)>
#map1 = affine_map<(d0, d1) -> (0, 0)>
module attributes {stable_mosaic.version = 14 : i64} {
  func.func @_gather_scatter(%arg0: i32, %arg1: i32, %arg2: memref<5120x1x64xi32, #tpu.memory_space<hbm>>, %arg3: memref<32x80x128xi32, #tpu.memory_space<hbm>>, %arg4: memref<270000x128xf32, #tpu.memory_space<hbm>>, %arg5: memref<10112x128xf32, #tpu.memory_space<hbm>>, %arg6: memref<2x10112x128xf32, #tpu.memory_space<hbm>>, %arg7: memref<8x1x64xi32, #tpu.memory_space<vmem>>, %arg8: memref<80x128xi32, #tpu.memory_space<vmem>>, %arg9: memref<128x128xf32, #tpu.memory_space<vmem>>, %arg10: memref<128x128xf32, #tpu.memory_space<vmem>>, %arg11: memref<10112x128xf32, #tpu.memory_space<vmem_shared>>, %arg12: memref<4x!tpu.dma_semaphore, #tpu.memory_space<semaphore_mem>>, %arg13: memref<8x!tpu.dma_semaphore, #tpu.memory_space<semaphore_mem>>) attributes {dimension_semantics = [#tpu.dimension_semantics<core_parallel>, #tpu.dimension_semantics<subcore_parallel>], iteration_bounds = array<i64: 2, 16>, scalar_prefetch = 0 : i64, scratch_operands = 7 : i64, tpu.core_type = #tpu.core_type<sc_vector_subcore>, window_params = [{transform_indices = #map}, {transform_indices = #map}, {transform_indices = #map1}, {transform_indices = #map1}, {transform_indices = #map}]} {
    %mul3A = arith.constant 2 : i32
    %mul3A_0 = arith.muli %arg1, %mul3A : i32
    %add3A = arith.addi %mul3A_0, %arg0 : i32
    %mul3A_1 = arith.constant 632 : i32
    %mul3A_2 = arith.muli %arg1, %mul3A_1 : i32
    "tpu.region"() ({
      %run_scoped3A = tpu.sem_alloc : memref<!tpu.dma_semaphore, #tpu.memory_space<semaphore_mem>>
      %dma_start3A_351 = arith.constant 0 : i32
      %dma_start3A_352 = tpu.memref_slice %arg11[%mul3A_2, %dma_start3A_351] : memref<10112x128xf32, #tpu.memory_space<vmem_shared>> -> memref<632x128xf32, #tpu.memory_space<vmem_shared>>
      %dma_start3A_353 = arith.constant 0 : i32
      %dma_start3A_354 = tpu.memref_slice %arg5[%mul3A_2, %dma_start3A_353] : memref<10112x128xf32, #tpu.memory_space<hbm>> -> memref<632x128xf32, #tpu.memory_space<hbm>>
      tpu.enqueue_dma source(%dma_start3A_354 : memref<632x128xf32, #tpu.memory_space<hbm>>) target(%dma_start3A_352 : memref<632x128xf32, #tpu.memory_space<vmem_shared>>) target_semaphore(%run_scoped3A : memref<!tpu.dma_semaphore, #tpu.memory_space<semaphore_mem>>)
      %dma_wait3A_355 = arith.constant 0 : i32
      %dma_wait3A_356 = tpu.memref_slice %arg11[%mul3A_2, %dma_wait3A_355] : memref<10112x128xf32, #tpu.memory_space<vmem_shared>> -> memref<632x128xf32, #tpu.memory_space<vmem_shared>>
      %dma_wait3A_357 = arith.constant 0 : i32
      %dma_wait3A_358 = tpu.memref_slice %arg5[%mul3A_2, %dma_wait3A_357] : memref<10112x128xf32, #tpu.memory_space<hbm>> -> memref<632x128xf32, #tpu.memory_space<hbm>>
      tpu.wait_dma2 semaphore(%run_scoped3A : memref<!tpu.dma_semaphore, #tpu.memory_space<semaphore_mem>>) src(%dma_wait3A_358 : memref<632x128xf32, #tpu.memory_space<hbm>>) dst(%dma_wait3A_356 : memref<632x128xf32, #tpu.memory_space<vmem_shared>>)
      tpu.yield
    }) : () -> ()
    "tpu.region"() ({
      %run_scoped3A = tpu.sem_alloc : memref<!tpu.dma_semaphore, #tpu.memory_space<semaphore_mem>>
      %dma_start3A_351 = arith.constant 0 : i32
      %dma_start3A_352 = arith.constant 0 : i32
      %dma_start3A_353 = tpu.memref_slice %arg3[%add3A, %dma_start3A_351, %dma_start3A_352] : memref<32x80x128xi32, #tpu.memory_space<hbm>> -> memref<1x80x128xi32, #tpu.memory_space<hbm>>
      %dma_start3A_354 = tpu.memref_squeeze %dma_start3A_353 : memref<1x80x128xi32, #tpu.memory_space<hbm>> -> memref<80x128xi32, #tpu.memory_space<hbm>>
      %dma_start3A_355 = arith.constant 0 : i32
      %dma_start3A_356 = arith.constant 0 : i32
      %dma_start3A_357 = tpu.memref_slice %arg3[%add3A, %dma_start3A_355, %dma_start3A_356] : memref<32x80x128xi32, #tpu.memory_space<hbm>> -> memref<1x80x128xi32, #tpu.memory_space<hbm>>
      %dma_start3A_358 = tpu.memref_squeeze %dma_start3A_357 : memref<1x80x128xi32, #tpu.memory_space<hbm>> -> memref<80x128xi32, #tpu.memory_space<hbm>>
      tpu.enqueue_dma source(%dma_start3A_358 : memref<80x128xi32, #tpu.memory_space<hbm>>) target(%arg8 : memref<80x128xi32, #tpu.memory_space<vmem>>) target_semaphore(%run_scoped3A : memref<!tpu.dma_semaphore, #tpu.memory_space<semaphore_mem>>)
      %dma_wait3A_359 = arith.constant 0 : i32
      %dma_wait3A_360 = arith.constant 0 : i32
      %dma_wait3A_361 = tpu.memref_slice %arg3[%add3A, %dma_wait3A_359, %dma_wait3A_360] : memref<32x80x128xi32, #tpu.memory_space<hbm>> -> memref<1x80x128xi32, #tpu.memory_space<hbm>>
      %dma_wait3A_362 = tpu.memref_squeeze %dma_wait3A_361 : memref<1x80x128xi32, #tpu.memory_space<hbm>> -> memref<80x128xi32, #tpu.memory_space<hbm>>
      %dma_wait3A_363 = arith.constant 0 : i32
      %dma_wait3A_364 = arith.constant 0 : i32
      %dma_wait3A_365 = tpu.memref_slice %arg3[%add3A, %dma_wait3A_363, %dma_wait3A_364] : memref<32x80x128xi32, #tpu.memory_space<hbm>> -> memref<1x80x128xi32, #tpu.memory_space<hbm>>
      %dma_wait3A_366 = tpu.memref_squeeze %dma_wait3A_365 : memref<1x80x128xi32, #tpu.memory_space<hbm>> -> memref<80x128xi32, #tpu.memory_space<hbm>>
      tpu.wait_dma2 semaphore(%run_scoped3A : memref<!tpu.dma_semaphore, #tpu.memory_space<semaphore_mem>>) src(%dma_wait3A_366 : memref<80x128xi32, #tpu.memory_space<hbm>>) dst(%arg8 : memref<80x128xi32, #tpu.memory_space<vmem>>)
      tpu.yield
    }) : () -> ()
    %barrier3A = arith.constant 0 : index
    tpu.barrier barrier_id(%barrier3A)
    %mul3A_3 = arith.constant 160 : i32
    %mul3A_4 = arith.muli %add3A, %mul3A_3 : i32
    %add3A_5 = arith.constant 0 : i32
    %add3A_6 = arith.addi %mul3A_4, %add3A_5 : i32
    %dma_start3A = arith.constant 0 : i32
    %dma_start3A_7 = arith.constant 0 : i32
    %dma_start3A_8 = arith.constant 0 : i32
    %dma_start3A_9 = arith.constant 0 : i32
    %dma_start3A_10 = tpu.memref_slice %arg7[%dma_start3A, %dma_start3A_8, %dma_start3A_9] : memref<8x1x64xi32, #tpu.memory_space<vmem>> -> memref<1x1x64xi32, #tpu.memory_space<vmem>>
    %dma_start3A_11 = tpu.memref_squeeze %dma_start3A_10 : memref<1x1x64xi32, #tpu.memory_space<vmem>> -> memref<1x64xi32, #tpu.memory_space<vmem>>
    %dma_start3A_12 = arith.constant 0 : i32
    %dma_start3A_13 = arith.constant 0 : i32
    %dma_start3A_14 = tpu.memref_slice %arg2[%add3A_6, %dma_start3A_12, %dma_start3A_13] : memref<5120x1x64xi32, #tpu.memory_space<hbm>> -> memref<1x1x64xi32, #tpu.memory_space<hbm>>
    %dma_start3A_15 = tpu.memref_squeeze %dma_start3A_14 : memref<1x1x64xi32, #tpu.memory_space<hbm>> -> memref<1x64xi32, #tpu.memory_space<hbm>>
    %dma_start3A_16 = tpu.memref_slice %arg13[%dma_start3A_7] : memref<8x!tpu.dma_semaphore, #tpu.memory_space<semaphore_mem>> -> memref<1x!tpu.dma_semaphore, #tpu.memory_space<semaphore_mem>>
    %dma_start3A_17 = tpu.memref_squeeze %dma_start3A_16 : memref<1x!tpu.dma_semaphore, #tpu.memory_space<semaphore_mem>> -> memref<!tpu.dma_semaphore, #tpu.memory_space<semaphore_mem>>
    %dma_start3A_18 = arith.constant 0 : i32
    %dma_start3A_19 = arith.constant 0 : i32
    %dma_start3A_20 = tpu.memref_slice %arg7[%dma_start3A, %dma_start3A_18, %dma_start3A_19] : memref<8x1x64xi32, #tpu.memory_space<vmem>> -> memref<1x1x64xi32, #tpu.memory_space<vmem>>
    %dma_start3A_21 = tpu.memref_squeeze %dma_start3A_20 : memref<1x1x64xi32, #tpu.memory_space<vmem>> -> memref<1x64xi32, #tpu.memory_space<vmem>>
    %dma_start3A_22 = arith.constant 0 : i32
    %dma_start3A_23 = arith.constant 0 : i32
    %dma_start3A_24 = tpu.memref_slice %arg2[%add3A_6, %dma_start3A_22, %dma_start3A_23] : memref<5120x1x64xi32, #tpu.memory_space<hbm>> -> memref<1x1x64xi32, #tpu.memory_space<hbm>>
    %dma_start3A_25 = tpu.memref_squeeze %dma_start3A_24 : memref<1x1x64xi32, #tpu.memory_space<hbm>> -> memref<1x64xi32, #tpu.memory_space<hbm>>
    tpu.enqueue_dma source(%dma_start3A_25 : memref<1x64xi32, #tpu.memory_space<hbm>>) target(%dma_start3A_21 : memref<1x64xi32, #tpu.memory_space<vmem>>) target_semaphore(%dma_start3A_17 : memref<!tpu.dma_semaphore, #tpu.memory_space<semaphore_mem>>)
    %mul3A_26 = arith.constant 160 : i32
    %mul3A_27 = arith.muli %add3A, %mul3A_26 : i32
    %add3A_28 = arith.constant 1 : i32
    %add3A_29 = arith.addi %mul3A_27, %add3A_28 : i32
    %dma_start3A_30 = arith.constant 1 : i32
    %dma_start3A_31 = arith.constant 1 : i32
    %dma_start3A_32 = arith.constant 0 : i32
    %dma_start3A_33 = arith.constant 0 : i32
    %dma_start3A_34 = tpu.memref_slice %arg7[%dma_start3A_30, %dma_start3A_32, %dma_start3A_33] : memref<8x1x64xi32, #tpu.memory_space<vmem>> -> memref<1x1x64xi32, #tpu.memory_space<vmem>>
    %dma_start3A_35 = tpu.memref_squeeze %dma_start3A_34 : memref<1x1x64xi32, #tpu.memory_space<vmem>> -> memref<1x64xi32, #tpu.memory_space<vmem>>
    %dma_start3A_36 = arith.constant 0 : i32
    %dma_start3A_37 = arith.constant 0 : i32
    %dma_start3A_38 = tpu.memref_slice %arg2[%add3A_29, %dma_start3A_36, %dma_start3A_37] : memref<5120x1x64xi32, #tpu.memory_space<hbm>> -> memref<1x1x64xi32, #tpu.memory_space<hbm>>
    %dma_start3A_39 = tpu.memref_squeeze %dma_start3A_38 : memref<1x1x64xi32, #tpu.memory_space<hbm>> -> memref<1x64xi32, #tpu.memory_space<hbm>>
    %dma_start3A_40 = tpu.memref_slice %arg13[%dma_start3A_31] : memref<8x!tpu.dma_semaphore, #tpu.memory_space<semaphore_mem>> -> memref<1x!tpu.dma_semaphore, #tpu.memory_space<semaphore_mem>>
    %dma_start3A_41 = tpu.memref_squeeze %dma_start3A_40 : memref<1x!tpu.dma_semaphore, #tpu.memory_space<semaphore_mem>> -> memref<!tpu.dma_semaphore, #tpu.memory_space<semaphore_mem>>
    %dma_start3A_42 = arith.constant 0 : i32
    %dma_start3A_43 = arith.constant 0 : i32
    %dma_start3A_44 = tpu.memref_slice %arg7[%dma_start3A_30, %dma_start3A_42, %dma_start3A_43] : memref<8x1x64xi32, #tpu.memory_space<vmem>> -> memref<1x1x64xi32, #tpu.memory_space<vmem>>
    %dma_start3A_45 = tpu.memref_squeeze %dma_start3A_44 : memref<1x1x64xi32, #tpu.memory_space<vmem>> -> memref<1x64xi32, #tpu.memory_space<vmem>>
    %dma_start3A_46 = arith.constant 0 : i32
    %dma_start3A_47 = arith.constant 0 : i32
    %dma_start3A_48 = tpu.memref_slice %arg2[%add3A_29, %dma_start3A_46, %dma_start3A_47] : memref<5120x1x64xi32, #tpu.memory_space<hbm>> -> memref<1x1x64xi32, #tpu.memory_space<hbm>>
    %dma_start3A_49 = tpu.memref_squeeze %dma_start3A_48 : memref<1x1x64xi32, #tpu.memory_space<hbm>> -> memref<1x64xi32, #tpu.memory_space<hbm>>
    tpu.enqueue_dma source(%dma_start3A_49 : memref<1x64xi32, #tpu.memory_space<hbm>>) target(%dma_start3A_45 : memref<1x64xi32, #tpu.memory_space<vmem>>) target_semaphore(%dma_start3A_41 : memref<!tpu.dma_semaphore, #tpu.memory_space<semaphore_mem>>)
    %mul3A_50 = arith.constant 160 : i32
    %mul3A_51 = arith.muli %add3A, %mul3A_50 : i32
    %add3A_52 = arith.constant 2 : i32
    %add3A_53 = arith.addi %mul3A_51, %add3A_52 : i32
    %dma_start3A_54 = arith.constant 2 : i32
    %dma_start3A_55 = arith.constant 2 : i32
    %dma_start3A_56 = arith.constant 0 : i32
    %dma_start3A_57 = arith.constant 0 : i32
    %dma_start3A_58 = tpu.memref_slice %arg7[%dma_start3A_54, %dma_start3A_56, %dma_start3A_57] : memref<8x1x64xi32, #tpu.memory_space<vmem>> -> memref<1x1x64xi32, #tpu.memory_space<vmem>>
    %dma_start3A_59 = tpu.memref_squeeze %dma_start3A_58 : memref<1x1x64xi32, #tpu.memory_space<vmem>> -> memref<1x64xi32, #tpu.memory_space<vmem>>
    %dma_start3A_60 = arith.constant 0 : i32
    %dma_start3A_61 = arith.constant 0 : i32
    %dma_start3A_62 = tpu.memref_slice %arg2[%add3A_53, %dma_start3A_60, %dma_start3A_61] : memref<5120x1x64xi32, #tpu.memory_space<hbm>> -> memref<1x1x64xi32, #tpu.memory_space<hbm>>
    %dma_start3A_63 = tpu.memref_squeeze %dma_start3A_62 : memref<1x1x64xi32, #tpu.memory_space<hbm>> -> memref<1x64xi32, #tpu.memory_space<hbm>>
    %dma_start3A_64 = tpu.memref_slice %arg13[%dma_start3A_55] : memref<8x!tpu.dma_semaphore, #tpu.memory_space<semaphore_mem>> -> memref<1x!tpu.dma_semaphore, #tpu.memory_space<semaphore_mem>>
    %dma_start3A_65 = tpu.memref_squeeze %dma_start3A_64 : memref<1x!tpu.dma_semaphore, #tpu.memory_space<semaphore_mem>> -> memref<!tpu.dma_semaphore, #tpu.memory_space<semaphore_mem>>
    %dma_start3A_66 = arith.constant 0 : i32
    %dma_start3A_67 = arith.constant 0 : i32
    %dma_start3A_68 = tpu.memref_slice %arg7[%dma_start3A_54, %dma_start3A_66, %dma_start3A_67] : memref<8x1x64xi32, #tpu.memory_space<vmem>> -> memref<1x1x64xi32, #tpu.memory_space<vmem>>
    %dma_start3A_69 = tpu.memref_squeeze %dma_start3A_68 : memref<1x1x64xi32, #tpu.memory_space<vmem>> -> memref<1x64xi32, #tpu.memory_space<vmem>>
    %dma_start3A_70 = arith.constant 0 : i32
    %dma_start3A_71 = arith.constant 0 : i32
    %dma_start3A_72 = tpu.memref_slice %arg2[%add3A_53, %dma_start3A_70, %dma_start3A_71] : memref<5120x1x64xi32, #tpu.memory_space<hbm>> -> memref<1x1x64xi32, #tpu.memory_space<hbm>>
    %dma_start3A_73 = tpu.memref_squeeze %dma_start3A_72 : memref<1x1x64xi32, #tpu.memory_space<hbm>> -> memref<1x64xi32, #tpu.memory_space<hbm>>
    tpu.enqueue_dma source(%dma_start3A_73 : memref<1x64xi32, #tpu.memory_space<hbm>>) target(%dma_start3A_69 : memref<1x64xi32, #tpu.memory_space<vmem>>) target_semaphore(%dma_start3A_65 : memref<!tpu.dma_semaphore, #tpu.memory_space<semaphore_mem>>)
    %mul3A_74 = arith.constant 160 : i32
    %mul3A_75 = arith.muli %add3A, %mul3A_74 : i32
    %add3A_76 = arith.constant 3 : i32
    %add3A_77 = arith.addi %mul3A_75, %add3A_76 : i32
    %dma_start3A_78 = arith.constant 3 : i32
    %dma_start3A_79 = arith.constant 3 : i32
    %dma_start3A_80 = arith.constant 0 : i32
    %dma_start3A_81 = arith.constant 0 : i32
    %dma_start3A_82 = tpu.memref_slice %arg7[%dma_start3A_78, %dma_start3A_80, %dma_start3A_81] : memref<8x1x64xi32, #tpu.memory_space<vmem>> -> memref<1x1x64xi32, #tpu.memory_space<vmem>>
    %dma_start3A_83 = tpu.memref_squeeze %dma_start3A_82 : memref<1x1x64xi32, #tpu.memory_space<vmem>> -> memref<1x64xi32, #tpu.memory_space<vmem>>
    %dma_start3A_84 = arith.constant 0 : i32
    %dma_start3A_85 = arith.constant 0 : i32
    %dma_start3A_86 = tpu.memref_slice %arg2[%add3A_77, %dma_start3A_84, %dma_start3A_85] : memref<5120x1x64xi32, #tpu.memory_space<hbm>> -> memref<1x1x64xi32, #tpu.memory_space<hbm>>
    %dma_start3A_87 = tpu.memref_squeeze %dma_start3A_86 : memref<1x1x64xi32, #tpu.memory_space<hbm>> -> memref<1x64xi32, #tpu.memory_space<hbm>>
    %dma_start3A_88 = tpu.memref_slice %arg13[%dma_start3A_79] : memref<8x!tpu.dma_semaphore, #tpu.memory_space<semaphore_mem>> -> memref<1x!tpu.dma_semaphore, #tpu.memory_space<semaphore_mem>>
    %dma_start3A_89 = tpu.memref_squeeze %dma_start3A_88 : memref<1x!tpu.dma_semaphore, #tpu.memory_space<semaphore_mem>> -> memref<!tpu.dma_semaphore, #tpu.memory_space<semaphore_mem>>
    %dma_start3A_90 = arith.constant 0 : i32
    %dma_start3A_91 = arith.constant 0 : i32
    %dma_start3A_92 = tpu.memref_slice %arg7[%dma_start3A_78, %dma_start3A_90, %dma_start3A_91] : memref<8x1x64xi32, #tpu.memory_space<vmem>> -> memref<1x1x64xi32, #tpu.memory_space<vmem>>
    %dma_start3A_93 = tpu.memref_squeeze %dma_start3A_92 : memref<1x1x64xi32, #tpu.memory_space<vmem>> -> memref<1x64xi32, #tpu.memory_space<vmem>>
    %dma_start3A_94 = arith.constant 0 : i32
    %dma_start3A_95 = arith.constant 0 : i32
    %dma_start3A_96 = tpu.memref_slice %arg2[%add3A_77, %dma_start3A_94, %dma_start3A_95] : memref<5120x1x64xi32, #tpu.memory_space<hbm>> -> memref<1x1x64xi32, #tpu.memory_space<hbm>>
    %dma_start3A_97 = tpu.memref_squeeze %dma_start3A_96 : memref<1x1x64xi32, #tpu.memory_space<hbm>> -> memref<1x64xi32, #tpu.memory_space<hbm>>
    tpu.enqueue_dma source(%dma_start3A_97 : memref<1x64xi32, #tpu.memory_space<hbm>>) target(%dma_start3A_93 : memref<1x64xi32, #tpu.memory_space<vmem>>) target_semaphore(%dma_start3A_89 : memref<!tpu.dma_semaphore, #tpu.memory_space<semaphore_mem>>)
    %mul3A_98 = arith.constant 160 : i32
    %mul3A_99 = arith.muli %add3A, %mul3A_98 : i32
    %add3A_100 = arith.constant 4 : i32
    %add3A_101 = arith.addi %mul3A_99, %add3A_100 : i32
    %dma_start3A_102 = arith.constant 4 : i32
    %dma_start3A_103 = arith.constant 4 : i32
    %dma_start3A_104 = arith.constant 0 : i32
    %dma_start3A_105 = arith.constant 0 : i32
    %dma_start3A_106 = tpu.memref_slice %arg7[%dma_start3A_102, %dma_start3A_104, %dma_start3A_105] : memref<8x1x64xi32, #tpu.memory_space<vmem>> -> memref<1x1x64xi32, #tpu.memory_space<vmem>>
    %dma_start3A_107 = tpu.memref_squeeze %dma_start3A_106 : memref<1x1x64xi32, #tpu.memory_space<vmem>> -> memref<1x64xi32, #tpu.memory_space<vmem>>
    %dma_start3A_108 = arith.constant 0 : i32
    %dma_start3A_109 = arith.constant 0 : i32
    %dma_start3A_110 = tpu.memref_slice %arg2[%add3A_101, %dma_start3A_108, %dma_start3A_109] : memref<5120x1x64xi32, #tpu.memory_space<hbm>> -> memref<1x1x64xi32, #tpu.memory_space<hbm>>
    %dma_start3A_111 = tpu.memref_squeeze %dma_start3A_110 : memref<1x1x64xi32, #tpu.memory_space<hbm>> -> memref<1x64xi32, #tpu.memory_space<hbm>>
    %dma_start3A_112 = tpu.memref_slice %arg13[%dma_start3A_103] : memref<8x!tpu.dma_semaphore, #tpu.memory_space<semaphore_mem>> -> memref<1x!tpu.dma_semaphore, #tpu.memory_space<semaphore_mem>>
    %dma_start3A_113 = tpu.memref_squeeze %dma_start3A_112 : memref<1x!tpu.dma_semaphore, #tpu.memory_space<semaphore_mem>> -> memref<!tpu.dma_semaphore, #tpu.memory_space<semaphore_mem>>
    %dma_start3A_114 = arith.constant 0 : i32
    %dma_start3A_115 = arith.constant 0 : i32
    %dma_start3A_116 = tpu.memref_slice %arg7[%dma_start3A_102, %dma_start3A_114, %dma_start3A_115] : memref<8x1x64xi32, #tpu.memory_space<vmem>> -> memref<1x1x64xi32, #tpu.memory_space<vmem>>
    %dma_start3A_117 = tpu.memref_squeeze %dma_start3A_116 : memref<1x1x64xi32, #tpu.memory_space<vmem>> -> memref<1x64xi32, #tpu.memory_space<vmem>>
    %dma_start3A_118 = arith.constant 0 : i32
    %dma_start3A_119 = arith.constant 0 : i32
    %dma_start3A_120 = tpu.memref_slice %arg2[%add3A_101, %dma_start3A_118, %dma_start3A_119] : memref<5120x1x64xi32, #tpu.memory_space<hbm>> -> memref<1x1x64xi32, #tpu.memory_space<hbm>>
    %dma_start3A_121 = tpu.memref_squeeze %dma_start3A_120 : memref<1x1x64xi32, #tpu.memory_space<hbm>> -> memref<1x64xi32, #tpu.memory_space<hbm>>
    tpu.enqueue_dma source(%dma_start3A_121 : memref<1x64xi32, #tpu.memory_space<hbm>>) target(%dma_start3A_117 : memref<1x64xi32, #tpu.memory_space<vmem>>) target_semaphore(%dma_start3A_113 : memref<!tpu.dma_semaphore, #tpu.memory_space<semaphore_mem>>)
    %mul3A_122 = arith.constant 160 : i32
    %mul3A_123 = arith.muli %add3A, %mul3A_122 : i32
    %add3A_124 = arith.constant 5 : i32
    %add3A_125 = arith.addi %mul3A_123, %add3A_124 : i32
    %dma_start3A_126 = arith.constant 5 : i32
    %dma_start3A_127 = arith.constant 5 : i32
    %dma_start3A_128 = arith.constant 0 : i32
    %dma_start3A_129 = arith.constant 0 : i32
    %dma_start3A_130 = tpu.memref_slice %arg7[%dma_start3A_126, %dma_start3A_128, %dma_start3A_129] : memref<8x1x64xi32, #tpu.memory_space<vmem>> -> memref<1x1x64xi32, #tpu.memory_space<vmem>>
    %dma_start3A_131 = tpu.memref_squeeze %dma_start3A_130 : memref<1x1x64xi32, #tpu.memory_space<vmem>> -> memref<1x64xi32, #tpu.memory_space<vmem>>
    %dma_start3A_132 = arith.constant 0 : i32
    %dma_start3A_133 = arith.constant 0 : i32
    %dma_start3A_134 = tpu.memref_slice %arg2[%add3A_125, %dma_start3A_132, %dma_start3A_133] : memref<5120x1x64xi32, #tpu.memory_space<hbm>> -> memref<1x1x64xi32, #tpu.memory_space<hbm>>
    %dma_start3A_135 = tpu.memref_squeeze %dma_start3A_134 : memref<1x1x64xi32, #tpu.memory_space<hbm>> -> memref<1x64xi32, #tpu.memory_space<hbm>>
    %dma_start3A_136 = tpu.memref_slice %arg13[%dma_start3A_127] : memref<8x!tpu.dma_semaphore, #tpu.memory_space<semaphore_mem>> -> memref<1x!tpu.dma_semaphore, #tpu.memory_space<semaphore_mem>>
    %dma_start3A_137 = tpu.memref_squeeze %dma_start3A_136 : memref<1x!tpu.dma_semaphore, #tpu.memory_space<semaphore_mem>> -> memref<!tpu.dma_semaphore, #tpu.memory_space<semaphore_mem>>
    %dma_start3A_138 = arith.constant 0 : i32
    %dma_start3A_139 = arith.constant 0 : i32
    %dma_start3A_140 = tpu.memref_slice %arg7[%dma_start3A_126, %dma_start3A_138, %dma_start3A_139] : memref<8x1x64xi32, #tpu.memory_space<vmem>> -> memref<1x1x64xi32, #tpu.memory_space<vmem>>
    %dma_start3A_141 = tpu.memref_squeeze %dma_start3A_140 : memref<1x1x64xi32, #tpu.memory_space<vmem>> -> memref<1x64xi32, #tpu.memory_space<vmem>>
    %dma_start3A_142 = arith.constant 0 : i32
    %dma_start3A_143 = arith.constant 0 : i32
    %dma_start3A_144 = tpu.memref_slice %arg2[%add3A_125, %dma_start3A_142, %dma_start3A_143] : memref<5120x1x64xi32, #tpu.memory_space<hbm>> -> memref<1x1x64xi32, #tpu.memory_space<hbm>>
    %dma_start3A_145 = tpu.memref_squeeze %dma_start3A_144 : memref<1x1x64xi32, #tpu.memory_space<hbm>> -> memref<1x64xi32, #tpu.memory_space<hbm>>
    tpu.enqueue_dma source(%dma_start3A_145 : memref<1x64xi32, #tpu.memory_space<hbm>>) target(%dma_start3A_141 : memref<1x64xi32, #tpu.memory_space<vmem>>) target_semaphore(%dma_start3A_137 : memref<!tpu.dma_semaphore, #tpu.memory_space<semaphore_mem>>)
    %mul3A_146 = arith.constant 160 : i32
    %mul3A_147 = arith.muli %add3A, %mul3A_146 : i32
    %add3A_148 = arith.constant 6 : i32
    %add3A_149 = arith.addi %mul3A_147, %add3A_148 : i32
    %dma_start3A_150 = arith.constant 6 : i32
    %dma_start3A_151 = arith.constant 6 : i32
    %dma_start3A_152 = arith.constant 0 : i32
    %dma_start3A_153 = arith.constant 0 : i32
    %dma_start3A_154 = tpu.memref_slice %arg7[%dma_start3A_150, %dma_start3A_152, %dma_start3A_153] : memref<8x1x64xi32, #tpu.memory_space<vmem>> -> memref<1x1x64xi32, #tpu.memory_space<vmem>>
    %dma_start3A_155 = tpu.memref_squeeze %dma_start3A_154 : memref<1x1x64xi32, #tpu.memory_space<vmem>> -> memref<1x64xi32, #tpu.memory_space<vmem>>
    %dma_start3A_156 = arith.constant 0 : i32
    %dma_start3A_157 = arith.constant 0 : i32
    %dma_start3A_158 = tpu.memref_slice %arg2[%add3A_149, %dma_start3A_156, %dma_start3A_157] : memref<5120x1x64xi32, #tpu.memory_space<hbm>> -> memref<1x1x64xi32, #tpu.memory_space<hbm>>
    %dma_start3A_159 = tpu.memref_squeeze %dma_start3A_158 : memref<1x1x64xi32, #tpu.memory_space<hbm>> -> memref<1x64xi32, #tpu.memory_space<hbm>>
    %dma_start3A_160 = tpu.memref_slice %arg13[%dma_start3A_151] : memref<8x!tpu.dma_semaphore, #tpu.memory_space<semaphore_mem>> -> memref<1x!tpu.dma_semaphore, #tpu.memory_space<semaphore_mem>>
    %dma_start3A_161 = tpu.memref_squeeze %dma_start3A_160 : memref<1x!tpu.dma_semaphore, #tpu.memory_space<semaphore_mem>> -> memref<!tpu.dma_semaphore, #tpu.memory_space<semaphore_mem>>
    %dma_start3A_162 = arith.constant 0 : i32
    %dma_start3A_163 = arith.constant 0 : i32
    %dma_start3A_164 = tpu.memref_slice %arg7[%dma_start3A_150, %dma_start3A_162, %dma_start3A_163] : memref<8x1x64xi32, #tpu.memory_space<vmem>> -> memref<1x1x64xi32, #tpu.memory_space<vmem>>
    %dma_start3A_165 = tpu.memref_squeeze %dma_start3A_164 : memref<1x1x64xi32, #tpu.memory_space<vmem>> -> memref<1x64xi32, #tpu.memory_space<vmem>>
    %dma_start3A_166 = arith.constant 0 : i32
    %dma_start3A_167 = arith.constant 0 : i32
    %dma_start3A_168 = tpu.memref_slice %arg2[%add3A_149, %dma_start3A_166, %dma_start3A_167] : memref<5120x1x64xi32, #tpu.memory_space<hbm>> -> memref<1x1x64xi32, #tpu.memory_space<hbm>>
    %dma_start3A_169 = tpu.memref_squeeze %dma_start3A_168 : memref<1x1x64xi32, #tpu.memory_space<hbm>> -> memref<1x64xi32, #tpu.memory_space<hbm>>
    tpu.enqueue_dma source(%dma_start3A_169 : memref<1x64xi32, #tpu.memory_space<hbm>>) target(%dma_start3A_165 : memref<1x64xi32, #tpu.memory_space<vmem>>) target_semaphore(%dma_start3A_161 : memref<!tpu.dma_semaphore, #tpu.memory_space<semaphore_mem>>)
    %mul3A_170 = arith.constant 160 : i32
    %mul3A_171 = arith.muli %add3A, %mul3A_170 : i32
    %add3A_172 = arith.constant 7 : i32
    %add3A_173 = arith.addi %mul3A_171, %add3A_172 : i32
    %dma_start3A_174 = arith.constant 7 : i32
    %dma_start3A_175 = arith.constant 7 : i32
    %dma_start3A_176 = arith.constant 0 : i32
    %dma_start3A_177 = arith.constant 0 : i32
    %dma_start3A_178 = tpu.memref_slice %arg7[%dma_start3A_174, %dma_start3A_176, %dma_start3A_177] : memref<8x1x64xi32, #tpu.memory_space<vmem>> -> memref<1x1x64xi32, #tpu.memory_space<vmem>>
    %dma_start3A_179 = tpu.memref_squeeze %dma_start3A_178 : memref<1x1x64xi32, #tpu.memory_space<vmem>> -> memref<1x64xi32, #tpu.memory_space<vmem>>
    %dma_start3A_180 = arith.constant 0 : i32
    %dma_start3A_181 = arith.constant 0 : i32
    %dma_start3A_182 = tpu.memref_slice %arg2[%add3A_173, %dma_start3A_180, %dma_start3A_181] : memref<5120x1x64xi32, #tpu.memory_space<hbm>> -> memref<1x1x64xi32, #tpu.memory_space<hbm>>
    %dma_start3A_183 = tpu.memref_squeeze %dma_start3A_182 : memref<1x1x64xi32, #tpu.memory_space<hbm>> -> memref<1x64xi32, #tpu.memory_space<hbm>>
    %dma_start3A_184 = tpu.memref_slice %arg13[%dma_start3A_175] : memref<8x!tpu.dma_semaphore, #tpu.memory_space<semaphore_mem>> -> memref<1x!tpu.dma_semaphore, #tpu.memory_space<semaphore_mem>>
    %dma_start3A_185 = tpu.memref_squeeze %dma_start3A_184 : memref<1x!tpu.dma_semaphore, #tpu.memory_space<semaphore_mem>> -> memref<!tpu.dma_semaphore, #tpu.memory_space<semaphore_mem>>
    %dma_start3A_186 = arith.constant 0 : i32
    %dma_start3A_187 = arith.constant 0 : i32
    %dma_start3A_188 = tpu.memref_slice %arg7[%dma_start3A_174, %dma_start3A_186, %dma_start3A_187] : memref<8x1x64xi32, #tpu.memory_space<vmem>> -> memref<1x1x64xi32, #tpu.memory_space<vmem>>
    %dma_start3A_189 = tpu.memref_squeeze %dma_start3A_188 : memref<1x1x64xi32, #tpu.memory_space<vmem>> -> memref<1x64xi32, #tpu.memory_space<vmem>>
    %dma_start3A_190 = arith.constant 0 : i32
    %dma_start3A_191 = arith.constant 0 : i32
    %dma_start3A_192 = tpu.memref_slice %arg2[%add3A_173, %dma_start3A_190, %dma_start3A_191] : memref<5120x1x64xi32, #tpu.memory_space<hbm>> -> memref<1x1x64xi32, #tpu.memory_space<hbm>>
    %dma_start3A_193 = tpu.memref_squeeze %dma_start3A_192 : memref<1x1x64xi32, #tpu.memory_space<hbm>> -> memref<1x64xi32, #tpu.memory_space<hbm>>
    tpu.enqueue_dma source(%dma_start3A_193 : memref<1x64xi32, #tpu.memory_space<hbm>>) target(%dma_start3A_189 : memref<1x64xi32, #tpu.memory_space<vmem>>) target_semaphore(%dma_start3A_185 : memref<!tpu.dma_semaphore, #tpu.memory_space<semaphore_mem>>)
    %mul3A_194 = arith.constant 160 : i32
    %mul3A_195 = arith.muli %add3A, %mul3A_194 : i32
    %add3A_196 = arith.constant 0 : i32
    %add3A_197 = arith.addi %mul3A_195, %add3A_196 : i32
    %dma_wait3A = arith.constant 0 : i32
    %dma_wait3A_198 = arith.constant 0 : i32
    %dma_wait3A_199 = arith.constant 0 : i32
    %dma_wait3A_200 = arith.constant 0 : i32
    %dma_wait3A_201 = tpu.memref_slice %arg7[%dma_wait3A, %dma_wait3A_199, %dma_wait3A_200] : memref<8x1x64xi32, #tpu.memory_space<vmem>> -> memref<1x1x64xi32, #tpu.memory_space<vmem>>
    %dma_wait3A_202 = tpu.memref_squeeze %dma_wait3A_201 : memref<1x1x64xi32, #tpu.memory_space<vmem>> -> memref<1x64xi32, #tpu.memory_space<vmem>>
    %dma_wait3A_203 = arith.constant 0 : i32
    %dma_wait3A_204 = arith.constant 0 : i32
    %dma_wait3A_205 = tpu.memref_slice %arg2[%add3A_197, %dma_wait3A_203, %dma_wait3A_204] : memref<5120x1x64xi32, #tpu.memory_space<hbm>> -> memref<1x1x64xi32, #tpu.memory_space<hbm>>
    %dma_wait3A_206 = tpu.memref_squeeze %dma_wait3A_205 : memref<1x1x64xi32, #tpu.memory_space<hbm>> -> memref<1x64xi32, #tpu.memory_space<hbm>>
    %dma_wait3A_207 = tpu.memref_slice %arg13[%dma_wait3A_198] : memref<8x!tpu.dma_semaphore, #tpu.memory_space<semaphore_mem>> -> memref<1x!tpu.dma_semaphore, #tpu.memory_space<semaphore_mem>>
    %dma_wait3A_208 = tpu.memref_squeeze %dma_wait3A_207 : memref<1x!tpu.dma_semaphore, #tpu.memory_space<semaphore_mem>> -> memref<!tpu.dma_semaphore, #tpu.memory_space<semaphore_mem>>
    %dma_wait3A_209 = arith.constant 0 : i32
    %dma_wait3A_210 = arith.constant 0 : i32
    %dma_wait3A_211 = tpu.memref_slice %arg7[%dma_wait3A, %dma_wait3A_209, %dma_wait3A_210] : memref<8x1x64xi32, #tpu.memory_space<vmem>> -> memref<1x1x64xi32, #tpu.memory_space<vmem>>
    %dma_wait3A_212 = tpu.memref_squeeze %dma_wait3A_211 : memref<1x1x64xi32, #tpu.memory_space<vmem>> -> memref<1x64xi32, #tpu.memory_space<vmem>>
    %dma_wait3A_213 = arith.constant 0 : i32
    %dma_wait3A_214 = arith.constant 0 : i32
    %dma_wait3A_215 = tpu.memref_slice %arg2[%add3A_197, %dma_wait3A_213, %dma_wait3A_214] : memref<5120x1x64xi32, #tpu.memory_space<hbm>> -> memref<1x1x64xi32, #tpu.memory_space<hbm>>
    %dma_wait3A_216 = tpu.memref_squeeze %dma_wait3A_215 : memref<1x1x64xi32, #tpu.memory_space<hbm>> -> memref<1x64xi32, #tpu.memory_space<hbm>>
    tpu.wait_dma2 semaphore(%dma_wait3A_208 : memref<!tpu.dma_semaphore, #tpu.memory_space<semaphore_mem>>) src(%dma_wait3A_216 : memref<1x64xi32, #tpu.memory_space<hbm>>) dst(%dma_wait3A_212 : memref<1x64xi32, #tpu.memory_space<vmem>>)
    %dma_start3A_217 = arith.constant 0 : i32
    %dma_start3A_218 = arith.constant 0 : i32
    %dma_start3A_219 = arith.constant 0 : i32
    %dma_start3A_220 = arith.constant 0 : i32
    %dma_start3A_221 = arith.constant 0 : i32
    %dma_start3A_222 = tpu.memref_slice %arg9[%dma_start3A_220, %dma_start3A_221] : memref<128x128xf32, #tpu.memory_space<vmem>> -> memref<64x128xf32, #tpu.memory_space<vmem>>
    %dma_start3A_223 = arith.constant 0 : i32
    %dma_start3A_224 = tpu.memref_slice %arg7[%dma_start3A_217, %dma_start3A_218, %dma_start3A_223] : memref<8x1x64xi32, #tpu.memory_space<vmem>> -> memref<1x1x64xi32, #tpu.memory_space<vmem>>
    %dma_start3A_225 = tpu.memref_squeeze %dma_start3A_224 : memref<1x1x64xi32, #tpu.memory_space<vmem>> -> memref<64xi32, #tpu.memory_space<vmem>>
    %dma_start3A_226 = arith.constant 0 : i32
    %dma_start3A_227 = arith.constant 0 : i32
    %dma_start3A_228 = tpu.memref_slice %arg4[%dma_start3A_226, %dma_start3A_227] : memref<270000x128xf32, #tpu.memory_space<hbm>> -> memref<270000x128xf32, #tpu.memory_space<hbm>>
    %dma_start3A_229 = tpu.memref_slice %arg12[%dma_start3A_219] : memref<4x!tpu.dma_semaphore, #tpu.memory_space<semaphore_mem>> -> memref<1x!tpu.dma_semaphore, #tpu.memory_space<semaphore_mem>>
    %dma_start3A_230 = tpu.memref_squeeze %dma_start3A_229 : memref<1x!tpu.dma_semaphore, #tpu.memory_space<semaphore_mem>> -> memref<!tpu.dma_semaphore, #tpu.memory_space<semaphore_mem>>
    tpu.enqueue_indirect_dma source(%dma_start3A_228 : memref<270000x128xf32, #tpu.memory_space<hbm>>) target(%dma_start3A_222 : memref<64x128xf32, #tpu.memory_space<vmem>>) offsets(%dma_start3A_225 : memref<64xi32, #tpu.memory_space<vmem>>) semaphore(%dma_start3A_230 : memref<!tpu.dma_semaphore, #tpu.memory_space<semaphore_mem>>)
    %mul3A_231 = arith.constant 160 : i32
    %mul3A_232 = arith.muli %add3A, %mul3A_231 : i32
    %add3A_233 = arith.constant 1 : i32
    %add3A_234 = arith.addi %mul3A_232, %add3A_233 : i32
    %dma_wait3A_235 = arith.constant 1 : i32
    %dma_wait3A_236 = arith.constant 1 : i32
    %dma_wait3A_237 = arith.constant 0 : i32
    %dma_wait3A_238 = arith.constant 0 : i32
    %dma_wait3A_239 = tpu.memref_slice %arg7[%dma_wait3A_235, %dma_wait3A_237, %dma_wait3A_238] : memref<8x1x64xi32, #tpu.memory_space<vmem>> -> memref<1x1x64xi32, #tpu.memory_space<vmem>>
    %dma_wait3A_240 = tpu.memref_squeeze %dma_wait3A_239 : memref<1x1x64xi32, #tpu.memory_space<vmem>> -> memref<1x64xi32, #tpu.memory_space<vmem>>
    %dma_wait3A_241 = arith.constant 0 : i32
    %dma_wait3A_242 = arith.constant 0 : i32
    %dma_wait3A_243 = tpu.memref_slice %arg2[%add3A_234, %dma_wait3A_241, %dma_wait3A_242] : memref<5120x1x64xi32, #tpu.memory_space<hbm>> -> memref<1x1x64xi32, #tpu.memory_space<hbm>>
    %dma_wait3A_244 = tpu.memref_squeeze %dma_wait3A_243 : memref<1x1x64xi32, #tpu.memory_space<hbm>> -> memref<1x64xi32, #tpu.memory_space<hbm>>
    %dma_wait3A_245 = tpu.memref_slice %arg13[%dma_wait3A_236] : memref<8x!tpu.dma_semaphore, #tpu.memory_space<semaphore_mem>> -> memref<1x!tpu.dma_semaphore, #tpu.memory_space<semaphore_mem>>
    %dma_wait3A_246 = tpu.memref_squeeze %dma_wait3A_245 : memref<1x!tpu.dma_semaphore, #tpu.memory_space<semaphore_mem>> -> memref<!tpu.dma_semaphore, #tpu.memory_space<semaphore_mem>>
    %dma_wait3A_247 = arith.constant 0 : i32
    %dma_wait3A_248 = arith.constant 0 : i32
    %dma_wait3A_249 = tpu.memref_slice %arg7[%dma_wait3A_235, %dma_wait3A_247, %dma_wait3A_248] : memref<8x1x64xi32, #tpu.memory_space<vmem>> -> memref<1x1x64xi32, #tpu.memory_space<vmem>>
    %dma_wait3A_250 = tpu.memref_squeeze %dma_wait3A_249 : memref<1x1x64xi32, #tpu.memory_space<vmem>> -> memref<1x64xi32, #tpu.memory_space<vmem>>
    %dma_wait3A_251 = arith.constant 0 : i32
    %dma_wait3A_252 = arith.constant 0 : i32
    %dma_wait3A_253 = tpu.memref_slice %arg2[%add3A_234, %dma_wait3A_251, %dma_wait3A_252] : memref<5120x1x64xi32, #tpu.memory_space<hbm>> -> memref<1x1x64xi32, #tpu.memory_space<hbm>>
    %dma_wait3A_254 = tpu.memref_squeeze %dma_wait3A_253 : memref<1x1x64xi32, #tpu.memory_space<hbm>> -> memref<1x64xi32, #tpu.memory_space<hbm>>
    tpu.wait_dma2 semaphore(%dma_wait3A_246 : memref<!tpu.dma_semaphore, #tpu.memory_space<semaphore_mem>>) src(%dma_wait3A_254 : memref<1x64xi32, #tpu.memory_space<hbm>>) dst(%dma_wait3A_250 : memref<1x64xi32, #tpu.memory_space<vmem>>)
    %dma_start3A_255 = arith.constant 1 : i32
    %dma_start3A_256 = arith.constant 0 : i32
    %dma_start3A_257 = arith.constant 1 : i32
    %dma_start3A_258 = arith.constant 64 : i32
    %dma_start3A_259 = arith.constant 0 : i32
    %dma_start3A_260 = tpu.memref_slice %arg9[%dma_start3A_258, %dma_start3A_259] : memref<128x128xf32, #tpu.memory_space<vmem>> -> memref<64x128xf32, #tpu.memory_space<vmem>>
    %dma_start3A_261 = arith.constant 0 : i32
    %dma_start3A_262 = tpu.memref_slice %arg7[%dma_start3A_255, %dma_start3A_256, %dma_start3A_261] : memref<8x1x64xi32, #tpu.memory_space<vmem>> -> memref<1x1x64xi32, #tpu.memory_space<vmem>>
    %dma_start3A_263 = tpu.memref_squeeze %dma_start3A_262 : memref<1x1x64xi32, #tpu.memory_space<vmem>> -> memref<64xi32, #tpu.memory_space<vmem>>
    %dma_start3A_264 = arith.constant 0 : i32
    %dma_start3A_265 = arith.constant 0 : i32
    %dma_start3A_266 = tpu.memref_slice %arg4[%dma_start3A_264, %dma_start3A_265] : memref<270000x128xf32, #tpu.memory_space<hbm>> -> memref<270000x128xf32, #tpu.memory_space<hbm>>
    %dma_start3A_267 = tpu.memref_slice %arg12[%dma_start3A_257] : memref<4x!tpu.dma_semaphore, #tpu.memory_space<semaphore_mem>> -> memref<1x!tpu.dma_semaphore, #tpu.memory_space<semaphore_mem>>
    %dma_start3A_268 = tpu.memref_squeeze %dma_start3A_267 : memref<1x!tpu.dma_semaphore, #tpu.memory_space<semaphore_mem>> -> memref<!tpu.dma_semaphore, #tpu.memory_space<semaphore_mem>>
    tpu.enqueue_indirect_dma source(%dma_start3A_266 : memref<270000x128xf32, #tpu.memory_space<hbm>>) target(%dma_start3A_260 : memref<64x128xf32, #tpu.memory_space<vmem>>) offsets(%dma_start3A_263 : memref<64xi32, #tpu.memory_space<vmem>>) semaphore(%dma_start3A_268 : memref<!tpu.dma_semaphore, #tpu.memory_space<semaphore_mem>>)
    %mul3A_269 = arith.constant 160 : i32
    %mul3A_270 = arith.muli %add3A, %mul3A_269 : i32
    %add3A_271 = arith.constant 2 : i32
    %add3A_272 = arith.addi %mul3A_270, %add3A_271 : i32
    %dma_wait3A_273 = arith.constant 2 : i32
    %dma_wait3A_274 = arith.constant 2 : i32
    %dma_wait3A_275 = arith.constant 0 : i32
    %dma_wait3A_276 = arith.constant 0 : i32
    %dma_wait3A_277 = tpu.memref_slice %arg7[%dma_wait3A_273, %dma_wait3A_275, %dma_wait3A_276] : memref<8x1x64xi32, #tpu.memory_space<vmem>> -> memref<1x1x64xi32, #tpu.memory_space<vmem>>
    %dma_wait3A_278 = tpu.memref_squeeze %dma_wait3A_277 : memref<1x1x64xi32, #tpu.memory_space<vmem>> -> memref<1x64xi32, #tpu.memory_space<vmem>>
    %dma_wait3A_279 = arith.constant 0 : i32
    %dma_wait3A_280 = arith.constant 0 : i32
    %dma_wait3A_281 = tpu.memref_slice %arg2[%add3A_272, %dma_wait3A_279, %dma_wait3A_280] : memref<5120x1x64xi32, #tpu.memory_space<hbm>> -> memref<1x1x64xi32, #tpu.memory_space<hbm>>
    %dma_wait3A_282 = tpu.memref_squeeze %dma_wait3A_281 : memref<1x1x64xi32, #tpu.memory_space<hbm>> -> memref<1x64xi32, #tpu.memory_space<hbm>>
    %dma_wait3A_283 = tpu.memref_slice %arg13[%dma_wait3A_274] : memref<8x!tpu.dma_semaphore, #tpu.memory_space<semaphore_mem>> -> memref<1x!tpu.dma_semaphore, #tpu.memory_space<semaphore_mem>>
    %dma_wait3A_284 = tpu.memref_squeeze %dma_wait3A_283 : memref<1x!tpu.dma_semaphore, #tpu.memory_space<semaphore_mem>> -> memref<!tpu.dma_semaphore, #tpu.memory_space<semaphore_mem>>
    %dma_wait3A_285 = arith.constant 0 : i32
    %dma_wait3A_286 = arith.constant 0 : i32
    %dma_wait3A_287 = tpu.memref_slice %arg7[%dma_wait3A_273, %dma_wait3A_285, %dma_wait3A_286] : memref<8x1x64xi32, #tpu.memory_space<vmem>> -> memref<1x1x64xi32, #tpu.memory_space<vmem>>
    %dma_wait3A_288 = tpu.memref_squeeze %dma_wait3A_287 : memref<1x1x64xi32, #tpu.memory_space<vmem>> -> memref<1x64xi32, #tpu.memory_space<vmem>>
    %dma_wait3A_289 = arith.constant 0 : i32
    %dma_wait3A_290 = arith.constant 0 : i32
    %dma_wait3A_291 = tpu.memref_slice %arg2[%add3A_272, %dma_wait3A_289, %dma_wait3A_290] : memref<5120x1x64xi32, #tpu.memory_space<hbm>> -> memref<1x1x64xi32, #tpu.memory_space<hbm>>
    %dma_wait3A_292 = tpu.memref_squeeze %dma_wait3A_291 : memref<1x1x64xi32, #tpu.memory_space<hbm>> -> memref<1x64xi32, #tpu.memory_space<hbm>>
    tpu.wait_dma2 semaphore(%dma_wait3A_284 : memref<!tpu.dma_semaphore, #tpu.memory_space<semaphore_mem>>) src(%dma_wait3A_292 : memref<1x64xi32, #tpu.memory_space<hbm>>) dst(%dma_wait3A_288 : memref<1x64xi32, #tpu.memory_space<vmem>>)
    %dma_start3A_293 = arith.constant 2 : i32
    %dma_start3A_294 = arith.constant 0 : i32
    %dma_start3A_295 = arith.constant 2 : i32
    %dma_start3A_296 = arith.constant 0 : i32
    %dma_start3A_297 = arith.constant 0 : i32
    %dma_start3A_298 = tpu.memref_slice %arg10[%dma_start3A_296, %dma_start3A_297] : memref<128x128xf32, #tpu.memory_space<vmem>> -> memref<64x128xf32, #tpu.memory_space<vmem>>
    %dma_start3A_299 = arith.constant 0 : i32
    %dma_start3A_300 = tpu.memref_slice %arg7[%dma_start3A_293, %dma_start3A_294, %dma_start3A_299] : memref<8x1x64xi32, #tpu.memory_space<vmem>> -> memref<1x1x64xi32, #tpu.memory_space<vmem>>
    %dma_start3A_301 = tpu.memref_squeeze %dma_start3A_300 : memref<1x1x64xi32, #tpu.memory_space<vmem>> -> memref<64xi32, #tpu.memory_space<vmem>>
    %dma_start3A_302 = arith.constant 0 : i32
    %dma_start3A_303 = arith.constant 0 : i32
    %dma_start3A_304 = tpu.memref_slice %arg4[%dma_start3A_302, %dma_start3A_303] : memref<270000x128xf32, #tpu.memory_space<hbm>> -> memref<270000x128xf32, #tpu.memory_space<hbm>>
    %dma_start3A_305 = tpu.memref_slice %arg12[%dma_start3A_295] : memref<4x!tpu.dma_semaphore, #tpu.memory_space<semaphore_mem>> -> memref<1x!tpu.dma_semaphore, #tpu.memory_space<semaphore_mem>>
    %dma_start3A_306 = tpu.memref_squeeze %dma_start3A_305 : memref<1x!tpu.dma_semaphore, #tpu.memory_space<semaphore_mem>> -> memref<!tpu.dma_semaphore, #tpu.memory_space<semaphore_mem>>
    tpu.enqueue_indirect_dma source(%dma_start3A_304 : memref<270000x128xf32, #tpu.memory_space<hbm>>) target(%dma_start3A_298 : memref<64x128xf32, #tpu.memory_space<vmem>>) offsets(%dma_start3A_301 : memref<64xi32, #tpu.memory_space<vmem>>) semaphore(%dma_start3A_306 : memref<!tpu.dma_semaphore, #tpu.memory_space<semaphore_mem>>)
    %mul3A_307 = arith.constant 160 : i32
    %mul3A_308 = arith.muli %add3A, %mul3A_307 : i32
    %add3A_309 = arith.constant 3 : i32
    %add3A_310 = arith.addi %mul3A_308, %add3A_309 : i32
    %dma_wait3A_311 = arith.constant 3 : i32
    %dma_wait3A_312 = arith.constant 3 : i32
    %dma_wait3A_313 = arith.constant 0 : i32
    %dma_wait3A_314 = arith.constant 0 : i32
    %dma_wait3A_315 = tpu.memref_slice %arg7[%dma_wait3A_311, %dma_wait3A_313, %dma_wait3A_314] : memref<8x1x64xi32, #tpu.memory_space<vmem>> -> memref<1x1x64xi32, #tpu.memory_space<vmem>>
    %dma_wait3A_316 = tpu.memref_squeeze %dma_wait3A_315 : memref<1x1x64xi32, #tpu.memory_space<vmem>> -> memref<1x64xi32, #tpu.memory_space<vmem>>
    %dma_wait3A_317 = arith.constant 0 : i32
    %dma_wait3A_318 = arith.constant 0 : i32
    %dma_wait3A_319 = tpu.memref_slice %arg2[%add3A_310, %dma_wait3A_317, %dma_wait3A_318] : memref<5120x1x64xi32, #tpu.memory_space<hbm>> -> memref<1x1x64xi32, #tpu.memory_space<hbm>>
    %dma_wait3A_320 = tpu.memref_squeeze %dma_wait3A_319 : memref<1x1x64xi32, #tpu.memory_space<hbm>> -> memref<1x64xi32, #tpu.memory_space<hbm>>
    %dma_wait3A_321 = tpu.memref_slice %arg13[%dma_wait3A_312] : memref<8x!tpu.dma_semaphore, #tpu.memory_space<semaphore_mem>> -> memref<1x!tpu.dma_semaphore, #tpu.memory_space<semaphore_mem>>
    %dma_wait3A_322 = tpu.memref_squeeze %dma_wait3A_321 : memref<1x!tpu.dma_semaphore, #tpu.memory_space<semaphore_mem>> -> memref<!tpu.dma_semaphore, #tpu.memory_space<semaphore_mem>>
    %dma_wait3A_323 = arith.constant 0 : i32
    %dma_wait3A_324 = arith.constant 0 : i32
    %dma_wait3A_325 = tpu.memref_slice %arg7[%dma_wait3A_311, %dma_wait3A_323, %dma_wait3A_324] : memref<8x1x64xi32, #tpu.memory_space<vmem>> -> memref<1x1x64xi32, #tpu.memory_space<vmem>>
    %dma_wait3A_326 = tpu.memref_squeeze %dma_wait3A_325 : memref<1x1x64xi32, #tpu.memory_space<vmem>> -> memref<1x64xi32, #tpu.memory_space<vmem>>
    %dma_wait3A_327 = arith.constant 0 : i32
    %dma_wait3A_328 = arith.constant 0 : i32
    %dma_wait3A_329 = tpu.memref_slice %arg2[%add3A_310, %dma_wait3A_327, %dma_wait3A_328] : memref<5120x1x64xi32, #tpu.memory_space<hbm>> -> memref<1x1x64xi32, #tpu.memory_space<hbm>>
    %dma_wait3A_330 = tpu.memref_squeeze %dma_wait3A_329 : memref<1x1x64xi32, #tpu.memory_space<hbm>> -> memref<1x64xi32, #tpu.memory_space<hbm>>
    tpu.wait_dma2 semaphore(%dma_wait3A_322 : memref<!tpu.dma_semaphore, #tpu.memory_space<semaphore_mem>>) src(%dma_wait3A_330 : memref<1x64xi32, #tpu.memory_space<hbm>>) dst(%dma_wait3A_326 : memref<1x64xi32, #tpu.memory_space<vmem>>)
    %dma_start3A_331 = arith.constant 3 : i32
    %dma_start3A_332 = arith.constant 0 : i32
    %dma_start3A_333 = arith.constant 3 : i32
    %dma_start3A_334 = arith.constant 64 : i32
    %dma_start3A_335 = arith.constant 0 : i32
    %dma_start3A_336 = tpu.memref_slice %arg10[%dma_start3A_334, %dma_start3A_335] : memref<128x128xf32, #tpu.memory_space<vmem>> -> memref<64x128xf32, #tpu.memory_space<vmem>>
    %dma_start3A_337 = arith.constant 0 : i32
    %dma_start3A_338 = tpu.memref_slice %arg7[%dma_start3A_331, %dma_start3A_332, %dma_start3A_337] : memref<8x1x64xi32, #tpu.memory_space<vmem>> -> memref<1x1x64xi32, #tpu.memory_space<vmem>>
    %dma_start3A_339 = tpu.memref_squeeze %dma_start3A_338 : memref<1x1x64xi32, #tpu.memory_space<vmem>> -> memref<64xi32, #tpu.memory_space<vmem>>
    %dma_start3A_340 = arith.constant 0 : i32
    %dma_start3A_341 = arith.constant 0 : i32
    %dma_start3A_342 = tpu.memref_slice %arg4[%dma_start3A_340, %dma_start3A_341] : memref<270000x128xf32, #tpu.memory_space<hbm>> -> memref<270000x128xf32, #tpu.memory_space<hbm>>
    %dma_start3A_343 = tpu.memref_slice %arg12[%dma_start3A_333] : memref<4x!tpu.dma_semaphore, #tpu.memory_space<semaphore_mem>> -> memref<1x!tpu.dma_semaphore, #tpu.memory_space<semaphore_mem>>
    %dma_start3A_344 = tpu.memref_squeeze %dma_start3A_343 : memref<1x!tpu.dma_semaphore, #tpu.memory_space<semaphore_mem>> -> memref<!tpu.dma_semaphore, #tpu.memory_space<semaphore_mem>>
    tpu.enqueue_indirect_dma source(%dma_start3A_342 : memref<270000x128xf32, #tpu.memory_space<hbm>>) target(%dma_start3A_336 : memref<64x128xf32, #tpu.memory_space<vmem>>) offsets(%dma_start3A_339 : memref<64xi32, #tpu.memory_space<vmem>>) semaphore(%dma_start3A_344 : memref<!tpu.dma_semaphore, #tpu.memory_space<semaphore_mem>>)
    %scan3A = arith.constant 0 : i32
    %scan3A_345 = arith.constant 0 : i32
    %scan3A_346 = arith.constant 20 : i32
    %scan3A_347 = arith.addi %scan3A_345, %scan3A_346 : i32
    %scan3A_348 = arith.constant 1 : i32
    scf.for %scan3A_351 = %scan3A_345 to %scan3A_347 step %scan3A_348  : i32 {
      %mul3A_352 = arith.constant 8 : i32
      %mul3A_353 = arith.muli %scan3A_351, %mul3A_352 : i32
      %add3A_354 = arith.constant 0 : i32
      %add3A_355 = arith.addi %mul3A_353, %add3A_354 : i32
      %dma_wait3A_356 = arith.constant 0 : i32
      %dma_wait3A_357 = arith.constant 0 : i32
      %dma_wait3A_358 = arith.constant 0 : i32
      %dma_wait3A_359 = arith.constant 0 : i32
      %dma_wait3A_360 = arith.constant 0 : i32
      %dma_wait3A_361 = tpu.memref_slice %arg9[%dma_wait3A_359, %dma_wait3A_360] : memref<128x128xf32, #tpu.memory_space<vmem>> -> memref<64x128xf32, #tpu.memory_space<vmem>>
      %dma_wait3A_362 = arith.constant 0 : i32
      %dma_wait3A_363 = tpu.memref_slice %arg7[%dma_wait3A_356, %dma_wait3A_357, %dma_wait3A_362] : memref<8x1x64xi32, #tpu.memory_space<vmem>> -> memref<1x1x64xi32, #tpu.memory_space<vmem>>
      %dma_wait3A_364 = tpu.memref_squeeze %dma_wait3A_363 : memref<1x1x64xi32, #tpu.memory_space<vmem>> -> memref<64xi32, #tpu.memory_space<vmem>>
      %dma_wait3A_365 = arith.constant 0 : i32
      %dma_wait3A_366 = arith.constant 0 : i32
      %dma_wait3A_367 = tpu.memref_slice %arg4[%dma_wait3A_365, %dma_wait3A_366] : memref<270000x128xf32, #tpu.memory_space<hbm>> -> memref<270000x128xf32, #tpu.memory_space<hbm>>
      %dma_wait3A_368 = tpu.memref_slice %arg12[%dma_wait3A_358] : memref<4x!tpu.dma_semaphore, #tpu.memory_space<semaphore_mem>> -> memref<1x!tpu.dma_semaphore, #tpu.memory_space<semaphore_mem>>
      %dma_wait3A_369 = tpu.memref_squeeze %dma_wait3A_368 : memref<1x!tpu.dma_semaphore, #tpu.memory_space<semaphore_mem>> -> memref<!tpu.dma_semaphore, #tpu.memory_space<semaphore_mem>>
      tpu.wait_indirect_dma semaphore(%dma_wait3A_369 : memref<!tpu.dma_semaphore, #tpu.memory_space<semaphore_mem>>) src(%dma_wait3A_367 : memref<270000x128xf32, #tpu.memory_space<hbm>>) dst(%dma_wait3A_361 : memref<64x128xf32, #tpu.memory_space<vmem>>)
      %add3A_370 = arith.constant 8 : i32
      %add3A_371 = arith.addi %add3A_355, %add3A_370 : i32
      %lt3A = arith.constant 160 : i32
      %lt3A_372 = arith.cmpi slt, %add3A_371, %lt3A : i32
      %convert_element_type3A = arith.extui %lt3A_372 : i1 to i32
      %cond3A = arith.constant 0 : i32
      %cond3A_373 = arith.cmpi ne, %convert_element_type3A, %cond3A : i32
      scf.if %cond3A_373 {
        %add3A_711 = arith.constant 8 : i32
        %add3A_712 = arith.addi %add3A_355, %add3A_711 : i32
        %mul3A_713 = arith.constant 160 : i32
        %mul3A_714 = arith.muli %add3A, %mul3A_713 : i32
        %add3A_715 = arith.addi %mul3A_714, %add3A_712 : i32
        %dma_start3A_716 = arith.constant 0 : i32
        %dma_start3A_717 = arith.constant 0 : i32
        %dma_start3A_718 = arith.constant 0 : i32
        %dma_start3A_719 = arith.constant 0 : i32
        %dma_start3A_720 = tpu.memref_slice %arg7[%dma_start3A_716, %dma_start3A_718, %dma_start3A_719] : memref<8x1x64xi32, #tpu.memory_space<vmem>> -> memref<1x1x64xi32, #tpu.memory_space<vmem>>
        %dma_start3A_721 = tpu.memref_squeeze %dma_start3A_720 : memref<1x1x64xi32, #tpu.memory_space<vmem>> -> memref<1x64xi32, #tpu.memory_space<vmem>>
        %dma_start3A_722 = arith.constant 0 : i32
        %dma_start3A_723 = arith.constant 0 : i32
        %dma_start3A_724 = tpu.memref_slice %arg2[%add3A_715, %dma_start3A_722, %dma_start3A_723] : memref<5120x1x64xi32, #tpu.memory_space<hbm>> -> memref<1x1x64xi32, #tpu.memory_space<hbm>>
        %dma_start3A_725 = tpu.memref_squeeze %dma_start3A_724 : memref<1x1x64xi32, #tpu.memory_space<hbm>> -> memref<1x64xi32, #tpu.memory_space<hbm>>
        %dma_start3A_726 = tpu.memref_slice %arg13[%dma_start3A_717] : memref<8x!tpu.dma_semaphore, #tpu.memory_space<semaphore_mem>> -> memref<1x!tpu.dma_semaphore, #tpu.memory_space<semaphore_mem>>
        %dma_start3A_727 = tpu.memref_squeeze %dma_start3A_726 : memref<1x!tpu.dma_semaphore, #tpu.memory_space<semaphore_mem>> -> memref<!tpu.dma_semaphore, #tpu.memory_space<semaphore_mem>>
        %dma_start3A_728 = arith.constant 0 : i32
        %dma_start3A_729 = arith.constant 0 : i32
        %dma_start3A_730 = tpu.memref_slice %arg7[%dma_start3A_716, %dma_start3A_728, %dma_start3A_729] : memref<8x1x64xi32, #tpu.memory_space<vmem>> -> memref<1x1x64xi32, #tpu.memory_space<vmem>>
        %dma_start3A_731 = tpu.memref_squeeze %dma_start3A_730 : memref<1x1x64xi32, #tpu.memory_space<vmem>> -> memref<1x64xi32, #tpu.memory_space<vmem>>
        %dma_start3A_732 = arith.constant 0 : i32
        %dma_start3A_733 = arith.constant 0 : i32
        %dma_start3A_734 = tpu.memref_slice %arg2[%add3A_715, %dma_start3A_732, %dma_start3A_733] : memref<5120x1x64xi32, #tpu.memory_space<hbm>> -> memref<1x1x64xi32, #tpu.memory_space<hbm>>
        %dma_start3A_735 = tpu.memref_squeeze %dma_start3A_734 : memref<1x1x64xi32, #tpu.memory_space<hbm>> -> memref<1x64xi32, #tpu.memory_space<hbm>>
        tpu.enqueue_dma source(%dma_start3A_735 : memref<1x64xi32, #tpu.memory_space<hbm>>) target(%dma_start3A_731 : memref<1x64xi32, #tpu.memory_space<vmem>>) target_semaphore(%dma_start3A_727 : memref<!tpu.dma_semaphore, #tpu.memory_space<semaphore_mem>>)
      } else {
      }
      %add3A_374 = arith.constant 1 : i32
      %add3A_375 = arith.addi %mul3A_353, %add3A_374 : i32
      %dma_wait3A_376 = arith.constant 1 : i32
      %dma_wait3A_377 = arith.constant 0 : i32
      %dma_wait3A_378 = arith.constant 1 : i32
      %dma_wait3A_379 = arith.constant 64 : i32
      %dma_wait3A_380 = arith.constant 0 : i32
      %dma_wait3A_381 = tpu.memref_slice %arg9[%dma_wait3A_379, %dma_wait3A_380] : memref<128x128xf32, #tpu.memory_space<vmem>> -> memref<64x128xf32, #tpu.memory_space<vmem>>
      %dma_wait3A_382 = arith.constant 0 : i32
      %dma_wait3A_383 = tpu.memref_slice %arg7[%dma_wait3A_376, %dma_wait3A_377, %dma_wait3A_382] : memref<8x1x64xi32, #tpu.memory_space<vmem>> -> memref<1x1x64xi32, #tpu.memory_space<vmem>>
      %dma_wait3A_384 = tpu.memref_squeeze %dma_wait3A_383 : memref<1x1x64xi32, #tpu.memory_space<vmem>> -> memref<64xi32, #tpu.memory_space<vmem>>
      %dma_wait3A_385 = arith.constant 0 : i32
      %dma_wait3A_386 = arith.constant 0 : i32
      %dma_wait3A_387 = tpu.memref_slice %arg4[%dma_wait3A_385, %dma_wait3A_386] : memref<270000x128xf32, #tpu.memory_space<hbm>> -> memref<270000x128xf32, #tpu.memory_space<hbm>>
      %dma_wait3A_388 = tpu.memref_slice %arg12[%dma_wait3A_378] : memref<4x!tpu.dma_semaphore, #tpu.memory_space<semaphore_mem>> -> memref<1x!tpu.dma_semaphore, #tpu.memory_space<semaphore_mem>>
      %dma_wait3A_389 = tpu.memref_squeeze %dma_wait3A_388 : memref<1x!tpu.dma_semaphore, #tpu.memory_space<semaphore_mem>> -> memref<!tpu.dma_semaphore, #tpu.memory_space<semaphore_mem>>
      tpu.wait_indirect_dma semaphore(%dma_wait3A_389 : memref<!tpu.dma_semaphore, #tpu.memory_space<semaphore_mem>>) src(%dma_wait3A_387 : memref<270000x128xf32, #tpu.memory_space<hbm>>) dst(%dma_wait3A_381 : memref<64x128xf32, #tpu.memory_space<vmem>>)
      %add3A_390 = arith.constant 8 : i32
      %add3A_391 = arith.addi %add3A_375, %add3A_390 : i32
      %lt3A_392 = arith.constant 160 : i32
      %lt3A_393 = arith.cmpi slt, %add3A_391, %lt3A_392 : i32
      %convert_element_type3A_394 = arith.extui %lt3A_393 : i1 to i32
      %cond3A_395 = arith.constant 0 : i32
      %cond3A_396 = arith.cmpi ne, %convert_element_type3A_394, %cond3A_395 : i32
      scf.if %cond3A_396 {
        %add3A_711 = arith.constant 8 : i32
        %add3A_712 = arith.addi %add3A_375, %add3A_711 : i32
        %mul3A_713 = arith.constant 160 : i32
        %mul3A_714 = arith.muli %add3A, %mul3A_713 : i32
        %add3A_715 = arith.addi %mul3A_714, %add3A_712 : i32
        %dma_start3A_716 = arith.constant 1 : i32
        %dma_start3A_717 = arith.constant 1 : i32
        %dma_start3A_718 = arith.constant 0 : i32
        %dma_start3A_719 = arith.constant 0 : i32
        %dma_start3A_720 = tpu.memref_slice %arg7[%dma_start3A_716, %dma_start3A_718, %dma_start3A_719] : memref<8x1x64xi32, #tpu.memory_space<vmem>> -> memref<1x1x64xi32, #tpu.memory_space<vmem>>
        %dma_start3A_721 = tpu.memref_squeeze %dma_start3A_720 : memref<1x1x64xi32, #tpu.memory_space<vmem>> -> memref<1x64xi32, #tpu.memory_space<vmem>>
        %dma_start3A_722 = arith.constant 0 : i32
        %dma_start3A_723 = arith.constant 0 : i32
        %dma_start3A_724 = tpu.memref_slice %arg2[%add3A_715, %dma_start3A_722, %dma_start3A_723] : memref<5120x1x64xi32, #tpu.memory_space<hbm>> -> memref<1x1x64xi32, #tpu.memory_space<hbm>>
        %dma_start3A_725 = tpu.memref_squeeze %dma_start3A_724 : memref<1x1x64xi32, #tpu.memory_space<hbm>> -> memref<1x64xi32, #tpu.memory_space<hbm>>
        %dma_start3A_726 = tpu.memref_slice %arg13[%dma_start3A_717] : memref<8x!tpu.dma_semaphore, #tpu.memory_space<semaphore_mem>> -> memref<1x!tpu.dma_semaphore, #tpu.memory_space<semaphore_mem>>
        %dma_start3A_727 = tpu.memref_squeeze %dma_start3A_726 : memref<1x!tpu.dma_semaphore, #tpu.memory_space<semaphore_mem>> -> memref<!tpu.dma_semaphore, #tpu.memory_space<semaphore_mem>>
        %dma_start3A_728 = arith.constant 0 : i32
        %dma_start3A_729 = arith.constant 0 : i32
        %dma_start3A_730 = tpu.memref_slice %arg7[%dma_start3A_716, %dma_start3A_728, %dma_start3A_729] : memref<8x1x64xi32, #tpu.memory_space<vmem>> -> memref<1x1x64xi32, #tpu.memory_space<vmem>>
        %dma_start3A_731 = tpu.memref_squeeze %dma_start3A_730 : memref<1x1x64xi32, #tpu.memory_space<vmem>> -> memref<1x64xi32, #tpu.memory_space<vmem>>
        %dma_start3A_732 = arith.constant 0 : i32
        %dma_start3A_733 = arith.constant 0 : i32
        %dma_start3A_734 = tpu.memref_slice %arg2[%add3A_715, %dma_start3A_732, %dma_start3A_733] : memref<5120x1x64xi32, #tpu.memory_space<hbm>> -> memref<1x1x64xi32, #tpu.memory_space<hbm>>
        %dma_start3A_735 = tpu.memref_squeeze %dma_start3A_734 : memref<1x1x64xi32, #tpu.memory_space<hbm>> -> memref<1x64xi32, #tpu.memory_space<hbm>>
        tpu.enqueue_dma source(%dma_start3A_735 : memref<1x64xi32, #tpu.memory_space<hbm>>) target(%dma_start3A_731 : memref<1x64xi32, #tpu.memory_space<vmem>>) target_semaphore(%dma_start3A_727 : memref<!tpu.dma_semaphore, #tpu.memory_space<semaphore_mem>>)
      } else {
      }
      %jit3A = arith.constant 2 : i32
      %div3A = arith.divsi %add3A_375, %jit3A : i32
      %sign3A = arith.constant 0 : i32
      %sign3A_397 = arith.cmpi sgt, %add3A_375, %sign3A : i32
      %sign3A_398 = arith.extui %sign3A_397 : i1 to i32
      %sign3A_399 = arith.constant 0 : i32
      %sign3A_400 = arith.cmpi slt, %add3A_375, %sign3A_399 : i32
      %sign3A_401 = arith.extui %sign3A_400 : i1 to i32
      %sign3A_402 = arith.subi %sign3A_398, %sign3A_401 : i32
      %sign3A_403 = arith.constant 0 : i32
      %sign3A_404 = arith.cmpi sgt, %jit3A, %sign3A_403 : i32
      %sign3A_405 = arith.extui %sign3A_404 : i1 to i32
      %sign3A_406 = arith.constant 0 : i32
      %sign3A_407 = arith.cmpi slt, %jit3A, %sign3A_406 : i32
      %sign3A_408 = arith.extui %sign3A_407 : i1 to i32
      %sign3A_409 = arith.subi %sign3A_405, %sign3A_408 : i32
      %ne3A = arith.cmpi ne, %sign3A_402, %sign3A_409 : i32
      %rem3A = arith.remsi %add3A_375, %jit3A : i32
      %ne3A_410 = arith.constant 0 : i32
      %ne3A_411 = arith.cmpi ne, %rem3A, %ne3A_410 : i32
      %and3A = arith.andi %ne3A, %ne3A_411 : i1
      %sub3A = arith.constant 1 : i32
      %sub3A_412 = arith.subi %div3A, %sub3A : i32
      %select_n3A = arith.select %and3A, %sub3A_412, %div3A : i32
      "tpu.region"() ({
        %run_scoped3A = tpu.sem_alloc : memref<!tpu.dma_semaphore, #tpu.memory_space<semaphore_mem>>
        %dma_start3A_711 = arith.constant 0 : i32
        %dma_start3A_712 = tpu.memref_slice %arg8[%select_n3A, %dma_start3A_711] : memref<80x128xi32, #tpu.memory_space<vmem>> -> memref<1x128xi32, #tpu.memory_space<vmem>>
        %dma_start3A_713 = tpu.memref_squeeze %dma_start3A_712 : memref<1x128xi32, #tpu.memory_space<vmem>> -> memref<128xi32, #tpu.memory_space<vmem>>
        %dma_start3A_714 = arith.constant 0 : i32
        %dma_start3A_715 = arith.constant 0 : i32
        %dma_start3A_716 = tpu.memref_slice %arg11[%dma_start3A_714, %dma_start3A_715] : memref<10112x128xf32, #tpu.memory_space<vmem_shared>> -> memref<10112x128xf32, #tpu.memory_space<vmem_shared>>
        tpu.enqueue_indirect_dma source(%arg9 : memref<128x128xf32, #tpu.memory_space<vmem>>) target(%dma_start3A_716 : memref<10112x128xf32, #tpu.memory_space<vmem_shared>>) offsets(%dma_start3A_713 : memref<128xi32, #tpu.memory_space<vmem>>) semaphore(%run_scoped3A : memref<!tpu.dma_semaphore, #tpu.memory_space<semaphore_mem>>) {add = true}
        %dma_wait3A_717 = arith.constant 0 : i32
        %dma_wait3A_718 = tpu.memref_slice %arg8[%select_n3A, %dma_wait3A_717] : memref<80x128xi32, #tpu.memory_space<vmem>> -> memref<1x128xi32, #tpu.memory_space<vmem>>
        %dma_wait3A_719 = tpu.memref_squeeze %dma_wait3A_718 : memref<1x128xi32, #tpu.memory_space<vmem>> -> memref<128xi32, #tpu.memory_space<vmem>>
        %dma_wait3A_720 = arith.constant 0 : i32
        %dma_wait3A_721 = arith.constant 0 : i32
        %dma_wait3A_722 = tpu.memref_slice %arg11[%dma_wait3A_720, %dma_wait3A_721] : memref<10112x128xf32, #tpu.memory_space<vmem_shared>> -> memref<10112x128xf32, #tpu.memory_space<vmem_shared>>
        tpu.wait_indirect_dma semaphore(%run_scoped3A : memref<!tpu.dma_semaphore, #tpu.memory_space<semaphore_mem>>) src(%arg9 : memref<128x128xf32, #tpu.memory_space<vmem>>) dst(%dma_wait3A_722 : memref<10112x128xf32, #tpu.memory_space<vmem_shared>>)
        tpu.yield
      }) : () -> ()
      %sub3A_413 = arith.constant 1 : i32
      %sub3A_414 = arith.subi %add3A_375, %sub3A_413 : i32
      %add3A_415 = arith.constant 0 : i32
      %add3A_416 = arith.addi %sub3A_414, %add3A_415 : i32
      %add3A_417 = arith.constant 4 : i32
      %add3A_418 = arith.addi %add3A_416, %add3A_417 : i32
      %lt3A_419 = arith.constant 160 : i32
      %lt3A_420 = arith.cmpi slt, %add3A_418, %lt3A_419 : i32
      %convert_element_type3A_421 = arith.extui %lt3A_420 : i1 to i32
      %cond3A_422 = arith.constant 0 : i32
      %cond3A_423 = arith.cmpi ne, %convert_element_type3A_421, %cond3A_422 : i32
      scf.if %cond3A_423 {
        %mul3A_711 = arith.constant 160 : i32
        %mul3A_712 = arith.muli %add3A, %mul3A_711 : i32
        %add3A_713 = arith.addi %mul3A_712, %add3A_418 : i32
        %dma_wait3A_714 = arith.constant 4 : i32
        %dma_wait3A_715 = arith.constant 4 : i32
        %dma_wait3A_716 = arith.constant 0 : i32
        %dma_wait3A_717 = arith.constant 0 : i32
        %dma_wait3A_718 = tpu.memref_slice %arg7[%dma_wait3A_714, %dma_wait3A_716, %dma_wait3A_717] : memref<8x1x64xi32, #tpu.memory_space<vmem>> -> memref<1x1x64xi32, #tpu.memory_space<vmem>>
        %dma_wait3A_719 = tpu.memref_squeeze %dma_wait3A_718 : memref<1x1x64xi32, #tpu.memory_space<vmem>> -> memref<1x64xi32, #tpu.memory_space<vmem>>
        %dma_wait3A_720 = arith.constant 0 : i32
        %dma_wait3A_721 = arith.constant 0 : i32
        %dma_wait3A_722 = tpu.memref_slice %arg2[%add3A_713, %dma_wait3A_720, %dma_wait3A_721] : memref<5120x1x64xi32, #tpu.memory_space<hbm>> -> memref<1x1x64xi32, #tpu.memory_space<hbm>>
        %dma_wait3A_723 = tpu.memref_squeeze %dma_wait3A_722 : memref<1x1x64xi32, #tpu.memory_space<hbm>> -> memref<1x64xi32, #tpu.memory_space<hbm>>
        %dma_wait3A_724 = tpu.memref_slice %arg13[%dma_wait3A_715] : memref<8x!tpu.dma_semaphore, #tpu.memory_space<semaphore_mem>> -> memref<1x!tpu.dma_semaphore, #tpu.memory_space<semaphore_mem>>
        %dma_wait3A_725 = tpu.memref_squeeze %dma_wait3A_724 : memref<1x!tpu.dma_semaphore, #tpu.memory_space<semaphore_mem>> -> memref<!tpu.dma_semaphore, #tpu.memory_space<semaphore_mem>>
        %dma_wait3A_726 = arith.constant 0 : i32
        %dma_wait3A_727 = arith.constant 0 : i32
        %dma_wait3A_728 = tpu.memref_slice %arg7[%dma_wait3A_714, %dma_wait3A_726, %dma_wait3A_727] : memref<8x1x64xi32, #tpu.memory_space<vmem>> -> memref<1x1x64xi32, #tpu.memory_space<vmem>>
        %dma_wait3A_729 = tpu.memref_squeeze %dma_wait3A_728 : memref<1x1x64xi32, #tpu.memory_space<vmem>> -> memref<1x64xi32, #tpu.memory_space<vmem>>
        %dma_wait3A_730 = arith.constant 0 : i32
        %dma_wait3A_731 = arith.constant 0 : i32
        %dma_wait3A_732 = tpu.memref_slice %arg2[%add3A_713, %dma_wait3A_730, %dma_wait3A_731] : memref<5120x1x64xi32, #tpu.memory_space<hbm>> -> memref<1x1x64xi32, #tpu.memory_space<hbm>>
        %dma_wait3A_733 = tpu.memref_squeeze %dma_wait3A_732 : memref<1x1x64xi32, #tpu.memory_space<hbm>> -> memref<1x64xi32, #tpu.memory_space<hbm>>
        tpu.wait_dma2 semaphore(%dma_wait3A_725 : memref<!tpu.dma_semaphore, #tpu.memory_space<semaphore_mem>>) src(%dma_wait3A_733 : memref<1x64xi32, #tpu.memory_space<hbm>>) dst(%dma_wait3A_729 : memref<1x64xi32, #tpu.memory_space<vmem>>)
        %dma_start3A_734 = arith.constant 4 : i32
        %dma_start3A_735 = arith.constant 0 : i32
        %dma_start3A_736 = arith.constant 0 : i32
        %dma_start3A_737 = arith.constant 0 : i32
        %dma_start3A_738 = arith.constant 0 : i32
        %dma_start3A_739 = tpu.memref_slice %arg9[%dma_start3A_737, %dma_start3A_738] : memref<128x128xf32, #tpu.memory_space<vmem>> -> memref<64x128xf32, #tpu.memory_space<vmem>>
        %dma_start3A_740 = arith.constant 0 : i32
        %dma_start3A_741 = tpu.memref_slice %arg7[%dma_start3A_734, %dma_start3A_735, %dma_start3A_740] : memref<8x1x64xi32, #tpu.memory_space<vmem>> -> memref<1x1x64xi32, #tpu.memory_space<vmem>>
        %dma_start3A_742 = tpu.memref_squeeze %dma_start3A_741 : memref<1x1x64xi32, #tpu.memory_space<vmem>> -> memref<64xi32, #tpu.memory_space<vmem>>
        %dma_start3A_743 = arith.constant 0 : i32
        %dma_start3A_744 = arith.constant 0 : i32
        %dma_start3A_745 = tpu.memref_slice %arg4[%dma_start3A_743, %dma_start3A_744] : memref<270000x128xf32, #tpu.memory_space<hbm>> -> memref<270000x128xf32, #tpu.memory_space<hbm>>
        %dma_start3A_746 = tpu.memref_slice %arg12[%dma_start3A_736] : memref<4x!tpu.dma_semaphore, #tpu.memory_space<semaphore_mem>> -> memref<1x!tpu.dma_semaphore, #tpu.memory_space<semaphore_mem>>
        %dma_start3A_747 = tpu.memref_squeeze %dma_start3A_746 : memref<1x!tpu.dma_semaphore, #tpu.memory_space<semaphore_mem>> -> memref<!tpu.dma_semaphore, #tpu.memory_space<semaphore_mem>>
        tpu.enqueue_indirect_dma source(%dma_start3A_745 : memref<270000x128xf32, #tpu.memory_space<hbm>>) target(%dma_start3A_739 : memref<64x128xf32, #tpu.memory_space<vmem>>) offsets(%dma_start3A_742 : memref<64xi32, #tpu.memory_space<vmem>>) semaphore(%dma_start3A_747 : memref<!tpu.dma_semaphore, #tpu.memory_space<semaphore_mem>>)
      } else {
      }
      %sub3A_424 = arith.constant 1 : i32
      %sub3A_425 = arith.subi %add3A_375, %sub3A_424 : i32
      %add3A_426 = arith.constant 1 : i32
      %add3A_427 = arith.addi %sub3A_425, %add3A_426 : i32
      %add3A_428 = arith.constant 4 : i32
      %add3A_429 = arith.addi %add3A_427, %add3A_428 : i32
      %lt3A_430 = arith.constant 160 : i32
      %lt3A_431 = arith.cmpi slt, %add3A_429, %lt3A_430 : i32
      %convert_element_type3A_432 = arith.extui %lt3A_431 : i1 to i32
      %cond3A_433 = arith.constant 0 : i32
      %cond3A_434 = arith.cmpi ne, %convert_element_type3A_432, %cond3A_433 : i32
      scf.if %cond3A_434 {
        %mul3A_711 = arith.constant 160 : i32
        %mul3A_712 = arith.muli %add3A, %mul3A_711 : i32
        %add3A_713 = arith.addi %mul3A_712, %add3A_429 : i32
        %dma_wait3A_714 = arith.constant 5 : i32
        %dma_wait3A_715 = arith.constant 5 : i32
        %dma_wait3A_716 = arith.constant 0 : i32
        %dma_wait3A_717 = arith.constant 0 : i32
        %dma_wait3A_718 = tpu.memref_slice %arg7[%dma_wait3A_714, %dma_wait3A_716, %dma_wait3A_717] : memref<8x1x64xi32, #tpu.memory_space<vmem>> -> memref<1x1x64xi32, #tpu.memory_space<vmem>>
        %dma_wait3A_719 = tpu.memref_squeeze %dma_wait3A_718 : memref<1x1x64xi32, #tpu.memory_space<vmem>> -> memref<1x64xi32, #tpu.memory_space<vmem>>
        %dma_wait3A_720 = arith.constant 0 : i32
        %dma_wait3A_721 = arith.constant 0 : i32
        %dma_wait3A_722 = tpu.memref_slice %arg2[%add3A_713, %dma_wait3A_720, %dma_wait3A_721] : memref<5120x1x64xi32, #tpu.memory_space<hbm>> -> memref<1x1x64xi32, #tpu.memory_space<hbm>>
        %dma_wait3A_723 = tpu.memref_squeeze %dma_wait3A_722 : memref<1x1x64xi32, #tpu.memory_space<hbm>> -> memref<1x64xi32, #tpu.memory_space<hbm>>
        %dma_wait3A_724 = tpu.memref_slice %arg13[%dma_wait3A_715] : memref<8x!tpu.dma_semaphore, #tpu.memory_space<semaphore_mem>> -> memref<1x!tpu.dma_semaphore, #tpu.memory_space<semaphore_mem>>
        %dma_wait3A_725 = tpu.memref_squeeze %dma_wait3A_724 : memref<1x!tpu.dma_semaphore, #tpu.memory_space<semaphore_mem>> -> memref<!tpu.dma_semaphore, #tpu.memory_space<semaphore_mem>>
        %dma_wait3A_726 = arith.constant 0 : i32
        %dma_wait3A_727 = arith.constant 0 : i32
        %dma_wait3A_728 = tpu.memref_slice %arg7[%dma_wait3A_714, %dma_wait3A_726, %dma_wait3A_727] : memref<8x1x64xi32, #tpu.memory_space<vmem>> -> memref<1x1x64xi32, #tpu.memory_space<vmem>>
        %dma_wait3A_729 = tpu.memref_squeeze %dma_wait3A_728 : memref<1x1x64xi32, #tpu.memory_space<vmem>> -> memref<1x64xi32, #tpu.memory_space<vmem>>
        %dma_wait3A_730 = arith.constant 0 : i32
        %dma_wait3A_731 = arith.constant 0 : i32
        %dma_wait3A_732 = tpu.memref_slice %arg2[%add3A_713, %dma_wait3A_730, %dma_wait3A_731] : memref<5120x1x64xi32, #tpu.memory_space<hbm>> -> memref<1x1x64xi32, #tpu.memory_space<hbm>>
        %dma_wait3A_733 = tpu.memref_squeeze %dma_wait3A_732 : memref<1x1x64xi32, #tpu.memory_space<hbm>> -> memref<1x64xi32, #tpu.memory_space<hbm>>
        tpu.wait_dma2 semaphore(%dma_wait3A_725 : memref<!tpu.dma_semaphore, #tpu.memory_space<semaphore_mem>>) src(%dma_wait3A_733 : memref<1x64xi32, #tpu.memory_space<hbm>>) dst(%dma_wait3A_729 : memref<1x64xi32, #tpu.memory_space<vmem>>)
        %dma_start3A_734 = arith.constant 5 : i32
        %dma_start3A_735 = arith.constant 0 : i32
        %dma_start3A_736 = arith.constant 1 : i32
        %dma_start3A_737 = arith.constant 64 : i32
        %dma_start3A_738 = arith.constant 0 : i32
        %dma_start3A_739 = tpu.memref_slice %arg9[%dma_start3A_737, %dma_start3A_738] : memref<128x128xf32, #tpu.memory_space<vmem>> -> memref<64x128xf32, #tpu.memory_space<vmem>>
        %dma_start3A_740 = arith.constant 0 : i32
        %dma_start3A_741 = tpu.memref_slice %arg7[%dma_start3A_734, %dma_start3A_735, %dma_start3A_740] : memref<8x1x64xi32, #tpu.memory_space<vmem>> -> memref<1x1x64xi32, #tpu.memory_space<vmem>>
        %dma_start3A_742 = tpu.memref_squeeze %dma_start3A_741 : memref<1x1x64xi32, #tpu.memory_space<vmem>> -> memref<64xi32, #tpu.memory_space<vmem>>
        %dma_start3A_743 = arith.constant 0 : i32
        %dma_start3A_744 = arith.constant 0 : i32
        %dma_start3A_745 = tpu.memref_slice %arg4[%dma_start3A_743, %dma_start3A_744] : memref<270000x128xf32, #tpu.memory_space<hbm>> -> memref<270000x128xf32, #tpu.memory_space<hbm>>
        %dma_start3A_746 = tpu.memref_slice %arg12[%dma_start3A_736] : memref<4x!tpu.dma_semaphore, #tpu.memory_space<semaphore_mem>> -> memref<1x!tpu.dma_semaphore, #tpu.memory_space<semaphore_mem>>
        %dma_start3A_747 = tpu.memref_squeeze %dma_start3A_746 : memref<1x!tpu.dma_semaphore, #tpu.memory_space<semaphore_mem>> -> memref<!tpu.dma_semaphore, #tpu.memory_space<semaphore_mem>>
        tpu.enqueue_indirect_dma source(%dma_start3A_745 : memref<270000x128xf32, #tpu.memory_space<hbm>>) target(%dma_start3A_739 : memref<64x128xf32, #tpu.memory_space<vmem>>) offsets(%dma_start3A_742 : memref<64xi32, #tpu.memory_space<vmem>>) semaphore(%dma_start3A_747 : memref<!tpu.dma_semaphore, #tpu.memory_space<semaphore_mem>>)
      } else {
      }
      %add3A_435 = arith.constant 2 : i32
      %add3A_436 = arith.addi %mul3A_353, %add3A_435 : i32
      %dma_wait3A_437 = arith.constant 2 : i32
      %dma_wait3A_438 = arith.constant 0 : i32
      %dma_wait3A_439 = arith.constant 2 : i32
      %dma_wait3A_440 = arith.constant 0 : i32
      %dma_wait3A_441 = arith.constant 0 : i32
      %dma_wait3A_442 = tpu.memref_slice %arg10[%dma_wait3A_440, %dma_wait3A_441] : memref<128x128xf32, #tpu.memory_space<vmem>> -> memref<64x128xf32, #tpu.memory_space<vmem>>
      %dma_wait3A_443 = arith.constant 0 : i32
      %dma_wait3A_444 = tpu.memref_slice %arg7[%dma_wait3A_437, %dma_wait3A_438, %dma_wait3A_443] : memref<8x1x64xi32, #tpu.memory_space<vmem>> -> memref<1x1x64xi32, #tpu.memory_space<vmem>>
      %dma_wait3A_445 = tpu.memref_squeeze %dma_wait3A_444 : memref<1x1x64xi32, #tpu.memory_space<vmem>> -> memref<64xi32, #tpu.memory_space<vmem>>
      %dma_wait3A_446 = arith.constant 0 : i32
      %dma_wait3A_447 = arith.constant 0 : i32
      %dma_wait3A_448 = tpu.memref_slice %arg4[%dma_wait3A_446, %dma_wait3A_447] : memref<270000x128xf32, #tpu.memory_space<hbm>> -> memref<270000x128xf32, #tpu.memory_space<hbm>>
      %dma_wait3A_449 = tpu.memref_slice %arg12[%dma_wait3A_439] : memref<4x!tpu.dma_semaphore, #tpu.memory_space<semaphore_mem>> -> memref<1x!tpu.dma_semaphore, #tpu.memory_space<semaphore_mem>>
      %dma_wait3A_450 = tpu.memref_squeeze %dma_wait3A_449 : memref<1x!tpu.dma_semaphore, #tpu.memory_space<semaphore_mem>> -> memref<!tpu.dma_semaphore, #tpu.memory_space<semaphore_mem>>
      tpu.wait_indirect_dma semaphore(%dma_wait3A_450 : memref<!tpu.dma_semaphore, #tpu.memory_space<semaphore_mem>>) src(%dma_wait3A_448 : memref<270000x128xf32, #tpu.memory_space<hbm>>) dst(%dma_wait3A_442 : memref<64x128xf32, #tpu.memory_space<vmem>>)
      %add3A_451 = arith.constant 8 : i32
      %add3A_452 = arith.addi %add3A_436, %add3A_451 : i32
      %lt3A_453 = arith.constant 160 : i32
      %lt3A_454 = arith.cmpi slt, %add3A_452, %lt3A_453 : i32
      %convert_element_type3A_455 = arith.extui %lt3A_454 : i1 to i32
      %cond3A_456 = arith.constant 0 : i32
      %cond3A_457 = arith.cmpi ne, %convert_element_type3A_455, %cond3A_456 : i32
      scf.if %cond3A_457 {
        %add3A_711 = arith.constant 8 : i32
        %add3A_712 = arith.addi %add3A_436, %add3A_711 : i32
        %mul3A_713 = arith.constant 160 : i32
        %mul3A_714 = arith.muli %add3A, %mul3A_713 : i32
        %add3A_715 = arith.addi %mul3A_714, %add3A_712 : i32
        %dma_start3A_716 = arith.constant 2 : i32
        %dma_start3A_717 = arith.constant 2 : i32
        %dma_start3A_718 = arith.constant 0 : i32
        %dma_start3A_719 = arith.constant 0 : i32
        %dma_start3A_720 = tpu.memref_slice %arg7[%dma_start3A_716, %dma_start3A_718, %dma_start3A_719] : memref<8x1x64xi32, #tpu.memory_space<vmem>> -> memref<1x1x64xi32, #tpu.memory_space<vmem>>
        %dma_start3A_721 = tpu.memref_squeeze %dma_start3A_720 : memref<1x1x64xi32, #tpu.memory_space<vmem>> -> memref<1x64xi32, #tpu.memory_space<vmem>>
        %dma_start3A_722 = arith.constant 0 : i32
        %dma_start3A_723 = arith.constant 0 : i32
        %dma_start3A_724 = tpu.memref_slice %arg2[%add3A_715, %dma_start3A_722, %dma_start3A_723] : memref<5120x1x64xi32, #tpu.memory_space<hbm>> -> memref<1x1x64xi32, #tpu.memory_space<hbm>>
        %dma_start3A_725 = tpu.memref_squeeze %dma_start3A_724 : memref<1x1x64xi32, #tpu.memory_space<hbm>> -> memref<1x64xi32, #tpu.memory_space<hbm>>
        %dma_start3A_726 = tpu.memref_slice %arg13[%dma_start3A_717] : memref<8x!tpu.dma_semaphore, #tpu.memory_space<semaphore_mem>> -> memref<1x!tpu.dma_semaphore, #tpu.memory_space<semaphore_mem>>
        %dma_start3A_727 = tpu.memref_squeeze %dma_start3A_726 : memref<1x!tpu.dma_semaphore, #tpu.memory_space<semaphore_mem>> -> memref<!tpu.dma_semaphore, #tpu.memory_space<semaphore_mem>>
        %dma_start3A_728 = arith.constant 0 : i32
        %dma_start3A_729 = arith.constant 0 : i32
        %dma_start3A_730 = tpu.memref_slice %arg7[%dma_start3A_716, %dma_start3A_728, %dma_start3A_729] : memref<8x1x64xi32, #tpu.memory_space<vmem>> -> memref<1x1x64xi32, #tpu.memory_space<vmem>>
        %dma_start3A_731 = tpu.memref_squeeze %dma_start3A_730 : memref<1x1x64xi32, #tpu.memory_space<vmem>> -> memref<1x64xi32, #tpu.memory_space<vmem>>
        %dma_start3A_732 = arith.constant 0 : i32
        %dma_start3A_733 = arith.constant 0 : i32
        %dma_start3A_734 = tpu.memref_slice %arg2[%add3A_715, %dma_start3A_732, %dma_start3A_733] : memref<5120x1x64xi32, #tpu.memory_space<hbm>> -> memref<1x1x64xi32, #tpu.memory_space<hbm>>
        %dma_start3A_735 = tpu.memref_squeeze %dma_start3A_734 : memref<1x1x64xi32, #tpu.memory_space<hbm>> -> memref<1x64xi32, #tpu.memory_space<hbm>>
        tpu.enqueue_dma source(%dma_start3A_735 : memref<1x64xi32, #tpu.memory_space<hbm>>) target(%dma_start3A_731 : memref<1x64xi32, #tpu.memory_space<vmem>>) target_semaphore(%dma_start3A_727 : memref<!tpu.dma_semaphore, #tpu.memory_space<semaphore_mem>>)
      } else {
      }
      %add3A_458 = arith.constant 3 : i32
      %add3A_459 = arith.addi %mul3A_353, %add3A_458 : i32
      %dma_wait3A_460 = arith.constant 3 : i32
      %dma_wait3A_461 = arith.constant 0 : i32
      %dma_wait3A_462 = arith.constant 3 : i32
      %dma_wait3A_463 = arith.constant 64 : i32
      %dma_wait3A_464 = arith.constant 0 : i32
      %dma_wait3A_465 = tpu.memref_slice %arg10[%dma_wait3A_463, %dma_wait3A_464] : memref<128x128xf32, #tpu.memory_space<vmem>> -> memref<64x128xf32, #tpu.memory_space<vmem>>
      %dma_wait3A_466 = arith.constant 0 : i32
      %dma_wait3A_467 = tpu.memref_slice %arg7[%dma_wait3A_460, %dma_wait3A_461, %dma_wait3A_466] : memref<8x1x64xi32, #tpu.memory_space<vmem>> -> memref<1x1x64xi32, #tpu.memory_space<vmem>>
      %dma_wait3A_468 = tpu.memref_squeeze %dma_wait3A_467 : memref<1x1x64xi32, #tpu.memory_space<vmem>> -> memref<64xi32, #tpu.memory_space<vmem>>
      %dma_wait3A_469 = arith.constant 0 : i32
      %dma_wait3A_470 = arith.constant 0 : i32
      %dma_wait3A_471 = tpu.memref_slice %arg4[%dma_wait3A_469, %dma_wait3A_470] : memref<270000x128xf32, #tpu.memory_space<hbm>> -> memref<270000x128xf32, #tpu.memory_space<hbm>>
      %dma_wait3A_472 = tpu.memref_slice %arg12[%dma_wait3A_462] : memref<4x!tpu.dma_semaphore, #tpu.memory_space<semaphore_mem>> -> memref<1x!tpu.dma_semaphore, #tpu.memory_space<semaphore_mem>>
      %dma_wait3A_473 = tpu.memref_squeeze %dma_wait3A_472 : memref<1x!tpu.dma_semaphore, #tpu.memory_space<semaphore_mem>> -> memref<!tpu.dma_semaphore, #tpu.memory_space<semaphore_mem>>
      tpu.wait_indirect_dma semaphore(%dma_wait3A_473 : memref<!tpu.dma_semaphore, #tpu.memory_space<semaphore_mem>>) src(%dma_wait3A_471 : memref<270000x128xf32, #tpu.memory_space<hbm>>) dst(%dma_wait3A_465 : memref<64x128xf32, #tpu.memory_space<vmem>>)
      %add3A_474 = arith.constant 8 : i32
      %add3A_475 = arith.addi %add3A_459, %add3A_474 : i32
      %lt3A_476 = arith.constant 160 : i32
      %lt3A_477 = arith.cmpi slt, %add3A_475, %lt3A_476 : i32
      %convert_element_type3A_478 = arith.extui %lt3A_477 : i1 to i32
      %cond3A_479 = arith.constant 0 : i32
      %cond3A_480 = arith.cmpi ne, %convert_element_type3A_478, %cond3A_479 : i32
      scf.if %cond3A_480 {
        %add3A_711 = arith.constant 8 : i32
        %add3A_712 = arith.addi %add3A_459, %add3A_711 : i32
        %mul3A_713 = arith.constant 160 : i32
        %mul3A_714 = arith.muli %add3A, %mul3A_713 : i32
        %add3A_715 = arith.addi %mul3A_714, %add3A_712 : i32
        %dma_start3A_716 = arith.constant 3 : i32
        %dma_start3A_717 = arith.constant 3 : i32
        %dma_start3A_718 = arith.constant 0 : i32
        %dma_start3A_719 = arith.constant 0 : i32
        %dma_start3A_720 = tpu.memref_slice %arg7[%dma_start3A_716, %dma_start3A_718, %dma_start3A_719] : memref<8x1x64xi32, #tpu.memory_space<vmem>> -> memref<1x1x64xi32, #tpu.memory_space<vmem>>
        %dma_start3A_721 = tpu.memref_squeeze %dma_start3A_720 : memref<1x1x64xi32, #tpu.memory_space<vmem>> -> memref<1x64xi32, #tpu.memory_space<vmem>>
        %dma_start3A_722 = arith.constant 0 : i32
        %dma_start3A_723 = arith.constant 0 : i32
        %dma_start3A_724 = tpu.memref_slice %arg2[%add3A_715, %dma_start3A_722, %dma_start3A_723] : memref<5120x1x64xi32, #tpu.memory_space<hbm>> -> memref<1x1x64xi32, #tpu.memory_space<hbm>>
        %dma_start3A_725 = tpu.memref_squeeze %dma_start3A_724 : memref<1x1x64xi32, #tpu.memory_space<hbm>> -> memref<1x64xi32, #tpu.memory_space<hbm>>
        %dma_start3A_726 = tpu.memref_slice %arg13[%dma_start3A_717] : memref<8x!tpu.dma_semaphore, #tpu.memory_space<semaphore_mem>> -> memref<1x!tpu.dma_semaphore, #tpu.memory_space<semaphore_mem>>
        %dma_start3A_727 = tpu.memref_squeeze %dma_start3A_726 : memref<1x!tpu.dma_semaphore, #tpu.memory_space<semaphore_mem>> -> memref<!tpu.dma_semaphore, #tpu.memory_space<semaphore_mem>>
        %dma_start3A_728 = arith.constant 0 : i32
        %dma_start3A_729 = arith.constant 0 : i32
        %dma_start3A_730 = tpu.memref_slice %arg7[%dma_start3A_716, %dma_start3A_728, %dma_start3A_729] : memref<8x1x64xi32, #tpu.memory_space<vmem>> -> memref<1x1x64xi32, #tpu.memory_space<vmem>>
        %dma_start3A_731 = tpu.memref_squeeze %dma_start3A_730 : memref<1x1x64xi32, #tpu.memory_space<vmem>> -> memref<1x64xi32, #tpu.memory_space<vmem>>
        %dma_start3A_732 = arith.constant 0 : i32
        %dma_start3A_733 = arith.constant 0 : i32
        %dma_start3A_734 = tpu.memref_slice %arg2[%add3A_715, %dma_start3A_732, %dma_start3A_733] : memref<5120x1x64xi32, #tpu.memory_space<hbm>> -> memref<1x1x64xi32, #tpu.memory_space<hbm>>
        %dma_start3A_735 = tpu.memref_squeeze %dma_start3A_734 : memref<1x1x64xi32, #tpu.memory_space<hbm>> -> memref<1x64xi32, #tpu.memory_space<hbm>>
        tpu.enqueue_dma source(%dma_start3A_735 : memref<1x64xi32, #tpu.memory_space<hbm>>) target(%dma_start3A_731 : memref<1x64xi32, #tpu.memory_space<vmem>>) target_semaphore(%dma_start3A_727 : memref<!tpu.dma_semaphore, #tpu.memory_space<semaphore_mem>>)
      } else {
      }
      %jit3A_481 = arith.constant 2 : i32
      %div3A_482 = arith.divsi %add3A_459, %jit3A_481 : i32
      %sign3A_483 = arith.constant 0 : i32
      %sign3A_484 = arith.cmpi sgt, %add3A_459, %sign3A_483 : i32
      %sign3A_485 = arith.extui %sign3A_484 : i1 to i32
      %sign3A_486 = arith.constant 0 : i32
      %sign3A_487 = arith.cmpi slt, %add3A_459, %sign3A_486 : i32
      %sign3A_488 = arith.extui %sign3A_487 : i1 to i32
      %sign3A_489 = arith.subi %sign3A_485, %sign3A_488 : i32
      %sign3A_490 = arith.constant 0 : i32
      %sign3A_491 = arith.cmpi sgt, %jit3A_481, %sign3A_490 : i32
      %sign3A_492 = arith.extui %sign3A_491 : i1 to i32
      %sign3A_493 = arith.constant 0 : i32
      %sign3A_494 = arith.cmpi slt, %jit3A_481, %sign3A_493 : i32
      %sign3A_495 = arith.extui %sign3A_494 : i1 to i32
      %sign3A_496 = arith.subi %sign3A_492, %sign3A_495 : i32
      %ne3A_497 = arith.cmpi ne, %sign3A_489, %sign3A_496 : i32
      %rem3A_498 = arith.remsi %add3A_459, %jit3A_481 : i32
      %ne3A_499 = arith.constant 0 : i32
      %ne3A_500 = arith.cmpi ne, %rem3A_498, %ne3A_499 : i32
      %and3A_501 = arith.andi %ne3A_497, %ne3A_500 : i1
      %sub3A_502 = arith.constant 1 : i32
      %sub3A_503 = arith.subi %div3A_482, %sub3A_502 : i32
      %select_n3A_504 = arith.select %and3A_501, %sub3A_503, %div3A_482 : i32
      "tpu.region"() ({
        %run_scoped3A = tpu.sem_alloc : memref<!tpu.dma_semaphore, #tpu.memory_space<semaphore_mem>>
        %dma_start3A_711 = arith.constant 0 : i32
        %dma_start3A_712 = tpu.memref_slice %arg8[%select_n3A_504, %dma_start3A_711] : memref<80x128xi32, #tpu.memory_space<vmem>> -> memref<1x128xi32, #tpu.memory_space<vmem>>
        %dma_start3A_713 = tpu.memref_squeeze %dma_start3A_712 : memref<1x128xi32, #tpu.memory_space<vmem>> -> memref<128xi32, #tpu.memory_space<vmem>>
        %dma_start3A_714 = arith.constant 0 : i32
        %dma_start3A_715 = arith.constant 0 : i32
        %dma_start3A_716 = tpu.memref_slice %arg11[%dma_start3A_714, %dma_start3A_715] : memref<10112x128xf32, #tpu.memory_space<vmem_shared>> -> memref<10112x128xf32, #tpu.memory_space<vmem_shared>>
        tpu.enqueue_indirect_dma source(%arg10 : memref<128x128xf32, #tpu.memory_space<vmem>>) target(%dma_start3A_716 : memref<10112x128xf32, #tpu.memory_space<vmem_shared>>) offsets(%dma_start3A_713 : memref<128xi32, #tpu.memory_space<vmem>>) semaphore(%run_scoped3A : memref<!tpu.dma_semaphore, #tpu.memory_space<semaphore_mem>>) {add = true}
        %dma_wait3A_717 = arith.constant 0 : i32
        %dma_wait3A_718 = tpu.memref_slice %arg8[%select_n3A_504, %dma_wait3A_717] : memref<80x128xi32, #tpu.memory_space<vmem>> -> memref<1x128xi32, #tpu.memory_space<vmem>>
        %dma_wait3A_719 = tpu.memref_squeeze %dma_wait3A_718 : memref<1x128xi32, #tpu.memory_space<vmem>> -> memref<128xi32, #tpu.memory_space<vmem>>
        %dma_wait3A_720 = arith.constant 0 : i32
        %dma_wait3A_721 = arith.constant 0 : i32
        %dma_wait3A_722 = tpu.memref_slice %arg11[%dma_wait3A_720, %dma_wait3A_721] : memref<10112x128xf32, #tpu.memory_space<vmem_shared>> -> memref<10112x128xf32, #tpu.memory_space<vmem_shared>>
        tpu.wait_indirect_dma semaphore(%run_scoped3A : memref<!tpu.dma_semaphore, #tpu.memory_space<semaphore_mem>>) src(%arg10 : memref<128x128xf32, #tpu.memory_space<vmem>>) dst(%dma_wait3A_722 : memref<10112x128xf32, #tpu.memory_space<vmem_shared>>)
        tpu.yield
      }) : () -> ()
      %sub3A_505 = arith.constant 1 : i32
      %sub3A_506 = arith.subi %add3A_459, %sub3A_505 : i32
      %add3A_507 = arith.constant 0 : i32
      %add3A_508 = arith.addi %sub3A_506, %add3A_507 : i32
      %add3A_509 = arith.constant 4 : i32
      %add3A_510 = arith.addi %add3A_508, %add3A_509 : i32
      %lt3A_511 = arith.constant 160 : i32
      %lt3A_512 = arith.cmpi slt, %add3A_510, %lt3A_511 : i32
      %convert_element_type3A_513 = arith.extui %lt3A_512 : i1 to i32
      %cond3A_514 = arith.constant 0 : i32
      %cond3A_515 = arith.cmpi ne, %convert_element_type3A_513, %cond3A_514 : i32
      scf.if %cond3A_515 {
        %mul3A_711 = arith.constant 160 : i32
        %mul3A_712 = arith.muli %add3A, %mul3A_711 : i32
        %add3A_713 = arith.addi %mul3A_712, %add3A_510 : i32
        %dma_wait3A_714 = arith.constant 6 : i32
        %dma_wait3A_715 = arith.constant 6 : i32
        %dma_wait3A_716 = arith.constant 0 : i32
        %dma_wait3A_717 = arith.constant 0 : i32
        %dma_wait3A_718 = tpu.memref_slice %arg7[%dma_wait3A_714, %dma_wait3A_716, %dma_wait3A_717] : memref<8x1x64xi32, #tpu.memory_space<vmem>> -> memref<1x1x64xi32, #tpu.memory_space<vmem>>
        %dma_wait3A_719 = tpu.memref_squeeze %dma_wait3A_718 : memref<1x1x64xi32, #tpu.memory_space<vmem>> -> memref<1x64xi32, #tpu.memory_space<vmem>>
        %dma_wait3A_720 = arith.constant 0 : i32
        %dma_wait3A_721 = arith.constant 0 : i32
        %dma_wait3A_722 = tpu.memref_slice %arg2[%add3A_713, %dma_wait3A_720, %dma_wait3A_721] : memref<5120x1x64xi32, #tpu.memory_space<hbm>> -> memref<1x1x64xi32, #tpu.memory_space<hbm>>
        %dma_wait3A_723 = tpu.memref_squeeze %dma_wait3A_722 : memref<1x1x64xi32, #tpu.memory_space<hbm>> -> memref<1x64xi32, #tpu.memory_space<hbm>>
        %dma_wait3A_724 = tpu.memref_slice %arg13[%dma_wait3A_715] : memref<8x!tpu.dma_semaphore, #tpu.memory_space<semaphore_mem>> -> memref<1x!tpu.dma_semaphore, #tpu.memory_space<semaphore_mem>>
        %dma_wait3A_725 = tpu.memref_squeeze %dma_wait3A_724 : memref<1x!tpu.dma_semaphore, #tpu.memory_space<semaphore_mem>> -> memref<!tpu.dma_semaphore, #tpu.memory_space<semaphore_mem>>
        %dma_wait3A_726 = arith.constant 0 : i32
        %dma_wait3A_727 = arith.constant 0 : i32
        %dma_wait3A_728 = tpu.memref_slice %arg7[%dma_wait3A_714, %dma_wait3A_726, %dma_wait3A_727] : memref<8x1x64xi32, #tpu.memory_space<vmem>> -> memref<1x1x64xi32, #tpu.memory_space<vmem>>
        %dma_wait3A_729 = tpu.memref_squeeze %dma_wait3A_728 : memref<1x1x64xi32, #tpu.memory_space<vmem>> -> memref<1x64xi32, #tpu.memory_space<vmem>>
        %dma_wait3A_730 = arith.constant 0 : i32
        %dma_wait3A_731 = arith.constant 0 : i32
        %dma_wait3A_732 = tpu.memref_slice %arg2[%add3A_713, %dma_wait3A_730, %dma_wait3A_731] : memref<5120x1x64xi32, #tpu.memory_space<hbm>> -> memref<1x1x64xi32, #tpu.memory_space<hbm>>
        %dma_wait3A_733 = tpu.memref_squeeze %dma_wait3A_732 : memref<1x1x64xi32, #tpu.memory_space<hbm>> -> memref<1x64xi32, #tpu.memory_space<hbm>>
        tpu.wait_dma2 semaphore(%dma_wait3A_725 : memref<!tpu.dma_semaphore, #tpu.memory_space<semaphore_mem>>) src(%dma_wait3A_733 : memref<1x64xi32, #tpu.memory_space<hbm>>) dst(%dma_wait3A_729 : memref<1x64xi32, #tpu.memory_space<vmem>>)
        %dma_start3A_734 = arith.constant 6 : i32
        %dma_start3A_735 = arith.constant 0 : i32
        %dma_start3A_736 = arith.constant 2 : i32
        %dma_start3A_737 = arith.constant 0 : i32
        %dma_start3A_738 = arith.constant 0 : i32
        %dma_start3A_739 = tpu.memref_slice %arg10[%dma_start3A_737, %dma_start3A_738] : memref<128x128xf32, #tpu.memory_space<vmem>> -> memref<64x128xf32, #tpu.memory_space<vmem>>
        %dma_start3A_740 = arith.constant 0 : i32
        %dma_start3A_741 = tpu.memref_slice %arg7[%dma_start3A_734, %dma_start3A_735, %dma_start3A_740] : memref<8x1x64xi32, #tpu.memory_space<vmem>> -> memref<1x1x64xi32, #tpu.memory_space<vmem>>
        %dma_start3A_742 = tpu.memref_squeeze %dma_start3A_741 : memref<1x1x64xi32, #tpu.memory_space<vmem>> -> memref<64xi32, #tpu.memory_space<vmem>>
        %dma_start3A_743 = arith.constant 0 : i32
        %dma_start3A_744 = arith.constant 0 : i32
        %dma_start3A_745 = tpu.memref_slice %arg4[%dma_start3A_743, %dma_start3A_744] : memref<270000x128xf32, #tpu.memory_space<hbm>> -> memref<270000x128xf32, #tpu.memory_space<hbm>>
        %dma_start3A_746 = tpu.memref_slice %arg12[%dma_start3A_736] : memref<4x!tpu.dma_semaphore, #tpu.memory_space<semaphore_mem>> -> memref<1x!tpu.dma_semaphore, #tpu.memory_space<semaphore_mem>>
        %dma_start3A_747 = tpu.memref_squeeze %dma_start3A_746 : memref<1x!tpu.dma_semaphore, #tpu.memory_space<semaphore_mem>> -> memref<!tpu.dma_semaphore, #tpu.memory_space<semaphore_mem>>
        tpu.enqueue_indirect_dma source(%dma_start3A_745 : memref<270000x128xf32, #tpu.memory_space<hbm>>) target(%dma_start3A_739 : memref<64x128xf32, #tpu.memory_space<vmem>>) offsets(%dma_start3A_742 : memref<64xi32, #tpu.memory_space<vmem>>) semaphore(%dma_start3A_747 : memref<!tpu.dma_semaphore, #tpu.memory_space<semaphore_mem>>)
      } else {
      }
      %sub3A_516 = arith.constant 1 : i32
      %sub3A_517 = arith.subi %add3A_459, %sub3A_516 : i32
      %add3A_518 = arith.constant 1 : i32
      %add3A_519 = arith.addi %sub3A_517, %add3A_518 : i32
      %add3A_520 = arith.constant 4 : i32
      %add3A_521 = arith.addi %add3A_519, %add3A_520 : i32
      %lt3A_522 = arith.constant 160 : i32
      %lt3A_523 = arith.cmpi slt, %add3A_521, %lt3A_522 : i32
      %convert_element_type3A_524 = arith.extui %lt3A_523 : i1 to i32
      %cond3A_525 = arith.constant 0 : i32
      %cond3A_526 = arith.cmpi ne, %convert_element_type3A_524, %cond3A_525 : i32
      scf.if %cond3A_526 {
        %mul3A_711 = arith.constant 160 : i32
        %mul3A_712 = arith.muli %add3A, %mul3A_711 : i32
        %add3A_713 = arith.addi %mul3A_712, %add3A_521 : i32
        %dma_wait3A_714 = arith.constant 7 : i32
        %dma_wait3A_715 = arith.constant 7 : i32
        %dma_wait3A_716 = arith.constant 0 : i32
        %dma_wait3A_717 = arith.constant 0 : i32
        %dma_wait3A_718 = tpu.memref_slice %arg7[%dma_wait3A_714, %dma_wait3A_716, %dma_wait3A_717] : memref<8x1x64xi32, #tpu.memory_space<vmem>> -> memref<1x1x64xi32, #tpu.memory_space<vmem>>
        %dma_wait3A_719 = tpu.memref_squeeze %dma_wait3A_718 : memref<1x1x64xi32, #tpu.memory_space<vmem>> -> memref<1x64xi32, #tpu.memory_space<vmem>>
        %dma_wait3A_720 = arith.constant 0 : i32
        %dma_wait3A_721 = arith.constant 0 : i32
        %dma_wait3A_722 = tpu.memref_slice %arg2[%add3A_713, %dma_wait3A_720, %dma_wait3A_721] : memref<5120x1x64xi32, #tpu.memory_space<hbm>> -> memref<1x1x64xi32, #tpu.memory_space<hbm>>
        %dma_wait3A_723 = tpu.memref_squeeze %dma_wait3A_722 : memref<1x1x64xi32, #tpu.memory_space<hbm>> -> memref<1x64xi32, #tpu.memory_space<hbm>>
        %dma_wait3A_724 = tpu.memref_slice %arg13[%dma_wait3A_715] : memref<8x!tpu.dma_semaphore, #tpu.memory_space<semaphore_mem>> -> memref<1x!tpu.dma_semaphore, #tpu.memory_space<semaphore_mem>>
        %dma_wait3A_725 = tpu.memref_squeeze %dma_wait3A_724 : memref<1x!tpu.dma_semaphore, #tpu.memory_space<semaphore_mem>> -> memref<!tpu.dma_semaphore, #tpu.memory_space<semaphore_mem>>
        %dma_wait3A_726 = arith.constant 0 : i32
        %dma_wait3A_727 = arith.constant 0 : i32
        %dma_wait3A_728 = tpu.memref_slice %arg7[%dma_wait3A_714, %dma_wait3A_726, %dma_wait3A_727] : memref<8x1x64xi32, #tpu.memory_space<vmem>> -> memref<1x1x64xi32, #tpu.memory_space<vmem>>
        %dma_wait3A_729 = tpu.memref_squeeze %dma_wait3A_728 : memref<1x1x64xi32, #tpu.memory_space<vmem>> -> memref<1x64xi32, #tpu.memory_space<vmem>>
        %dma_wait3A_730 = arith.constant 0 : i32
        %dma_wait3A_731 = arith.constant 0 : i32
        %dma_wait3A_732 = tpu.memref_slice %arg2[%add3A_713, %dma_wait3A_730, %dma_wait3A_731] : memref<5120x1x64xi32, #tpu.memory_space<hbm>> -> memref<1x1x64xi32, #tpu.memory_space<hbm>>
        %dma_wait3A_733 = tpu.memref_squeeze %dma_wait3A_732 : memref<1x1x64xi32, #tpu.memory_space<hbm>> -> memref<1x64xi32, #tpu.memory_space<hbm>>
        tpu.wait_dma2 semaphore(%dma_wait3A_725 : memref<!tpu.dma_semaphore, #tpu.memory_space<semaphore_mem>>) src(%dma_wait3A_733 : memref<1x64xi32, #tpu.memory_space<hbm>>) dst(%dma_wait3A_729 : memref<1x64xi32, #tpu.memory_space<vmem>>)
        %dma_start3A_734 = arith.constant 7 : i32
        %dma_start3A_735 = arith.constant 0 : i32
        %dma_start3A_736 = arith.constant 3 : i32
        %dma_start3A_737 = arith.constant 64 : i32
        %dma_start3A_738 = arith.constant 0 : i32
        %dma_start3A_739 = tpu.memref_slice %arg10[%dma_start3A_737, %dma_start3A_738] : memref<128x128xf32, #tpu.memory_space<vmem>> -> memref<64x128xf32, #tpu.memory_space<vmem>>
        %dma_start3A_740 = arith.constant 0 : i32
        %dma_start3A_741 = tpu.memref_slice %arg7[%dma_start3A_734, %dma_start3A_735, %dma_start3A_740] : memref<8x1x64xi32, #tpu.memory_space<vmem>> -> memref<1x1x64xi32, #tpu.memory_space<vmem>>
        %dma_start3A_742 = tpu.memref_squeeze %dma_start3A_741 : memref<1x1x64xi32, #tpu.memory_space<vmem>> -> memref<64xi32, #tpu.memory_space<vmem>>
        %dma_start3A_743 = arith.constant 0 : i32
        %dma_start3A_744 = arith.constant 0 : i32
        %dma_start3A_745 = tpu.memref_slice %arg4[%dma_start3A_743, %dma_start3A_744] : memref<270000x128xf32, #tpu.memory_space<hbm>> -> memref<270000x128xf32, #tpu.memory_space<hbm>>
        %dma_start3A_746 = tpu.memref_slice %arg12[%dma_start3A_736] : memref<4x!tpu.dma_semaphore, #tpu.memory_space<semaphore_mem>> -> memref<1x!tpu.dma_semaphore, #tpu.memory_space<semaphore_mem>>
        %dma_start3A_747 = tpu.memref_squeeze %dma_start3A_746 : memref<1x!tpu.dma_semaphore, #tpu.memory_space<semaphore_mem>> -> memref<!tpu.dma_semaphore, #tpu.memory_space<semaphore_mem>>
        tpu.enqueue_indirect_dma source(%dma_start3A_745 : memref<270000x128xf32, #tpu.memory_space<hbm>>) target(%dma_start3A_739 : memref<64x128xf32, #tpu.memory_space<vmem>>) offsets(%dma_start3A_742 : memref<64xi32, #tpu.memory_space<vmem>>) semaphore(%dma_start3A_747 : memref<!tpu.dma_semaphore, #tpu.memory_space<semaphore_mem>>)
      } else {
      }
      %add3A_527 = arith.constant 4 : i32
      %add3A_528 = arith.addi %mul3A_353, %add3A_527 : i32
      %dma_wait3A_529 = arith.constant 4 : i32
      %dma_wait3A_530 = arith.constant 0 : i32
      %dma_wait3A_531 = arith.constant 0 : i32
      %dma_wait3A_532 = arith.constant 0 : i32
      %dma_wait3A_533 = arith.constant 0 : i32
      %dma_wait3A_534 = tpu.memref_slice %arg9[%dma_wait3A_532, %dma_wait3A_533] : memref<128x128xf32, #tpu.memory_space<vmem>> -> memref<64x128xf32, #tpu.memory_space<vmem>>
      %dma_wait3A_535 = arith.constant 0 : i32
      %dma_wait3A_536 = tpu.memref_slice %arg7[%dma_wait3A_529, %dma_wait3A_530, %dma_wait3A_535] : memref<8x1x64xi32, #tpu.memory_space<vmem>> -> memref<1x1x64xi32, #tpu.memory_space<vmem>>
      %dma_wait3A_537 = tpu.memref_squeeze %dma_wait3A_536 : memref<1x1x64xi32, #tpu.memory_space<vmem>> -> memref<64xi32, #tpu.memory_space<vmem>>
      %dma_wait3A_538 = arith.constant 0 : i32
      %dma_wait3A_539 = arith.constant 0 : i32
      %dma_wait3A_540 = tpu.memref_slice %arg4[%dma_wait3A_538, %dma_wait3A_539] : memref<270000x128xf32, #tpu.memory_space<hbm>> -> memref<270000x128xf32, #tpu.memory_space<hbm>>
      %dma_wait3A_541 = tpu.memref_slice %arg12[%dma_wait3A_531] : memref<4x!tpu.dma_semaphore, #tpu.memory_space<semaphore_mem>> -> memref<1x!tpu.dma_semaphore, #tpu.memory_space<semaphore_mem>>
      %dma_wait3A_542 = tpu.memref_squeeze %dma_wait3A_541 : memref<1x!tpu.dma_semaphore, #tpu.memory_space<semaphore_mem>> -> memref<!tpu.dma_semaphore, #tpu.memory_space<semaphore_mem>>
      tpu.wait_indirect_dma semaphore(%dma_wait3A_542 : memref<!tpu.dma_semaphore, #tpu.memory_space<semaphore_mem>>) src(%dma_wait3A_540 : memref<270000x128xf32, #tpu.memory_space<hbm>>) dst(%dma_wait3A_534 : memref<64x128xf32, #tpu.memory_space<vmem>>)
      %add3A_543 = arith.constant 8 : i32
      %add3A_544 = arith.addi %add3A_528, %add3A_543 : i32
      %lt3A_545 = arith.constant 160 : i32
      %lt3A_546 = arith.cmpi slt, %add3A_544, %lt3A_545 : i32
      %convert_element_type3A_547 = arith.extui %lt3A_546 : i1 to i32
      %cond3A_548 = arith.constant 0 : i32
      %cond3A_549 = arith.cmpi ne, %convert_element_type3A_547, %cond3A_548 : i32
      scf.if %cond3A_549 {
        %add3A_711 = arith.constant 8 : i32
        %add3A_712 = arith.addi %add3A_528, %add3A_711 : i32
        %mul3A_713 = arith.constant 160 : i32
        %mul3A_714 = arith.muli %add3A, %mul3A_713 : i32
        %add3A_715 = arith.addi %mul3A_714, %add3A_712 : i32
        %dma_start3A_716 = arith.constant 4 : i32
        %dma_start3A_717 = arith.constant 4 : i32
        %dma_start3A_718 = arith.constant 0 : i32
        %dma_start3A_719 = arith.constant 0 : i32
        %dma_start3A_720 = tpu.memref_slice %arg7[%dma_start3A_716, %dma_start3A_718, %dma_start3A_719] : memref<8x1x64xi32, #tpu.memory_space<vmem>> -> memref<1x1x64xi32, #tpu.memory_space<vmem>>
        %dma_start3A_721 = tpu.memref_squeeze %dma_start3A_720 : memref<1x1x64xi32, #tpu.memory_space<vmem>> -> memref<1x64xi32, #tpu.memory_space<vmem>>
        %dma_start3A_722 = arith.constant 0 : i32
        %dma_start3A_723 = arith.constant 0 : i32
        %dma_start3A_724 = tpu.memref_slice %arg2[%add3A_715, %dma_start3A_722, %dma_start3A_723] : memref<5120x1x64xi32, #tpu.memory_space<hbm>> -> memref<1x1x64xi32, #tpu.memory_space<hbm>>
        %dma_start3A_725 = tpu.memref_squeeze %dma_start3A_724 : memref<1x1x64xi32, #tpu.memory_space<hbm>> -> memref<1x64xi32, #tpu.memory_space<hbm>>
        %dma_start3A_726 = tpu.memref_slice %arg13[%dma_start3A_717] : memref<8x!tpu.dma_semaphore, #tpu.memory_space<semaphore_mem>> -> memref<1x!tpu.dma_semaphore, #tpu.memory_space<semaphore_mem>>
        %dma_start3A_727 = tpu.memref_squeeze %dma_start3A_726 : memref<1x!tpu.dma_semaphore, #tpu.memory_space<semaphore_mem>> -> memref<!tpu.dma_semaphore, #tpu.memory_space<semaphore_mem>>
        %dma_start3A_728 = arith.constant 0 : i32
        %dma_start3A_729 = arith.constant 0 : i32
        %dma_start3A_730 = tpu.memref_slice %arg7[%dma_start3A_716, %dma_start3A_728, %dma_start3A_729] : memref<8x1x64xi32, #tpu.memory_space<vmem>> -> memref<1x1x64xi32, #tpu.memory_space<vmem>>
        %dma_start3A_731 = tpu.memref_squeeze %dma_start3A_730 : memref<1x1x64xi32, #tpu.memory_space<vmem>> -> memref<1x64xi32, #tpu.memory_space<vmem>>
        %dma_start3A_732 = arith.constant 0 : i32
        %dma_start3A_733 = arith.constant 0 : i32
        %dma_start3A_734 = tpu.memref_slice %arg2[%add3A_715, %dma_start3A_732, %dma_start3A_733] : memref<5120x1x64xi32, #tpu.memory_space<hbm>> -> memref<1x1x64xi32, #tpu.memory_space<hbm>>
        %dma_start3A_735 = tpu.memref_squeeze %dma_start3A_734 : memref<1x1x64xi32, #tpu.memory_space<hbm>> -> memref<1x64xi32, #tpu.memory_space<hbm>>
        tpu.enqueue_dma source(%dma_start3A_735 : memref<1x64xi32, #tpu.memory_space<hbm>>) target(%dma_start3A_731 : memref<1x64xi32, #tpu.memory_space<vmem>>) target_semaphore(%dma_start3A_727 : memref<!tpu.dma_semaphore, #tpu.memory_space<semaphore_mem>>)
      } else {
      }
      %add3A_550 = arith.constant 5 : i32
      %add3A_551 = arith.addi %mul3A_353, %add3A_550 : i32
      %dma_wait3A_552 = arith.constant 5 : i32
      %dma_wait3A_553 = arith.constant 0 : i32
      %dma_wait3A_554 = arith.constant 1 : i32
      %dma_wait3A_555 = arith.constant 64 : i32
      %dma_wait3A_556 = arith.constant 0 : i32
      %dma_wait3A_557 = tpu.memref_slice %arg9[%dma_wait3A_555, %dma_wait3A_556] : memref<128x128xf32, #tpu.memory_space<vmem>> -> memref<64x128xf32, #tpu.memory_space<vmem>>
      %dma_wait3A_558 = arith.constant 0 : i32
      %dma_wait3A_559 = tpu.memref_slice %arg7[%dma_wait3A_552, %dma_wait3A_553, %dma_wait3A_558] : memref<8x1x64xi32, #tpu.memory_space<vmem>> -> memref<1x1x64xi32, #tpu.memory_space<vmem>>
      %dma_wait3A_560 = tpu.memref_squeeze %dma_wait3A_559 : memref<1x1x64xi32, #tpu.memory_space<vmem>> -> memref<64xi32, #tpu.memory_space<vmem>>
      %dma_wait3A_561 = arith.constant 0 : i32
      %dma_wait3A_562 = arith.constant 0 : i32
      %dma_wait3A_563 = tpu.memref_slice %arg4[%dma_wait3A_561, %dma_wait3A_562] : memref<270000x128xf32, #tpu.memory_space<hbm>> -> memref<270000x128xf32, #tpu.memory_space<hbm>>
      %dma_wait3A_564 = tpu.memref_slice %arg12[%dma_wait3A_554] : memref<4x!tpu.dma_semaphore, #tpu.memory_space<semaphore_mem>> -> memref<1x!tpu.dma_semaphore, #tpu.memory_space<semaphore_mem>>
      %dma_wait3A_565 = tpu.memref_squeeze %dma_wait3A_564 : memref<1x!tpu.dma_semaphore, #tpu.memory_space<semaphore_mem>> -> memref<!tpu.dma_semaphore, #tpu.memory_space<semaphore_mem>>
      tpu.wait_indirect_dma semaphore(%dma_wait3A_565 : memref<!tpu.dma_semaphore, #tpu.memory_space<semaphore_mem>>) src(%dma_wait3A_563 : memref<270000x128xf32, #tpu.memory_space<hbm>>) dst(%dma_wait3A_557 : memref<64x128xf32, #tpu.memory_space<vmem>>)
      %add3A_566 = arith.constant 8 : i32
      %add3A_567 = arith.addi %add3A_551, %add3A_566 : i32
      %lt3A_568 = arith.constant 160 : i32
      %lt3A_569 = arith.cmpi slt, %add3A_567, %lt3A_568 : i32
      %convert_element_type3A_570 = arith.extui %lt3A_569 : i1 to i32
      %cond3A_571 = arith.constant 0 : i32
      %cond3A_572 = arith.cmpi ne, %convert_element_type3A_570, %cond3A_571 : i32
      scf.if %cond3A_572 {
        %add3A_711 = arith.constant 8 : i32
        %add3A_712 = arith.addi %add3A_551, %add3A_711 : i32
        %mul3A_713 = arith.constant 160 : i32
        %mul3A_714 = arith.muli %add3A, %mul3A_713 : i32
        %add3A_715 = arith.addi %mul3A_714, %add3A_712 : i32
        %dma_start3A_716 = arith.constant 5 : i32
        %dma_start3A_717 = arith.constant 5 : i32
        %dma_start3A_718 = arith.constant 0 : i32
        %dma_start3A_719 = arith.constant 0 : i32
        %dma_start3A_720 = tpu.memref_slice %arg7[%dma_start3A_716, %dma_start3A_718, %dma_start3A_719] : memref<8x1x64xi32, #tpu.memory_space<vmem>> -> memref<1x1x64xi32, #tpu.memory_space<vmem>>
        %dma_start3A_721 = tpu.memref_squeeze %dma_start3A_720 : memref<1x1x64xi32, #tpu.memory_space<vmem>> -> memref<1x64xi32, #tpu.memory_space<vmem>>
        %dma_start3A_722 = arith.constant 0 : i32
        %dma_start3A_723 = arith.constant 0 : i32
        %dma_start3A_724 = tpu.memref_slice %arg2[%add3A_715, %dma_start3A_722, %dma_start3A_723] : memref<5120x1x64xi32, #tpu.memory_space<hbm>> -> memref<1x1x64xi32, #tpu.memory_space<hbm>>
        %dma_start3A_725 = tpu.memref_squeeze %dma_start3A_724 : memref<1x1x64xi32, #tpu.memory_space<hbm>> -> memref<1x64xi32, #tpu.memory_space<hbm>>
        %dma_start3A_726 = tpu.memref_slice %arg13[%dma_start3A_717] : memref<8x!tpu.dma_semaphore, #tpu.memory_space<semaphore_mem>> -> memref<1x!tpu.dma_semaphore, #tpu.memory_space<semaphore_mem>>
        %dma_start3A_727 = tpu.memref_squeeze %dma_start3A_726 : memref<1x!tpu.dma_semaphore, #tpu.memory_space<semaphore_mem>> -> memref<!tpu.dma_semaphore, #tpu.memory_space<semaphore_mem>>
        %dma_start3A_728 = arith.constant 0 : i32
        %dma_start3A_729 = arith.constant 0 : i32
        %dma_start3A_730 = tpu.memref_slice %arg7[%dma_start3A_716, %dma_start3A_728, %dma_start3A_729] : memref<8x1x64xi32, #tpu.memory_space<vmem>> -> memref<1x1x64xi32, #tpu.memory_space<vmem>>
        %dma_start3A_731 = tpu.memref_squeeze %dma_start3A_730 : memref<1x1x64xi32, #tpu.memory_space<vmem>> -> memref<1x64xi32, #tpu.memory_space<vmem>>
        %dma_start3A_732 = arith.constant 0 : i32
        %dma_start3A_733 = arith.constant 0 : i32
        %dma_start3A_734 = tpu.memref_slice %arg2[%add3A_715, %dma_start3A_732, %dma_start3A_733] : memref<5120x1x64xi32, #tpu.memory_space<hbm>> -> memref<1x1x64xi32, #tpu.memory_space<hbm>>
        %dma_start3A_735 = tpu.memref_squeeze %dma_start3A_734 : memref<1x1x64xi32, #tpu.memory_space<hbm>> -> memref<1x64xi32, #tpu.memory_space<hbm>>
        tpu.enqueue_dma source(%dma_start3A_735 : memref<1x64xi32, #tpu.memory_space<hbm>>) target(%dma_start3A_731 : memref<1x64xi32, #tpu.memory_space<vmem>>) target_semaphore(%dma_start3A_727 : memref<!tpu.dma_semaphore, #tpu.memory_space<semaphore_mem>>)
      } else {
      }
      %jit3A_573 = arith.constant 2 : i32
      %div3A_574 = arith.divsi %add3A_551, %jit3A_573 : i32
      %sign3A_575 = arith.constant 0 : i32
      %sign3A_576 = arith.cmpi sgt, %add3A_551, %sign3A_575 : i32
      %sign3A_577 = arith.extui %sign3A_576 : i1 to i32
      %sign3A_578 = arith.constant 0 : i32
      %sign3A_579 = arith.cmpi slt, %add3A_551, %sign3A_578 : i32
      %sign3A_580 = arith.extui %sign3A_579 : i1 to i32
      %sign3A_581 = arith.subi %sign3A_577, %sign3A_580 : i32
      %sign3A_582 = arith.constant 0 : i32
      %sign3A_583 = arith.cmpi sgt, %jit3A_573, %sign3A_582 : i32
      %sign3A_584 = arith.extui %sign3A_583 : i1 to i32
      %sign3A_585 = arith.constant 0 : i32
      %sign3A_586 = arith.cmpi slt, %jit3A_573, %sign3A_585 : i32
      %sign3A_587 = arith.extui %sign3A_586 : i1 to i32
      %sign3A_588 = arith.subi %sign3A_584, %sign3A_587 : i32
      %ne3A_589 = arith.cmpi ne, %sign3A_581, %sign3A_588 : i32
      %rem3A_590 = arith.remsi %add3A_551, %jit3A_573 : i32
      %ne3A_591 = arith.constant 0 : i32
      %ne3A_592 = arith.cmpi ne, %rem3A_590, %ne3A_591 : i32
      %and3A_593 = arith.andi %ne3A_589, %ne3A_592 : i1
      %sub3A_594 = arith.constant 1 : i32
      %sub3A_595 = arith.subi %div3A_574, %sub3A_594 : i32
      %select_n3A_596 = arith.select %and3A_593, %sub3A_595, %div3A_574 : i32
      "tpu.region"() ({
        %run_scoped3A = tpu.sem_alloc : memref<!tpu.dma_semaphore, #tpu.memory_space<semaphore_mem>>
        %dma_start3A_711 = arith.constant 0 : i32
        %dma_start3A_712 = tpu.memref_slice %arg8[%select_n3A_596, %dma_start3A_711] : memref<80x128xi32, #tpu.memory_space<vmem>> -> memref<1x128xi32, #tpu.memory_space<vmem>>
        %dma_start3A_713 = tpu.memref_squeeze %dma_start3A_712 : memref<1x128xi32, #tpu.memory_space<vmem>> -> memref<128xi32, #tpu.memory_space<vmem>>
        %dma_start3A_714 = arith.constant 0 : i32
        %dma_start3A_715 = arith.constant 0 : i32
        %dma_start3A_716 = tpu.memref_slice %arg11[%dma_start3A_714, %dma_start3A_715] : memref<10112x128xf32, #tpu.memory_space<vmem_shared>> -> memref<10112x128xf32, #tpu.memory_space<vmem_shared>>
        tpu.enqueue_indirect_dma source(%arg9 : memref<128x128xf32, #tpu.memory_space<vmem>>) target(%dma_start3A_716 : memref<10112x128xf32, #tpu.memory_space<vmem_shared>>) offsets(%dma_start3A_713 : memref<128xi32, #tpu.memory_space<vmem>>) semaphore(%run_scoped3A : memref<!tpu.dma_semaphore, #tpu.memory_space<semaphore_mem>>) {add = true}
        %dma_wait3A_717 = arith.constant 0 : i32
        %dma_wait3A_718 = tpu.memref_slice %arg8[%select_n3A_596, %dma_wait3A_717] : memref<80x128xi32, #tpu.memory_space<vmem>> -> memref<1x128xi32, #tpu.memory_space<vmem>>
        %dma_wait3A_719 = tpu.memref_squeeze %dma_wait3A_718 : memref<1x128xi32, #tpu.memory_space<vmem>> -> memref<128xi32, #tpu.memory_space<vmem>>
        %dma_wait3A_720 = arith.constant 0 : i32
        %dma_wait3A_721 = arith.constant 0 : i32
        %dma_wait3A_722 = tpu.memref_slice %arg11[%dma_wait3A_720, %dma_wait3A_721] : memref<10112x128xf32, #tpu.memory_space<vmem_shared>> -> memref<10112x128xf32, #tpu.memory_space<vmem_shared>>
        tpu.wait_indirect_dma semaphore(%run_scoped3A : memref<!tpu.dma_semaphore, #tpu.memory_space<semaphore_mem>>) src(%arg9 : memref<128x128xf32, #tpu.memory_space<vmem>>) dst(%dma_wait3A_722 : memref<10112x128xf32, #tpu.memory_space<vmem_shared>>)
        tpu.yield
      }) : () -> ()
      %sub3A_597 = arith.constant 1 : i32
      %sub3A_598 = arith.subi %add3A_551, %sub3A_597 : i32
      %add3A_599 = arith.constant 0 : i32
      %add3A_600 = arith.addi %sub3A_598, %add3A_599 : i32
      %add3A_601 = arith.constant 4 : i32
      %add3A_602 = arith.addi %add3A_600, %add3A_601 : i32
      %lt3A_603 = arith.constant 160 : i32
      %lt3A_604 = arith.cmpi slt, %add3A_602, %lt3A_603 : i32
      %convert_element_type3A_605 = arith.extui %lt3A_604 : i1 to i32
      %cond3A_606 = arith.constant 0 : i32
      %cond3A_607 = arith.cmpi ne, %convert_element_type3A_605, %cond3A_606 : i32
      scf.if %cond3A_607 {
        %mul3A_711 = arith.constant 160 : i32
        %mul3A_712 = arith.muli %add3A, %mul3A_711 : i32
        %add3A_713 = arith.addi %mul3A_712, %add3A_602 : i32
        %dma_wait3A_714 = arith.constant 0 : i32
        %dma_wait3A_715 = arith.constant 0 : i32
        %dma_wait3A_716 = arith.constant 0 : i32
        %dma_wait3A_717 = arith.constant 0 : i32
        %dma_wait3A_718 = tpu.memref_slice %arg7[%dma_wait3A_714, %dma_wait3A_716, %dma_wait3A_717] : memref<8x1x64xi32, #tpu.memory_space<vmem>> -> memref<1x1x64xi32, #tpu.memory_space<vmem>>
        %dma_wait3A_719 = tpu.memref_squeeze %dma_wait3A_718 : memref<1x1x64xi32, #tpu.memory_space<vmem>> -> memref<1x64xi32, #tpu.memory_space<vmem>>
        %dma_wait3A_720 = arith.constant 0 : i32
        %dma_wait3A_721 = arith.constant 0 : i32
        %dma_wait3A_722 = tpu.memref_slice %arg2[%add3A_713, %dma_wait3A_720, %dma_wait3A_721] : memref<5120x1x64xi32, #tpu.memory_space<hbm>> -> memref<1x1x64xi32, #tpu.memory_space<hbm>>
        %dma_wait3A_723 = tpu.memref_squeeze %dma_wait3A_722 : memref<1x1x64xi32, #tpu.memory_space<hbm>> -> memref<1x64xi32, #tpu.memory_space<hbm>>
        %dma_wait3A_724 = tpu.memref_slice %arg13[%dma_wait3A_715] : memref<8x!tpu.dma_semaphore, #tpu.memory_space<semaphore_mem>> -> memref<1x!tpu.dma_semaphore, #tpu.memory_space<semaphore_mem>>
        %dma_wait3A_725 = tpu.memref_squeeze %dma_wait3A_724 : memref<1x!tpu.dma_semaphore, #tpu.memory_space<semaphore_mem>> -> memref<!tpu.dma_semaphore, #tpu.memory_space<semaphore_mem>>
        %dma_wait3A_726 = arith.constant 0 : i32
        %dma_wait3A_727 = arith.constant 0 : i32
        %dma_wait3A_728 = tpu.memref_slice %arg7[%dma_wait3A_714, %dma_wait3A_726, %dma_wait3A_727] : memref<8x1x64xi32, #tpu.memory_space<vmem>> -> memref<1x1x64xi32, #tpu.memory_space<vmem>>
        %dma_wait3A_729 = tpu.memref_squeeze %dma_wait3A_728 : memref<1x1x64xi32, #tpu.memory_space<vmem>> -> memref<1x64xi32, #tpu.memory_space<vmem>>
        %dma_wait3A_730 = arith.constant 0 : i32
        %dma_wait3A_731 = arith.constant 0 : i32
        %dma_wait3A_732 = tpu.memref_slice %arg2[%add3A_713, %dma_wait3A_730, %dma_wait3A_731] : memref<5120x1x64xi32, #tpu.memory_space<hbm>> -> memref<1x1x64xi32, #tpu.memory_space<hbm>>
        %dma_wait3A_733 = tpu.memref_squeeze %dma_wait3A_732 : memref<1x1x64xi32, #tpu.memory_space<hbm>> -> memref<1x64xi32, #tpu.memory_space<hbm>>
        tpu.wait_dma2 semaphore(%dma_wait3A_725 : memref<!tpu.dma_semaphore, #tpu.memory_space<semaphore_mem>>) src(%dma_wait3A_733 : memref<1x64xi32, #tpu.memory_space<hbm>>) dst(%dma_wait3A_729 : memref<1x64xi32, #tpu.memory_space<vmem>>)
        %dma_start3A_734 = arith.constant 0 : i32
        %dma_start3A_735 = arith.constant 0 : i32
        %dma_start3A_736 = arith.constant 0 : i32
        %dma_start3A_737 = arith.constant 0 : i32
        %dma_start3A_738 = arith.constant 0 : i32
        %dma_start3A_739 = tpu.memref_slice %arg9[%dma_start3A_737, %dma_start3A_738] : memref<128x128xf32, #tpu.memory_space<vmem>> -> memref<64x128xf32, #tpu.memory_space<vmem>>
        %dma_start3A_740 = arith.constant 0 : i32
        %dma_start3A_741 = tpu.memref_slice %arg7[%dma_start3A_734, %dma_start3A_735, %dma_start3A_740] : memref<8x1x64xi32, #tpu.memory_space<vmem>> -> memref<1x1x64xi32, #tpu.memory_space<vmem>>
        %dma_start3A_742 = tpu.memref_squeeze %dma_start3A_741 : memref<1x1x64xi32, #tpu.memory_space<vmem>> -> memref<64xi32, #tpu.memory_space<vmem>>
        %dma_start3A_743 = arith.constant 0 : i32
        %dma_start3A_744 = arith.constant 0 : i32
        %dma_start3A_745 = tpu.memref_slice %arg4[%dma_start3A_743, %dma_start3A_744] : memref<270000x128xf32, #tpu.memory_space<hbm>> -> memref<270000x128xf32, #tpu.memory_space<hbm>>
        %dma_start3A_746 = tpu.memref_slice %arg12[%dma_start3A_736] : memref<4x!tpu.dma_semaphore, #tpu.memory_space<semaphore_mem>> -> memref<1x!tpu.dma_semaphore, #tpu.memory_space<semaphore_mem>>
        %dma_start3A_747 = tpu.memref_squeeze %dma_start3A_746 : memref<1x!tpu.dma_semaphore, #tpu.memory_space<semaphore_mem>> -> memref<!tpu.dma_semaphore, #tpu.memory_space<semaphore_mem>>
        tpu.enqueue_indirect_dma source(%dma_start3A_745 : memref<270000x128xf32, #tpu.memory_space<hbm>>) target(%dma_start3A_739 : memref<64x128xf32, #tpu.memory_space<vmem>>) offsets(%dma_start3A_742 : memref<64xi32, #tpu.memory_space<vmem>>) semaphore(%dma_start3A_747 : memref<!tpu.dma_semaphore, #tpu.memory_space<semaphore_mem>>)
      } else {
      }
      %sub3A_608 = arith.constant 1 : i32
      %sub3A_609 = arith.subi %add3A_551, %sub3A_608 : i32
      %add3A_610 = arith.constant 1 : i32
      %add3A_611 = arith.addi %sub3A_609, %add3A_610 : i32
      %add3A_612 = arith.constant 4 : i32
      %add3A_613 = arith.addi %add3A_611, %add3A_612 : i32
      %lt3A_614 = arith.constant 160 : i32
      %lt3A_615 = arith.cmpi slt, %add3A_613, %lt3A_614 : i32
      %convert_element_type3A_616 = arith.extui %lt3A_615 : i1 to i32
      %cond3A_617 = arith.constant 0 : i32
      %cond3A_618 = arith.cmpi ne, %convert_element_type3A_616, %cond3A_617 : i32
      scf.if %cond3A_618 {
        %mul3A_711 = arith.constant 160 : i32
        %mul3A_712 = arith.muli %add3A, %mul3A_711 : i32
        %add3A_713 = arith.addi %mul3A_712, %add3A_613 : i32
        %dma_wait3A_714 = arith.constant 1 : i32
        %dma_wait3A_715 = arith.constant 1 : i32
        %dma_wait3A_716 = arith.constant 0 : i32
        %dma_wait3A_717 = arith.constant 0 : i32
        %dma_wait3A_718 = tpu.memref_slice %arg7[%dma_wait3A_714, %dma_wait3A_716, %dma_wait3A_717] : memref<8x1x64xi32, #tpu.memory_space<vmem>> -> memref<1x1x64xi32, #tpu.memory_space<vmem>>
        %dma_wait3A_719 = tpu.memref_squeeze %dma_wait3A_718 : memref<1x1x64xi32, #tpu.memory_space<vmem>> -> memref<1x64xi32, #tpu.memory_space<vmem>>
        %dma_wait3A_720 = arith.constant 0 : i32
        %dma_wait3A_721 = arith.constant 0 : i32
        %dma_wait3A_722 = tpu.memref_slice %arg2[%add3A_713, %dma_wait3A_720, %dma_wait3A_721] : memref<5120x1x64xi32, #tpu.memory_space<hbm>> -> memref<1x1x64xi32, #tpu.memory_space<hbm>>
        %dma_wait3A_723 = tpu.memref_squeeze %dma_wait3A_722 : memref<1x1x64xi32, #tpu.memory_space<hbm>> -> memref<1x64xi32, #tpu.memory_space<hbm>>
        %dma_wait3A_724 = tpu.memref_slice %arg13[%dma_wait3A_715] : memref<8x!tpu.dma_semaphore, #tpu.memory_space<semaphore_mem>> -> memref<1x!tpu.dma_semaphore, #tpu.memory_space<semaphore_mem>>
        %dma_wait3A_725 = tpu.memref_squeeze %dma_wait3A_724 : memref<1x!tpu.dma_semaphore, #tpu.memory_space<semaphore_mem>> -> memref<!tpu.dma_semaphore, #tpu.memory_space<semaphore_mem>>
        %dma_wait3A_726 = arith.constant 0 : i32
        %dma_wait3A_727 = arith.constant 0 : i32
        %dma_wait3A_728 = tpu.memref_slice %arg7[%dma_wait3A_714, %dma_wait3A_726, %dma_wait3A_727] : memref<8x1x64xi32, #tpu.memory_space<vmem>> -> memref<1x1x64xi32, #tpu.memory_space<vmem>>
        %dma_wait3A_729 = tpu.memref_squeeze %dma_wait3A_728 : memref<1x1x64xi32, #tpu.memory_space<vmem>> -> memref<1x64xi32, #tpu.memory_space<vmem>>
        %dma_wait3A_730 = arith.constant 0 : i32
        %dma_wait3A_731 = arith.constant 0 : i32
        %dma_wait3A_732 = tpu.memref_slice %arg2[%add3A_713, %dma_wait3A_730, %dma_wait3A_731] : memref<5120x1x64xi32, #tpu.memory_space<hbm>> -> memref<1x1x64xi32, #tpu.memory_space<hbm>>
        %dma_wait3A_733 = tpu.memref_squeeze %dma_wait3A_732 : memref<1x1x64xi32, #tpu.memory_space<hbm>> -> memref<1x64xi32, #tpu.memory_space<hbm>>
        tpu.wait_dma2 semaphore(%dma_wait3A_725 : memref<!tpu.dma_semaphore, #tpu.memory_space<semaphore_mem>>) src(%dma_wait3A_733 : memref<1x64xi32, #tpu.memory_space<hbm>>) dst(%dma_wait3A_729 : memref<1x64xi32, #tpu.memory_space<vmem>>)
        %dma_start3A_734 = arith.constant 1 : i32
        %dma_start3A_735 = arith.constant 0 : i32
        %dma_start3A_736 = arith.constant 1 : i32
        %dma_start3A_737 = arith.constant 64 : i32
        %dma_start3A_738 = arith.constant 0 : i32
        %dma_start3A_739 = tpu.memref_slice %arg9[%dma_start3A_737, %dma_start3A_738] : memref<128x128xf32, #tpu.memory_space<vmem>> -> memref<64x128xf32, #tpu.memory_space<vmem>>
        %dma_start3A_740 = arith.constant 0 : i32
        %dma_start3A_741 = tpu.memref_slice %arg7[%dma_start3A_734, %dma_start3A_735, %dma_start3A_740] : memref<8x1x64xi32, #tpu.memory_space<vmem>> -> memref<1x1x64xi32, #tpu.memory_space<vmem>>
        %dma_start3A_742 = tpu.memref_squeeze %dma_start3A_741 : memref<1x1x64xi32, #tpu.memory_space<vmem>> -> memref<64xi32, #tpu.memory_space<vmem>>
        %dma_start3A_743 = arith.constant 0 : i32
        %dma_start3A_744 = arith.constant 0 : i32
        %dma_start3A_745 = tpu.memref_slice %arg4[%dma_start3A_743, %dma_start3A_744] : memref<270000x128xf32, #tpu.memory_space<hbm>> -> memref<270000x128xf32, #tpu.memory_space<hbm>>
        %dma_start3A_746 = tpu.memref_slice %arg12[%dma_start3A_736] : memref<4x!tpu.dma_semaphore, #tpu.memory_space<semaphore_mem>> -> memref<1x!tpu.dma_semaphore, #tpu.memory_space<semaphore_mem>>
        %dma_start3A_747 = tpu.memref_squeeze %dma_start3A_746 : memref<1x!tpu.dma_semaphore, #tpu.memory_space<semaphore_mem>> -> memref<!tpu.dma_semaphore, #tpu.memory_space<semaphore_mem>>
        tpu.enqueue_indirect_dma source(%dma_start3A_745 : memref<270000x128xf32, #tpu.memory_space<hbm>>) target(%dma_start3A_739 : memref<64x128xf32, #tpu.memory_space<vmem>>) offsets(%dma_start3A_742 : memref<64xi32, #tpu.memory_space<vmem>>) semaphore(%dma_start3A_747 : memref<!tpu.dma_semaphore, #tpu.memory_space<semaphore_mem>>)
      } else {
      }
      %add3A_619 = arith.constant 6 : i32
      %add3A_620 = arith.addi %mul3A_353, %add3A_619 : i32
      %dma_wait3A_621 = arith.constant 6 : i32
      %dma_wait3A_622 = arith.constant 0 : i32
      %dma_wait3A_623 = arith.constant 2 : i32
      %dma_wait3A_624 = arith.constant 0 : i32
      %dma_wait3A_625 = arith.constant 0 : i32
      %dma_wait3A_626 = tpu.memref_slice %arg10[%dma_wait3A_624, %dma_wait3A_625] : memref<128x128xf32, #tpu.memory_space<vmem>> -> memref<64x128xf32, #tpu.memory_space<vmem>>
      %dma_wait3A_627 = arith.constant 0 : i32
      %dma_wait3A_628 = tpu.memref_slice %arg7[%dma_wait3A_621, %dma_wait3A_622, %dma_wait3A_627] : memref<8x1x64xi32, #tpu.memory_space<vmem>> -> memref<1x1x64xi32, #tpu.memory_space<vmem>>
      %dma_wait3A_629 = tpu.memref_squeeze %dma_wait3A_628 : memref<1x1x64xi32, #tpu.memory_space<vmem>> -> memref<64xi32, #tpu.memory_space<vmem>>
      %dma_wait3A_630 = arith.constant 0 : i32
      %dma_wait3A_631 = arith.constant 0 : i32
      %dma_wait3A_632 = tpu.memref_slice %arg4[%dma_wait3A_630, %dma_wait3A_631] : memref<270000x128xf32, #tpu.memory_space<hbm>> -> memref<270000x128xf32, #tpu.memory_space<hbm>>
      %dma_wait3A_633 = tpu.memref_slice %arg12[%dma_wait3A_623] : memref<4x!tpu.dma_semaphore, #tpu.memory_space<semaphore_mem>> -> memref<1x!tpu.dma_semaphore, #tpu.memory_space<semaphore_mem>>
      %dma_wait3A_634 = tpu.memref_squeeze %dma_wait3A_633 : memref<1x!tpu.dma_semaphore, #tpu.memory_space<semaphore_mem>> -> memref<!tpu.dma_semaphore, #tpu.memory_space<semaphore_mem>>
      tpu.wait_indirect_dma semaphore(%dma_wait3A_634 : memref<!tpu.dma_semaphore, #tpu.memory_space<semaphore_mem>>) src(%dma_wait3A_632 : memref<270000x128xf32, #tpu.memory_space<hbm>>) dst(%dma_wait3A_626 : memref<64x128xf32, #tpu.memory_space<vmem>>)
      %add3A_635 = arith.constant 8 : i32
      %add3A_636 = arith.addi %add3A_620, %add3A_635 : i32
      %lt3A_637 = arith.constant 160 : i32
      %lt3A_638 = arith.cmpi slt, %add3A_636, %lt3A_637 : i32
      %convert_element_type3A_639 = arith.extui %lt3A_638 : i1 to i32
      %cond3A_640 = arith.constant 0 : i32
      %cond3A_641 = arith.cmpi ne, %convert_element_type3A_639, %cond3A_640 : i32
      scf.if %cond3A_641 {
        %add3A_711 = arith.constant 8 : i32
        %add3A_712 = arith.addi %add3A_620, %add3A_711 : i32
        %mul3A_713 = arith.constant 160 : i32
        %mul3A_714 = arith.muli %add3A, %mul3A_713 : i32
        %add3A_715 = arith.addi %mul3A_714, %add3A_712 : i32
        %dma_start3A_716 = arith.constant 6 : i32
        %dma_start3A_717 = arith.constant 6 : i32
        %dma_start3A_718 = arith.constant 0 : i32
        %dma_start3A_719 = arith.constant 0 : i32
        %dma_start3A_720 = tpu.memref_slice %arg7[%dma_start3A_716, %dma_start3A_718, %dma_start3A_719] : memref<8x1x64xi32, #tpu.memory_space<vmem>> -> memref<1x1x64xi32, #tpu.memory_space<vmem>>
        %dma_start3A_721 = tpu.memref_squeeze %dma_start3A_720 : memref<1x1x64xi32, #tpu.memory_space<vmem>> -> memref<1x64xi32, #tpu.memory_space<vmem>>
        %dma_start3A_722 = arith.constant 0 : i32
        %dma_start3A_723 = arith.constant 0 : i32
        %dma_start3A_724 = tpu.memref_slice %arg2[%add3A_715, %dma_start3A_722, %dma_start3A_723] : memref<5120x1x64xi32, #tpu.memory_space<hbm>> -> memref<1x1x64xi32, #tpu.memory_space<hbm>>
        %dma_start3A_725 = tpu.memref_squeeze %dma_start3A_724 : memref<1x1x64xi32, #tpu.memory_space<hbm>> -> memref<1x64xi32, #tpu.memory_space<hbm>>
        %dma_start3A_726 = tpu.memref_slice %arg13[%dma_start3A_717] : memref<8x!tpu.dma_semaphore, #tpu.memory_space<semaphore_mem>> -> memref<1x!tpu.dma_semaphore, #tpu.memory_space<semaphore_mem>>
        %dma_start3A_727 = tpu.memref_squeeze %dma_start3A_726 : memref<1x!tpu.dma_semaphore, #tpu.memory_space<semaphore_mem>> -> memref<!tpu.dma_semaphore, #tpu.memory_space<semaphore_mem>>
        %dma_start3A_728 = arith.constant 0 : i32
        %dma_start3A_729 = arith.constant 0 : i32
        %dma_start3A_730 = tpu.memref_slice %arg7[%dma_start3A_716, %dma_start3A_728, %dma_start3A_729] : memref<8x1x64xi32, #tpu.memory_space<vmem>> -> memref<1x1x64xi32, #tpu.memory_space<vmem>>
        %dma_start3A_731 = tpu.memref_squeeze %dma_start3A_730 : memref<1x1x64xi32, #tpu.memory_space<vmem>> -> memref<1x64xi32, #tpu.memory_space<vmem>>
        %dma_start3A_732 = arith.constant 0 : i32
        %dma_start3A_733 = arith.constant 0 : i32
        %dma_start3A_734 = tpu.memref_slice %arg2[%add3A_715, %dma_start3A_732, %dma_start3A_733] : memref<5120x1x64xi32, #tpu.memory_space<hbm>> -> memref<1x1x64xi32, #tpu.memory_space<hbm>>
        %dma_start3A_735 = tpu.memref_squeeze %dma_start3A_734 : memref<1x1x64xi32, #tpu.memory_space<hbm>> -> memref<1x64xi32, #tpu.memory_space<hbm>>
        tpu.enqueue_dma source(%dma_start3A_735 : memref<1x64xi32, #tpu.memory_space<hbm>>) target(%dma_start3A_731 : memref<1x64xi32, #tpu.memory_space<vmem>>) target_semaphore(%dma_start3A_727 : memref<!tpu.dma_semaphore, #tpu.memory_space<semaphore_mem>>)
      } else {
      }
      %add3A_642 = arith.constant 7 : i32
      %add3A_643 = arith.addi %mul3A_353, %add3A_642 : i32
      %dma_wait3A_644 = arith.constant 7 : i32
      %dma_wait3A_645 = arith.constant 0 : i32
      %dma_wait3A_646 = arith.constant 3 : i32
      %dma_wait3A_647 = arith.constant 64 : i32
      %dma_wait3A_648 = arith.constant 0 : i32
      %dma_wait3A_649 = tpu.memref_slice %arg10[%dma_wait3A_647, %dma_wait3A_648] : memref<128x128xf32, #tpu.memory_space<vmem>> -> memref<64x128xf32, #tpu.memory_space<vmem>>
      %dma_wait3A_650 = arith.constant 0 : i32
      %dma_wait3A_651 = tpu.memref_slice %arg7[%dma_wait3A_644, %dma_wait3A_645, %dma_wait3A_650] : memref<8x1x64xi32, #tpu.memory_space<vmem>> -> memref<1x1x64xi32, #tpu.memory_space<vmem>>
      %dma_wait3A_652 = tpu.memref_squeeze %dma_wait3A_651 : memref<1x1x64xi32, #tpu.memory_space<vmem>> -> memref<64xi32, #tpu.memory_space<vmem>>
      %dma_wait3A_653 = arith.constant 0 : i32
      %dma_wait3A_654 = arith.constant 0 : i32
      %dma_wait3A_655 = tpu.memref_slice %arg4[%dma_wait3A_653, %dma_wait3A_654] : memref<270000x128xf32, #tpu.memory_space<hbm>> -> memref<270000x128xf32, #tpu.memory_space<hbm>>
      %dma_wait3A_656 = tpu.memref_slice %arg12[%dma_wait3A_646] : memref<4x!tpu.dma_semaphore, #tpu.memory_space<semaphore_mem>> -> memref<1x!tpu.dma_semaphore, #tpu.memory_space<semaphore_mem>>
      %dma_wait3A_657 = tpu.memref_squeeze %dma_wait3A_656 : memref<1x!tpu.dma_semaphore, #tpu.memory_space<semaphore_mem>> -> memref<!tpu.dma_semaphore, #tpu.memory_space<semaphore_mem>>
      tpu.wait_indirect_dma semaphore(%dma_wait3A_657 : memref<!tpu.dma_semaphore, #tpu.memory_space<semaphore_mem>>) src(%dma_wait3A_655 : memref<270000x128xf32, #tpu.memory_space<hbm>>) dst(%dma_wait3A_649 : memref<64x128xf32, #tpu.memory_space<vmem>>)
      %add3A_658 = arith.constant 8 : i32
      %add3A_659 = arith.addi %add3A_643, %add3A_658 : i32
      %lt3A_660 = arith.constant 160 : i32
      %lt3A_661 = arith.cmpi slt, %add3A_659, %lt3A_660 : i32
      %convert_element_type3A_662 = arith.extui %lt3A_661 : i1 to i32
      %cond3A_663 = arith.constant 0 : i32
      %cond3A_664 = arith.cmpi ne, %convert_element_type3A_662, %cond3A_663 : i32
      scf.if %cond3A_664 {
        %add3A_711 = arith.constant 8 : i32
        %add3A_712 = arith.addi %add3A_643, %add3A_711 : i32
        %mul3A_713 = arith.constant 160 : i32
        %mul3A_714 = arith.muli %add3A, %mul3A_713 : i32
        %add3A_715 = arith.addi %mul3A_714, %add3A_712 : i32
        %dma_start3A_716 = arith.constant 7 : i32
        %dma_start3A_717 = arith.constant 7 : i32
        %dma_start3A_718 = arith.constant 0 : i32
        %dma_start3A_719 = arith.constant 0 : i32
        %dma_start3A_720 = tpu.memref_slice %arg7[%dma_start3A_716, %dma_start3A_718, %dma_start3A_719] : memref<8x1x64xi32, #tpu.memory_space<vmem>> -> memref<1x1x64xi32, #tpu.memory_space<vmem>>
        %dma_start3A_721 = tpu.memref_squeeze %dma_start3A_720 : memref<1x1x64xi32, #tpu.memory_space<vmem>> -> memref<1x64xi32, #tpu.memory_space<vmem>>
        %dma_start3A_722 = arith.constant 0 : i32
        %dma_start3A_723 = arith.constant 0 : i32
        %dma_start3A_724 = tpu.memref_slice %arg2[%add3A_715, %dma_start3A_722, %dma_start3A_723] : memref<5120x1x64xi32, #tpu.memory_space<hbm>> -> memref<1x1x64xi32, #tpu.memory_space<hbm>>
        %dma_start3A_725 = tpu.memref_squeeze %dma_start3A_724 : memref<1x1x64xi32, #tpu.memory_space<hbm>> -> memref<1x64xi32, #tpu.memory_space<hbm>>
        %dma_start3A_726 = tpu.memref_slice %arg13[%dma_start3A_717] : memref<8x!tpu.dma_semaphore, #tpu.memory_space<semaphore_mem>> -> memref<1x!tpu.dma_semaphore, #tpu.memory_space<semaphore_mem>>
        %dma_start3A_727 = tpu.memref_squeeze %dma_start3A_726 : memref<1x!tpu.dma_semaphore, #tpu.memory_space<semaphore_mem>> -> memref<!tpu.dma_semaphore, #tpu.memory_space<semaphore_mem>>
        %dma_start3A_728 = arith.constant 0 : i32
        %dma_start3A_729 = arith.constant 0 : i32
        %dma_start3A_730 = tpu.memref_slice %arg7[%dma_start3A_716, %dma_start3A_728, %dma_start3A_729] : memref<8x1x64xi32, #tpu.memory_space<vmem>> -> memref<1x1x64xi32, #tpu.memory_space<vmem>>
        %dma_start3A_731 = tpu.memref_squeeze %dma_start3A_730 : memref<1x1x64xi32, #tpu.memory_space<vmem>> -> memref<1x64xi32, #tpu.memory_space<vmem>>
        %dma_start3A_732 = arith.constant 0 : i32
        %dma_start3A_733 = arith.constant 0 : i32
        %dma_start3A_734 = tpu.memref_slice %arg2[%add3A_715, %dma_start3A_732, %dma_start3A_733] : memref<5120x1x64xi32, #tpu.memory_space<hbm>> -> memref<1x1x64xi32, #tpu.memory_space<hbm>>
        %dma_start3A_735 = tpu.memref_squeeze %dma_start3A_734 : memref<1x1x64xi32, #tpu.memory_space<hbm>> -> memref<1x64xi32, #tpu.memory_space<hbm>>
        tpu.enqueue_dma source(%dma_start3A_735 : memref<1x64xi32, #tpu.memory_space<hbm>>) target(%dma_start3A_731 : memref<1x64xi32, #tpu.memory_space<vmem>>) target_semaphore(%dma_start3A_727 : memref<!tpu.dma_semaphore, #tpu.memory_space<semaphore_mem>>)
      } else {
      }
      %jit3A_665 = arith.constant 2 : i32
      %div3A_666 = arith.divsi %add3A_643, %jit3A_665 : i32
      %sign3A_667 = arith.constant 0 : i32
      %sign3A_668 = arith.cmpi sgt, %add3A_643, %sign3A_667 : i32
      %sign3A_669 = arith.extui %sign3A_668 : i1 to i32
      %sign3A_670 = arith.constant 0 : i32
      %sign3A_671 = arith.cmpi slt, %add3A_643, %sign3A_670 : i32
      %sign3A_672 = arith.extui %sign3A_671 : i1 to i32
      %sign3A_673 = arith.subi %sign3A_669, %sign3A_672 : i32
      %sign3A_674 = arith.constant 0 : i32
      %sign3A_675 = arith.cmpi sgt, %jit3A_665, %sign3A_674 : i32
      %sign3A_676 = arith.extui %sign3A_675 : i1 to i32
      %sign3A_677 = arith.constant 0 : i32
      %sign3A_678 = arith.cmpi slt, %jit3A_665, %sign3A_677 : i32
      %sign3A_679 = arith.extui %sign3A_678 : i1 to i32
      %sign3A_680 = arith.subi %sign3A_676, %sign3A_679 : i32
      %ne3A_681 = arith.cmpi ne, %sign3A_673, %sign3A_680 : i32
      %rem3A_682 = arith.remsi %add3A_643, %jit3A_665 : i32
      %ne3A_683 = arith.constant 0 : i32
      %ne3A_684 = arith.cmpi ne, %rem3A_682, %ne3A_683 : i32
      %and3A_685 = arith.andi %ne3A_681, %ne3A_684 : i1
      %sub3A_686 = arith.constant 1 : i32
      %sub3A_687 = arith.subi %div3A_666, %sub3A_686 : i32
      %select_n3A_688 = arith.select %and3A_685, %sub3A_687, %div3A_666 : i32
      "tpu.region"() ({
        %run_scoped3A = tpu.sem_alloc : memref<!tpu.dma_semaphore, #tpu.memory_space<semaphore_mem>>
        %dma_start3A_711 = arith.constant 0 : i32
        %dma_start3A_712 = tpu.memref_slice %arg8[%select_n3A_688, %dma_start3A_711] : memref<80x128xi32, #tpu.memory_space<vmem>> -> memref<1x128xi32, #tpu.memory_space<vmem>>
        %dma_start3A_713 = tpu.memref_squeeze %dma_start3A_712 : memref<1x128xi32, #tpu.memory_space<vmem>> -> memref<128xi32, #tpu.memory_space<vmem>>
        %dma_start3A_714 = arith.constant 0 : i32
        %dma_start3A_715 = arith.constant 0 : i32
        %dma_start3A_716 = tpu.memref_slice %arg11[%dma_start3A_714, %dma_start3A_715] : memref<10112x128xf32, #tpu.memory_space<vmem_shared>> -> memref<10112x128xf32, #tpu.memory_space<vmem_shared>>
        tpu.enqueue_indirect_dma source(%arg10 : memref<128x128xf32, #tpu.memory_space<vmem>>) target(%dma_start3A_716 : memref<10112x128xf32, #tpu.memory_space<vmem_shared>>) offsets(%dma_start3A_713 : memref<128xi32, #tpu.memory_space<vmem>>) semaphore(%run_scoped3A : memref<!tpu.dma_semaphore, #tpu.memory_space<semaphore_mem>>) {add = true}
        %dma_wait3A_717 = arith.constant 0 : i32
        %dma_wait3A_718 = tpu.memref_slice %arg8[%select_n3A_688, %dma_wait3A_717] : memref<80x128xi32, #tpu.memory_space<vmem>> -> memref<1x128xi32, #tpu.memory_space<vmem>>
        %dma_wait3A_719 = tpu.memref_squeeze %dma_wait3A_718 : memref<1x128xi32, #tpu.memory_space<vmem>> -> memref<128xi32, #tpu.memory_space<vmem>>
        %dma_wait3A_720 = arith.constant 0 : i32
        %dma_wait3A_721 = arith.constant 0 : i32
        %dma_wait3A_722 = tpu.memref_slice %arg11[%dma_wait3A_720, %dma_wait3A_721] : memref<10112x128xf32, #tpu.memory_space<vmem_shared>> -> memref<10112x128xf32, #tpu.memory_space<vmem_shared>>
        tpu.wait_indirect_dma semaphore(%run_scoped3A : memref<!tpu.dma_semaphore, #tpu.memory_space<semaphore_mem>>) src(%arg10 : memref<128x128xf32, #tpu.memory_space<vmem>>) dst(%dma_wait3A_722 : memref<10112x128xf32, #tpu.memory_space<vmem_shared>>)
        tpu.yield
      }) : () -> ()
      %sub3A_689 = arith.constant 1 : i32
      %sub3A_690 = arith.subi %add3A_643, %sub3A_689 : i32
      %add3A_691 = arith.constant 0 : i32
      %add3A_692 = arith.addi %sub3A_690, %add3A_691 : i32
      %add3A_693 = arith.constant 4 : i32
      %add3A_694 = arith.addi %add3A_692, %add3A_693 : i32
      %lt3A_695 = arith.constant 160 : i32
      %lt3A_696 = arith.cmpi slt, %add3A_694, %lt3A_695 : i32
      %convert_element_type3A_697 = arith.extui %lt3A_696 : i1 to i32
      %cond3A_698 = arith.constant 0 : i32
      %cond3A_699 = arith.cmpi ne, %convert_element_type3A_697, %cond3A_698 : i32
      scf.if %cond3A_699 {
        %mul3A_711 = arith.constant 160 : i32
        %mul3A_712 = arith.muli %add3A, %mul3A_711 : i32
        %add3A_713 = arith.addi %mul3A_712, %add3A_694 : i32
        %dma_wait3A_714 = arith.constant 2 : i32
        %dma_wait3A_715 = arith.constant 2 : i32
        %dma_wait3A_716 = arith.constant 0 : i32
        %dma_wait3A_717 = arith.constant 0 : i32
        %dma_wait3A_718 = tpu.memref_slice %arg7[%dma_wait3A_714, %dma_wait3A_716, %dma_wait3A_717] : memref<8x1x64xi32, #tpu.memory_space<vmem>> -> memref<1x1x64xi32, #tpu.memory_space<vmem>>
        %dma_wait3A_719 = tpu.memref_squeeze %dma_wait3A_718 : memref<1x1x64xi32, #tpu.memory_space<vmem>> -> memref<1x64xi32, #tpu.memory_space<vmem>>
        %dma_wait3A_720 = arith.constant 0 : i32
        %dma_wait3A_721 = arith.constant 0 : i32
        %dma_wait3A_722 = tpu.memref_slice %arg2[%add3A_713, %dma_wait3A_720, %dma_wait3A_721] : memref<5120x1x64xi32, #tpu.memory_space<hbm>> -> memref<1x1x64xi32, #tpu.memory_space<hbm>>
        %dma_wait3A_723 = tpu.memref_squeeze %dma_wait3A_722 : memref<1x1x64xi32, #tpu.memory_space<hbm>> -> memref<1x64xi32, #tpu.memory_space<hbm>>
        %dma_wait3A_724 = tpu.memref_slice %arg13[%dma_wait3A_715] : memref<8x!tpu.dma_semaphore, #tpu.memory_space<semaphore_mem>> -> memref<1x!tpu.dma_semaphore, #tpu.memory_space<semaphore_mem>>
        %dma_wait3A_725 = tpu.memref_squeeze %dma_wait3A_724 : memref<1x!tpu.dma_semaphore, #tpu.memory_space<semaphore_mem>> -> memref<!tpu.dma_semaphore, #tpu.memory_space<semaphore_mem>>
        %dma_wait3A_726 = arith.constant 0 : i32
        %dma_wait3A_727 = arith.constant 0 : i32
        %dma_wait3A_728 = tpu.memref_slice %arg7[%dma_wait3A_714, %dma_wait3A_726, %dma_wait3A_727] : memref<8x1x64xi32, #tpu.memory_space<vmem>> -> memref<1x1x64xi32, #tpu.memory_space<vmem>>
        %dma_wait3A_729 = tpu.memref_squeeze %dma_wait3A_728 : memref<1x1x64xi32, #tpu.memory_space<vmem>> -> memref<1x64xi32, #tpu.memory_space<vmem>>
        %dma_wait3A_730 = arith.constant 0 : i32
        %dma_wait3A_731 = arith.constant 0 : i32
        %dma_wait3A_732 = tpu.memref_slice %arg2[%add3A_713, %dma_wait3A_730, %dma_wait3A_731] : memref<5120x1x64xi32, #tpu.memory_space<hbm>> -> memref<1x1x64xi32, #tpu.memory_space<hbm>>
        %dma_wait3A_733 = tpu.memref_squeeze %dma_wait3A_732 : memref<1x1x64xi32, #tpu.memory_space<hbm>> -> memref<1x64xi32, #tpu.memory_space<hbm>>
        tpu.wait_dma2 semaphore(%dma_wait3A_725 : memref<!tpu.dma_semaphore, #tpu.memory_space<semaphore_mem>>) src(%dma_wait3A_733 : memref<1x64xi32, #tpu.memory_space<hbm>>) dst(%dma_wait3A_729 : memref<1x64xi32, #tpu.memory_space<vmem>>)
        %dma_start3A_734 = arith.constant 2 : i32
        %dma_start3A_735 = arith.constant 0 : i32
        %dma_start3A_736 = arith.constant 2 : i32
        %dma_start3A_737 = arith.constant 0 : i32
        %dma_start3A_738 = arith.constant 0 : i32
        %dma_start3A_739 = tpu.memref_slice %arg10[%dma_start3A_737, %dma_start3A_738] : memref<128x128xf32, #tpu.memory_space<vmem>> -> memref<64x128xf32, #tpu.memory_space<vmem>>
        %dma_start3A_740 = arith.constant 0 : i32
        %dma_start3A_741 = tpu.memref_slice %arg7[%dma_start3A_734, %dma_start3A_735, %dma_start3A_740] : memref<8x1x64xi32, #tpu.memory_space<vmem>> -> memref<1x1x64xi32, #tpu.memory_space<vmem>>
        %dma_start3A_742 = tpu.memref_squeeze %dma_start3A_741 : memref<1x1x64xi32, #tpu.memory_space<vmem>> -> memref<64xi32, #tpu.memory_space<vmem>>
        %dma_start3A_743 = arith.constant 0 : i32
        %dma_start3A_744 = arith.constant 0 : i32
        %dma_start3A_745 = tpu.memref_slice %arg4[%dma_start3A_743, %dma_start3A_744] : memref<270000x128xf32, #tpu.memory_space<hbm>> -> memref<270000x128xf32, #tpu.memory_space<hbm>>
        %dma_start3A_746 = tpu.memref_slice %arg12[%dma_start3A_736] : memref<4x!tpu.dma_semaphore, #tpu.memory_space<semaphore_mem>> -> memref<1x!tpu.dma_semaphore, #tpu.memory_space<semaphore_mem>>
        %dma_start3A_747 = tpu.memref_squeeze %dma_start3A_746 : memref<1x!tpu.dma_semaphore, #tpu.memory_space<semaphore_mem>> -> memref<!tpu.dma_semaphore, #tpu.memory_space<semaphore_mem>>
        tpu.enqueue_indirect_dma source(%dma_start3A_745 : memref<270000x128xf32, #tpu.memory_space<hbm>>) target(%dma_start3A_739 : memref<64x128xf32, #tpu.memory_space<vmem>>) offsets(%dma_start3A_742 : memref<64xi32, #tpu.memory_space<vmem>>) semaphore(%dma_start3A_747 : memref<!tpu.dma_semaphore, #tpu.memory_space<semaphore_mem>>)
      } else {
      }
      %sub3A_700 = arith.constant 1 : i32
      %sub3A_701 = arith.subi %add3A_643, %sub3A_700 : i32
      %add3A_702 = arith.constant 1 : i32
      %add3A_703 = arith.addi %sub3A_701, %add3A_702 : i32
      %add3A_704 = arith.constant 4 : i32
      %add3A_705 = arith.addi %add3A_703, %add3A_704 : i32
      %lt3A_706 = arith.constant 160 : i32
      %lt3A_707 = arith.cmpi slt, %add3A_705, %lt3A_706 : i32
      %convert_element_type3A_708 = arith.extui %lt3A_707 : i1 to i32
      %cond3A_709 = arith.constant 0 : i32
      %cond3A_710 = arith.cmpi ne, %convert_element_type3A_708, %cond3A_709 : i32
      scf.if %cond3A_710 {
        %mul3A_711 = arith.constant 160 : i32
        %mul3A_712 = arith.muli %add3A, %mul3A_711 : i32
        %add3A_713 = arith.addi %mul3A_712, %add3A_705 : i32
        %dma_wait3A_714 = arith.constant 3 : i32
        %dma_wait3A_715 = arith.constant 3 : i32
        %dma_wait3A_716 = arith.constant 0 : i32
        %dma_wait3A_717 = arith.constant 0 : i32
        %dma_wait3A_718 = tpu.memref_slice %arg7[%dma_wait3A_714, %dma_wait3A_716, %dma_wait3A_717] : memref<8x1x64xi32, #tpu.memory_space<vmem>> -> memref<1x1x64xi32, #tpu.memory_space<vmem>>
        %dma_wait3A_719 = tpu.memref_squeeze %dma_wait3A_718 : memref<1x1x64xi32, #tpu.memory_space<vmem>> -> memref<1x64xi32, #tpu.memory_space<vmem>>
        %dma_wait3A_720 = arith.constant 0 : i32
        %dma_wait3A_721 = arith.constant 0 : i32
        %dma_wait3A_722 = tpu.memref_slice %arg2[%add3A_713, %dma_wait3A_720, %dma_wait3A_721] : memref<5120x1x64xi32, #tpu.memory_space<hbm>> -> memref<1x1x64xi32, #tpu.memory_space<hbm>>
        %dma_wait3A_723 = tpu.memref_squeeze %dma_wait3A_722 : memref<1x1x64xi32, #tpu.memory_space<hbm>> -> memref<1x64xi32, #tpu.memory_space<hbm>>
        %dma_wait3A_724 = tpu.memref_slice %arg13[%dma_wait3A_715] : memref<8x!tpu.dma_semaphore, #tpu.memory_space<semaphore_mem>> -> memref<1x!tpu.dma_semaphore, #tpu.memory_space<semaphore_mem>>
        %dma_wait3A_725 = tpu.memref_squeeze %dma_wait3A_724 : memref<1x!tpu.dma_semaphore, #tpu.memory_space<semaphore_mem>> -> memref<!tpu.dma_semaphore, #tpu.memory_space<semaphore_mem>>
        %dma_wait3A_726 = arith.constant 0 : i32
        %dma_wait3A_727 = arith.constant 0 : i32
        %dma_wait3A_728 = tpu.memref_slice %arg7[%dma_wait3A_714, %dma_wait3A_726, %dma_wait3A_727] : memref<8x1x64xi32, #tpu.memory_space<vmem>> -> memref<1x1x64xi32, #tpu.memory_space<vmem>>
        %dma_wait3A_729 = tpu.memref_squeeze %dma_wait3A_728 : memref<1x1x64xi32, #tpu.memory_space<vmem>> -> memref<1x64xi32, #tpu.memory_space<vmem>>
        %dma_wait3A_730 = arith.constant 0 : i32
        %dma_wait3A_731 = arith.constant 0 : i32
        %dma_wait3A_732 = tpu.memref_slice %arg2[%add3A_713, %dma_wait3A_730, %dma_wait3A_731] : memref<5120x1x64xi32, #tpu.memory_space<hbm>> -> memref<1x1x64xi32, #tpu.memory_space<hbm>>
        %dma_wait3A_733 = tpu.memref_squeeze %dma_wait3A_732 : memref<1x1x64xi32, #tpu.memory_space<hbm>> -> memref<1x64xi32, #tpu.memory_space<hbm>>
        tpu.wait_dma2 semaphore(%dma_wait3A_725 : memref<!tpu.dma_semaphore, #tpu.memory_space<semaphore_mem>>) src(%dma_wait3A_733 : memref<1x64xi32, #tpu.memory_space<hbm>>) dst(%dma_wait3A_729 : memref<1x64xi32, #tpu.memory_space<vmem>>)
        %dma_start3A_734 = arith.constant 3 : i32
        %dma_start3A_735 = arith.constant 0 : i32
        %dma_start3A_736 = arith.constant 3 : i32
        %dma_start3A_737 = arith.constant 64 : i32
        %dma_start3A_738 = arith.constant 0 : i32
        %dma_start3A_739 = tpu.memref_slice %arg10[%dma_start3A_737, %dma_start3A_738] : memref<128x128xf32, #tpu.memory_space<vmem>> -> memref<64x128xf32, #tpu.memory_space<vmem>>
        %dma_start3A_740 = arith.constant 0 : i32
        %dma_start3A_741 = tpu.memref_slice %arg7[%dma_start3A_734, %dma_start3A_735, %dma_start3A_740] : memref<8x1x64xi32, #tpu.memory_space<vmem>> -> memref<1x1x64xi32, #tpu.memory_space<vmem>>
        %dma_start3A_742 = tpu.memref_squeeze %dma_start3A_741 : memref<1x1x64xi32, #tpu.memory_space<vmem>> -> memref<64xi32, #tpu.memory_space<vmem>>
        %dma_start3A_743 = arith.constant 0 : i32
        %dma_start3A_744 = arith.constant 0 : i32
        %dma_start3A_745 = tpu.memref_slice %arg4[%dma_start3A_743, %dma_start3A_744] : memref<270000x128xf32, #tpu.memory_space<hbm>> -> memref<270000x128xf32, #tpu.memory_space<hbm>>
        %dma_start3A_746 = tpu.memref_slice %arg12[%dma_start3A_736] : memref<4x!tpu.dma_semaphore, #tpu.memory_space<semaphore_mem>> -> memref<1x!tpu.dma_semaphore, #tpu.memory_space<semaphore_mem>>
        %dma_start3A_747 = tpu.memref_squeeze %dma_start3A_746 : memref<1x!tpu.dma_semaphore, #tpu.memory_space<semaphore_mem>> -> memref<!tpu.dma_semaphore, #tpu.memory_space<semaphore_mem>>
        tpu.enqueue_indirect_dma source(%dma_start3A_745 : memref<270000x128xf32, #tpu.memory_space<hbm>>) target(%dma_start3A_739 : memref<64x128xf32, #tpu.memory_space<vmem>>) offsets(%dma_start3A_742 : memref<64xi32, #tpu.memory_space<vmem>>) semaphore(%dma_start3A_747 : memref<!tpu.dma_semaphore, #tpu.memory_space<semaphore_mem>>)
      } else {
      }
    }
    %scan3A_349 = arith.constant 20 : i32
    %barrier3A_350 = arith.constant 0 : index
    tpu.barrier barrier_id(%barrier3A_350)
    "tpu.region"() ({
      %run_scoped3A = tpu.sem_alloc : memref<!tpu.dma_semaphore, #tpu.memory_space<semaphore_mem>>
      %dma_start3A_351 = arith.constant 0 : i32
      %dma_start3A_352 = tpu.memref_slice %arg6[%arg0, %mul3A_2, %dma_start3A_351] : memref<2x10112x128xf32, #tpu.memory_space<hbm>> -> memref<1x632x128xf32, #tpu.memory_space<hbm>>
      %dma_start3A_353 = tpu.memref_squeeze %dma_start3A_352 : memref<1x632x128xf32, #tpu.memory_space<hbm>> -> memref<632x128xf32, #tpu.memory_space<hbm>>
      %dma_start3A_354 = arith.constant 0 : i32
      %dma_start3A_355 = tpu.memref_slice %arg11[%mul3A_2, %dma_start3A_354] : memref<10112x128xf32, #tpu.memory_space<vmem_shared>> -> memref<632x128xf32, #tpu.memory_space<vmem_shared>>
      tpu.enqueue_dma source(%dma_start3A_355 : memref<632x128xf32, #tpu.memory_space<vmem_shared>>) target(%dma_start3A_353 : memref<632x128xf32, #tpu.memory_space<hbm>>) target_semaphore(%run_scoped3A : memref<!tpu.dma_semaphore, #tpu.memory_space<semaphore_mem>>)
      %dma_wait3A_356 = arith.constant 0 : i32
      %dma_wait3A_357 = tpu.memref_slice %arg6[%arg0, %mul3A_2, %dma_wait3A_356] : memref<2x10112x128xf32, #tpu.memory_space<hbm>> -> memref<1x632x128xf32, #tpu.memory_space<hbm>>
      %dma_wait3A_358 = tpu.memref_squeeze %dma_wait3A_357 : memref<1x632x128xf32, #tpu.memory_space<hbm>> -> memref<632x128xf32, #tpu.memory_space<hbm>>
      %dma_wait3A_359 = arith.constant 0 : i32
      %dma_wait3A_360 = tpu.memref_slice %arg11[%mul3A_2, %dma_wait3A_359] : memref<10112x128xf32, #tpu.memory_space<vmem_shared>> -> memref<632x128xf32, #tpu.memory_space<vmem_shared>>
      tpu.wait_dma2 semaphore(%run_scoped3A : memref<!tpu.dma_semaphore, #tpu.memory_space<semaphore_mem>>) src(%dma_wait3A_360 : memref<632x128xf32, #tpu.memory_space<vmem_shared>>) dst(%dma_wait3A_358 : memref<632x128xf32, #tpu.memory_space<hbm>>)
      tpu.yield
    }) : () -> ()
    return
  }
}

module attributes {stable_mosaic.version = 14 : i64} {
  func.func @_prep_body(%arg0: memref<2500x128xi32, #tpu.memory_space<vmem>>, %arg1: memref<2500x128xi32, #tpu.memory_space<vmem>>, %arg2: memref<2500x128xi32, #tpu.memory_space<vmem>>) attributes {dimension_semantics = [], scalar_prefetch = 0 : i64, scratch_operands = 0 : i64, tpu.core_type = #tpu.core_type<tc>} {
    %get3A = arith.constant 0 : index
    %get3A_0 = arith.constant 0 : index
    %get3A_1 = vector.load %arg1[%get3A, %get3A_0] : memref<2500x128xi32, #tpu.memory_space<vmem>>, vector<2500x128xi32>
    %mul3A = arith.constant 10000 : i32
    %mul3A_2 = vector.broadcast %mul3A : i32 to vector<2500x128xi32>
    %mul3A_3 = arith.muli %get3A_1, %mul3A_2 : vector<2500x128xi32>
    %get3A_4 = arith.constant 0 : index
    %get3A_5 = arith.constant 0 : index
    %get3A_6 = vector.load %arg0[%get3A_4, %get3A_5] : memref<2500x128xi32, #tpu.memory_space<vmem>>, vector<2500x128xi32>
    %add3A = arith.addi %mul3A_3, %get3A_6 : vector<2500x128xi32>
    %swap3A = arith.constant 0 : index
    %swap3A_7 = arith.constant 0 : index
    %swap3A_8 = vector.load %arg2[%swap3A, %swap3A_7] : memref<2500x128xi32, #tpu.memory_space<vmem>>, vector<2500x128xi32>
    tpu.vector_store %arg2[%swap3A, %swap3A_7], %add3A {strides = array<i32>} : memref<2500x128xi32, #tpu.memory_space<vmem>>, vector<2500x128xi32>,
    return
  }
}

module attributes {stable_mosaic.version = 14 : i64} {
  func.func @_mm_body(%arg0: i32, %arg1: memref<400x128xf32, #tpu.memory_space<vmem>>, %arg2: memref<27x128x128xf32, #tpu.memory_space<vmem>>, %arg3: memref<27x400x128xf32, #tpu.memory_space<vmem>>) attributes {dimension_semantics = [#tpu.dimension_semantics<arbitrary>], iteration_bounds = array<i64: 25>, scalar_prefetch = 0 : i64, scratch_operands = 0 : i64, tpu.core_type = #tpu.core_type<tc>, window_params = [{transform_indices = @transform_0, window_bounds = array<i64: 400, 128>}, {pipeline_mode = #tpu.pipeline_mode<synchronous>, transform_indices = @transform_1, window_bounds = array<i64: 27, 128, 128>}, {transform_indices = @transform_2, window_bounds = array<i64: 27, 400, 128>}]} {
    %get3A = arith.constant 0 : index
    %get3A_0 = arith.constant 0 : index
    %get3A_1 = vector.load %arg1[%get3A, %get3A_0] : memref<400x128xf32, #tpu.memory_space<vmem>>, vector<400x128xf32>
    %get3A_2 = arith.constant 0 : index
    %get3A_3 = arith.constant 0 : index
    %get3A_4 = arith.constant 0 : index
    %get3A_5 = vector.load %arg2[%get3A_2, %get3A_3, %get3A_4] : memref<27x128x128xf32, #tpu.memory_space<vmem>>, vector<1x128x128xf32>
    %get3A_6 = vector.shape_cast %get3A_5 : vector<1x128x128xf32> to vector<128x128xf32>
    %dot_general3A = arith.constant dense<0.000000e+00> : vector<400x128xf32>
    %dot_general3A_7 = tpu.matmul %get3A_1, %get3A_6, %dot_general3A {dimension_numbers = #tpu.dot_dimension_numbers<[1], [0], [0], [1], [0, 0, 1, 1], [], []>, transpose_lhs_hint = false} : vector<400x128xf32>, vector<128x128xf32>, vector<400x128xf32> -> vector<400x128xf32>
    %swap3A = arith.constant 0 : index
    %swap3A_8 = arith.constant 0 : index
    %swap3A_9 = arith.constant 0 : index
    %swap3A_10 = vector.load %arg3[%swap3A, %swap3A_8, %swap3A_9] : memref<27x400x128xf32, #tpu.memory_space<vmem>>, vector<1x400x128xf32>
    %swap3A_11 = vector.shape_cast %swap3A_10 : vector<1x400x128xf32> to vector<400x128xf32>
    %swap3A_12 = vector.shape_cast %dot_general3A_7 : vector<400x128xf32> to vector<1x400x128xf32>
    tpu.vector_store %arg3[%swap3A, %swap3A_8, %swap3A_9], %swap3A_12 {strides = array<i32>} : memref<27x400x128xf32, #tpu.memory_space<vmem>>, vector<1x400x128xf32>,
    %get3A_13 = arith.constant 0 : index
    %get3A_14 = arith.constant 0 : index
    %get3A_15 = vector.load %arg1[%get3A_13, %get3A_14] : memref<400x128xf32, #tpu.memory_space<vmem>>, vector<400x128xf32>
    %get3A_16 = arith.constant 1 : index
    %get3A_17 = arith.constant 0 : index
    %get3A_18 = arith.constant 0 : index
    %get3A_19 = vector.load %arg2[%get3A_16, %get3A_17, %get3A_18] : memref<27x128x128xf32, #tpu.memory_space<vmem>>, vector<1x128x128xf32>
    %get3A_20 = vector.shape_cast %get3A_19 : vector<1x128x128xf32> to vector<128x128xf32>
    %dot_general3A_21 = arith.constant dense<0.000000e+00> : vector<400x128xf32>
    %dot_general3A_22 = tpu.matmul %get3A_15, %get3A_20, %dot_general3A_21 {dimension_numbers = #tpu.dot_dimension_numbers<[1], [0], [0], [1], [0, 0, 1, 1], [], []>, transpose_lhs_hint = false} : vector<400x128xf32>, vector<128x128xf32>, vector<400x128xf32> -> vector<400x128xf32>
    %swap3A_23 = arith.constant 1 : index
    %swap3A_24 = arith.constant 0 : index
    %swap3A_25 = arith.constant 0 : index
    %swap3A_26 = vector.load %arg3[%swap3A_23, %swap3A_24, %swap3A_25] : memref<27x400x128xf32, #tpu.memory_space<vmem>>, vector<1x400x128xf32>
    %swap3A_27 = vector.shape_cast %swap3A_26 : vector<1x400x128xf32> to vector<400x128xf32>
    %swap3A_28 = vector.shape_cast %dot_general3A_22 : vector<400x128xf32> to vector<1x400x128xf32>
    tpu.vector_store %arg3[%swap3A_23, %swap3A_24, %swap3A_25], %swap3A_28 {strides = array<i32>} : memref<27x400x128xf32, #tpu.memory_space<vmem>>, vector<1x400x128xf32>,
    %get3A_29 = arith.constant 0 : index
    %get3A_30 = arith.constant 0 : index
    %get3A_31 = vector.load %arg1[%get3A_29, %get3A_30] : memref<400x128xf32, #tpu.memory_space<vmem>>, vector<400x128xf32>
    %get3A_32 = arith.constant 2 : index
    %get3A_33 = arith.constant 0 : index
    %get3A_34 = arith.constant 0 : index
    %get3A_35 = vector.load %arg2[%get3A_32, %get3A_33, %get3A_34] : memref<27x128x128xf32, #tpu.memory_space<vmem>>, vector<1x128x128xf32>
    %get3A_36 = vector.shape_cast %get3A_35 : vector<1x128x128xf32> to vector<128x128xf32>
    %dot_general3A_37 = arith.constant dense<0.000000e+00> : vector<400x128xf32>
    %dot_general3A_38 = tpu.matmul %get3A_31, %get3A_36, %dot_general3A_37 {dimension_numbers = #tpu.dot_dimension_numbers<[1], [0], [0], [1], [0, 0, 1, 1], [], []>, transpose_lhs_hint = false} : vector<400x128xf32>, vector<128x128xf32>, vector<400x128xf32> -> vector<400x128xf32>
    %swap3A_39 = arith.constant 2 : index
    %swap3A_40 = arith.constant 0 : index
    %swap3A_41 = arith.constant 0 : index
    %swap3A_42 = vector.load %arg3[%swap3A_39, %swap3A_40, %swap3A_41] : memref<27x400x128xf32, #tpu.memory_space<vmem>>, vector<1x400x128xf32>
    %swap3A_43 = vector.shape_cast %swap3A_42 : vector<1x400x128xf32> to vector<400x128xf32>
    %swap3A_44 = vector.shape_cast %dot_general3A_38 : vector<400x128xf32> to vector<1x400x128xf32>
    tpu.vector_store %arg3[%swap3A_39, %swap3A_40, %swap3A_41], %swap3A_44 {strides = array<i32>} : memref<27x400x128xf32, #tpu.memory_space<vmem>>, vector<1x400x128xf32>,
    %get3A_45 = arith.constant 0 : index
    %get3A_46 = arith.constant 0 : index
    %get3A_47 = vector.load %arg1[%get3A_45, %get3A_46] : memref<400x128xf32, #tpu.memory_space<vmem>>, vector<400x128xf32>
    %get3A_48 = arith.constant 3 : index
    %get3A_49 = arith.constant 0 : index
    %get3A_50 = arith.constant 0 : index
    %get3A_51 = vector.load %arg2[%get3A_48, %get3A_49, %get3A_50] : memref<27x128x128xf32, #tpu.memory_space<vmem>>, vector<1x128x128xf32>
    %get3A_52 = vector.shape_cast %get3A_51 : vector<1x128x128xf32> to vector<128x128xf32>
    %dot_general3A_53 = arith.constant dense<0.000000e+00> : vector<400x128xf32>
    %dot_general3A_54 = tpu.matmul %get3A_47, %get3A_52, %dot_general3A_53 {dimension_numbers = #tpu.dot_dimension_numbers<[1], [0], [0], [1], [0, 0, 1, 1], [], []>, transpose_lhs_hint = false} : vector<400x128xf32>, vector<128x128xf32>, vector<400x128xf32> -> vector<400x128xf32>
    %swap3A_55 = arith.constant 3 : index
    %swap3A_56 = arith.constant 0 : index
    %swap3A_57 = arith.constant 0 : index
    %swap3A_58 = vector.load %arg3[%swap3A_55, %swap3A_56, %swap3A_57] : memref<27x400x128xf32, #tpu.memory_space<vmem>>, vector<1x400x128xf32>
    %swap3A_59 = vector.shape_cast %swap3A_58 : vector<1x400x128xf32> to vector<400x128xf32>
    %swap3A_60 = vector.shape_cast %dot_general3A_54 : vector<400x128xf32> to vector<1x400x128xf32>
    tpu.vector_store %arg3[%swap3A_55, %swap3A_56, %swap3A_57], %swap3A_60 {strides = array<i32>} : memref<27x400x128xf32, #tpu.memory_space<vmem>>, vector<1x400x128xf32>,
    %get3A_61 = arith.constant 0 : index
    %get3A_62 = arith.constant 0 : index
    %get3A_63 = vector.load %arg1[%get3A_61, %get3A_62] : memref<400x128xf32, #tpu.memory_space<vmem>>, vector<400x128xf32>
    %get3A_64 = arith.constant 4 : index
    %get3A_65 = arith.constant 0 : index
    %get3A_66 = arith.constant 0 : index
    %get3A_67 = vector.load %arg2[%get3A_64, %get3A_65, %get3A_66] : memref<27x128x128xf32, #tpu.memory_space<vmem>>, vector<1x128x128xf32>
    %get3A_68 = vector.shape_cast %get3A_67 : vector<1x128x128xf32> to vector<128x128xf32>
    %dot_general3A_69 = arith.constant dense<0.000000e+00> : vector<400x128xf32>
    %dot_general3A_70 = tpu.matmul %get3A_63, %get3A_68, %dot_general3A_69 {dimension_numbers = #tpu.dot_dimension_numbers<[1], [0], [0], [1], [0, 0, 1, 1], [], []>, transpose_lhs_hint = false} : vector<400x128xf32>, vector<128x128xf32>, vector<400x128xf32> -> vector<400x128xf32>
    %swap3A_71 = arith.constant 4 : index
    %swap3A_72 = arith.constant 0 : index
    %swap3A_73 = arith.constant 0 : index
    %swap3A_74 = vector.load %arg3[%swap3A_71, %swap3A_72, %swap3A_73] : memref<27x400x128xf32, #tpu.memory_space<vmem>>, vector<1x400x128xf32>
    %swap3A_75 = vector.shape_cast %swap3A_74 : vector<1x400x128xf32> to vector<400x128xf32>
    %swap3A_76 = vector.shape_cast %dot_general3A_70 : vector<400x128xf32> to vector<1x400x128xf32>
    tpu.vector_store %arg3[%swap3A_71, %swap3A_72, %swap3A_73], %swap3A_76 {strides = array<i32>} : memref<27x400x128xf32, #tpu.memory_space<vmem>>, vector<1x400x128xf32>,
    %get3A_77 = arith.constant 0 : index
    %get3A_78 = arith.constant 0 : index
    %get3A_79 = vector.load %arg1[%get3A_77, %get3A_78] : memref<400x128xf32, #tpu.memory_space<vmem>>, vector<400x128xf32>
    %get3A_80 = arith.constant 5 : index
    %get3A_81 = arith.constant 0 : index
    %get3A_82 = arith.constant 0 : index
    %get3A_83 = vector.load %arg2[%get3A_80, %get3A_81, %get3A_82] : memref<27x128x128xf32, #tpu.memory_space<vmem>>, vector<1x128x128xf32>
    %get3A_84 = vector.shape_cast %get3A_83 : vector<1x128x128xf32> to vector<128x128xf32>
    %dot_general3A_85 = arith.constant dense<0.000000e+00> : vector<400x128xf32>
    %dot_general3A_86 = tpu.matmul %get3A_79, %get3A_84, %dot_general3A_85 {dimension_numbers = #tpu.dot_dimension_numbers<[1], [0], [0], [1], [0, 0, 1, 1], [], []>, transpose_lhs_hint = false} : vector<400x128xf32>, vector<128x128xf32>, vector<400x128xf32> -> vector<400x128xf32>
    %swap3A_87 = arith.constant 5 : index
    %swap3A_88 = arith.constant 0 : index
    %swap3A_89 = arith.constant 0 : index
    %swap3A_90 = vector.load %arg3[%swap3A_87, %swap3A_88, %swap3A_89] : memref<27x400x128xf32, #tpu.memory_space<vmem>>, vector<1x400x128xf32>
    %swap3A_91 = vector.shape_cast %swap3A_90 : vector<1x400x128xf32> to vector<400x128xf32>
    %swap3A_92 = vector.shape_cast %dot_general3A_86 : vector<400x128xf32> to vector<1x400x128xf32>
    tpu.vector_store %arg3[%swap3A_87, %swap3A_88, %swap3A_89], %swap3A_92 {strides = array<i32>} : memref<27x400x128xf32, #tpu.memory_space<vmem>>, vector<1x400x128xf32>,
    %get3A_93 = arith.constant 0 : index
    %get3A_94 = arith.constant 0 : index
    %get3A_95 = vector.load %arg1[%get3A_93, %get3A_94] : memref<400x128xf32, #tpu.memory_space<vmem>>, vector<400x128xf32>
    %get3A_96 = arith.constant 6 : index
    %get3A_97 = arith.constant 0 : index
    %get3A_98 = arith.constant 0 : index
    %get3A_99 = vector.load %arg2[%get3A_96, %get3A_97, %get3A_98] : memref<27x128x128xf32, #tpu.memory_space<vmem>>, vector<1x128x128xf32>
    %get3A_100 = vector.shape_cast %get3A_99 : vector<1x128x128xf32> to vector<128x128xf32>
    %dot_general3A_101 = arith.constant dense<0.000000e+00> : vector<400x128xf32>
    %dot_general3A_102 = tpu.matmul %get3A_95, %get3A_100, %dot_general3A_101 {dimension_numbers = #tpu.dot_dimension_numbers<[1], [0], [0], [1], [0, 0, 1, 1], [], []>, transpose_lhs_hint = false} : vector<400x128xf32>, vector<128x128xf32>, vector<400x128xf32> -> vector<400x128xf32>
    %swap3A_103 = arith.constant 6 : index
    %swap3A_104 = arith.constant 0 : index
    %swap3A_105 = arith.constant 0 : index
    %swap3A_106 = vector.load %arg3[%swap3A_103, %swap3A_104, %swap3A_105] : memref<27x400x128xf32, #tpu.memory_space<vmem>>, vector<1x400x128xf32>
    %swap3A_107 = vector.shape_cast %swap3A_106 : vector<1x400x128xf32> to vector<400x128xf32>
    %swap3A_108 = vector.shape_cast %dot_general3A_102 : vector<400x128xf32> to vector<1x400x128xf32>
    tpu.vector_store %arg3[%swap3A_103, %swap3A_104, %swap3A_105], %swap3A_108 {strides = array<i32>} : memref<27x400x128xf32, #tpu.memory_space<vmem>>, vector<1x400x128xf32>,
    %get3A_109 = arith.constant 0 : index
    %get3A_110 = arith.constant 0 : index
    %get3A_111 = vector.load %arg1[%get3A_109, %get3A_110] : memref<400x128xf32, #tpu.memory_space<vmem>>, vector<400x128xf32>
    %get3A_112 = arith.constant 7 : index
    %get3A_113 = arith.constant 0 : index
    %get3A_114 = arith.constant 0 : index
    %get3A_115 = vector.load %arg2[%get3A_112, %get3A_113, %get3A_114] : memref<27x128x128xf32, #tpu.memory_space<vmem>>, vector<1x128x128xf32>
    %get3A_116 = vector.shape_cast %get3A_115 : vector<1x128x128xf32> to vector<128x128xf32>
    %dot_general3A_117 = arith.constant dense<0.000000e+00> : vector<400x128xf32>
    %dot_general3A_118 = tpu.matmul %get3A_111, %get3A_116, %dot_general3A_117 {dimension_numbers = #tpu.dot_dimension_numbers<[1], [0], [0], [1], [0, 0, 1, 1], [], []>, transpose_lhs_hint = false} : vector<400x128xf32>, vector<128x128xf32>, vector<400x128xf32> -> vector<400x128xf32>
    %swap3A_119 = arith.constant 7 : index
    %swap3A_120 = arith.constant 0 : index
    %swap3A_121 = arith.constant 0 : index
    %swap3A_122 = vector.load %arg3[%swap3A_119, %swap3A_120, %swap3A_121] : memref<27x400x128xf32, #tpu.memory_space<vmem>>, vector<1x400x128xf32>
    %swap3A_123 = vector.shape_cast %swap3A_122 : vector<1x400x128xf32> to vector<400x128xf32>
    %swap3A_124 = vector.shape_cast %dot_general3A_118 : vector<400x128xf32> to vector<1x400x128xf32>
    tpu.vector_store %arg3[%swap3A_119, %swap3A_120, %swap3A_121], %swap3A_124 {strides = array<i32>} : memref<27x400x128xf32, #tpu.memory_space<vmem>>, vector<1x400x128xf32>,
    %get3A_125 = arith.constant 0 : index
    %get3A_126 = arith.constant 0 : index
    %get3A_127 = vector.load %arg1[%get3A_125, %get3A_126] : memref<400x128xf32, #tpu.memory_space<vmem>>, vector<400x128xf32>
    %get3A_128 = arith.constant 8 : index
    %get3A_129 = arith.constant 0 : index
    %get3A_130 = arith.constant 0 : index
    %get3A_131 = vector.load %arg2[%get3A_128, %get3A_129, %get3A_130] : memref<27x128x128xf32, #tpu.memory_space<vmem>>, vector<1x128x128xf32>
    %get3A_132 = vector.shape_cast %get3A_131 : vector<1x128x128xf32> to vector<128x128xf32>
    %dot_general3A_133 = arith.constant dense<0.000000e+00> : vector<400x128xf32>
    %dot_general3A_134 = tpu.matmul %get3A_127, %get3A_132, %dot_general3A_133 {dimension_numbers = #tpu.dot_dimension_numbers<[1], [0], [0], [1], [0, 0, 1, 1], [], []>, transpose_lhs_hint = false} : vector<400x128xf32>, vector<128x128xf32>, vector<400x128xf32> -> vector<400x128xf32>
    %swap3A_135 = arith.constant 8 : index
    %swap3A_136 = arith.constant 0 : index
    %swap3A_137 = arith.constant 0 : index
    %swap3A_138 = vector.load %arg3[%swap3A_135, %swap3A_136, %swap3A_137] : memref<27x400x128xf32, #tpu.memory_space<vmem>>, vector<1x400x128xf32>
    %swap3A_139 = vector.shape_cast %swap3A_138 : vector<1x400x128xf32> to vector<400x128xf32>
    %swap3A_140 = vector.shape_cast %dot_general3A_134 : vector<400x128xf32> to vector<1x400x128xf32>
    tpu.vector_store %arg3[%swap3A_135, %swap3A_136, %swap3A_137], %swap3A_140 {strides = array<i32>} : memref<27x400x128xf32, #tpu.memory_space<vmem>>, vector<1x400x128xf32>,
    %get3A_141 = arith.constant 0 : index
    %get3A_142 = arith.constant 0 : index
    %get3A_143 = vector.load %arg1[%get3A_141, %get3A_142] : memref<400x128xf32, #tpu.memory_space<vmem>>, vector<400x128xf32>
    %get3A_144 = arith.constant 9 : index
    %get3A_145 = arith.constant 0 : index
    %get3A_146 = arith.constant 0 : index
    %get3A_147 = vector.load %arg2[%get3A_144, %get3A_145, %get3A_146] : memref<27x128x128xf32, #tpu.memory_space<vmem>>, vector<1x128x128xf32>
    %get3A_148 = vector.shape_cast %get3A_147 : vector<1x128x128xf32> to vector<128x128xf32>
    %dot_general3A_149 = arith.constant dense<0.000000e+00> : vector<400x128xf32>
    %dot_general3A_150 = tpu.matmul %get3A_143, %get3A_148, %dot_general3A_149 {dimension_numbers = #tpu.dot_dimension_numbers<[1], [0], [0], [1], [0, 0, 1, 1], [], []>, transpose_lhs_hint = false} : vector<400x128xf32>, vector<128x128xf32>, vector<400x128xf32> -> vector<400x128xf32>
    %swap3A_151 = arith.constant 9 : index
    %swap3A_152 = arith.constant 0 : index
    %swap3A_153 = arith.constant 0 : index
    %swap3A_154 = vector.load %arg3[%swap3A_151, %swap3A_152, %swap3A_153] : memref<27x400x128xf32, #tpu.memory_space<vmem>>, vector<1x400x128xf32>
    %swap3A_155 = vector.shape_cast %swap3A_154 : vector<1x400x128xf32> to vector<400x128xf32>
    %swap3A_156 = vector.shape_cast %dot_general3A_150 : vector<400x128xf32> to vector<1x400x128xf32>
    tpu.vector_store %arg3[%swap3A_151, %swap3A_152, %swap3A_153], %swap3A_156 {strides = array<i32>} : memref<27x400x128xf32, #tpu.memory_space<vmem>>, vector<1x400x128xf32>,
    %get3A_157 = arith.constant 0 : index
    %get3A_158 = arith.constant 0 : index
    %get3A_159 = vector.load %arg1[%get3A_157, %get3A_158] : memref<400x128xf32, #tpu.memory_space<vmem>>, vector<400x128xf32>
    %get3A_160 = arith.constant 10 : index
    %get3A_161 = arith.constant 0 : index
    %get3A_162 = arith.constant 0 : index
    %get3A_163 = vector.load %arg2[%get3A_160, %get3A_161, %get3A_162] : memref<27x128x128xf32, #tpu.memory_space<vmem>>, vector<1x128x128xf32>
    %get3A_164 = vector.shape_cast %get3A_163 : vector<1x128x128xf32> to vector<128x128xf32>
    %dot_general3A_165 = arith.constant dense<0.000000e+00> : vector<400x128xf32>
    %dot_general3A_166 = tpu.matmul %get3A_159, %get3A_164, %dot_general3A_165 {dimension_numbers = #tpu.dot_dimension_numbers<[1], [0], [0], [1], [0, 0, 1, 1], [], []>, transpose_lhs_hint = false} : vector<400x128xf32>, vector<128x128xf32>, vector<400x128xf32> -> vector<400x128xf32>
    %swap3A_167 = arith.constant 10 : index
    %swap3A_168 = arith.constant 0 : index
    %swap3A_169 = arith.constant 0 : index
    %swap3A_170 = vector.load %arg3[%swap3A_167, %swap3A_168, %swap3A_169] : memref<27x400x128xf32, #tpu.memory_space<vmem>>, vector<1x400x128xf32>
    %swap3A_171 = vector.shape_cast %swap3A_170 : vector<1x400x128xf32> to vector<400x128xf32>
    %swap3A_172 = vector.shape_cast %dot_general3A_166 : vector<400x128xf32> to vector<1x400x128xf32>
    tpu.vector_store %arg3[%swap3A_167, %swap3A_168, %swap3A_169], %swap3A_172 {strides = array<i32>} : memref<27x400x128xf32, #tpu.memory_space<vmem>>, vector<1x400x128xf32>,
    %get3A_173 = arith.constant 0 : index
    %get3A_174 = arith.constant 0 : index
    %get3A_175 = vector.load %arg1[%get3A_173, %get3A_174] : memref<400x128xf32, #tpu.memory_space<vmem>>, vector<400x128xf32>
    %get3A_176 = arith.constant 11 : index
    %get3A_177 = arith.constant 0 : index
    %get3A_178 = arith.constant 0 : index
    %get3A_179 = vector.load %arg2[%get3A_176, %get3A_177, %get3A_178] : memref<27x128x128xf32, #tpu.memory_space<vmem>>, vector<1x128x128xf32>
    %get3A_180 = vector.shape_cast %get3A_179 : vector<1x128x128xf32> to vector<128x128xf32>
    %dot_general3A_181 = arith.constant dense<0.000000e+00> : vector<400x128xf32>
    %dot_general3A_182 = tpu.matmul %get3A_175, %get3A_180, %dot_general3A_181 {dimension_numbers = #tpu.dot_dimension_numbers<[1], [0], [0], [1], [0, 0, 1, 1], [], []>, transpose_lhs_hint = false} : vector<400x128xf32>, vector<128x128xf32>, vector<400x128xf32> -> vector<400x128xf32>
    %swap3A_183 = arith.constant 11 : index
    %swap3A_184 = arith.constant 0 : index
    %swap3A_185 = arith.constant 0 : index
    %swap3A_186 = vector.load %arg3[%swap3A_183, %swap3A_184, %swap3A_185] : memref<27x400x128xf32, #tpu.memory_space<vmem>>, vector<1x400x128xf32>
    %swap3A_187 = vector.shape_cast %swap3A_186 : vector<1x400x128xf32> to vector<400x128xf32>
    %swap3A_188 = vector.shape_cast %dot_general3A_182 : vector<400x128xf32> to vector<1x400x128xf32>
    tpu.vector_store %arg3[%swap3A_183, %swap3A_184, %swap3A_185], %swap3A_188 {strides = array<i32>} : memref<27x400x128xf32, #tpu.memory_space<vmem>>, vector<1x400x128xf32>,
    %get3A_189 = arith.constant 0 : index
    %get3A_190 = arith.constant 0 : index
    %get3A_191 = vector.load %arg1[%get3A_189, %get3A_190] : memref<400x128xf32, #tpu.memory_space<vmem>>, vector<400x128xf32>
    %get3A_192 = arith.constant 12 : index
    %get3A_193 = arith.constant 0 : index
    %get3A_194 = arith.constant 0 : index
    %get3A_195 = vector.load %arg2[%get3A_192, %get3A_193, %get3A_194] : memref<27x128x128xf32, #tpu.memory_space<vmem>>, vector<1x128x128xf32>
    %get3A_196 = vector.shape_cast %get3A_195 : vector<1x128x128xf32> to vector<128x128xf32>
    %dot_general3A_197 = arith.constant dense<0.000000e+00> : vector<400x128xf32>
    %dot_general3A_198 = tpu.matmul %get3A_191, %get3A_196, %dot_general3A_197 {dimension_numbers = #tpu.dot_dimension_numbers<[1], [0], [0], [1], [0, 0, 1, 1], [], []>, transpose_lhs_hint = false} : vector<400x128xf32>, vector<128x128xf32>, vector<400x128xf32> -> vector<400x128xf32>
    %swap3A_199 = arith.constant 12 : index
    %swap3A_200 = arith.constant 0 : index
    %swap3A_201 = arith.constant 0 : index
    %swap3A_202 = vector.load %arg3[%swap3A_199, %swap3A_200, %swap3A_201] : memref<27x400x128xf32, #tpu.memory_space<vmem>>, vector<1x400x128xf32>
    %swap3A_203 = vector.shape_cast %swap3A_202 : vector<1x400x128xf32> to vector<400x128xf32>
    %swap3A_204 = vector.shape_cast %dot_general3A_198 : vector<400x128xf32> to vector<1x400x128xf32>
    tpu.vector_store %arg3[%swap3A_199, %swap3A_200, %swap3A_201], %swap3A_204 {strides = array<i32>} : memref<27x400x128xf32, #tpu.memory_space<vmem>>, vector<1x400x128xf32>,
    %get3A_205 = arith.constant 0 : index
    %get3A_206 = arith.constant 0 : index
    %get3A_207 = vector.load %arg1[%get3A_205, %get3A_206] : memref<400x128xf32, #tpu.memory_space<vmem>>, vector<400x128xf32>
    %get3A_208 = arith.constant 13 : index
    %get3A_209 = arith.constant 0 : index
    %get3A_210 = arith.constant 0 : index
    %get3A_211 = vector.load %arg2[%get3A_208, %get3A_209, %get3A_210] : memref<27x128x128xf32, #tpu.memory_space<vmem>>, vector<1x128x128xf32>
    %get3A_212 = vector.shape_cast %get3A_211 : vector<1x128x128xf32> to vector<128x128xf32>
    %dot_general3A_213 = arith.constant dense<0.000000e+00> : vector<400x128xf32>
    %dot_general3A_214 = tpu.matmul %get3A_207, %get3A_212, %dot_general3A_213 {dimension_numbers = #tpu.dot_dimension_numbers<[1], [0], [0], [1], [0, 0, 1, 1], [], []>, transpose_lhs_hint = false} : vector<400x128xf32>, vector<128x128xf32>, vector<400x128xf32> -> vector<400x128xf32>
    %swap3A_215 = arith.constant 13 : index
    %swap3A_216 = arith.constant 0 : index
    %swap3A_217 = arith.constant 0 : index
    %swap3A_218 = vector.load %arg3[%swap3A_215, %swap3A_216, %swap3A_217] : memref<27x400x128xf32, #tpu.memory_space<vmem>>, vector<1x400x128xf32>
    %swap3A_219 = vector.shape_cast %swap3A_218 : vector<1x400x128xf32> to vector<400x128xf32>
    %swap3A_220 = vector.shape_cast %dot_general3A_214 : vector<400x128xf32> to vector<1x400x128xf32>
    tpu.vector_store %arg3[%swap3A_215, %swap3A_216, %swap3A_217], %swap3A_220 {strides = array<i32>} : memref<27x400x128xf32, #tpu.memory_space<vmem>>, vector<1x400x128xf32>,
    %get3A_221 = arith.constant 0 : index
    %get3A_222 = arith.constant 0 : index
    %get3A_223 = vector.load %arg1[%get3A_221, %get3A_222] : memref<400x128xf32, #tpu.memory_space<vmem>>, vector<400x128xf32>
    %get3A_224 = arith.constant 14 : index
    %get3A_225 = arith.constant 0 : index
    %get3A_226 = arith.constant 0 : index
    %get3A_227 = vector.load %arg2[%get3A_224, %get3A_225, %get3A_226] : memref<27x128x128xf32, #tpu.memory_space<vmem>>, vector<1x128x128xf32>
    %get3A_228 = vector.shape_cast %get3A_227 : vector<1x128x128xf32> to vector<128x128xf32>
    %dot_general3A_229 = arith.constant dense<0.000000e+00> : vector<400x128xf32>
    %dot_general3A_230 = tpu.matmul %get3A_223, %get3A_228, %dot_general3A_229 {dimension_numbers = #tpu.dot_dimension_numbers<[1], [0], [0], [1], [0, 0, 1, 1], [], []>, transpose_lhs_hint = false} : vector<400x128xf32>, vector<128x128xf32>, vector<400x128xf32> -> vector<400x128xf32>
    %swap3A_231 = arith.constant 14 : index
    %swap3A_232 = arith.constant 0 : index
    %swap3A_233 = arith.constant 0 : index
    %swap3A_234 = vector.load %arg3[%swap3A_231, %swap3A_232, %swap3A_233] : memref<27x400x128xf32, #tpu.memory_space<vmem>>, vector<1x400x128xf32>
    %swap3A_235 = vector.shape_cast %swap3A_234 : vector<1x400x128xf32> to vector<400x128xf32>
    %swap3A_236 = vector.shape_cast %dot_general3A_230 : vector<400x128xf32> to vector<1x400x128xf32>
    tpu.vector_store %arg3[%swap3A_231, %swap3A_232, %swap3A_233], %swap3A_236 {strides = array<i32>} : memref<27x400x128xf32, #tpu.memory_space<vmem>>, vector<1x400x128xf32>,
    %get3A_237 = arith.constant 0 : index
    %get3A_238 = arith.constant 0 : index
    %get3A_239 = vector.load %arg1[%get3A_237, %get3A_238] : memref<400x128xf32, #tpu.memory_space<vmem>>, vector<400x128xf32>
    %get3A_240 = arith.constant 15 : index
    %get3A_241 = arith.constant 0 : index
    %get3A_242 = arith.constant 0 : index
    %get3A_243 = vector.load %arg2[%get3A_240, %get3A_241, %get3A_242] : memref<27x128x128xf32, #tpu.memory_space<vmem>>, vector<1x128x128xf32>
    %get3A_244 = vector.shape_cast %get3A_243 : vector<1x128x128xf32> to vector<128x128xf32>
    %dot_general3A_245 = arith.constant dense<0.000000e+00> : vector<400x128xf32>
    %dot_general3A_246 = tpu.matmul %get3A_239, %get3A_244, %dot_general3A_245 {dimension_numbers = #tpu.dot_dimension_numbers<[1], [0], [0], [1], [0, 0, 1, 1], [], []>, transpose_lhs_hint = false} : vector<400x128xf32>, vector<128x128xf32>, vector<400x128xf32> -> vector<400x128xf32>
    %swap3A_247 = arith.constant 15 : index
    %swap3A_248 = arith.constant 0 : index
    %swap3A_249 = arith.constant 0 : index
    %swap3A_250 = vector.load %arg3[%swap3A_247, %swap3A_248, %swap3A_249] : memref<27x400x128xf32, #tpu.memory_space<vmem>>, vector<1x400x128xf32>
    %swap3A_251 = vector.shape_cast %swap3A_250 : vector<1x400x128xf32> to vector<400x128xf32>
    %swap3A_252 = vector.shape_cast %dot_general3A_246 : vector<400x128xf32> to vector<1x400x128xf32>
    tpu.vector_store %arg3[%swap3A_247, %swap3A_248, %swap3A_249], %swap3A_252 {strides = array<i32>} : memref<27x400x128xf32, #tpu.memory_space<vmem>>, vector<1x400x128xf32>,
    %get3A_253 = arith.constant 0 : index
    %get3A_254 = arith.constant 0 : index
    %get3A_255 = vector.load %arg1[%get3A_253, %get3A_254] : memref<400x128xf32, #tpu.memory_space<vmem>>, vector<400x128xf32>
    %get3A_256 = arith.constant 16 : index
    %get3A_257 = arith.constant 0 : index
    %get3A_258 = arith.constant 0 : index
    %get3A_259 = vector.load %arg2[%get3A_256, %get3A_257, %get3A_258] : memref<27x128x128xf32, #tpu.memory_space<vmem>>, vector<1x128x128xf32>
    %get3A_260 = vector.shape_cast %get3A_259 : vector<1x128x128xf32> to vector<128x128xf32>
    %dot_general3A_261 = arith.constant dense<0.000000e+00> : vector<400x128xf32>
    %dot_general3A_262 = tpu.matmul %get3A_255, %get3A_260, %dot_general3A_261 {dimension_numbers = #tpu.dot_dimension_numbers<[1], [0], [0], [1], [0, 0, 1, 1], [], []>, transpose_lhs_hint = false} : vector<400x128xf32>, vector<128x128xf32>, vector<400x128xf32> -> vector<400x128xf32>
    %swap3A_263 = arith.constant 16 : index
    %swap3A_264 = arith.constant 0 : index
    %swap3A_265 = arith.constant 0 : index
    %swap3A_266 = vector.load %arg3[%swap3A_263, %swap3A_264, %swap3A_265] : memref<27x400x128xf32, #tpu.memory_space<vmem>>, vector<1x400x128xf32>
    %swap3A_267 = vector.shape_cast %swap3A_266 : vector<1x400x128xf32> to vector<400x128xf32>
    %swap3A_268 = vector.shape_cast %dot_general3A_262 : vector<400x128xf32> to vector<1x400x128xf32>
    tpu.vector_store %arg3[%swap3A_263, %swap3A_264, %swap3A_265], %swap3A_268 {strides = array<i32>} : memref<27x400x128xf32, #tpu.memory_space<vmem>>, vector<1x400x128xf32>,
    %get3A_269 = arith.constant 0 : index
    %get3A_270 = arith.constant 0 : index
    %get3A_271 = vector.load %arg1[%get3A_269, %get3A_270] : memref<400x128xf32, #tpu.memory_space<vmem>>, vector<400x128xf32>
    %get3A_272 = arith.constant 17 : index
    %get3A_273 = arith.constant 0 : index
    %get3A_274 = arith.constant 0 : index
    %get3A_275 = vector.load %arg2[%get3A_272, %get3A_273, %get3A_274] : memref<27x128x128xf32, #tpu.memory_space<vmem>>, vector<1x128x128xf32>
    %get3A_276 = vector.shape_cast %get3A_275 : vector<1x128x128xf32> to vector<128x128xf32>
    %dot_general3A_277 = arith.constant dense<0.000000e+00> : vector<400x128xf32>
    %dot_general3A_278 = tpu.matmul %get3A_271, %get3A_276, %dot_general3A_277 {dimension_numbers = #tpu.dot_dimension_numbers<[1], [0], [0], [1], [0, 0, 1, 1], [], []>, transpose_lhs_hint = false} : vector<400x128xf32>, vector<128x128xf32>, vector<400x128xf32> -> vector<400x128xf32>
    %swap3A_279 = arith.constant 17 : index
    %swap3A_280 = arith.constant 0 : index
    %swap3A_281 = arith.constant 0 : index
    %swap3A_282 = vector.load %arg3[%swap3A_279, %swap3A_280, %swap3A_281] : memref<27x400x128xf32, #tpu.memory_space<vmem>>, vector<1x400x128xf32>
    %swap3A_283 = vector.shape_cast %swap3A_282 : vector<1x400x128xf32> to vector<400x128xf32>
    %swap3A_284 = vector.shape_cast %dot_general3A_278 : vector<400x128xf32> to vector<1x400x128xf32>
    tpu.vector_store %arg3[%swap3A_279, %swap3A_280, %swap3A_281], %swap3A_284 {strides = array<i32>} : memref<27x400x128xf32, #tpu.memory_space<vmem>>, vector<1x400x128xf32>,
    %get3A_285 = arith.constant 0 : index
    %get3A_286 = arith.constant 0 : index
    %get3A_287 = vector.load %arg1[%get3A_285, %get3A_286] : memref<400x128xf32, #tpu.memory_space<vmem>>, vector<400x128xf32>
    %get3A_288 = arith.constant 18 : index
    %get3A_289 = arith.constant 0 : index
    %get3A_290 = arith.constant 0 : index
    %get3A_291 = vector.load %arg2[%get3A_288, %get3A_289, %get3A_290] : memref<27x128x128xf32, #tpu.memory_space<vmem>>, vector<1x128x128xf32>
    %get3A_292 = vector.shape_cast %get3A_291 : vector<1x128x128xf32> to vector<128x128xf32>
    %dot_general3A_293 = arith.constant dense<0.000000e+00> : vector<400x128xf32>
    %dot_general3A_294 = tpu.matmul %get3A_287, %get3A_292, %dot_general3A_293 {dimension_numbers = #tpu.dot_dimension_numbers<[1], [0], [0], [1], [0, 0, 1, 1], [], []>, transpose_lhs_hint = false} : vector<400x128xf32>, vector<128x128xf32>, vector<400x128xf32> -> vector<400x128xf32>
    %swap3A_295 = arith.constant 18 : index
    %swap3A_296 = arith.constant 0 : index
    %swap3A_297 = arith.constant 0 : index
    %swap3A_298 = vector.load %arg3[%swap3A_295, %swap3A_296, %swap3A_297] : memref<27x400x128xf32, #tpu.memory_space<vmem>>, vector<1x400x128xf32>
    %swap3A_299 = vector.shape_cast %swap3A_298 : vector<1x400x128xf32> to vector<400x128xf32>
    %swap3A_300 = vector.shape_cast %dot_general3A_294 : vector<400x128xf32> to vector<1x400x128xf32>
    tpu.vector_store %arg3[%swap3A_295, %swap3A_296, %swap3A_297], %swap3A_300 {strides = array<i32>} : memref<27x400x128xf32, #tpu.memory_space<vmem>>, vector<1x400x128xf32>,
    %get3A_301 = arith.constant 0 : index
    %get3A_302 = arith.constant 0 : index
    %get3A_303 = vector.load %arg1[%get3A_301, %get3A_302] : memref<400x128xf32, #tpu.memory_space<vmem>>, vector<400x128xf32>
    %get3A_304 = arith.constant 19 : index
    %get3A_305 = arith.constant 0 : index
    %get3A_306 = arith.constant 0 : index
    %get3A_307 = vector.load %arg2[%get3A_304, %get3A_305, %get3A_306] : memref<27x128x128xf32, #tpu.memory_space<vmem>>, vector<1x128x128xf32>
    %get3A_308 = vector.shape_cast %get3A_307 : vector<1x128x128xf32> to vector<128x128xf32>
    %dot_general3A_309 = arith.constant dense<0.000000e+00> : vector<400x128xf32>
    %dot_general3A_310 = tpu.matmul %get3A_303, %get3A_308, %dot_general3A_309 {dimension_numbers = #tpu.dot_dimension_numbers<[1], [0], [0], [1], [0, 0, 1, 1], [], []>, transpose_lhs_hint = false} : vector<400x128xf32>, vector<128x128xf32>, vector<400x128xf32> -> vector<400x128xf32>
    %swap3A_311 = arith.constant 19 : index
    %swap3A_312 = arith.constant 0 : index
    %swap3A_313 = arith.constant 0 : index
    %swap3A_314 = vector.load %arg3[%swap3A_311, %swap3A_312, %swap3A_313] : memref<27x400x128xf32, #tpu.memory_space<vmem>>, vector<1x400x128xf32>
    %swap3A_315 = vector.shape_cast %swap3A_314 : vector<1x400x128xf32> to vector<400x128xf32>
    %swap3A_316 = vector.shape_cast %dot_general3A_310 : vector<400x128xf32> to vector<1x400x128xf32>
    tpu.vector_store %arg3[%swap3A_311, %swap3A_312, %swap3A_313], %swap3A_316 {strides = array<i32>} : memref<27x400x128xf32, #tpu.memory_space<vmem>>, vector<1x400x128xf32>,
    %get3A_317 = arith.constant 0 : index
    %get3A_318 = arith.constant 0 : index
    %get3A_319 = vector.load %arg1[%get3A_317, %get3A_318] : memref<400x128xf32, #tpu.memory_space<vmem>>, vector<400x128xf32>
    %get3A_320 = arith.constant 20 : index
    %get3A_321 = arith.constant 0 : index
    %get3A_322 = arith.constant 0 : index
    %get3A_323 = vector.load %arg2[%get3A_320, %get3A_321, %get3A_322] : memref<27x128x128xf32, #tpu.memory_space<vmem>>, vector<1x128x128xf32>
    %get3A_324 = vector.shape_cast %get3A_323 : vector<1x128x128xf32> to vector<128x128xf32>
    %dot_general3A_325 = arith.constant dense<0.000000e+00> : vector<400x128xf32>
    %dot_general3A_326 = tpu.matmul %get3A_319, %get3A_324, %dot_general3A_325 {dimension_numbers = #tpu.dot_dimension_numbers<[1], [0], [0], [1], [0, 0, 1, 1], [], []>, transpose_lhs_hint = false} : vector<400x128xf32>, vector<128x128xf32>, vector<400x128xf32> -> vector<400x128xf32>
    %swap3A_327 = arith.constant 20 : index
    %swap3A_328 = arith.constant 0 : index
    %swap3A_329 = arith.constant 0 : index
    %swap3A_330 = vector.load %arg3[%swap3A_327, %swap3A_328, %swap3A_329] : memref<27x400x128xf32, #tpu.memory_space<vmem>>, vector<1x400x128xf32>
    %swap3A_331 = vector.shape_cast %swap3A_330 : vector<1x400x128xf32> to vector<400x128xf32>
    %swap3A_332 = vector.shape_cast %dot_general3A_326 : vector<400x128xf32> to vector<1x400x128xf32>
    tpu.vector_store %arg3[%swap3A_327, %swap3A_328, %swap3A_329], %swap3A_332 {strides = array<i32>} : memref<27x400x128xf32, #tpu.memory_space<vmem>>, vector<1x400x128xf32>,
    %get3A_333 = arith.constant 0 : index
    %get3A_334 = arith.constant 0 : index
    %get3A_335 = vector.load %arg1[%get3A_333, %get3A_334] : memref<400x128xf32, #tpu.memory_space<vmem>>, vector<400x128xf32>
    %get3A_336 = arith.constant 21 : index
    %get3A_337 = arith.constant 0 : index
    %get3A_338 = arith.constant 0 : index
    %get3A_339 = vector.load %arg2[%get3A_336, %get3A_337, %get3A_338] : memref<27x128x128xf32, #tpu.memory_space<vmem>>, vector<1x128x128xf32>
    %get3A_340 = vector.shape_cast %get3A_339 : vector<1x128x128xf32> to vector<128x128xf32>
    %dot_general3A_341 = arith.constant dense<0.000000e+00> : vector<400x128xf32>
    %dot_general3A_342 = tpu.matmul %get3A_335, %get3A_340, %dot_general3A_341 {dimension_numbers = #tpu.dot_dimension_numbers<[1], [0], [0], [1], [0, 0, 1, 1], [], []>, transpose_lhs_hint = false} : vector<400x128xf32>, vector<128x128xf32>, vector<400x128xf32> -> vector<400x128xf32>
    %swap3A_343 = arith.constant 21 : index
    %swap3A_344 = arith.constant 0 : index
    %swap3A_345 = arith.constant 0 : index
    %swap3A_346 = vector.load %arg3[%swap3A_343, %swap3A_344, %swap3A_345] : memref<27x400x128xf32, #tpu.memory_space<vmem>>, vector<1x400x128xf32>
    %swap3A_347 = vector.shape_cast %swap3A_346 : vector<1x400x128xf32> to vector<400x128xf32>
    %swap3A_348 = vector.shape_cast %dot_general3A_342 : vector<400x128xf32> to vector<1x400x128xf32>
    tpu.vector_store %arg3[%swap3A_343, %swap3A_344, %swap3A_345], %swap3A_348 {strides = array<i32>} : memref<27x400x128xf32, #tpu.memory_space<vmem>>, vector<1x400x128xf32>,
    %get3A_349 = arith.constant 0 : index
    %get3A_350 = arith.constant 0 : index
    %get3A_351 = vector.load %arg1[%get3A_349, %get3A_350] : memref<400x128xf32, #tpu.memory_space<vmem>>, vector<400x128xf32>
    %get3A_352 = arith.constant 22 : index
    %get3A_353 = arith.constant 0 : index
    %get3A_354 = arith.constant 0 : index
    %get3A_355 = vector.load %arg2[%get3A_352, %get3A_353, %get3A_354] : memref<27x128x128xf32, #tpu.memory_space<vmem>>, vector<1x128x128xf32>
    %get3A_356 = vector.shape_cast %get3A_355 : vector<1x128x128xf32> to vector<128x128xf32>
    %dot_general3A_357 = arith.constant dense<0.000000e+00> : vector<400x128xf32>
    %dot_general3A_358 = tpu.matmul %get3A_351, %get3A_356, %dot_general3A_357 {dimension_numbers = #tpu.dot_dimension_numbers<[1], [0], [0], [1], [0, 0, 1, 1], [], []>, transpose_lhs_hint = false} : vector<400x128xf32>, vector<128x128xf32>, vector<400x128xf32> -> vector<400x128xf32>
    %swap3A_359 = arith.constant 22 : index
    %swap3A_360 = arith.constant 0 : index
    %swap3A_361 = arith.constant 0 : index
    %swap3A_362 = vector.load %arg3[%swap3A_359, %swap3A_360, %swap3A_361] : memref<27x400x128xf32, #tpu.memory_space<vmem>>, vector<1x400x128xf32>
    %swap3A_363 = vector.shape_cast %swap3A_362 : vector<1x400x128xf32> to vector<400x128xf32>
    %swap3A_364 = vector.shape_cast %dot_general3A_358 : vector<400x128xf32> to vector<1x400x128xf32>
    tpu.vector_store %arg3[%swap3A_359, %swap3A_360, %swap3A_361], %swap3A_364 {strides = array<i32>} : memref<27x400x128xf32, #tpu.memory_space<vmem>>, vector<1x400x128xf32>,
    %get3A_365 = arith.constant 0 : index
    %get3A_366 = arith.constant 0 : index
    %get3A_367 = vector.load %arg1[%get3A_365, %get3A_366] : memref<400x128xf32, #tpu.memory_space<vmem>>, vector<400x128xf32>
    %get3A_368 = arith.constant 23 : index
    %get3A_369 = arith.constant 0 : index
    %get3A_370 = arith.constant 0 : index
    %get3A_371 = vector.load %arg2[%get3A_368, %get3A_369, %get3A_370] : memref<27x128x128xf32, #tpu.memory_space<vmem>>, vector<1x128x128xf32>
    %get3A_372 = vector.shape_cast %get3A_371 : vector<1x128x128xf32> to vector<128x128xf32>
    %dot_general3A_373 = arith.constant dense<0.000000e+00> : vector<400x128xf32>
    %dot_general3A_374 = tpu.matmul %get3A_367, %get3A_372, %dot_general3A_373 {dimension_numbers = #tpu.dot_dimension_numbers<[1], [0], [0], [1], [0, 0, 1, 1], [], []>, transpose_lhs_hint = false} : vector<400x128xf32>, vector<128x128xf32>, vector<400x128xf32> -> vector<400x128xf32>
    %swap3A_375 = arith.constant 23 : index
    %swap3A_376 = arith.constant 0 : index
    %swap3A_377 = arith.constant 0 : index
    %swap3A_378 = vector.load %arg3[%swap3A_375, %swap3A_376, %swap3A_377] : memref<27x400x128xf32, #tpu.memory_space<vmem>>, vector<1x400x128xf32>
    %swap3A_379 = vector.shape_cast %swap3A_378 : vector<1x400x128xf32> to vector<400x128xf32>
    %swap3A_380 = vector.shape_cast %dot_general3A_374 : vector<400x128xf32> to vector<1x400x128xf32>
    tpu.vector_store %arg3[%swap3A_375, %swap3A_376, %swap3A_377], %swap3A_380 {strides = array<i32>} : memref<27x400x128xf32, #tpu.memory_space<vmem>>, vector<1x400x128xf32>,
    %get3A_381 = arith.constant 0 : index
    %get3A_382 = arith.constant 0 : index
    %get3A_383 = vector.load %arg1[%get3A_381, %get3A_382] : memref<400x128xf32, #tpu.memory_space<vmem>>, vector<400x128xf32>
    %get3A_384 = arith.constant 24 : index
    %get3A_385 = arith.constant 0 : index
    %get3A_386 = arith.constant 0 : index
    %get3A_387 = vector.load %arg2[%get3A_384, %get3A_385, %get3A_386] : memref<27x128x128xf32, #tpu.memory_space<vmem>>, vector<1x128x128xf32>
    %get3A_388 = vector.shape_cast %get3A_387 : vector<1x128x128xf32> to vector<128x128xf32>
    %dot_general3A_389 = arith.constant dense<0.000000e+00> : vector<400x128xf32>
    %dot_general3A_390 = tpu.matmul %get3A_383, %get3A_388, %dot_general3A_389 {dimension_numbers = #tpu.dot_dimension_numbers<[1], [0], [0], [1], [0, 0, 1, 1], [], []>, transpose_lhs_hint = false} : vector<400x128xf32>, vector<128x128xf32>, vector<400x128xf32> -> vector<400x128xf32>
    %swap3A_391 = arith.constant 24 : index
    %swap3A_392 = arith.constant 0 : index
    %swap3A_393 = arith.constant 0 : index
    %swap3A_394 = vector.load %arg3[%swap3A_391, %swap3A_392, %swap3A_393] : memref<27x400x128xf32, #tpu.memory_space<vmem>>, vector<1x400x128xf32>
    %swap3A_395 = vector.shape_cast %swap3A_394 : vector<1x400x128xf32> to vector<400x128xf32>
    %swap3A_396 = vector.shape_cast %dot_general3A_390 : vector<400x128xf32> to vector<1x400x128xf32>
    tpu.vector_store %arg3[%swap3A_391, %swap3A_392, %swap3A_393], %swap3A_396 {strides = array<i32>} : memref<27x400x128xf32, #tpu.memory_space<vmem>>, vector<1x400x128xf32>,
    %get3A_397 = arith.constant 0 : index
    %get3A_398 = arith.constant 0 : index
    %get3A_399 = vector.load %arg1[%get3A_397, %get3A_398] : memref<400x128xf32, #tpu.memory_space<vmem>>, vector<400x128xf32>
    %get3A_400 = arith.constant 25 : index
    %get3A_401 = arith.constant 0 : index
    %get3A_402 = arith.constant 0 : index
    %get3A_403 = vector.load %arg2[%get3A_400, %get3A_401, %get3A_402] : memref<27x128x128xf32, #tpu.memory_space<vmem>>, vector<1x128x128xf32>
    %get3A_404 = vector.shape_cast %get3A_403 : vector<1x128x128xf32> to vector<128x128xf32>
    %dot_general3A_405 = arith.constant dense<0.000000e+00> : vector<400x128xf32>
    %dot_general3A_406 = tpu.matmul %get3A_399, %get3A_404, %dot_general3A_405 {dimension_numbers = #tpu.dot_dimension_numbers<[1], [0], [0], [1], [0, 0, 1, 1], [], []>, transpose_lhs_hint = false} : vector<400x128xf32>, vector<128x128xf32>, vector<400x128xf32> -> vector<400x128xf32>
    %swap3A_407 = arith.constant 25 : index
    %swap3A_408 = arith.constant 0 : index
    %swap3A_409 = arith.constant 0 : index
    %swap3A_410 = vector.load %arg3[%swap3A_407, %swap3A_408, %swap3A_409] : memref<27x400x128xf32, #tpu.memory_space<vmem>>, vector<1x400x128xf32>
    %swap3A_411 = vector.shape_cast %swap3A_410 : vector<1x400x128xf32> to vector<400x128xf32>
    %swap3A_412 = vector.shape_cast %dot_general3A_406 : vector<400x128xf32> to vector<1x400x128xf32>
    tpu.vector_store %arg3[%swap3A_407, %swap3A_408, %swap3A_409], %swap3A_412 {strides = array<i32>} : memref<27x400x128xf32, #tpu.memory_space<vmem>>, vector<1x400x128xf32>,
    %get3A_413 = arith.constant 0 : index
    %get3A_414 = arith.constant 0 : index
    %get3A_415 = vector.load %arg1[%get3A_413, %get3A_414] : memref<400x128xf32, #tpu.memory_space<vmem>>, vector<400x128xf32>
    %get3A_416 = arith.constant 26 : index
    %get3A_417 = arith.constant 0 : index
    %get3A_418 = arith.constant 0 : index
    %get3A_419 = vector.load %arg2[%get3A_416, %get3A_417, %get3A_418] : memref<27x128x128xf32, #tpu.memory_space<vmem>>, vector<1x128x128xf32>
    %get3A_420 = vector.shape_cast %get3A_419 : vector<1x128x128xf32> to vector<128x128xf32>
    %dot_general3A_421 = arith.constant dense<0.000000e+00> : vector<400x128xf32>
    %dot_general3A_422 = tpu.matmul %get3A_415, %get3A_420, %dot_general3A_421 {dimension_numbers = #tpu.dot_dimension_numbers<[1], [0], [0], [1], [0, 0, 1, 1], [], []>, transpose_lhs_hint = false} : vector<400x128xf32>, vector<128x128xf32>, vector<400x128xf32> -> vector<400x128xf32>
    %swap3A_423 = arith.constant 26 : index
    %swap3A_424 = arith.constant 0 : index
    %swap3A_425 = arith.constant 0 : index
    %swap3A_426 = vector.load %arg3[%swap3A_423, %swap3A_424, %swap3A_425] : memref<27x400x128xf32, #tpu.memory_space<vmem>>, vector<1x400x128xf32>
    %swap3A_427 = vector.shape_cast %swap3A_426 : vector<1x400x128xf32> to vector<400x128xf32>
    %swap3A_428 = vector.shape_cast %dot_general3A_422 : vector<400x128xf32> to vector<1x400x128xf32>
    tpu.vector_store %arg3[%swap3A_423, %swap3A_424, %swap3A_425], %swap3A_428 {strides = array<i32>} : memref<27x400x128xf32, #tpu.memory_space<vmem>>, vector<1x400x128xf32>,
    return
  }
  func.func @transform_0(%arg0: i32) -> (i32, i32) {
    %c0_i32 = arith.constant 0 : i32
    %c0_i32_0 = arith.constant 0 : i32
    return %arg0, %c0_i32 : i32, i32
  }
  func.func @transform_1(%arg0: i32) -> (i32, i32, i32) {
    %c0_i32 = arith.constant 0 : i32
    %c0_i32_0 = arith.constant 0 : i32
    %c0_i32_1 = arith.constant 0 : i32
    %c0_i32_2 = arith.constant 0 : i32
    return %c0_i32, %c0_i32_0, %c0_i32_1 : i32, i32, i32
  }
  func.func @transform_2(%arg0: i32) -> (i32, i32, i32) {
    %c0_i32 = arith.constant 0 : i32
    %c0_i32_0 = arith.constant 0 : i32
    %c0_i32_1 = arith.constant 0 : i32
    return %c0_i32, %arg0, %c0_i32_0 : i32, i32, i32
  }
}

module attributes {stable_mosaic.version = 14 : i64} {
  func.func @_mm_fused_body(%arg0: i32, %arg1: memref<400x128xf32, #tpu.memory_space<vmem>>, %arg2: memref<400x128xf32, #tpu.memory_space<vmem>>, %arg3: memref<27x128x128xf32, #tpu.memory_space<vmem>>, %arg4: memref<27x400x128xf32, #tpu.memory_space<vmem>>) attributes {dimension_semantics = [#tpu.dimension_semantics<arbitrary>], iteration_bounds = array<i64: 25>, scalar_prefetch = 0 : i64, scratch_operands = 0 : i64, tpu.core_type = #tpu.core_type<tc>, window_params = [{transform_indices = @transform_0, window_bounds = array<i64: 400, 128>}, {transform_indices = @transform_1, window_bounds = array<i64: 400, 128>}, {pipeline_mode = #tpu.pipeline_mode<synchronous>, transform_indices = @transform_2, window_bounds = array<i64: 27, 128, 128>}, {transform_indices = @transform_3, window_bounds = array<i64: 27, 400, 128>}]} {
    %get3A = arith.constant 0 : index
    %get3A_0 = arith.constant 0 : index
    %get3A_1 = vector.load %arg1[%get3A, %get3A_0] : memref<400x128xf32, #tpu.memory_space<vmem>>, vector<400x128xf32>
    %get3A_2 = arith.constant 0 : index
    %get3A_3 = arith.constant 0 : index
    %get3A_4 = vector.load %arg2[%get3A_2, %get3A_3] : memref<400x128xf32, #tpu.memory_space<vmem>>, vector<400x128xf32>
    %add3A = arith.addf %get3A_1, %get3A_4 : vector<400x128xf32>
    %max3A = arith.constant 0.000000e+00 : f32
    %max3A_5 = vector.broadcast %max3A : f32 to vector<400x128xf32>
    %max3A_6 = arith.maximumf %add3A, %max3A_5 : vector<400x128xf32>
    %get3A_7 = arith.constant 0 : index
    %get3A_8 = arith.constant 0 : index
    %get3A_9 = arith.constant 0 : index
    %get3A_10 = vector.load %arg3[%get3A_7, %get3A_8, %get3A_9] : memref<27x128x128xf32, #tpu.memory_space<vmem>>, vector<1x128x128xf32>
    %get3A_11 = vector.shape_cast %get3A_10 : vector<1x128x128xf32> to vector<128x128xf32>
    %dot_general3A = arith.constant dense<0.000000e+00> : vector<400x128xf32>
    %dot_general3A_12 = tpu.matmul %max3A_6, %get3A_11, %dot_general3A {dimension_numbers = #tpu.dot_dimension_numbers<[1], [0], [0], [1], [0, 0, 1, 1], [], []>, transpose_lhs_hint = false} : vector<400x128xf32>, vector<128x128xf32>, vector<400x128xf32> -> vector<400x128xf32>
    %swap3A = arith.constant 0 : index
    %swap3A_13 = arith.constant 0 : index
    %swap3A_14 = arith.constant 0 : index
    %swap3A_15 = vector.load %arg4[%swap3A, %swap3A_13, %swap3A_14] : memref<27x400x128xf32, #tpu.memory_space<vmem>>, vector<1x400x128xf32>
    %swap3A_16 = vector.shape_cast %swap3A_15 : vector<1x400x128xf32> to vector<400x128xf32>
    %swap3A_17 = vector.shape_cast %dot_general3A_12 : vector<400x128xf32> to vector<1x400x128xf32>
    tpu.vector_store %arg4[%swap3A, %swap3A_13, %swap3A_14], %swap3A_17 {strides = array<i32>} : memref<27x400x128xf32, #tpu.memory_space<vmem>>, vector<1x400x128xf32>,
    %get3A_18 = arith.constant 1 : index
    %get3A_19 = arith.constant 0 : index
    %get3A_20 = arith.constant 0 : index
    %get3A_21 = vector.load %arg3[%get3A_18, %get3A_19, %get3A_20] : memref<27x128x128xf32, #tpu.memory_space<vmem>>, vector<1x128x128xf32>
    %get3A_22 = vector.shape_cast %get3A_21 : vector<1x128x128xf32> to vector<128x128xf32>
    %dot_general3A_23 = arith.constant dense<0.000000e+00> : vector<400x128xf32>
    %dot_general3A_24 = tpu.matmul %max3A_6, %get3A_22, %dot_general3A_23 {dimension_numbers = #tpu.dot_dimension_numbers<[1], [0], [0], [1], [0, 0, 1, 1], [], []>, transpose_lhs_hint = false} : vector<400x128xf32>, vector<128x128xf32>, vector<400x128xf32> -> vector<400x128xf32>
    %swap3A_25 = arith.constant 1 : index
    %swap3A_26 = arith.constant 0 : index
    %swap3A_27 = arith.constant 0 : index
    %swap3A_28 = vector.load %arg4[%swap3A_25, %swap3A_26, %swap3A_27] : memref<27x400x128xf32, #tpu.memory_space<vmem>>, vector<1x400x128xf32>
    %swap3A_29 = vector.shape_cast %swap3A_28 : vector<1x400x128xf32> to vector<400x128xf32>
    %swap3A_30 = vector.shape_cast %dot_general3A_24 : vector<400x128xf32> to vector<1x400x128xf32>
    tpu.vector_store %arg4[%swap3A_25, %swap3A_26, %swap3A_27], %swap3A_30 {strides = array<i32>} : memref<27x400x128xf32, #tpu.memory_space<vmem>>, vector<1x400x128xf32>,
    %get3A_31 = arith.constant 2 : index
    %get3A_32 = arith.constant 0 : index
    %get3A_33 = arith.constant 0 : index
    %get3A_34 = vector.load %arg3[%get3A_31, %get3A_32, %get3A_33] : memref<27x128x128xf32, #tpu.memory_space<vmem>>, vector<1x128x128xf32>
    %get3A_35 = vector.shape_cast %get3A_34 : vector<1x128x128xf32> to vector<128x128xf32>
    %dot_general3A_36 = arith.constant dense<0.000000e+00> : vector<400x128xf32>
    %dot_general3A_37 = tpu.matmul %max3A_6, %get3A_35, %dot_general3A_36 {dimension_numbers = #tpu.dot_dimension_numbers<[1], [0], [0], [1], [0, 0, 1, 1], [], []>, transpose_lhs_hint = false} : vector<400x128xf32>, vector<128x128xf32>, vector<400x128xf32> -> vector<400x128xf32>
    %swap3A_38 = arith.constant 2 : index
    %swap3A_39 = arith.constant 0 : index
    %swap3A_40 = arith.constant 0 : index
    %swap3A_41 = vector.load %arg4[%swap3A_38, %swap3A_39, %swap3A_40] : memref<27x400x128xf32, #tpu.memory_space<vmem>>, vector<1x400x128xf32>
    %swap3A_42 = vector.shape_cast %swap3A_41 : vector<1x400x128xf32> to vector<400x128xf32>
    %swap3A_43 = vector.shape_cast %dot_general3A_37 : vector<400x128xf32> to vector<1x400x128xf32>
    tpu.vector_store %arg4[%swap3A_38, %swap3A_39, %swap3A_40], %swap3A_43 {strides = array<i32>} : memref<27x400x128xf32, #tpu.memory_space<vmem>>, vector<1x400x128xf32>,
    %get3A_44 = arith.constant 3 : index
    %get3A_45 = arith.constant 0 : index
    %get3A_46 = arith.constant 0 : index
    %get3A_47 = vector.load %arg3[%get3A_44, %get3A_45, %get3A_46] : memref<27x128x128xf32, #tpu.memory_space<vmem>>, vector<1x128x128xf32>
    %get3A_48 = vector.shape_cast %get3A_47 : vector<1x128x128xf32> to vector<128x128xf32>
    %dot_general3A_49 = arith.constant dense<0.000000e+00> : vector<400x128xf32>
    %dot_general3A_50 = tpu.matmul %max3A_6, %get3A_48, %dot_general3A_49 {dimension_numbers = #tpu.dot_dimension_numbers<[1], [0], [0], [1], [0, 0, 1, 1], [], []>, transpose_lhs_hint = false} : vector<400x128xf32>, vector<128x128xf32>, vector<400x128xf32> -> vector<400x128xf32>
    %swap3A_51 = arith.constant 3 : index
    %swap3A_52 = arith.constant 0 : index
    %swap3A_53 = arith.constant 0 : index
    %swap3A_54 = vector.load %arg4[%swap3A_51, %swap3A_52, %swap3A_53] : memref<27x400x128xf32, #tpu.memory_space<vmem>>, vector<1x400x128xf32>
    %swap3A_55 = vector.shape_cast %swap3A_54 : vector<1x400x128xf32> to vector<400x128xf32>
    %swap3A_56 = vector.shape_cast %dot_general3A_50 : vector<400x128xf32> to vector<1x400x128xf32>
    tpu.vector_store %arg4[%swap3A_51, %swap3A_52, %swap3A_53], %swap3A_56 {strides = array<i32>} : memref<27x400x128xf32, #tpu.memory_space<vmem>>, vector<1x400x128xf32>,
    %get3A_57 = arith.constant 4 : index
    %get3A_58 = arith.constant 0 : index
    %get3A_59 = arith.constant 0 : index
    %get3A_60 = vector.load %arg3[%get3A_57, %get3A_58, %get3A_59] : memref<27x128x128xf32, #tpu.memory_space<vmem>>, vector<1x128x128xf32>
    %get3A_61 = vector.shape_cast %get3A_60 : vector<1x128x128xf32> to vector<128x128xf32>
    %dot_general3A_62 = arith.constant dense<0.000000e+00> : vector<400x128xf32>
    %dot_general3A_63 = tpu.matmul %max3A_6, %get3A_61, %dot_general3A_62 {dimension_numbers = #tpu.dot_dimension_numbers<[1], [0], [0], [1], [0, 0, 1, 1], [], []>, transpose_lhs_hint = false} : vector<400x128xf32>, vector<128x128xf32>, vector<400x128xf32> -> vector<400x128xf32>
    %swap3A_64 = arith.constant 4 : index
    %swap3A_65 = arith.constant 0 : index
    %swap3A_66 = arith.constant 0 : index
    %swap3A_67 = vector.load %arg4[%swap3A_64, %swap3A_65, %swap3A_66] : memref<27x400x128xf32, #tpu.memory_space<vmem>>, vector<1x400x128xf32>
    %swap3A_68 = vector.shape_cast %swap3A_67 : vector<1x400x128xf32> to vector<400x128xf32>
    %swap3A_69 = vector.shape_cast %dot_general3A_63 : vector<400x128xf32> to vector<1x400x128xf32>
    tpu.vector_store %arg4[%swap3A_64, %swap3A_65, %swap3A_66], %swap3A_69 {strides = array<i32>} : memref<27x400x128xf32, #tpu.memory_space<vmem>>, vector<1x400x128xf32>,
    %get3A_70 = arith.constant 5 : index
    %get3A_71 = arith.constant 0 : index
    %get3A_72 = arith.constant 0 : index
    %get3A_73 = vector.load %arg3[%get3A_70, %get3A_71, %get3A_72] : memref<27x128x128xf32, #tpu.memory_space<vmem>>, vector<1x128x128xf32>
    %get3A_74 = vector.shape_cast %get3A_73 : vector<1x128x128xf32> to vector<128x128xf32>
    %dot_general3A_75 = arith.constant dense<0.000000e+00> : vector<400x128xf32>
    %dot_general3A_76 = tpu.matmul %max3A_6, %get3A_74, %dot_general3A_75 {dimension_numbers = #tpu.dot_dimension_numbers<[1], [0], [0], [1], [0, 0, 1, 1], [], []>, transpose_lhs_hint = false} : vector<400x128xf32>, vector<128x128xf32>, vector<400x128xf32> -> vector<400x128xf32>
    %swap3A_77 = arith.constant 5 : index
    %swap3A_78 = arith.constant 0 : index
    %swap3A_79 = arith.constant 0 : index
    %swap3A_80 = vector.load %arg4[%swap3A_77, %swap3A_78, %swap3A_79] : memref<27x400x128xf32, #tpu.memory_space<vmem>>, vector<1x400x128xf32>
    %swap3A_81 = vector.shape_cast %swap3A_80 : vector<1x400x128xf32> to vector<400x128xf32>
    %swap3A_82 = vector.shape_cast %dot_general3A_76 : vector<400x128xf32> to vector<1x400x128xf32>
    tpu.vector_store %arg4[%swap3A_77, %swap3A_78, %swap3A_79], %swap3A_82 {strides = array<i32>} : memref<27x400x128xf32, #tpu.memory_space<vmem>>, vector<1x400x128xf32>,
    %get3A_83 = arith.constant 6 : index
    %get3A_84 = arith.constant 0 : index
    %get3A_85 = arith.constant 0 : index
    %get3A_86 = vector.load %arg3[%get3A_83, %get3A_84, %get3A_85] : memref<27x128x128xf32, #tpu.memory_space<vmem>>, vector<1x128x128xf32>
    %get3A_87 = vector.shape_cast %get3A_86 : vector<1x128x128xf32> to vector<128x128xf32>
    %dot_general3A_88 = arith.constant dense<0.000000e+00> : vector<400x128xf32>
    %dot_general3A_89 = tpu.matmul %max3A_6, %get3A_87, %dot_general3A_88 {dimension_numbers = #tpu.dot_dimension_numbers<[1], [0], [0], [1], [0, 0, 1, 1], [], []>, transpose_lhs_hint = false} : vector<400x128xf32>, vector<128x128xf32>, vector<400x128xf32> -> vector<400x128xf32>
    %swap3A_90 = arith.constant 6 : index
    %swap3A_91 = arith.constant 0 : index
    %swap3A_92 = arith.constant 0 : index
    %swap3A_93 = vector.load %arg4[%swap3A_90, %swap3A_91, %swap3A_92] : memref<27x400x128xf32, #tpu.memory_space<vmem>>, vector<1x400x128xf32>
    %swap3A_94 = vector.shape_cast %swap3A_93 : vector<1x400x128xf32> to vector<400x128xf32>
    %swap3A_95 = vector.shape_cast %dot_general3A_89 : vector<400x128xf32> to vector<1x400x128xf32>
    tpu.vector_store %arg4[%swap3A_90, %swap3A_91, %swap3A_92], %swap3A_95 {strides = array<i32>} : memref<27x400x128xf32, #tpu.memory_space<vmem>>, vector<1x400x128xf32>,
    %get3A_96 = arith.constant 7 : index
    %get3A_97 = arith.constant 0 : index
    %get3A_98 = arith.constant 0 : index
    %get3A_99 = vector.load %arg3[%get3A_96, %get3A_97, %get3A_98] : memref<27x128x128xf32, #tpu.memory_space<vmem>>, vector<1x128x128xf32>
    %get3A_100 = vector.shape_cast %get3A_99 : vector<1x128x128xf32> to vector<128x128xf32>
    %dot_general3A_101 = arith.constant dense<0.000000e+00> : vector<400x128xf32>
    %dot_general3A_102 = tpu.matmul %max3A_6, %get3A_100, %dot_general3A_101 {dimension_numbers = #tpu.dot_dimension_numbers<[1], [0], [0], [1], [0, 0, 1, 1], [], []>, transpose_lhs_hint = false} : vector<400x128xf32>, vector<128x128xf32>, vector<400x128xf32> -> vector<400x128xf32>
    %swap3A_103 = arith.constant 7 : index
    %swap3A_104 = arith.constant 0 : index
    %swap3A_105 = arith.constant 0 : index
    %swap3A_106 = vector.load %arg4[%swap3A_103, %swap3A_104, %swap3A_105] : memref<27x400x128xf32, #tpu.memory_space<vmem>>, vector<1x400x128xf32>
    %swap3A_107 = vector.shape_cast %swap3A_106 : vector<1x400x128xf32> to vector<400x128xf32>
    %swap3A_108 = vector.shape_cast %dot_general3A_102 : vector<400x128xf32> to vector<1x400x128xf32>
    tpu.vector_store %arg4[%swap3A_103, %swap3A_104, %swap3A_105], %swap3A_108 {strides = array<i32>} : memref<27x400x128xf32, #tpu.memory_space<vmem>>, vector<1x400x128xf32>,
    %get3A_109 = arith.constant 8 : index
    %get3A_110 = arith.constant 0 : index
    %get3A_111 = arith.constant 0 : index
    %get3A_112 = vector.load %arg3[%get3A_109, %get3A_110, %get3A_111] : memref<27x128x128xf32, #tpu.memory_space<vmem>>, vector<1x128x128xf32>
    %get3A_113 = vector.shape_cast %get3A_112 : vector<1x128x128xf32> to vector<128x128xf32>
    %dot_general3A_114 = arith.constant dense<0.000000e+00> : vector<400x128xf32>
    %dot_general3A_115 = tpu.matmul %max3A_6, %get3A_113, %dot_general3A_114 {dimension_numbers = #tpu.dot_dimension_numbers<[1], [0], [0], [1], [0, 0, 1, 1], [], []>, transpose_lhs_hint = false} : vector<400x128xf32>, vector<128x128xf32>, vector<400x128xf32> -> vector<400x128xf32>
    %swap3A_116 = arith.constant 8 : index
    %swap3A_117 = arith.constant 0 : index
    %swap3A_118 = arith.constant 0 : index
    %swap3A_119 = vector.load %arg4[%swap3A_116, %swap3A_117, %swap3A_118] : memref<27x400x128xf32, #tpu.memory_space<vmem>>, vector<1x400x128xf32>
    %swap3A_120 = vector.shape_cast %swap3A_119 : vector<1x400x128xf32> to vector<400x128xf32>
    %swap3A_121 = vector.shape_cast %dot_general3A_115 : vector<400x128xf32> to vector<1x400x128xf32>
    tpu.vector_store %arg4[%swap3A_116, %swap3A_117, %swap3A_118], %swap3A_121 {strides = array<i32>} : memref<27x400x128xf32, #tpu.memory_space<vmem>>, vector<1x400x128xf32>,
    %get3A_122 = arith.constant 9 : index
    %get3A_123 = arith.constant 0 : index
    %get3A_124 = arith.constant 0 : index
    %get3A_125 = vector.load %arg3[%get3A_122, %get3A_123, %get3A_124] : memref<27x128x128xf32, #tpu.memory_space<vmem>>, vector<1x128x128xf32>
    %get3A_126 = vector.shape_cast %get3A_125 : vector<1x128x128xf32> to vector<128x128xf32>
    %dot_general3A_127 = arith.constant dense<0.000000e+00> : vector<400x128xf32>
    %dot_general3A_128 = tpu.matmul %max3A_6, %get3A_126, %dot_general3A_127 {dimension_numbers = #tpu.dot_dimension_numbers<[1], [0], [0], [1], [0, 0, 1, 1], [], []>, transpose_lhs_hint = false} : vector<400x128xf32>, vector<128x128xf32>, vector<400x128xf32> -> vector<400x128xf32>
    %swap3A_129 = arith.constant 9 : index
    %swap3A_130 = arith.constant 0 : index
    %swap3A_131 = arith.constant 0 : index
    %swap3A_132 = vector.load %arg4[%swap3A_129, %swap3A_130, %swap3A_131] : memref<27x400x128xf32, #tpu.memory_space<vmem>>, vector<1x400x128xf32>
    %swap3A_133 = vector.shape_cast %swap3A_132 : vector<1x400x128xf32> to vector<400x128xf32>
    %swap3A_134 = vector.shape_cast %dot_general3A_128 : vector<400x128xf32> to vector<1x400x128xf32>
    tpu.vector_store %arg4[%swap3A_129, %swap3A_130, %swap3A_131], %swap3A_134 {strides = array<i32>} : memref<27x400x128xf32, #tpu.memory_space<vmem>>, vector<1x400x128xf32>,
    %get3A_135 = arith.constant 10 : index
    %get3A_136 = arith.constant 0 : index
    %get3A_137 = arith.constant 0 : index
    %get3A_138 = vector.load %arg3[%get3A_135, %get3A_136, %get3A_137] : memref<27x128x128xf32, #tpu.memory_space<vmem>>, vector<1x128x128xf32>
    %get3A_139 = vector.shape_cast %get3A_138 : vector<1x128x128xf32> to vector<128x128xf32>
    %dot_general3A_140 = arith.constant dense<0.000000e+00> : vector<400x128xf32>
    %dot_general3A_141 = tpu.matmul %max3A_6, %get3A_139, %dot_general3A_140 {dimension_numbers = #tpu.dot_dimension_numbers<[1], [0], [0], [1], [0, 0, 1, 1], [], []>, transpose_lhs_hint = false} : vector<400x128xf32>, vector<128x128xf32>, vector<400x128xf32> -> vector<400x128xf32>
    %swap3A_142 = arith.constant 10 : index
    %swap3A_143 = arith.constant 0 : index
    %swap3A_144 = arith.constant 0 : index
    %swap3A_145 = vector.load %arg4[%swap3A_142, %swap3A_143, %swap3A_144] : memref<27x400x128xf32, #tpu.memory_space<vmem>>, vector<1x400x128xf32>
    %swap3A_146 = vector.shape_cast %swap3A_145 : vector<1x400x128xf32> to vector<400x128xf32>
    %swap3A_147 = vector.shape_cast %dot_general3A_141 : vector<400x128xf32> to vector<1x400x128xf32>
    tpu.vector_store %arg4[%swap3A_142, %swap3A_143, %swap3A_144], %swap3A_147 {strides = array<i32>} : memref<27x400x128xf32, #tpu.memory_space<vmem>>, vector<1x400x128xf32>,
    %get3A_148 = arith.constant 11 : index
    %get3A_149 = arith.constant 0 : index
    %get3A_150 = arith.constant 0 : index
    %get3A_151 = vector.load %arg3[%get3A_148, %get3A_149, %get3A_150] : memref<27x128x128xf32, #tpu.memory_space<vmem>>, vector<1x128x128xf32>
    %get3A_152 = vector.shape_cast %get3A_151 : vector<1x128x128xf32> to vector<128x128xf32>
    %dot_general3A_153 = arith.constant dense<0.000000e+00> : vector<400x128xf32>
    %dot_general3A_154 = tpu.matmul %max3A_6, %get3A_152, %dot_general3A_153 {dimension_numbers = #tpu.dot_dimension_numbers<[1], [0], [0], [1], [0, 0, 1, 1], [], []>, transpose_lhs_hint = false} : vector<400x128xf32>, vector<128x128xf32>, vector<400x128xf32> -> vector<400x128xf32>
    %swap3A_155 = arith.constant 11 : index
    %swap3A_156 = arith.constant 0 : index
    %swap3A_157 = arith.constant 0 : index
    %swap3A_158 = vector.load %arg4[%swap3A_155, %swap3A_156, %swap3A_157] : memref<27x400x128xf32, #tpu.memory_space<vmem>>, vector<1x400x128xf32>
    %swap3A_159 = vector.shape_cast %swap3A_158 : vector<1x400x128xf32> to vector<400x128xf32>
    %swap3A_160 = vector.shape_cast %dot_general3A_154 : vector<400x128xf32> to vector<1x400x128xf32>
    tpu.vector_store %arg4[%swap3A_155, %swap3A_156, %swap3A_157], %swap3A_160 {strides = array<i32>} : memref<27x400x128xf32, #tpu.memory_space<vmem>>, vector<1x400x128xf32>,
    %get3A_161 = arith.constant 12 : index
    %get3A_162 = arith.constant 0 : index
    %get3A_163 = arith.constant 0 : index
    %get3A_164 = vector.load %arg3[%get3A_161, %get3A_162, %get3A_163] : memref<27x128x128xf32, #tpu.memory_space<vmem>>, vector<1x128x128xf32>
    %get3A_165 = vector.shape_cast %get3A_164 : vector<1x128x128xf32> to vector<128x128xf32>
    %dot_general3A_166 = arith.constant dense<0.000000e+00> : vector<400x128xf32>
    %dot_general3A_167 = tpu.matmul %max3A_6, %get3A_165, %dot_general3A_166 {dimension_numbers = #tpu.dot_dimension_numbers<[1], [0], [0], [1], [0, 0, 1, 1], [], []>, transpose_lhs_hint = false} : vector<400x128xf32>, vector<128x128xf32>, vector<400x128xf32> -> vector<400x128xf32>
    %swap3A_168 = arith.constant 12 : index
    %swap3A_169 = arith.constant 0 : index
    %swap3A_170 = arith.constant 0 : index
    %swap3A_171 = vector.load %arg4[%swap3A_168, %swap3A_169, %swap3A_170] : memref<27x400x128xf32, #tpu.memory_space<vmem>>, vector<1x400x128xf32>
    %swap3A_172 = vector.shape_cast %swap3A_171 : vector<1x400x128xf32> to vector<400x128xf32>
    %swap3A_173 = vector.shape_cast %dot_general3A_167 : vector<400x128xf32> to vector<1x400x128xf32>
    tpu.vector_store %arg4[%swap3A_168, %swap3A_169, %swap3A_170], %swap3A_173 {strides = array<i32>} : memref<27x400x128xf32, #tpu.memory_space<vmem>>, vector<1x400x128xf32>,
    %get3A_174 = arith.constant 13 : index
    %get3A_175 = arith.constant 0 : index
    %get3A_176 = arith.constant 0 : index
    %get3A_177 = vector.load %arg3[%get3A_174, %get3A_175, %get3A_176] : memref<27x128x128xf32, #tpu.memory_space<vmem>>, vector<1x128x128xf32>
    %get3A_178 = vector.shape_cast %get3A_177 : vector<1x128x128xf32> to vector<128x128xf32>
    %dot_general3A_179 = arith.constant dense<0.000000e+00> : vector<400x128xf32>
    %dot_general3A_180 = tpu.matmul %max3A_6, %get3A_178, %dot_general3A_179 {dimension_numbers = #tpu.dot_dimension_numbers<[1], [0], [0], [1], [0, 0, 1, 1], [], []>, transpose_lhs_hint = false} : vector<400x128xf32>, vector<128x128xf32>, vector<400x128xf32> -> vector<400x128xf32>
    %swap3A_181 = arith.constant 13 : index
    %swap3A_182 = arith.constant 0 : index
    %swap3A_183 = arith.constant 0 : index
    %swap3A_184 = vector.load %arg4[%swap3A_181, %swap3A_182, %swap3A_183] : memref<27x400x128xf32, #tpu.memory_space<vmem>>, vector<1x400x128xf32>
    %swap3A_185 = vector.shape_cast %swap3A_184 : vector<1x400x128xf32> to vector<400x128xf32>
    %swap3A_186 = vector.shape_cast %dot_general3A_180 : vector<400x128xf32> to vector<1x400x128xf32>
    tpu.vector_store %arg4[%swap3A_181, %swap3A_182, %swap3A_183], %swap3A_186 {strides = array<i32>} : memref<27x400x128xf32, #tpu.memory_space<vmem>>, vector<1x400x128xf32>,
    %get3A_187 = arith.constant 14 : index
    %get3A_188 = arith.constant 0 : index
    %get3A_189 = arith.constant 0 : index
    %get3A_190 = vector.load %arg3[%get3A_187, %get3A_188, %get3A_189] : memref<27x128x128xf32, #tpu.memory_space<vmem>>, vector<1x128x128xf32>
    %get3A_191 = vector.shape_cast %get3A_190 : vector<1x128x128xf32> to vector<128x128xf32>
    %dot_general3A_192 = arith.constant dense<0.000000e+00> : vector<400x128xf32>
    %dot_general3A_193 = tpu.matmul %max3A_6, %get3A_191, %dot_general3A_192 {dimension_numbers = #tpu.dot_dimension_numbers<[1], [0], [0], [1], [0, 0, 1, 1], [], []>, transpose_lhs_hint = false} : vector<400x128xf32>, vector<128x128xf32>, vector<400x128xf32> -> vector<400x128xf32>
    %swap3A_194 = arith.constant 14 : index
    %swap3A_195 = arith.constant 0 : index
    %swap3A_196 = arith.constant 0 : index
    %swap3A_197 = vector.load %arg4[%swap3A_194, %swap3A_195, %swap3A_196] : memref<27x400x128xf32, #tpu.memory_space<vmem>>, vector<1x400x128xf32>
    %swap3A_198 = vector.shape_cast %swap3A_197 : vector<1x400x128xf32> to vector<400x128xf32>
    %swap3A_199 = vector.shape_cast %dot_general3A_193 : vector<400x128xf32> to vector<1x400x128xf32>
    tpu.vector_store %arg4[%swap3A_194, %swap3A_195, %swap3A_196], %swap3A_199 {strides = array<i32>} : memref<27x400x128xf32, #tpu.memory_space<vmem>>, vector<1x400x128xf32>,
    %get3A_200 = arith.constant 15 : index
    %get3A_201 = arith.constant 0 : index
    %get3A_202 = arith.constant 0 : index
    %get3A_203 = vector.load %arg3[%get3A_200, %get3A_201, %get3A_202] : memref<27x128x128xf32, #tpu.memory_space<vmem>>, vector<1x128x128xf32>
    %get3A_204 = vector.shape_cast %get3A_203 : vector<1x128x128xf32> to vector<128x128xf32>
    %dot_general3A_205 = arith.constant dense<0.000000e+00> : vector<400x128xf32>
    %dot_general3A_206 = tpu.matmul %max3A_6, %get3A_204, %dot_general3A_205 {dimension_numbers = #tpu.dot_dimension_numbers<[1], [0], [0], [1], [0, 0, 1, 1], [], []>, transpose_lhs_hint = false} : vector<400x128xf32>, vector<128x128xf32>, vector<400x128xf32> -> vector<400x128xf32>
    %swap3A_207 = arith.constant 15 : index
    %swap3A_208 = arith.constant 0 : index
    %swap3A_209 = arith.constant 0 : index
    %swap3A_210 = vector.load %arg4[%swap3A_207, %swap3A_208, %swap3A_209] : memref<27x400x128xf32, #tpu.memory_space<vmem>>, vector<1x400x128xf32>
    %swap3A_211 = vector.shape_cast %swap3A_210 : vector<1x400x128xf32> to vector<400x128xf32>
    %swap3A_212 = vector.shape_cast %dot_general3A_206 : vector<400x128xf32> to vector<1x400x128xf32>
    tpu.vector_store %arg4[%swap3A_207, %swap3A_208, %swap3A_209], %swap3A_212 {strides = array<i32>} : memref<27x400x128xf32, #tpu.memory_space<vmem>>, vector<1x400x128xf32>,
    %get3A_213 = arith.constant 16 : index
    %get3A_214 = arith.constant 0 : index
    %get3A_215 = arith.constant 0 : index
    %get3A_216 = vector.load %arg3[%get3A_213, %get3A_214, %get3A_215] : memref<27x128x128xf32, #tpu.memory_space<vmem>>, vector<1x128x128xf32>
    %get3A_217 = vector.shape_cast %get3A_216 : vector<1x128x128xf32> to vector<128x128xf32>
    %dot_general3A_218 = arith.constant dense<0.000000e+00> : vector<400x128xf32>
    %dot_general3A_219 = tpu.matmul %max3A_6, %get3A_217, %dot_general3A_218 {dimension_numbers = #tpu.dot_dimension_numbers<[1], [0], [0], [1], [0, 0, 1, 1], [], []>, transpose_lhs_hint = false} : vector<400x128xf32>, vector<128x128xf32>, vector<400x128xf32> -> vector<400x128xf32>
    %swap3A_220 = arith.constant 16 : index
    %swap3A_221 = arith.constant 0 : index
    %swap3A_222 = arith.constant 0 : index
    %swap3A_223 = vector.load %arg4[%swap3A_220, %swap3A_221, %swap3A_222] : memref<27x400x128xf32, #tpu.memory_space<vmem>>, vector<1x400x128xf32>
    %swap3A_224 = vector.shape_cast %swap3A_223 : vector<1x400x128xf32> to vector<400x128xf32>
    %swap3A_225 = vector.shape_cast %dot_general3A_219 : vector<400x128xf32> to vector<1x400x128xf32>
    tpu.vector_store %arg4[%swap3A_220, %swap3A_221, %swap3A_222], %swap3A_225 {strides = array<i32>} : memref<27x400x128xf32, #tpu.memory_space<vmem>>, vector<1x400x128xf32>,
    %get3A_226 = arith.constant 17 : index
    %get3A_227 = arith.constant 0 : index
    %get3A_228 = arith.constant 0 : index
    %get3A_229 = vector.load %arg3[%get3A_226, %get3A_227, %get3A_228] : memref<27x128x128xf32, #tpu.memory_space<vmem>>, vector<1x128x128xf32>
    %get3A_230 = vector.shape_cast %get3A_229 : vector<1x128x128xf32> to vector<128x128xf32>
    %dot_general3A_231 = arith.constant dense<0.000000e+00> : vector<400x128xf32>
    %dot_general3A_232 = tpu.matmul %max3A_6, %get3A_230, %dot_general3A_231 {dimension_numbers = #tpu.dot_dimension_numbers<[1], [0], [0], [1], [0, 0, 1, 1], [], []>, transpose_lhs_hint = false} : vector<400x128xf32>, vector<128x128xf32>, vector<400x128xf32> -> vector<400x128xf32>
    %swap3A_233 = arith.constant 17 : index
    %swap3A_234 = arith.constant 0 : index
    %swap3A_235 = arith.constant 0 : index
    %swap3A_236 = vector.load %arg4[%swap3A_233, %swap3A_234, %swap3A_235] : memref<27x400x128xf32, #tpu.memory_space<vmem>>, vector<1x400x128xf32>
    %swap3A_237 = vector.shape_cast %swap3A_236 : vector<1x400x128xf32> to vector<400x128xf32>
    %swap3A_238 = vector.shape_cast %dot_general3A_232 : vector<400x128xf32> to vector<1x400x128xf32>
    tpu.vector_store %arg4[%swap3A_233, %swap3A_234, %swap3A_235], %swap3A_238 {strides = array<i32>} : memref<27x400x128xf32, #tpu.memory_space<vmem>>, vector<1x400x128xf32>,
    %get3A_239 = arith.constant 18 : index
    %get3A_240 = arith.constant 0 : index
    %get3A_241 = arith.constant 0 : index
    %get3A_242 = vector.load %arg3[%get3A_239, %get3A_240, %get3A_241] : memref<27x128x128xf32, #tpu.memory_space<vmem>>, vector<1x128x128xf32>
    %get3A_243 = vector.shape_cast %get3A_242 : vector<1x128x128xf32> to vector<128x128xf32>
    %dot_general3A_244 = arith.constant dense<0.000000e+00> : vector<400x128xf32>
    %dot_general3A_245 = tpu.matmul %max3A_6, %get3A_243, %dot_general3A_244 {dimension_numbers = #tpu.dot_dimension_numbers<[1], [0], [0], [1], [0, 0, 1, 1], [], []>, transpose_lhs_hint = false} : vector<400x128xf32>, vector<128x128xf32>, vector<400x128xf32> -> vector<400x128xf32>
    %swap3A_246 = arith.constant 18 : index
    %swap3A_247 = arith.constant 0 : index
    %swap3A_248 = arith.constant 0 : index
    %swap3A_249 = vector.load %arg4[%swap3A_246, %swap3A_247, %swap3A_248] : memref<27x400x128xf32, #tpu.memory_space<vmem>>, vector<1x400x128xf32>
    %swap3A_250 = vector.shape_cast %swap3A_249 : vector<1x400x128xf32> to vector<400x128xf32>
    %swap3A_251 = vector.shape_cast %dot_general3A_245 : vector<400x128xf32> to vector<1x400x128xf32>
    tpu.vector_store %arg4[%swap3A_246, %swap3A_247, %swap3A_248], %swap3A_251 {strides = array<i32>} : memref<27x400x128xf32, #tpu.memory_space<vmem>>, vector<1x400x128xf32>,
    %get3A_252 = arith.constant 19 : index
    %get3A_253 = arith.constant 0 : index
    %get3A_254 = arith.constant 0 : index
    %get3A_255 = vector.load %arg3[%get3A_252, %get3A_253, %get3A_254] : memref<27x128x128xf32, #tpu.memory_space<vmem>>, vector<1x128x128xf32>
    %get3A_256 = vector.shape_cast %get3A_255 : vector<1x128x128xf32> to vector<128x128xf32>
    %dot_general3A_257 = arith.constant dense<0.000000e+00> : vector<400x128xf32>
    %dot_general3A_258 = tpu.matmul %max3A_6, %get3A_256, %dot_general3A_257 {dimension_numbers = #tpu.dot_dimension_numbers<[1], [0], [0], [1], [0, 0, 1, 1], [], []>, transpose_lhs_hint = false} : vector<400x128xf32>, vector<128x128xf32>, vector<400x128xf32> -> vector<400x128xf32>
    %swap3A_259 = arith.constant 19 : index
    %swap3A_260 = arith.constant 0 : index
    %swap3A_261 = arith.constant 0 : index
    %swap3A_262 = vector.load %arg4[%swap3A_259, %swap3A_260, %swap3A_261] : memref<27x400x128xf32, #tpu.memory_space<vmem>>, vector<1x400x128xf32>
    %swap3A_263 = vector.shape_cast %swap3A_262 : vector<1x400x128xf32> to vector<400x128xf32>
    %swap3A_264 = vector.shape_cast %dot_general3A_258 : vector<400x128xf32> to vector<1x400x128xf32>
    tpu.vector_store %arg4[%swap3A_259, %swap3A_260, %swap3A_261], %swap3A_264 {strides = array<i32>} : memref<27x400x128xf32, #tpu.memory_space<vmem>>, vector<1x400x128xf32>,
    %get3A_265 = arith.constant 20 : index
    %get3A_266 = arith.constant 0 : index
    %get3A_267 = arith.constant 0 : index
    %get3A_268 = vector.load %arg3[%get3A_265, %get3A_266, %get3A_267] : memref<27x128x128xf32, #tpu.memory_space<vmem>>, vector<1x128x128xf32>
    %get3A_269 = vector.shape_cast %get3A_268 : vector<1x128x128xf32> to vector<128x128xf32>
    %dot_general3A_270 = arith.constant dense<0.000000e+00> : vector<400x128xf32>
    %dot_general3A_271 = tpu.matmul %max3A_6, %get3A_269, %dot_general3A_270 {dimension_numbers = #tpu.dot_dimension_numbers<[1], [0], [0], [1], [0, 0, 1, 1], [], []>, transpose_lhs_hint = false} : vector<400x128xf32>, vector<128x128xf32>, vector<400x128xf32> -> vector<400x128xf32>
    %swap3A_272 = arith.constant 20 : index
    %swap3A_273 = arith.constant 0 : index
    %swap3A_274 = arith.constant 0 : index
    %swap3A_275 = vector.load %arg4[%swap3A_272, %swap3A_273, %swap3A_274] : memref<27x400x128xf32, #tpu.memory_space<vmem>>, vector<1x400x128xf32>
    %swap3A_276 = vector.shape_cast %swap3A_275 : vector<1x400x128xf32> to vector<400x128xf32>
    %swap3A_277 = vector.shape_cast %dot_general3A_271 : vector<400x128xf32> to vector<1x400x128xf32>
    tpu.vector_store %arg4[%swap3A_272, %swap3A_273, %swap3A_274], %swap3A_277 {strides = array<i32>} : memref<27x400x128xf32, #tpu.memory_space<vmem>>, vector<1x400x128xf32>,
    %get3A_278 = arith.constant 21 : index
    %get3A_279 = arith.constant 0 : index
    %get3A_280 = arith.constant 0 : index
    %get3A_281 = vector.load %arg3[%get3A_278, %get3A_279, %get3A_280] : memref<27x128x128xf32, #tpu.memory_space<vmem>>, vector<1x128x128xf32>
    %get3A_282 = vector.shape_cast %get3A_281 : vector<1x128x128xf32> to vector<128x128xf32>
    %dot_general3A_283 = arith.constant dense<0.000000e+00> : vector<400x128xf32>
    %dot_general3A_284 = tpu.matmul %max3A_6, %get3A_282, %dot_general3A_283 {dimension_numbers = #tpu.dot_dimension_numbers<[1], [0], [0], [1], [0, 0, 1, 1], [], []>, transpose_lhs_hint = false} : vector<400x128xf32>, vector<128x128xf32>, vector<400x128xf32> -> vector<400x128xf32>
    %swap3A_285 = arith.constant 21 : index
    %swap3A_286 = arith.constant 0 : index
    %swap3A_287 = arith.constant 0 : index
    %swap3A_288 = vector.load %arg4[%swap3A_285, %swap3A_286, %swap3A_287] : memref<27x400x128xf32, #tpu.memory_space<vmem>>, vector<1x400x128xf32>
    %swap3A_289 = vector.shape_cast %swap3A_288 : vector<1x400x128xf32> to vector<400x128xf32>
    %swap3A_290 = vector.shape_cast %dot_general3A_284 : vector<400x128xf32> to vector<1x400x128xf32>
    tpu.vector_store %arg4[%swap3A_285, %swap3A_286, %swap3A_287], %swap3A_290 {strides = array<i32>} : memref<27x400x128xf32, #tpu.memory_space<vmem>>, vector<1x400x128xf32>,
    %get3A_291 = arith.constant 22 : index
    %get3A_292 = arith.constant 0 : index
    %get3A_293 = arith.constant 0 : index
    %get3A_294 = vector.load %arg3[%get3A_291, %get3A_292, %get3A_293] : memref<27x128x128xf32, #tpu.memory_space<vmem>>, vector<1x128x128xf32>
    %get3A_295 = vector.shape_cast %get3A_294 : vector<1x128x128xf32> to vector<128x128xf32>
    %dot_general3A_296 = arith.constant dense<0.000000e+00> : vector<400x128xf32>
    %dot_general3A_297 = tpu.matmul %max3A_6, %get3A_295, %dot_general3A_296 {dimension_numbers = #tpu.dot_dimension_numbers<[1], [0], [0], [1], [0, 0, 1, 1], [], []>, transpose_lhs_hint = false} : vector<400x128xf32>, vector<128x128xf32>, vector<400x128xf32> -> vector<400x128xf32>
    %swap3A_298 = arith.constant 22 : index
    %swap3A_299 = arith.constant 0 : index
    %swap3A_300 = arith.constant 0 : index
    %swap3A_301 = vector.load %arg4[%swap3A_298, %swap3A_299, %swap3A_300] : memref<27x400x128xf32, #tpu.memory_space<vmem>>, vector<1x400x128xf32>
    %swap3A_302 = vector.shape_cast %swap3A_301 : vector<1x400x128xf32> to vector<400x128xf32>
    %swap3A_303 = vector.shape_cast %dot_general3A_297 : vector<400x128xf32> to vector<1x400x128xf32>
    tpu.vector_store %arg4[%swap3A_298, %swap3A_299, %swap3A_300], %swap3A_303 {strides = array<i32>} : memref<27x400x128xf32, #tpu.memory_space<vmem>>, vector<1x400x128xf32>,
    %get3A_304 = arith.constant 23 : index
    %get3A_305 = arith.constant 0 : index
    %get3A_306 = arith.constant 0 : index
    %get3A_307 = vector.load %arg3[%get3A_304, %get3A_305, %get3A_306] : memref<27x128x128xf32, #tpu.memory_space<vmem>>, vector<1x128x128xf32>
    %get3A_308 = vector.shape_cast %get3A_307 : vector<1x128x128xf32> to vector<128x128xf32>
    %dot_general3A_309 = arith.constant dense<0.000000e+00> : vector<400x128xf32>
    %dot_general3A_310 = tpu.matmul %max3A_6, %get3A_308, %dot_general3A_309 {dimension_numbers = #tpu.dot_dimension_numbers<[1], [0], [0], [1], [0, 0, 1, 1], [], []>, transpose_lhs_hint = false} : vector<400x128xf32>, vector<128x128xf32>, vector<400x128xf32> -> vector<400x128xf32>
    %swap3A_311 = arith.constant 23 : index
    %swap3A_312 = arith.constant 0 : index
    %swap3A_313 = arith.constant 0 : index
    %swap3A_314 = vector.load %arg4[%swap3A_311, %swap3A_312, %swap3A_313] : memref<27x400x128xf32, #tpu.memory_space<vmem>>, vector<1x400x128xf32>
    %swap3A_315 = vector.shape_cast %swap3A_314 : vector<1x400x128xf32> to vector<400x128xf32>
    %swap3A_316 = vector.shape_cast %dot_general3A_310 : vector<400x128xf32> to vector<1x400x128xf32>
    tpu.vector_store %arg4[%swap3A_311, %swap3A_312, %swap3A_313], %swap3A_316 {strides = array<i32>} : memref<27x400x128xf32, #tpu.memory_space<vmem>>, vector<1x400x128xf32>,
    %get3A_317 = arith.constant 24 : index
    %get3A_318 = arith.constant 0 : index
    %get3A_319 = arith.constant 0 : index
    %get3A_320 = vector.load %arg3[%get3A_317, %get3A_318, %get3A_319] : memref<27x128x128xf32, #tpu.memory_space<vmem>>, vector<1x128x128xf32>
    %get3A_321 = vector.shape_cast %get3A_320 : vector<1x128x128xf32> to vector<128x128xf32>
    %dot_general3A_322 = arith.constant dense<0.000000e+00> : vector<400x128xf32>
    %dot_general3A_323 = tpu.matmul %max3A_6, %get3A_321, %dot_general3A_322 {dimension_numbers = #tpu.dot_dimension_numbers<[1], [0], [0], [1], [0, 0, 1, 1], [], []>, transpose_lhs_hint = false} : vector<400x128xf32>, vector<128x128xf32>, vector<400x128xf32> -> vector<400x128xf32>
    %swap3A_324 = arith.constant 24 : index
    %swap3A_325 = arith.constant 0 : index
    %swap3A_326 = arith.constant 0 : index
    %swap3A_327 = vector.load %arg4[%swap3A_324, %swap3A_325, %swap3A_326] : memref<27x400x128xf32, #tpu.memory_space<vmem>>, vector<1x400x128xf32>
    %swap3A_328 = vector.shape_cast %swap3A_327 : vector<1x400x128xf32> to vector<400x128xf32>
    %swap3A_329 = vector.shape_cast %dot_general3A_323 : vector<400x128xf32> to vector<1x400x128xf32>
    tpu.vector_store %arg4[%swap3A_324, %swap3A_325, %swap3A_326], %swap3A_329 {strides = array<i32>} : memref<27x400x128xf32, #tpu.memory_space<vmem>>, vector<1x400x128xf32>,
    %get3A_330 = arith.constant 25 : index
    %get3A_331 = arith.constant 0 : index
    %get3A_332 = arith.constant 0 : index
    %get3A_333 = vector.load %arg3[%get3A_330, %get3A_331, %get3A_332] : memref<27x128x128xf32, #tpu.memory_space<vmem>>, vector<1x128x128xf32>
    %get3A_334 = vector.shape_cast %get3A_333 : vector<1x128x128xf32> to vector<128x128xf32>
    %dot_general3A_335 = arith.constant dense<0.000000e+00> : vector<400x128xf32>
    %dot_general3A_336 = tpu.matmul %max3A_6, %get3A_334, %dot_general3A_335 {dimension_numbers = #tpu.dot_dimension_numbers<[1], [0], [0], [1], [0, 0, 1, 1], [], []>, transpose_lhs_hint = false} : vector<400x128xf32>, vector<128x128xf32>, vector<400x128xf32> -> vector<400x128xf32>
    %swap3A_337 = arith.constant 25 : index
    %swap3A_338 = arith.constant 0 : index
    %swap3A_339 = arith.constant 0 : index
    %swap3A_340 = vector.load %arg4[%swap3A_337, %swap3A_338, %swap3A_339] : memref<27x400x128xf32, #tpu.memory_space<vmem>>, vector<1x400x128xf32>
    %swap3A_341 = vector.shape_cast %swap3A_340 : vector<1x400x128xf32> to vector<400x128xf32>
    %swap3A_342 = vector.shape_cast %dot_general3A_336 : vector<400x128xf32> to vector<1x400x128xf32>
    tpu.vector_store %arg4[%swap3A_337, %swap3A_338, %swap3A_339], %swap3A_342 {strides = array<i32>} : memref<27x400x128xf32, #tpu.memory_space<vmem>>, vector<1x400x128xf32>,
    %get3A_343 = arith.constant 26 : index
    %get3A_344 = arith.constant 0 : index
    %get3A_345 = arith.constant 0 : index
    %get3A_346 = vector.load %arg3[%get3A_343, %get3A_344, %get3A_345] : memref<27x128x128xf32, #tpu.memory_space<vmem>>, vector<1x128x128xf32>
    %get3A_347 = vector.shape_cast %get3A_346 : vector<1x128x128xf32> to vector<128x128xf32>
    %dot_general3A_348 = arith.constant dense<0.000000e+00> : vector<400x128xf32>
    %dot_general3A_349 = tpu.matmul %max3A_6, %get3A_347, %dot_general3A_348 {dimension_numbers = #tpu.dot_dimension_numbers<[1], [0], [0], [1], [0, 0, 1, 1], [], []>, transpose_lhs_hint = false} : vector<400x128xf32>, vector<128x128xf32>, vector<400x128xf32> -> vector<400x128xf32>
    %swap3A_350 = arith.constant 26 : index
    %swap3A_351 = arith.constant 0 : index
    %swap3A_352 = arith.constant 0 : index
    %swap3A_353 = vector.load %arg4[%swap3A_350, %swap3A_351, %swap3A_352] : memref<27x400x128xf32, #tpu.memory_space<vmem>>, vector<1x400x128xf32>
    %swap3A_354 = vector.shape_cast %swap3A_353 : vector<1x400x128xf32> to vector<400x128xf32>
    %swap3A_355 = vector.shape_cast %dot_general3A_349 : vector<400x128xf32> to vector<1x400x128xf32>
    tpu.vector_store %arg4[%swap3A_350, %swap3A_351, %swap3A_352], %swap3A_355 {strides = array<i32>} : memref<27x400x128xf32, #tpu.memory_space<vmem>>, vector<1x400x128xf32>,
    return
  }
  func.func @transform_0(%arg0: i32) -> (i32, i32) {
    %c0_i32 = arith.constant 0 : i32
    %c0_i32_0 = arith.constant 0 : i32
    return %arg0, %c0_i32 : i32, i32
  }
  func.func @transform_1(%arg0: i32) -> (i32, i32) {
    %c0_i32 = arith.constant 0 : i32
    %c0_i32_0 = arith.constant 0 : i32
    return %arg0, %c0_i32 : i32, i32
  }
  func.func @transform_2(%arg0: i32) -> (i32, i32, i32) {
    %c0_i32 = arith.constant 0 : i32
    %c0_i32_0 = arith.constant 0 : i32
    %c0_i32_1 = arith.constant 0 : i32
    %c0_i32_2 = arith.constant 0 : i32
    return %c0_i32, %c0_i32_0, %c0_i32_1 : i32, i32, i32
  }
  func.func @transform_3(%arg0: i32) -> (i32, i32, i32) {
    %c0_i32 = arith.constant 0 : i32
    %c0_i32_0 = arith.constant 0 : i32
    %c0_i32_1 = arith.constant 0 : i32
    return %c0_i32, %arg0, %c0_i32_0 : i32, i32, i32
  }
}

module attributes {stable_mosaic.version = 14 : i64} {
  func.func @_final_body(%arg0: i32, %arg1: memref<2000x128xf32, #tpu.memory_space<vmem>>, %arg2: memref<2000x128xf32, #tpu.memory_space<vmem>>, %arg3: memref<2000x128xf32, #tpu.memory_space<vmem>>, %arg4: memref<2000x128xf32, #tpu.memory_space<vmem>>) attributes {dimension_semantics = [#tpu.dimension_semantics<arbitrary>], iteration_bounds = array<i64: 5>, scalar_prefetch = 0 : i64, scratch_operands = 0 : i64, tpu.core_type = #tpu.core_type<tc>, window_params = [{transform_indices = @transform_0, window_bounds = array<i64: 2000, 128>}, {transform_indices = @transform_1, window_bounds = array<i64: 2000, 128>}, {transform_indices = @transform_2, window_bounds = array<i64: 2000, 128>}, {transform_indices = @transform_3, window_bounds = array<i64: 2000, 128>}]} {
    %get3A = arith.constant 0 : index
    %get3A_0 = arith.constant 0 : index
    %get3A_1 = vector.load %arg1[%get3A, %get3A_0] : memref<2000x128xf32, #tpu.memory_space<vmem>>, vector<2000x128xf32>
    %get3A_2 = arith.constant 0 : index
    %get3A_3 = arith.constant 0 : index
    %get3A_4 = vector.load %arg2[%get3A_2, %get3A_3] : memref<2000x128xf32, #tpu.memory_space<vmem>>, vector<2000x128xf32>
    %add3A = arith.addf %get3A_1, %get3A_4 : vector<2000x128xf32>
    %get3A_5 = arith.constant 0 : index
    %get3A_6 = arith.constant 0 : index
    %get3A_7 = vector.load %arg3[%get3A_5, %get3A_6] : memref<2000x128xf32, #tpu.memory_space<vmem>>, vector<2000x128xf32>
    %add3A_8 = arith.addf %add3A, %get3A_7 : vector<2000x128xf32>
    %max3A = arith.constant 0.000000e+00 : f32
    %max3A_9 = vector.broadcast %max3A : f32 to vector<2000x128xf32>
    %max3A_10 = arith.maximumf %add3A_8, %max3A_9 : vector<2000x128xf32>
    %swap3A = arith.constant 0 : index
    %swap3A_11 = arith.constant 0 : index
    %swap3A_12 = vector.load %arg4[%swap3A, %swap3A_11] : memref<2000x128xf32, #tpu.memory_space<vmem>>, vector<2000x128xf32>
    tpu.vector_store %arg4[%swap3A, %swap3A_11], %max3A_10 {strides = array<i32>} : memref<2000x128xf32, #tpu.memory_space<vmem>>, vector<2000x128xf32>,
    return
  }
  func.func @transform_0(%arg0: i32) -> (i32, i32) {
    %c0_i32 = arith.constant 0 : i32
    %c0_i32_0 = arith.constant 0 : i32
    return %arg0, %c0_i32 : i32, i32
  }
  func.func @transform_1(%arg0: i32) -> (i32, i32) {
    %c0_i32 = arith.constant 0 : i32
    %c0_i32_0 = arith.constant 0 : i32
    return %arg0, %c0_i32 : i32, i32
  }
  func.func @transform_2(%arg0: i32) -> (i32, i32) {
    %c0_i32 = arith.constant 0 : i32
    %c0_i32_0 = arith.constant 0 : i32
    return %arg0, %c0_i32 : i32, i32
  }
  func.func @transform_3(%arg0: i32) -> (i32, i32) {
    %c0_i32 = arith.constant 0 : i32
    %c0_i32_0 = arith.constant 0 : i32
    return %arg0, %c0_i32 : i32, i32
  }
}

</mosaic_0001>

<sc_bundles>
// kernel: kernel.11.cloned.1.call-start
scs
__scs_entry_jumppad:
0x0: {  	(pc) =	sbr.rel $0x88, $3  }
0x1: {  	(tag) =	ssettag $0x0;
	lr =	simm.s32 $0x1  }
0x2: {  	[smem:$0x3F9C] =	sst lr;
	_ =	strace $0xD0000000  }
0x3: {  	_ = 	snop  }
0x4: {  	_ = 	snop  }
0x5: {  	_ = 	snop  }
0x6: {  	_ = 	snop  }
0x7: {  	_ = 	snop  }
__scs_overlays_trampoline_lowered:
0x8: {  	[smem:$0x3FAB] =	sst s0  }
0x9: {  	[smem:$0x3FAC] =	sst s1  }
0xa: {  	[smem:$0x3FAD] =	sst s2  }
0xb: {  	[smem:$0x3FAE] =	sst s3  }
0xc: {  	[smem:$0x3FAF] =	sst s4  }
0xd: {  	[smem:$0x3FB0] =	sst s5  }
0xe: {  	[smem:$0x3FB1] =	sst s6  }
0xf: {  	[smem:$0x3FB2] =	sst s7  }
0x10: {  	[smem:$0x3FB3] =	sst s8  }
0x11: {  	[smem:$0x3FB4] =	sst s9;
	s0 =	simm.s32 @!p0 $0x0  }
0x12: {  	s1 =	sld [smem:$0x3F9A];
	s0 =	simm.s32 @p0 $0x1  }
0x13: {  	[smem:$0x3FB5] =	sst s0;
	s0 =	simm.s32 @!p1 $0x0  }
0x14: {  	s2 =	sld [smem:$0x3F99];
	s0 =	simm.s32 @p1 $0x1  }
0x15: {  	[smem:$0x3FB6] =	sst s0;
	s0 =	simm.s32 @!p2 $0x0  }
0x16: {  	s3 =	sld [smem:$0x3FDB];
	s0 =	simm.s32 @p2 $0x1  }
0x17: {  	s4 =	simm.s32 $0x1BF5;
	[smem:$0x3FB8] =	sst s0  }
0x18: {  	s0 =	sld [smem:$0x3F9B];
	_ =	swait.ge [sflag:s4], $0x0  }
0x19: {  	s7 =	sld [smem:$0x3F9C]  }
0x1a: {  	s8 =	sadd.s32 $0xFFFFE003, lr  }
0x1b: {  	s9 =	sadd.s32 $0xFFFFFEF7, lr;
	s5 =	simm.s32 $0xFFFFFFFF;
	p2 =	slt.u32 s8, $0xFFFFF086  }
0x1c: {  	p1 =	slt.u32 s9, $0xF7A;
	s5 =	simm.s32 @!p2 $0x0  }
0x1d: {  	s5 =	simm.s32 @p1 $0x1;
	p0 =	seq.s32 s7, s2  }
0x1e: {  	s7 =	smul.u32 @!p0 $0xF7A, s2;
	p2 =	seq.s32 @!p0 s5, $0x0  }
0x1f: {  	s9 =	smul.u32 $0xF7A, s1;
	s8 =	simm.s32 @!p0 $0x1BF5;
	p2 =	por !p2, p0  }
0x20: {  	[sflag:s8] =	ssyncset.s32 @!p0 $0xFFFFF086;
	s6 =	sadd.s32 @!p0 s3, s7;
	s7 =	simm.s32 @!p0 $0x108  }
0x21: {  	s3 =	sadd.s32 s3, s9;
	s6 =	sadd.s32 @!p0 $0x88, s6;
	s7 =	simm.s32 @p2 $0x1082  }
0x22: {  	[simem:s7], [sflag:s8] =	dma.local @!p0 [hbm:s6], $0xF7A  }
0x23: {  	s9 =	sor.u32 $0xD0000000, s2;
	s6 =	simm.s32 $0x108;
	_ =	swait.ge @!p0 [sflag:s8], $0x0  }
0x24: {  	s3 =	sadd.s32 $0x88, s3;
	s6 =	simm.s32 @!p1 $0x1082;
	[sflag:s4] =	ssyncset.s32 $0xFFFFF086  }
0x25: {  	[simem:s6], [sflag:s4] =	dma.local [hbm:s3], $0xF7A  }
0x26: {  	[smem:$0x3F9C] =	sst s1;
	(tag) =	ssettag s2;
	_ =	strace s9  }
0x27: {  	s1 =	sld [smem:$0x3FAC]  }
0x28: {  	s2 =	sld [smem:$0x3FAD]  }
0x29: {  	s4 =	sld [smem:$0x3FAF]  }
0x2a: {  	p0 =	seq.s32 s5, $0x0;
	s5 =	sld [smem:$0x3FB0]  }
0x2b: {  	s6 =	sld [smem:$0x3FB1]  }
0x2c: {  	s7 =	sld [smem:$0x3FB2]  }
0x2d: {  	s3 =	simm.s32 $0x108;
	s8 =	sld [smem:$0x3FB3]  }
0x2e: {  	s3 =	simm.s32 @!p0 $0x1082;
	s9 =	sld [smem:$0x3FB4]  }
0x2f: {  	lr =	sadd.s32 s0, s3;
	s0 =	sld [smem:$0x3FAB]  }
0x30: {  	s3 =	sld [smem:$0x3FAE]  }
0x31: {  	[smem:$0x3FB7] =	sst s10  }
0x32: {  	s10 =	sld [smem:$0x3FB5];
	_ =	sdelay $0x3  }
0x33: {  	p0 =	seq.s32 s10, $0x1;
	s10 =	sld [smem:$0x3FB7];
	_ =	sdelay $0x3  }
0x34: {  	[smem:$0x3FB7] =	sst s10  }
0x35: {  	s10 =	sld [smem:$0x3FB6];
	_ =	sdelay $0x3  }
0x36: {  	p1 =	seq.s32 s10, $0x1;
	s10 =	sld [smem:$0x3FB7];
	_ =	sdelay $0x3  }
0x37: {  	[smem:$0x3FB7] =	sst s10  }
0x38: {  	s10 =	sld [smem:$0x3FB8]  }
0x39: {  	_ = 	snop;
	(pc) =	sbr.ind lr, $3  }
0x3a: {  	_ = 	snop  }
0x3b: {  	_ = 	snop  }
0x3c: {  	p2 =	seq.s32 s10, $0x1;
	s10 =	sld [smem:$0x3FB7]  }
0x3d: {  	_ =	shalt  }
0x3e: {  	_ =	shalt  }
0x3f: {  	_ =	shalt  }
0x40: {  	_ =	shalt  }
0x41: {  	_ =	shalt  }
0x42: {  	_ =	shalt  }
0x43: {  	_ =	shalt  }
0x44: {  	_ =	shalt  }
0x45: {  	_ =	shalt  }
0x46: {  	_ =	shalt  }
0x47: {  	_ =	shalt  }
0x48: {  	_ =	shalt  }
0x49: {  	_ =	shalt  }
0x4a: {  	_ =	shalt  }
0x4b: {  	_ =	shalt  }
0x4c: {  	_ =	shalt  }
0x4d: {  	_ =	shalt  }
0x4e: {  	_ =	shalt  }
0x4f: {  	_ =	shalt  }
0x50: {  	_ =	shalt  }
0x51: {  	_ =	shalt  }
0x52: {  	_ =	shalt  }
0x53: {  	_ =	shalt  }
0x54: {  	_ =	shalt  }
0x55: {  	_ =	shalt  }
0x56: {  	_ =	shalt  }
0x57: {  	_ =	shalt  }
0x58: {  	_ =	shalt  }
0x59: {  	_ =	shalt  }
0x5a: {  	_ =	shalt  }
0x5b: {  	_ =	shalt  }
0x5c: {  	_ =	shalt  }
0x5d: {  	_ =	shalt  }
0x5e: {  	_ =	shalt  }
0x5f: {  	_ =	shalt  }
0x60: {  	_ =	shalt  }
0x61: {  	_ =	shalt  }
0x62: {  	_ =	shalt  }
0x63: {  	_ =	shalt  }
0x64: {  	_ =	shalt  }
0x65: {  	_ =	shalt  }
0x66: {  	_ =	shalt  }
0x67: {  	_ =	shalt  }
0x68: {  	_ =	shalt  }
0x69: {  	_ =	shalt  }
0x6a: {  	_ =	shalt  }
0x6b: {  	_ =	shalt  }
0x6c: {  	_ =	shalt  }
0x6d: {  	_ =	shalt  }
0x6e: {  	_ =	shalt  }
0x6f: {  	_ =	shalt  }
0x70: {  	_ =	shalt  }
0x71: {  	_ =	shalt  }
0x72: {  	_ =	shalt  }
0x73: {  	_ =	shalt  }
0x74: {  	_ =	shalt  }
0x75: {  	_ =	shalt  }
0x76: {  	_ =	shalt  }
0x77: {  	_ =	shalt  }
0x78: {  	_ =	shalt  }
0x79: {  	_ =	shalt  }
0x7a: {  	_ =	shalt  }
0x7b: {  	_ =	shalt  }
0x7c: {  	_ =	shalt  }
0x7d: {  	_ =	shalt  }
0x7e: {  	_ =	shalt  }
0x7f: {  	_ =	shalt  }
0x80: {  	_ =	shalt  }
0x81: {  	_ =	shalt  }
0x82: {  	_ =	shalt  }
0x83: {  	_ =	shalt  }
0x84: {  	_ =	shalt  }
0x85: {  	_ =	shalt  }
0x86: {  	_ =	shalt  }
0x87: {  	_ =	shalt  }
.Lfunc_end0:
.L_simem_size_0:
called_computation.1_lowered:
.L_overlay_start_0:
0x88: {  	s2 =	sld [smem:$0x3FD9]  }
0x89: {  	s3 =	sld [smem:$0x3FFE];
	_ =	sdelay $0x1  }
0x8a: {  	s1 =	srdreg.scid  }
0x8b: {  	s0 =	sand.u32 $0x1, s1  }
0x8c: {  	s17 =	sshll.u32 s0, $0xA;
	s2 =	sadd.s32 s3, s2  }
0x8d: {  	s2 =	sadd.s32 s2, s17  }
0x8e: {  	[smem:$0x3FC3] =	sst s2  }
0x8f: {  	_ = 	snop  }
0x90: {  	s2 =	sld [smem:$0x3FD0];
	(tm) =	ssettm $0x1  }
0x91: {  	s18 =	sld [smem:$0x3FFB];
	_ =	sdelay $0x3  }
0x92: {  	_ =	strace s18  }
0x93: {  	s3 =	sld [smem:$0x3FFC];
	_ =	sdelay $0x3  }
0x94: {  	_ =	strace s3  }
0x95: {  	s3 =	sld [smem:$0x3FFD];
	_ =	sdelay $0x3  }
0x96: {  	_ =	strace s3  }
0x97: {  	_ =	strace $0x8FFFFFFF  }
0x98: {  	s19 =	sld [smem:$0x3FDB];
	_ =	sdelay $0x1  }
0x99: {  	s4 =	simm.s32 $_scs_section_size  }
0x9a: {  	s5 =	simm.s32 $_size__tile_overlayer_lowered;
	s6 =	simm.s32 $_tile_overlayer_lowered  }
0x9b: {  	s22 =	simm.s32 $0x1BFF;
	s21 =	sshll.u32 s6, $0x1;
	s3 =	sadd.s32 s4, s19  }
0x9c: {  	s7 =	simm.s32 $0x0;
	s20 =	sshll.u32 s5, $0x1;
	s5 =	sadd.s32 s21, s3  }
0x9d: {  	[timem:s7], [sflag:s22] =	dma.local [hbm:s5], s20  }
0x9e: {  	_ =	swait.ge [sflag:s22], s20  }
0x9f: {  	s4 =	ssub.s32 $0x0, s20;
	[sflag:s22] =	ssyncset.done $0x0  }
0xa0: {  	[sflag:s22] =	ssyncadd.s32 s4;
	_ =	sdelay $0x1  }
0xa1: {  	s23 =	simm.s32 $0x1B8B  }
0xa2: {  	_ =	swait.ge [sflag:s23], $0x1  }
0xa3: {  	[sflag:s23] =	ssyncset.done $0x0  }
0xa4: {  	s25 =	simm.s32 $0x1B8E;
	s24 =	sld [smem:$0x3FFE];
	[sflag:s23] =	ssyncadd.s32 $0xFFFFFFFF  }
0xa5: {  	s26 =	simm.s32 $execute0_lowered;
	[smem:$0x3FD2] =	sst s25  }
0xa6: {  	s5 =	sshll.u32 s26, $0x1;
	_ =	strace $0x80000049;
	[dreg:$0x1] =	wrdreg $0xFFFFFFFF  }
0xa7: {  	s28 =	simm.s32 $_size_execute0_lowered;
	s3 =	sadd.s32 s3, s5;
	[dreg:$0x0] =	wrdreg $0x0  }
0xa8: {  	s5 =	sshll.u32 s28, $0x1;
	[dreg:$0x2] =	wrdreg s3  }
0xa9: {  	[dreg:$0x3] =	wrdreg s5  }
0xaa: {  	[dreg:$0x4] =	wrdreg $0xC0  }
0xab: {  	_ =	task [dreg:s7], $0x5FFFF  }
0xac: {  	[dreg:$0x1] =	wrdreg $0xFFFFFFFF  }
0xad: {  	[dreg:$0x0] =	wrdreg $0x60  }
0xae: {  	[dreg:$0x2] =	wrdreg s2  }
0xaf: {  	[dreg:$0x3] =	wrdreg s24  }
0xb0: {  	[dreg:$0x4] =	wrdreg $0xAC000  }
0xb1: {  	[dreg:$0x5] =	wrdreg $0x9  }
0xb2: {  	_ =	task.clear_ibuf [dreg:s7], $0x6FFFF;
	_ =	strace $0x90000049  }
0xb3: {  	s29 =	simm.s32 $0x9;
	_ =	strace $0x8000004B  }
0xb4: {  	_ =	swait.ge [sflag:s29], $0x1  }
0xb5: {  	[sflag:s29] =	ssyncadd.s32 $0xFFFFFFFF  }
0xb6: {  	_ =	strace $0x9000004B  }
0xb7: {  	_ =	sfence  }
0xb8: {  	s30 =	sld [smem:$0x0];
	_ =	sdelay $0x2  }
0xb9: {  	s31 =	sshll.u32 s1, $0xD;
	s1 =	sshrl.u32 s1, $0x2  }
0xba: {  	s3 =	sand.u32 $0x4000, s31;
	s1 =	sadd.s32 s1, s30  }
0xbb: {  	s0 =	sor.u32 s3, s0;
	s1 =	sshll.u32 s1, $0x11  }
0xbc: {  	s0 =	sor.u32 s1, s0  }
0xbd: {  	s0 =	sadd.s32 $0x8F2B, s0  }
0xbe: {  	[sflag:s0] =	ssyncadd.remote.s32 $0x1  }
0xbf: {  	_ =	sfence.sel $0xFFFF  }
0xc0: {  	[dreg:$0x0] =	wrdreg $0xFFFFFFFF;
	(pc) =	sbr.abs _section_cstart, $3  }
0xc1: {  	[dreg:$0x1] =	wrdreg $0xFFFFFFFF  }
0xc2: {  	_ =	task.clear_ibuf [dreg:s7], $0x2FFFF;
	_ =	strace $0x9FFFFFFF  }
0xc3: {  	(tm) =	ssettm $0x7FFFFFFF  }
tec
execute0_lowered:
.L_overlay_start_1:
0x0: {  	(tag) =	ssettag $0x1  }
0x1: {  	s0 =	rddreg [dreg:$0x0]  }
0x2: {  	s1 =	srdreg.scid;
	s3 =	rddreg [dreg:$0x1]  }
0x3: {  	s12 =	stileid.u32;
	s2 =	rddreg [dreg:$0x2];
	s6 =	simm.s32 $0x0  }
0x4: {  	s13 =	simm.s32 $0x8;
	s14 =	simm.s32 $0x8C00;
	s15 =	simm.s32 $0x1  }
0x5: {  	s16 =	simm.s32 $0x9;
	s17 =	simm.s32 $0xA;
	s18 =	smul.u32 $0x13C00, s12  }
0x6: {  	s1 =	sand.u32 $0x1, s1;
	s4 =	sshll.u32 s12, $0x1;
	s10 =	smul.u32 $0x4F000, s12  }
0x7: {  	[smem:$0x7FF] =	sst s6;
	s22 =	sshll.u32 s12, $0x6;
	s23 =	smul.u32 $0x140, s12  }
0x8: {  	s12 =	simm.s32 $0x6C00;
	s5 =	sor.u32 s1, s4;
	s7 =	smul.u32 $0x13C000, s1  }
0x9: {  	_ =	strace $0x8000004A;
	s19 =	ssub.s32 $0x2, s1;
	s1 =	smul.u32 $0xA0, s1  }
0xa: {  	s4 =	smul.u32 $0x500, s5;
	s9 =	sshrl.u32 s18, $0x3;
	s21 =	sshrl.u32 s10, $0x2  }
0xb: {  	s5 =	smul.u32 $0xA00, s5;
	s10 =	sor.u32 $0x1C0D, s22;
	s9 =	sadd.s32 s9, s3  }
0xc: {  	s11 =	sshrl.u32 s19, $0x1;
	[dreg:$0x5] =	wrdreg s10;
	s9 =	sadd.s32 $0x42A000, s9  }
0xd: {  	s20 =	ssub.s32 s19, s11;
	s5 =	sadd.s32 s0, s5;
	[dreg:$0x4] =	wrdreg s9  }
0xe: {  	s8 =	sadd.s32 s4, s3;
	s31 =	smax.u32 s20, $0x1;
	[dreg:$0x7] =	wrdreg s5  }
0xf: {  	s6 =	sadd.s32 s18, s7;
	s8 =	sadd.s32 $0x1400, s8;
	[dreg:$0x10] =	wrdreg s31  }
0x10: {  	s7 =	sadd.s32 s21, s2;
	s24 =	sadd.s32 $0x10, s5;
	[dreg:$0x6] =	wrdreg s8  }
0x11: {  	s1 =	sadd.s32 s1, s23;
	s25 =	sadd.s32 $0x20, s5;
	[dreg:$0x8] =	wrdreg s24  }
0x12: {  	s11 =	simm.s32 $0x7;
	s26 =	sadd.s32 $0x30, s5;
	[dreg:$0x9] =	wrdreg s25  }
0x13: {  	s4 =	sadd.s32 $0xB400, s3;
	s28 =	sadd.s32 $0x40, s5;
	[dreg:$0xa] =	wrdreg s26  }
0x14: {  	s6 =	sshrl.u32 s6, $0x3;
	s29 =	sadd.s32 $0x50, s5;
	[dreg:$0xb] =	wrdreg s28  }
0x15: {  	s1 =	sshll.u32 s1, $0x4;
	s30 =	sadd.s32 $0x60, s5;
	[dreg:$0xc] =	wrdreg s29  }
0x16: {  	s3 =	sadd.s32 s6, s3;
	s5 =	sadd.s32 $0x70, s5;
	[dreg:$0xd] =	wrdreg s30  }
0x17: {  	s0 =	sadd.s32 s1, s0;
	s9 =	simm.s32 $0xC;
	[dreg:$0xe] =	wrdreg s5  }
0x18: {  	s3 =	sadd.s32 $0x451800, s3;
	s1 =	sadd.s32 $0xE0, s0;
	s20 =	sadd.s32 $0xC0, s0  }
.Ltmp0:
0x19: {  	s21 =	sadd.s32 $0xA0, s0;
	s19 =	smov.u32 s0;
	(pc) =	sbr.rel .LBB2_1-.Ltmp0, $4  }
0x1a: {  	s22 =	sadd.s32 $0x80, s0;
	s24 =	simm.s32 $0xD;
	s26 =	simm.s32 $0x80  }
0x1b: {  	s5 =	simm.s32 $0x40;
	s8 =	simm.s32 $0x3;
	[dreg:$0xf] =	wrdreg s3  }
0x1c: {  	s25 =	simm.s32 $0xB;
	[dreg:$0x11] =	wrdreg s1;
	s1 =	sshrl.u32 s7, $0x3  }
0x1d: {  	s7 =	simm.s32 $0x2C00;
	s3 =	simm.s32 $0x0;
	[dreg:$0x12] =	wrdreg s1  }
.LBB2_4:
0x1e: {  	[bflag:$0x0] =	sbarrier.arrive $0xFFFF  }
0x1f: {  	s10 =	rddreg [dreg:$0x5]  }
0x20: {  	s0 =	rddreg [dreg:$0xf]  }
0x21: {  	s1 =	rddreg [dreg:$0x12]  }
0x22: {  	[hbm:s0], [sflag:s10] =	dma.local [spmem:s1], $0x2780  }
0x23: {  	_ =	swait.ge [sflag:s24], $0x2780  }
0x24: {  	s3 =	rddreg [dreg:$0x13]  }
0x25: {  	s31 =	rddreg [dreg:$0x10];
	s3 =	sadd.s32 $0x1, s3  }
0x26: {  	p0 =	sne.s32 s3, s31  }
.Ltmp1:
0x27: {  	_ = 	snop;
	(pc) =	sbr.rel @!p0 .LBB2_5-.Ltmp1, $3  }
0x28: {  	_ =	sdelay $0x1  }
0x29: {  	[sflag:s24] =	ssyncset.done $0x0  }
0x2a: {  	[sflag:s24] =	ssyncadd.s32 $0xFFFFD880  }
.LBB2_1:
0x2b: {  	[dreg:$0x13] =	wrdreg s3  }
0x2c: {  	s0 =	rddreg [dreg:$0x4]  }
0x2d: {  	[spmem:s1], [sflag:s10] =	dma.local [hbm:s0], $0x2780  }
0x2e: {  	_ =	swait.ge [sflag:s24], $0x2780  }
0x2f: {  	s31 =	simm.s32 $0x400;
	[sflag:s24] =	ssyncset.done $0x0  }
0x30: {  	s0 =	simm.s32 $0x0;
	s30 =	rddreg [dreg:$0x6];
	[sflag:s24] =	ssyncadd.s32 $0xFFFFD880  }
0x31: {  	[tilespmem:s31], [sflag:$0xD] =	stream.linear.gather [hbm4b:s30+s0], $0x2800, $0x38;
	[tilespmem:$0x1E800] =	vst v63  }
0x32: {  	_ =	swait.ge [sflag:s24], $0x2800  }
0x33: {  	[sflag:s24] =	ssyncset.done $0x0  }
0x34: {  	[sflag:s24] =	ssyncadd.s32 $0xFFFFD800  }
0x35: {  	[bflag:$0x0] =	sbarrier.arrive $0xFFFF  }
0x36: {  	s6 =	rddreg [dreg:$0x7]  }
0x37: {  	[tilespmem:s0], [sflag:$0x5] =	stream.linear.gather [hbm4b:s6+s0], $0x80, $0x38;
	[tilespmem:$0x1E800] =	vst v63  }
0x38: {  	s10 =	rddreg [dreg:$0x8]  }
0x39: {  	[tilespmem:s26], [sflag:$0x6] =	stream.linear.gather [hbm4b:s10+s0], $0x80, $0x38;
	[tilespmem:$0x1E800] =	vst v63  }
0x3a: {  	s3 =	simm.s32 $0x100;
	s18 =	rddreg [dreg:$0x9]  }
0x3b: {  	[tilespmem:s3], [sflag:$0x7] =	stream.linear.gather [hbm4b:s18+s0], $0x80, $0x38;
	[tilespmem:$0x1E800] =	vst v63  }
0x3c: {  	s23 =	rddreg [dreg:$0xa];
	s6 =	simm.s32 $0x180  }
0x3d: {  	[tilespmem:s6], [sflag:$0x8] =	stream.linear.gather [hbm4b:s23+s0], $0x80, $0x38;
	[tilespmem:$0x1E800] =	vst v63  }
0x3e: {  	s29 =	simm.s32 $0x200;
	s28 =	rddreg [dreg:$0xb]  }
0x3f: {  	[tilespmem:s29], [sflag:$0x9] =	stream.linear.gather [hbm4b:s28+s0], $0x80, $0x38;
	[tilespmem:$0x1E800] =	vst v63  }
0x40: {  	s31 =	simm.s32 $0x280;
	s30 =	rddreg [dreg:$0xc]  }
0x41: {  	[tilespmem:s31], [sflag:$0xA] =	stream.linear.gather [hbm4b:s30+s0], $0x80, $0x38;
	[tilespmem:$0x1E800] =	vst v63  }
0x42: {  	s10 =	rddreg [dreg:$0xd];
	s18 =	simm.s32 $0x300  }
0x43: {  	[tilespmem:s18], [sflag:$0xB] =	stream.linear.gather [hbm4b:s10+s0], $0x80, $0x38;
	[tilespmem:$0x1E800] =	vst v63  }
0x44: {  	s23 =	rddreg [dreg:$0xe];
	s28 =	simm.s32 $0x380;
	s29 =	simm.s32 $0x5  }
0x45: {  	[tilespmem:s28], [sflag:$0xC] =	stream.linear.gather [hbm4b:s23+s0], $0x80, $0x38;
	[tilespmem:$0x1E800] =	vst v63  }
0x46: {  	_ =	swait.ge [sflag:s29], $0x80  }
0x47: {  	[sflag:s29] =	ssyncset.done $0x0  }
0x48: {  	s30 =	simm.s32 $0x6;
	[sflag:s29] =	ssyncadd.s32 $0xFFFFFF80  }
0x49: {  	[tilespmem:s7], [sflag:$0x1] =	stream.indirect.gather [hbm4b:s4+s5], $0x80, s0, s5, $0xb8;
	[tilespmem:$0x1E800] =	vst v63  }
0x4a: {  	_ =	swait.ge [sflag:s30], $0x80  }
0x4b: {  	[sflag:s30] =	ssyncset.done $0x0  }
0x4c: {  	s31 =	simm.s32 $0x4C00;
	[sflag:s30] =	ssyncadd.s32 $0xFFFFFF80  }
0x4d: {  	[tilespmem:s31], [sflag:$0x2] =	stream.indirect.gather [hbm4b:s4+s5], $0x80, s26, s5, $0xb8;
	[tilespmem:$0x1E800] =	vst v63  }
0x4e: {  	_ =	swait.ge [sflag:s11], $0x80  }
0x4f: {  	[sflag:s11] =	ssyncset.done $0x0  }
0x50: {  	[sflag:s11] =	ssyncadd.s32 $0xFFFFFF80  }
0x51: {  	[tilespmem:s12], [sflag:$0x3] =	stream.indirect.gather [hbm4b:s4+s5], $0x80, s3, s5, $0xb8;
	[tilespmem:$0x1E800] =	vst v63  }
0x52: {  	_ =	swait.ge [sflag:s13], $0x80  }
0x53: {  	[sflag:s13] =	ssyncset.done $0x0  }
0x54: {  	s23 =	simm.s32 $0x580;
	s3 =	simm.s32 $0x0;
	[sflag:s13] =	ssyncadd.s32 $0xFFFFFF80  }
0x55: {  	[tilespmem:s14], [sflag:$0x4] =	stream.indirect.gather [hbm4b:s4+s5], $0x80, s6, s5, $0xb8;
	[tilespmem:$0x1E800] =	vst v63  }
.LBB2_2:
0x56: {  	_ =	swait.ge [sflag:s15], $0x2000  }
0x57: {  	p0 =	sne.s32 s3, $0x980;
	[sflag:s15] =	ssyncset.done $0x0  }
0x58: {  	s1 =	sadd.s32 @p0 s3, s22;
	s6 =	simm.s32 @p0 $0x0;
	[sflag:s15] =	ssyncadd.s32 $0xFFFFE000  }
0x59: {  	[tilespmem:s6], [sflag:$0x5] =	stream.linear.gather @p0 [hbm4b:s1+s6], $0x80, $0x38;
	[tilespmem:$0x1E800] =	vst v63  }
0x5a: {  	s1 =	simm.s32 @p0 $0x2  }
0x5b: {  	_ =	swait.ge @p0 [sflag:s1], $0x2000  }
0x5c: {  	s28 =	sadd.s32 @p0 s3, s19;
	s29 =	simm.s32 @p0 $0x80;
	[sflag:s1] =	ssyncset.done @p0 $0x0  }
0x5d: {  	s0 =	simm.s32 @!p0 $0x2;
	s30 =	sadd.s32 @p0 $0x90, s28;
	[sflag:s1] =	ssyncadd.s32 @p0 $0xFFFFE000  }
0x5e: {  	[tilespmem:s29], [sflag:$0x6] =	stream.linear.gather @p0 [hbm4b:s30+s6], $0x80, $0x38;
	[tilespmem:$0x1E800] =	vst v63  }
0x5f: {  	_ =	swait.ge @!p0 [sflag:s0], $0x2000  }
0x60: {  	[sflag:s0] =	ssyncset.done @!p0 $0x0  }
0x61: {  	s18 =	sadd.s32 $0xFFFFFE80, s23;
	[sflag:s0] =	ssyncadd.s32 @!p0 $0xFFFFE000  }
0x62: {  	[spmem:s2] =	stream.indirect.scatter.add.f32 [tilespmem:s7], [sflag:$0xD], $0x80, s18, s26, $0xb8;
	[tilespmem:$0x1E800] =	vst v63  }
0x63: {  	_ =	swait.ge [sflag:s24], $0x4000  }
0x64: {  	[sflag:s24] =	ssyncset.done $0x0  }
0x65: {  	[sflag:s24] =	ssyncadd.s32 $0xFFFFC000  }
0x66: {  	_ =	swait.ge [sflag:s16], $0x80  }
0x67: {  	[sflag:s16] =	ssyncset.done $0x0  }
0x68: {  	s10 =	simm.s32 $0x200;
	[sflag:s16] =	ssyncadd.s32 $0xFFFFFF80  }
0x69: {  	[tilespmem:s7], [sflag:$0x1] =	stream.indirect.gather [hbm4b:s4+s5], $0x80, s10, s5, $0xb8;
	[tilespmem:$0x1E800] =	vst v63  }
0x6a: {  	_ =	swait.ge [sflag:s17], $0x80  }
0x6b: {  	[sflag:s17] =	ssyncset.done $0x0  }
0x6c: {  	s31 =	simm.s32 $0x280;
	s18 =	simm.s32 $0x4C00;
	[sflag:s17] =	ssyncadd.s32 $0xFFFFFF80  }
0x6d: {  	[tilespmem:s18], [sflag:$0x2] =	stream.indirect.gather [hbm4b:s4+s5], $0x80, s31, s5, $0xb8;
	[tilespmem:$0x1E800] =	vst v63  }
0x6e: {  	_ =	swait.ge [sflag:s8], $0x2000  }
0x6f: {  	[sflag:s8] =	ssyncset.done $0x0  }
0x70: {  	s30 =	sadd.s32 @p0 s3, s21;
	s31 =	simm.s32 @p0 $0x100;
	[sflag:s8] =	ssyncadd.s32 $0xFFFFE000  }
0x71: {  	[tilespmem:s31], [sflag:$0x7] =	stream.linear.gather @p0 [hbm4b:s30+s6], $0x80, $0x38;
	[tilespmem:$0x1E800] =	vst v63  }
0x72: {  	s31 =	simm.s32 @p0 $0x4  }
0x73: {  	_ =	swait.ge @p0 [sflag:s31], $0x2000  }
0x74: {  	[sflag:s31] =	ssyncset.done @p0 $0x0  }
0x75: {  	s10 =	simm.s32 @p0 $0x180;
	s30 =	sadd.s32 @p0 $0xB0, s28;
	[sflag:s31] =	ssyncadd.s32 @p0 $0xFFFFE000  }
0x76: {  	[tilespmem:s10], [sflag:$0x8] =	stream.linear.gather @p0 [hbm4b:s30+s6], $0x80, $0x38;
	[tilespmem:$0x1E800] =	vst v63  }
0x77: {  	s30 =	simm.s32 @!p0 $0x4  }
0x78: {  	_ =	swait.ge @!p0 [sflag:s30], $0x2000  }
0x79: {  	[sflag:s30] =	ssyncset.done @!p0 $0x0  }
0x7a: {  	s18 =	sadd.s32 $0xFFFFFF00, s23;
	[sflag:s30] =	ssyncadd.s32 @!p0 $0xFFFFE000  }
0x7b: {  	[spmem:s2] =	stream.indirect.scatter.add.f32 [tilespmem:s12], [sflag:$0xD], $0x80, s18, s26, $0xb8;
	[tilespmem:$0x1E800] =	vst v63  }
0x7c: {  	_ =	swait.ge [sflag:s24], $0x4000  }
0x7d: {  	[sflag:s24] =	ssyncset.done $0x0  }
0x7e: {  	[sflag:s24] =	ssyncadd.s32 $0xFFFFC000  }
0x7f: {  	_ =	swait.ge [sflag:s25], $0x80  }
0x80: {  	[sflag:s25] =	ssyncset.done $0x0  }
0x81: {  	s18 =	simm.s32 $0x300;
	[sflag:s25] =	ssyncadd.s32 $0xFFFFFF80  }
0x82: {  	[tilespmem:s12], [sflag:$0x3] =	stream.indirect.gather [hbm4b:s4+s5], $0x80, s18, s5, $0xb8;
	[tilespmem:$0x1E800] =	vst v63  }
0x83: {  	_ =	swait.ge [sflag:s9], $0x80  }
0x84: {  	[sflag:s9] =	ssyncset.done $0x0  }
0x85: {  	s18 =	simm.s32 $0x380;
	[sflag:s9] =	ssyncadd.s32 $0xFFFFFF80  }
0x86: {  	[tilespmem:s14], [sflag:$0x4] =	stream.indirect.gather [hbm4b:s4+s5], $0x80, s18, s5, $0xb8;
	[tilespmem:$0x1E800] =	vst v63  }
0x87: {  	_ =	swait.ge [sflag:s15], $0x2000  }
0x88: {  	[sflag:s15] =	ssyncset.done $0x0  }
0x89: {  	s10 =	sadd.s32 @p0 s3, s20;
	s18 =	simm.s32 @p0 $0x200;
	[sflag:s15] =	ssyncadd.s32 $0xFFFFE000  }
0x8a: {  	[tilespmem:s18], [sflag:$0x9] =	stream.linear.gather @p0 [hbm4b:s10+s6], $0x80, $0x38;
	[tilespmem:$0x1E800] =	vst v63  }
0x8b: {  	_ =	swait.ge @p0 [sflag:s1], $0x2000  }
0x8c: {  	[sflag:s1] =	ssyncset.done @p0 $0x0  }
0x8d: {  	s10 =	simm.s32 @p0 $0x280;
	[sflag:s1] =	ssyncadd.s32 @p0 $0xFFFFE000;
	s1 =	sadd.s32 @p0 $0xD0, s28  }
0x8e: {  	[tilespmem:s10], [sflag:$0xA] =	stream.linear.gather @p0 [hbm4b:s1+s6], $0x80, $0x38;
	[tilespmem:$0x1E800] =	vst v63  }
0x8f: {  	_ =	swait.ge @!p0 [sflag:s0], $0x2000  }
0x90: {  	[sflag:s0] =	ssyncset.done @!p0 $0x0  }
0x91: {  	s18 =	sadd.s32 $0xFFFFFF80, s23;
	[sflag:s0] =	ssyncadd.s32 @!p0 $0xFFFFE000  }
0x92: {  	[spmem:s2] =	stream.indirect.scatter.add.f32 [tilespmem:s7], [sflag:$0xD], $0x80, s18, s26, $0xb8;
	[tilespmem:$0x1E800] =	vst v63  }
0x93: {  	_ =	swait.ge [sflag:s24], $0x4000  }
0x94: {  	[sflag:s24] =	ssyncset.done $0x0  }
0x95: {  	s0 =	simm.s32 @p0 $0x5;
	[sflag:s24] =	ssyncadd.s32 $0xFFFFC000  }
0x96: {  	_ =	swait.ge @p0 [sflag:s0], $0x80  }
0x97: {  	[sflag:s0] =	ssyncset.done @p0 $0x0  }
0x98: {  	s1 =	simm.s32 @p0 $0x2C00;
	[sflag:s0] =	ssyncadd.s32 @p0 $0xFFFFFF80;
	s0 =	simm.s32 @p0 $0x40  }
0x99: {  	[tilespmem:s1], [sflag:$0x1] =	stream.indirect.gather @p0 [hbm4b:s4+s0], $0x80, s6, s0, $0xb8;
	[tilespmem:$0x1E800] =	vst v63  }
0x9a: {  	s1 =	simm.s32 @p0 $0x6  }
0x9b: {  	_ =	swait.ge @p0 [sflag:s1], $0x80  }
0x9c: {  	[sflag:s1] =	ssyncset.done @p0 $0x0  }
0x9d: {  	[sflag:s1] =	ssyncadd.s32 @p0 $0xFFFFFF80;
	s1 =	simm.s32 @p0 $0x4C00  }
0x9e: {  	[tilespmem:s1], [sflag:$0x2] =	stream.indirect.gather @p0 [hbm4b:s4+s0], $0x80, s29, s0, $0xb8;
	[tilespmem:$0x1E800] =	vst v63  }
0x9f: {  	s0 =	simm.s32 @p0 $0x3  }
0xa0: {  	_ =	swait.ge @p0 [sflag:s0], $0x2000  }
0xa1: {  	[sflag:s0] =	ssyncset.done @p0 $0x0  }
0xa2: {  	[sflag:s0] =	ssyncadd.s32 @p0 $0xFFFFE000;
	s0 =	rddreg [dreg:$0x11]  }
0xa3: {  	s1 =	simm.s32 @p0 $0x300;
	s0 =	sadd.s32 @p0 s3, s0  }
0xa4: {  	[tilespmem:s1], [sflag:$0xB] =	stream.linear.gather @p0 [hbm4b:s0+s6], $0x80, $0x38;
	[tilespmem:$0x1E800] =	vst v63  }
0xa5: {  	_ =	swait.ge @p0 [sflag:s31], $0x2000  }
0xa6: {  	[sflag:s31] =	ssyncset.done @p0 $0x0  }
0xa7: {  	s0 =	sadd.s32 @p0 $0xF0, s28;
	s1 =	simm.s32 @p0 $0x380;
	[sflag:s31] =	ssyncadd.s32 @p0 $0xFFFFE000  }
0xa8: {  	[tilespmem:s1], [sflag:$0xC] =	stream.linear.gather @p0 [hbm4b:s0+s6], $0x80, $0x38;
	[tilespmem:$0x1E800] =	vst v63  }
0xa9: {  	s0 =	simm.s32 @!p0 $0x3  }
0xaa: {  	_ =	swait.ge @!p0 [sflag:s0], $0x2000  }
0xab: {  	[sflag:s0] =	ssyncset.done @!p0 $0x0  }
0xac: {  	[sflag:s0] =	ssyncadd.s32 @!p0 $0xFFFFE000  }
0xad: {  	_ =	swait.ge @!p0 [sflag:s30], $0x2000  }
0xae: {  	[sflag:s30] =	ssyncset.done @!p0 $0x0  }
0xaf: {  	[sflag:s30] =	ssyncadd.s32 @!p0 $0xFFFFE000;
	p0 =	seq.s32 s3, $0x980  }
.Ltmp2:
0xb0: {  	_ = 	snop;
	(pc) =	sbr.rel @p0 .LBB2_4-.Ltmp2, $4  }
0xb1: {  	[spmem:s2] =	stream.indirect.scatter.add.f32 [tilespmem:s12], [sflag:$0xD], $0x80, s23, s26, $0xb8;
	[tilespmem:$0x1E800] =	vst v63  }
0xb2: {  	_ =	swait.ge [sflag:s24], $0x4000  }
0xb3: {  	[sflag:s24] =	ssyncset.done $0x0  }
0xb4: {  	[sflag:s24] =	ssyncadd.s32 $0xFFFFC000  }
0xb5: {  	_ =	swait.ge [sflag:s11], $0x80  }
0xb6: {  	[sflag:s11] =	ssyncset.done $0x0  }
0xb7: {  	s0 =	simm.s32 $0x100;
	[sflag:s11] =	ssyncadd.s32 $0xFFFFFF80  }
0xb8: {  	[tilespmem:s12], [sflag:$0x3] =	stream.indirect.gather [hbm4b:s4+s5], $0x80, s0, s5, $0xb8;
	[tilespmem:$0x1E800] =	vst v63  }
.Ltmp3:
0xb9: {  	_ = 	snop;
	(pc) =	sbr.rel .LBB2_2-.Ltmp3, $4  }
0xba: {  	_ =	swait.ge [sflag:s13], $0x80  }
0xbb: {  	s31 =	simm.s32 $0x180;
	[sflag:s13] =	ssyncset.done $0x0  }
0xbc: {  	s3 =	sadd.s32 $0x80, s3;
	s23 =	sadd.s32 $0x200, s23;
	[sflag:s13] =	ssyncadd.s32 $0xFFFFFF80  }
0xbd: {  	[tilespmem:s14], [sflag:$0x4] =	stream.indirect.gather [hbm4b:s4+s5], $0x80, s31, s5, $0xb8;
	[tilespmem:$0x1E800] =	vst v63  }
.LBB2_5:
0xbe: {  	_ =	sfence.sel $0x180000  }
0xbf: {  	[bflag:$0x0] =	sbarrier.arrive $0xFFFF  }
0xc0: {  	_ =	strace $0x9000004A  }
0xc1: {  	s0 =	stileid.u32;
	[bflag:$0x2] =	sbarrier.arrive $0xFFFF  }
0xc2: {  	p0 =	sne.s32 s0, $0x0;
	s0 =	rddreg [dreg:$0x3]  }
0xc3: {  	s0 =	sadd.s32 @!p0 $0x100000, s0  }
0xc4: {  	[sflag:s0] =	ssyncadd.tile.s32 @!p0 $0x1;
	_ =	shalt  }
.Lfunc_end2:
_tile_overlayer_lowered:
.L_overlay_start_2:
0xc5: {  	(tag) =	ssettag $0x2  }
0xc6: {  	s0 =	rddreg [dreg:$0x0];
	s2 =	stileid.u32  }
0xc7: {  	s1 =	rddreg [dreg:$0x1];
	p0 =	sne.s32 s2, $0x0  }
0xc8: {  	s3 =	rddreg [dreg:$0x2];
	[bflag:$0x3] =	sbarrier.arrive $0xFFFF;
	s2 =	simm.s32 @!p0 $0x1C0D  }
0xc9: {  	[timem:s3], [sflag:s2] =	dma.local @!p0 [hbm:s0], s1  }
0xca: {  	s0 =	simm.s32 @!p0 $0xD  }
0xcb: {  	_ =	swait.ge @!p0 [sflag:s0], s1  }
0xcc: {  	s1 =	ssub.s32 @!p0 $0x0, s1;
	[sflag:s0] =	ssyncset.done @!p0 $0x0  }
0xcd: {  	[sflag:s0] =	ssyncadd.s32 @!p0 s1  }
0xce: {  	[bflag:$0x3] =	sbarrier.arrive $0xFFFF  }
0xcf: {  	_ =	shalt  }

// kernel: kernel.8.cloned.1.call-start
scs
__scs_entry_jumppad:
0x0: {  	(pc) =	sbr.rel $0x88, $3  }
0x1: {  	(tag) =	ssettag $0x0;
	lr =	simm.s32 $0x1  }
0x2: {  	[smem:$0x3F9C] =	sst lr;
	_ =	strace $0xD0000000  }
0x3: {  	_ = 	snop  }
0x4: {  	_ = 	snop  }
0x5: {  	_ = 	snop  }
0x6: {  	_ = 	snop  }
0x7: {  	_ = 	snop  }
__scs_overlays_trampoline_lowered:
0x8: {  	[smem:$0x3FAB] =	sst s0  }
0x9: {  	[smem:$0x3FAC] =	sst s1  }
0xa: {  	[smem:$0x3FAD] =	sst s2  }
0xb: {  	[smem:$0x3FAE] =	sst s3  }
0xc: {  	[smem:$0x3FAF] =	sst s4  }
0xd: {  	[smem:$0x3FB0] =	sst s5  }
0xe: {  	[smem:$0x3FB1] =	sst s6  }
0xf: {  	[smem:$0x3FB2] =	sst s7  }
0x10: {  	[smem:$0x3FB3] =	sst s8  }
0x11: {  	[smem:$0x3FB4] =	sst s9;
	s0 =	simm.s32 @!p0 $0x0  }
0x12: {  	s1 =	sld [smem:$0x3F9A];
	s0 =	simm.s32 @p0 $0x1  }
0x13: {  	[smem:$0x3FB5] =	sst s0;
	s0 =	simm.s32 @!p1 $0x0  }
0x14: {  	s2 =	sld [smem:$0x3F99];
	s0 =	simm.s32 @p1 $0x1  }
0x15: {  	[smem:$0x3FB6] =	sst s0;
	s0 =	simm.s32 @!p2 $0x0  }
0x16: {  	s3 =	sld [smem:$0x3FDB];
	s0 =	simm.s32 @p2 $0x1  }
0x17: {  	s4 =	simm.s32 $0x1BF5;
	[smem:$0x3FB8] =	sst s0  }
0x18: {  	s0 =	sld [smem:$0x3F9B];
	_ =	swait.ge [sflag:s4], $0x0  }
0x19: {  	s7 =	sld [smem:$0x3F9C]  }
0x1a: {  	s8 =	sadd.s32 $0xFFFFE003, lr  }
0x1b: {  	s9 =	sadd.s32 $0xFFFFFEF7, lr;
	s5 =	simm.s32 $0xFFFFFFFF;
	p2 =	slt.u32 s8, $0xFFFFF086  }
0x1c: {  	p1 =	slt.u32 s9, $0xF7A;
	s5 =	simm.s32 @!p2 $0x0  }
0x1d: {  	s5 =	simm.s32 @p1 $0x1;
	p0 =	seq.s32 s7, s2  }
0x1e: {  	s7 =	smul.u32 @!p0 $0xF7A, s2;
	p2 =	seq.s32 @!p0 s5, $0x0  }
0x1f: {  	s9 =	smul.u32 $0xF7A, s1;
	s8 =	simm.s32 @!p0 $0x1BF5;
	p2 =	por !p2, p0  }
0x20: {  	[sflag:s8] =	ssyncset.s32 @!p0 $0xFFFFF086;
	s6 =	sadd.s32 @!p0 s3, s7;
	s7 =	simm.s32 @!p0 $0x108  }
0x21: {  	s3 =	sadd.s32 s3, s9;
	s6 =	sadd.s32 @!p0 $0x88, s6;
	s7 =	simm.s32 @p2 $0x1082  }
0x22: {  	[simem:s7], [sflag:s8] =	dma.local @!p0 [hbm:s6], $0xF7A  }
0x23: {  	s9 =	sor.u32 $0xD0000000, s2;
	s6 =	simm.s32 $0x108;
	_ =	swait.ge @!p0 [sflag:s8], $0x0  }
0x24: {  	s3 =	sadd.s32 $0x88, s3;
	s6 =	simm.s32 @!p1 $0x1082;
	[sflag:s4] =	ssyncset.s32 $0xFFFFF086  }
0x25: {  	[simem:s6], [sflag:s4] =	dma.local [hbm:s3], $0xF7A  }
0x26: {  	[smem:$0x3F9C] =	sst s1;
	(tag) =	ssettag s2;
	_ =	strace s9  }
0x27: {  	s1 =	sld [smem:$0x3FAC]  }
0x28: {  	s2 =	sld [smem:$0x3FAD]  }
0x29: {  	s4 =	sld [smem:$0x3FAF]  }
0x2a: {  	p0 =	seq.s32 s5, $0x0;
	s5 =	sld [smem:$0x3FB0]  }
0x2b: {  	s6 =	sld [smem:$0x3FB1]  }
0x2c: {  	s7 =	sld [smem:$0x3FB2]  }
0x2d: {  	s3 =	simm.s32 $0x108;
	s8 =	sld [smem:$0x3FB3]  }
0x2e: {  	s3 =	simm.s32 @!p0 $0x1082;
	s9 =	sld [smem:$0x3FB4]  }
0x2f: {  	lr =	sadd.s32 s0, s3;
	s0 =	sld [smem:$0x3FAB]  }
0x30: {  	s3 =	sld [smem:$0x3FAE]  }
0x31: {  	[smem:$0x3FB7] =	sst s10  }
0x32: {  	s10 =	sld [smem:$0x3FB5];
	_ =	sdelay $0x3  }
0x33: {  	p0 =	seq.s32 s10, $0x1;
	s10 =	sld [smem:$0x3FB7];
	_ =	sdelay $0x3  }
0x34: {  	[smem:$0x3FB7] =	sst s10  }
0x35: {  	s10 =	sld [smem:$0x3FB6];
	_ =	sdelay $0x3  }
0x36: {  	p1 =	seq.s32 s10, $0x1;
	s10 =	sld [smem:$0x3FB7];
	_ =	sdelay $0x3  }
0x37: {  	[smem:$0x3FB7] =	sst s10  }
0x38: {  	s10 =	sld [smem:$0x3FB8]  }
0x39: {  	_ = 	snop;
	(pc) =	sbr.ind lr, $3  }
0x3a: {  	_ = 	snop  }
0x3b: {  	_ = 	snop  }
0x3c: {  	p2 =	seq.s32 s10, $0x1;
	s10 =	sld [smem:$0x3FB7]  }
0x3d: {  	_ =	shalt  }
0x3e: {  	_ =	shalt  }
0x3f: {  	_ =	shalt  }
0x40: {  	_ =	shalt  }
0x41: {  	_ =	shalt  }
0x42: {  	_ =	shalt  }
0x43: {  	_ =	shalt  }
0x44: {  	_ =	shalt  }
0x45: {  	_ =	shalt  }
0x46: {  	_ =	shalt  }
0x47: {  	_ =	shalt  }
0x48: {  	_ =	shalt  }
0x49: {  	_ =	shalt  }
0x4a: {  	_ =	shalt  }
0x4b: {  	_ =	shalt  }
0x4c: {  	_ =	shalt  }
0x4d: {  	_ =	shalt  }
0x4e: {  	_ =	shalt  }
0x4f: {  	_ =	shalt  }
0x50: {  	_ =	shalt  }
0x51: {  	_ =	shalt  }
0x52: {  	_ =	shalt  }
0x53: {  	_ =	shalt  }
0x54: {  	_ =	shalt  }
0x55: {  	_ =	shalt  }
0x56: {  	_ =	shalt  }
0x57: {  	_ =	shalt  }
0x58: {  	_ =	shalt  }
0x59: {  	_ =	shalt  }
0x5a: {  	_ =	shalt  }
0x5b: {  	_ =	shalt  }
0x5c: {  	_ =	shalt  }
0x5d: {  	_ =	shalt  }
0x5e: {  	_ =	shalt  }
0x5f: {  	_ =	shalt  }
0x60: {  	_ =	shalt  }
0x61: {  	_ =	shalt  }
0x62: {  	_ =	shalt  }
0x63: {  	_ =	shalt  }
0x64: {  	_ =	shalt  }
0x65: {  	_ =	shalt  }
0x66: {  	_ =	shalt  }
0x67: {  	_ =	shalt  }
0x68: {  	_ =	shalt  }
0x69: {  	_ =	shalt  }
0x6a: {  	_ =	shalt  }
0x6b: {  	_ =	shalt  }
0x6c: {  	_ =	shalt  }
0x6d: {  	_ =	shalt  }
0x6e: {  	_ =	shalt  }
0x6f: {  	_ =	shalt  }
0x70: {  	_ =	shalt  }
0x71: {  	_ =	shalt  }
0x72: {  	_ =	shalt  }
0x73: {  	_ =	shalt  }
0x74: {  	_ =	shalt  }
0x75: {  	_ =	shalt  }
0x76: {  	_ =	shalt  }
0x77: {  	_ =	shalt  }
0x78: {  	_ =	shalt  }
0x79: {  	_ =	shalt  }
0x7a: {  	_ =	shalt  }
0x7b: {  	_ =	shalt  }
0x7c: {  	_ =	shalt  }
0x7d: {  	_ =	shalt  }
0x7e: {  	_ =	shalt  }
0x7f: {  	_ =	shalt  }
0x80: {  	_ =	shalt  }
0x81: {  	_ =	shalt  }
0x82: {  	_ =	shalt  }
0x83: {  	_ =	shalt  }
0x84: {  	_ =	shalt  }
0x85: {  	_ =	shalt  }
0x86: {  	_ =	shalt  }
0x87: {  	_ =	shalt  }
.Lfunc_end0:
.L_simem_size_0:
called_computation_lowered:
.L_overlay_start_0:
0x88: {  	s2 =	sld [smem:$0x3FD9]  }
0x89: {  	s3 =	sld [smem:$0x3FFE];
	_ =	sdelay $0x1  }
0x8a: {  	s1 =	srdreg.scid  }
0x8b: {  	s0 =	sand.u32 $0x1, s1  }
0x8c: {  	s17 =	sshll.u32 s0, $0xA;
	s2 =	sadd.s32 s3, s2  }
0x8d: {  	s2 =	sadd.s32 s2, s17  }
0x8e: {  	[smem:$0x3FC3] =	sst s2  }
0x8f: {  	_ = 	snop  }
0x90: {  	s2 =	sld [smem:$0x3FD0];
	(tm) =	ssettm $0x1  }
0x91: {  	s18 =	sld [smem:$0x3FFB];
	_ =	sdelay $0x3  }
0x92: {  	_ =	strace s18  }
0x93: {  	s3 =	sld [smem:$0x3FFC];
	_ =	sdelay $0x3  }
0x94: {  	_ =	strace s3  }
0x95: {  	s3 =	sld [smem:$0x3FFD];
	_ =	sdelay $0x3  }
0x96: {  	_ =	strace s3  }
0x97: {  	_ =	strace $0x8FFFFFFF  }
0x98: {  	s19 =	sld [smem:$0x3FDB];
	_ =	sdelay $0x1  }
0x99: {  	s4 =	simm.s32 $_scs_section_size  }
0x9a: {  	s5 =	simm.s32 $_size__tile_overlayer_lowered;
	s6 =	simm.s32 $_tile_overlayer_lowered  }
0x9b: {  	s22 =	simm.s32 $0x1BFF;
	s21 =	sshll.u32 s6, $0x1;
	s3 =	sadd.s32 s4, s19  }
0x9c: {  	s7 =	simm.s32 $0x0;
	s20 =	sshll.u32 s5, $0x1;
	s5 =	sadd.s32 s21, s3  }
0x9d: {  	[timem:s7], [sflag:s22] =	dma.local [hbm:s5], s20  }
0x9e: {  	_ =	swait.ge [sflag:s22], s20  }
0x9f: {  	s4 =	ssub.s32 $0x0, s20;
	[sflag:s22] =	ssyncset.done $0x0  }
0xa0: {  	[sflag:s22] =	ssyncadd.s32 s4;
	_ =	sdelay $0x1  }
0xa1: {  	s23 =	simm.s32 $0x1B8B  }
0xa2: {  	_ =	swait.ge [sflag:s23], $0x1  }
0xa3: {  	[sflag:s23] =	ssyncset.done $0x0  }
0xa4: {  	s25 =	simm.s32 $0x1B8E;
	s24 =	sld [smem:$0x3FFE];
	[sflag:s23] =	ssyncadd.s32 $0xFFFFFFFF  }
0xa5: {  	s26 =	simm.s32 $execute0_lowered;
	[smem:$0x3FD2] =	sst s25  }
0xa6: {  	s5 =	sshll.u32 s26, $0x1;
	_ =	strace $0x80000046;
	[dreg:$0x1] =	wrdreg $0xFFFFFFFF  }
0xa7: {  	s28 =	simm.s32 $_size_execute0_lowered;
	s3 =	sadd.s32 s3, s5;
	[dreg:$0x0] =	wrdreg $0x0  }
0xa8: {  	s5 =	sshll.u32 s28, $0x1;
	[dreg:$0x2] =	wrdreg s3  }
0xa9: {  	[dreg:$0x3] =	wrdreg s5  }
0xaa: {  	[dreg:$0x4] =	wrdreg $0xC0  }
0xab: {  	_ =	task [dreg:s7], $0x5FFFF  }
0xac: {  	[dreg:$0x1] =	wrdreg $0xFFFFFFFF  }
0xad: {  	[dreg:$0x0] =	wrdreg $0x60  }
0xae: {  	[dreg:$0x2] =	wrdreg s2  }
0xaf: {  	[dreg:$0x3] =	wrdreg s24  }
0xb0: {  	[dreg:$0x4] =	wrdreg $0xAC000  }
0xb1: {  	[dreg:$0x5] =	wrdreg $0x9  }
0xb2: {  	_ =	task.clear_ibuf [dreg:s7], $0x6FFFF;
	_ =	strace $0x90000046  }
0xb3: {  	s29 =	simm.s32 $0x9;
	_ =	strace $0x80000048  }
0xb4: {  	_ =	swait.ge [sflag:s29], $0x1  }
0xb5: {  	[sflag:s29] =	ssyncadd.s32 $0xFFFFFFFF  }
0xb6: {  	_ =	strace $0x90000048  }
0xb7: {  	_ =	sfence  }
0xb8: {  	s30 =	sld [smem:$0x0];
	_ =	sdelay $0x2  }
0xb9: {  	s31 =	sshll.u32 s1, $0xD;
	s1 =	sshrl.u32 s1, $0x2  }
0xba: {  	s3 =	sand.u32 $0x4000, s31;
	s1 =	sadd.s32 s1, s30  }
0xbb: {  	s0 =	sor.u32 s3, s0;
	s1 =	sshll.u32 s1, $0x11  }
0xbc: {  	s0 =	sor.u32 s1, s0  }
0xbd: {  	s0 =	sadd.s32 $0x8F2B, s0  }
0xbe: {  	[sflag:s0] =	ssyncadd.remote.s32 $0x1  }
0xbf: {  	_ =	sfence.sel $0xFFFF  }
0xc0: {  	[dreg:$0x0] =	wrdreg $0xFFFFFFFF;
	(pc) =	sbr.abs _section_cstart, $3  }
0xc1: {  	[dreg:$0x1] =	wrdreg $0xFFFFFFFF  }
0xc2: {  	_ =	task.clear_ibuf [dreg:s7], $0x2FFFF;
	_ =	strace $0x9FFFFFFF  }
0xc3: {  	(tm) =	ssettm $0x7FFFFFFF  }
tec
execute0_lowered:
.L_overlay_start_1:
0x0: {  	(tag) =	ssettag $0x1  }
0x1: {  	s0 =	rddreg [dreg:$0x0]  }
0x2: {  	s1 =	srdreg.scid;
	s3 =	rddreg [dreg:$0x1]  }
0x3: {  	s12 =	stileid.u32;
	s2 =	rddreg [dreg:$0x2];
	s6 =	simm.s32 $0x0  }
0x4: {  	s13 =	simm.s32 $0x8;
	s14 =	simm.s32 $0x8C00;
	s15 =	simm.s32 $0x1  }
0x5: {  	s16 =	simm.s32 $0x9;
	s17 =	simm.s32 $0xA;
	s18 =	smul.u32 $0x13C00, s12  }
0x6: {  	s1 =	sand.u32 $0x1, s1;
	s4 =	sshll.u32 s12, $0x1;
	s10 =	smul.u32 $0x4F000, s12  }
0x7: {  	[smem:$0x7FF] =	sst s6;
	s22 =	sshll.u32 s12, $0x6;
	s23 =	smul.u32 $0x140, s12  }
0x8: {  	s12 =	simm.s32 $0x6C00;
	s5 =	sor.u32 s1, s4;
	s7 =	smul.u32 $0x13C000, s1  }
0x9: {  	_ =	strace $0x80000047;
	s19 =	ssub.s32 $0x2, s1;
	s1 =	smul.u32 $0xA0, s1  }
0xa: {  	s4 =	smul.u32 $0x500, s5;
	s9 =	sshrl.u32 s18, $0x3;
	s21 =	sshrl.u32 s10, $0x2  }
0xb: {  	s5 =	smul.u32 $0xA00, s5;
	s10 =	sor.u32 $0x1C0D, s22;
	s9 =	sadd.s32 s9, s3  }
0xc: {  	s11 =	sshrl.u32 s19, $0x1;
	[dreg:$0x5] =	wrdreg s10;
	s9 =	sadd.s32 $0x42A000, s9  }
0xd: {  	s20 =	ssub.s32 s19, s11;
	s5 =	sadd.s32 s0, s5;
	[dreg:$0x4] =	wrdreg s9  }
0xe: {  	s8 =	sadd.s32 s4, s3;
	s31 =	smax.u32 s20, $0x1;
	[dreg:$0x7] =	wrdreg s5  }
0xf: {  	s6 =	sadd.s32 s18, s7;
	s8 =	sadd.s32 $0x1400, s8;
	[dreg:$0x10] =	wrdreg s31  }
0x10: {  	s7 =	sadd.s32 s21, s2;
	s24 =	sadd.s32 $0x10, s5;
	[dreg:$0x6] =	wrdreg s8  }
0x11: {  	s1 =	sadd.s32 s1, s23;
	s25 =	sadd.s32 $0x20, s5;
	[dreg:$0x8] =	wrdreg s24  }
0x12: {  	s11 =	simm.s32 $0x7;
	s26 =	sadd.s32 $0x30, s5;
	[dreg:$0x9] =	wrdreg s25  }
0x13: {  	s4 =	sadd.s32 $0xB400, s3;
	s28 =	sadd.s32 $0x40, s5;
	[dreg:$0xa] =	wrdreg s26  }
0x14: {  	s6 =	sshrl.u32 s6, $0x3;
	s29 =	sadd.s32 $0x50, s5;
	[dreg:$0xb] =	wrdreg s28  }
0x15: {  	s1 =	sshll.u32 s1, $0x4;
	s30 =	sadd.s32 $0x60, s5;
	[dreg:$0xc] =	wrdreg s29  }
0x16: {  	s3 =	sadd.s32 s6, s3;
	s5 =	sadd.s32 $0x70, s5;
	[dreg:$0xd] =	wrdreg s30  }
0x17: {  	s0 =	sadd.s32 s1, s0;
	s9 =	simm.s32 $0xC;
	[dreg:$0xe] =	wrdreg s5  }
0x18: {  	s3 =	sadd.s32 $0x451800, s3;
	s1 =	sadd.s32 $0xE0, s0;
	s20 =	sadd.s32 $0xC0, s0  }
.Ltmp0:
0x19: {  	s21 =	sadd.s32 $0xA0, s0;
	s19 =	smov.u32 s0;
	(pc) =	sbr.rel .LBB2_1-.Ltmp0, $4  }
0x1a: {  	s22 =	sadd.s32 $0x80, s0;
	s24 =	simm.s32 $0xD;
	s26 =	simm.s32 $0x80  }
0x1b: {  	s5 =	simm.s32 $0x40;
	s8 =	simm.s32 $0x3;
	[dreg:$0xf] =	wrdreg s3  }
0x1c: {  	s25 =	simm.s32 $0xB;
	[dreg:$0x11] =	wrdreg s1;
	s1 =	sshrl.u32 s7, $0x3  }
0x1d: {  	s7 =	simm.s32 $0x2C00;
	s3 =	simm.s32 $0x0;
	[dreg:$0x12] =	wrdreg s1  }
.LBB2_4:
0x1e: {  	[bflag:$0x0] =	sbarrier.arrive $0xFFFF  }
0x1f: {  	s10 =	rddreg [dreg:$0x5]  }
0x20: {  	s0 =	rddreg [dreg:$0xf]  }
0x21: {  	s1 =	rddreg [dreg:$0x12]  }
0x22: {  	[hbm:s0], [sflag:s10] =	dma.local [spmem:s1], $0x2780  }
0x23: {  	_ =	swait.ge [sflag:s24], $0x2780  }
0x24: {  	s3 =	rddreg [dreg:$0x13]  }
0x25: {  	s31 =	rddreg [dreg:$0x10];
	s3 =	sadd.s32 $0x1, s3  }
0x26: {  	p0 =	sne.s32 s3, s31  }
.Ltmp1:
0x27: {  	_ = 	snop;
	(pc) =	sbr.rel @!p0 .LBB2_5-.Ltmp1, $3  }
0x28: {  	_ =	sdelay $0x1  }
0x29: {  	[sflag:s24] =	ssyncset.done $0x0  }
0x2a: {  	[sflag:s24] =	ssyncadd.s32 $0xFFFFD880  }
.LBB2_1:
0x2b: {  	[dreg:$0x13] =	wrdreg s3  }
0x2c: {  	s0 =	rddreg [dreg:$0x4]  }
0x2d: {  	[spmem:s1], [sflag:s10] =	dma.local [hbm:s0], $0x2780  }
0x2e: {  	_ =	swait.ge [sflag:s24], $0x2780  }
0x2f: {  	s31 =	simm.s32 $0x400;
	[sflag:s24] =	ssyncset.done $0x0  }
0x30: {  	s0 =	simm.s32 $0x0;
	s30 =	rddreg [dreg:$0x6];
	[sflag:s24] =	ssyncadd.s32 $0xFFFFD880  }
0x31: {  	[tilespmem:s31], [sflag:$0xD] =	stream.linear.gather [hbm4b:s30+s0], $0x2800, $0x38;
	[tilespmem:$0x1E800] =	vst v63  }
0x32: {  	_ =	swait.ge [sflag:s24], $0x2800  }
0x33: {  	[sflag:s24] =	ssyncset.done $0x0  }
0x34: {  	[sflag:s24] =	ssyncadd.s32 $0xFFFFD800  }
0x35: {  	[bflag:$0x0] =	sbarrier.arrive $0xFFFF  }
0x36: {  	s6 =	rddreg [dreg:$0x7]  }
0x37: {  	[tilespmem:s0], [sflag:$0x5] =	stream.linear.gather [hbm4b:s6+s0], $0x80, $0x38;
	[tilespmem:$0x1E800] =	vst v63  }
0x38: {  	s10 =	rddreg [dreg:$0x8]  }
0x39: {  	[tilespmem:s26], [sflag:$0x6] =	stream.linear.gather [hbm4b:s10+s0], $0x80, $0x38;
	[tilespmem:$0x1E800] =	vst v63  }
0x3a: {  	s3 =	simm.s32 $0x100;
	s18 =	rddreg [dreg:$0x9]  }
0x3b: {  	[tilespmem:s3], [sflag:$0x7] =	stream.linear.gather [hbm4b:s18+s0], $0x80, $0x38;
	[tilespmem:$0x1E800] =	vst v63  }
0x3c: {  	s23 =	rddreg [dreg:$0xa];
	s6 =	simm.s32 $0x180  }
0x3d: {  	[tilespmem:s6], [sflag:$0x8] =	stream.linear.gather [hbm4b:s23+s0], $0x80, $0x38;
	[tilespmem:$0x1E800] =	vst v63  }
0x3e: {  	s29 =	simm.s32 $0x200;
	s28 =	rddreg [dreg:$0xb]  }
0x3f: {  	[tilespmem:s29], [sflag:$0x9] =	stream.linear.gather [hbm4b:s28+s0], $0x80, $0x38;
	[tilespmem:$0x1E800] =	vst v63  }
0x40: {  	s31 =	simm.s32 $0x280;
	s30 =	rddreg [dreg:$0xc]  }
0x41: {  	[tilespmem:s31], [sflag:$0xA] =	stream.linear.gather [hbm4b:s30+s0], $0x80, $0x38;
	[tilespmem:$0x1E800] =	vst v63  }
0x42: {  	s10 =	rddreg [dreg:$0xd];
	s18 =	simm.s32 $0x300  }
0x43: {  	[tilespmem:s18], [sflag:$0xB] =	stream.linear.gather [hbm4b:s10+s0], $0x80, $0x38;
	[tilespmem:$0x1E800] =	vst v63  }
0x44: {  	s23 =	rddreg [dreg:$0xe];
	s28 =	simm.s32 $0x380;
	s29 =	simm.s32 $0x5  }
0x45: {  	[tilespmem:s28], [sflag:$0xC] =	stream.linear.gather [hbm4b:s23+s0], $0x80, $0x38;
	[tilespmem:$0x1E800] =	vst v63  }
0x46: {  	_ =	swait.ge [sflag:s29], $0x80  }
0x47: {  	[sflag:s29] =	ssyncset.done $0x0  }
0x48: {  	s30 =	simm.s32 $0x6;
	[sflag:s29] =	ssyncadd.s32 $0xFFFFFF80  }
0x49: {  	[tilespmem:s7], [sflag:$0x1] =	stream.indirect.gather [hbm4b:s4+s5], $0x80, s0, s5, $0xb8;
	[tilespmem:$0x1E800] =	vst v63  }
0x4a: {  	_ =	swait.ge [sflag:s30], $0x80  }
0x4b: {  	[sflag:s30] =	ssyncset.done $0x0  }
0x4c: {  	s31 =	simm.s32 $0x4C00;
	[sflag:s30] =	ssyncadd.s32 $0xFFFFFF80  }
0x4d: {  	[tilespmem:s31], [sflag:$0x2] =	stream.indirect.gather [hbm4b:s4+s5], $0x80, s26, s5, $0xb8;
	[tilespmem:$0x1E800] =	vst v63  }
0x4e: {  	_ =	swait.ge [sflag:s11], $0x80  }
0x4f: {  	[sflag:s11] =	ssyncset.done $0x0  }
0x50: {  	[sflag:s11] =	ssyncadd.s32 $0xFFFFFF80  }
0x51: {  	[tilespmem:s12], [sflag:$0x3] =	stream.indirect.gather [hbm4b:s4+s5], $0x80, s3, s5, $0xb8;
	[tilespmem:$0x1E800] =	vst v63  }
0x52: {  	_ =	swait.ge [sflag:s13], $0x80  }
0x53: {  	[sflag:s13] =	ssyncset.done $0x0  }
0x54: {  	s23 =	simm.s32 $0x580;
	s3 =	simm.s32 $0x0;
	[sflag:s13] =	ssyncadd.s32 $0xFFFFFF80  }
0x55: {  	[tilespmem:s14], [sflag:$0x4] =	stream.indirect.gather [hbm4b:s4+s5], $0x80, s6, s5, $0xb8;
	[tilespmem:$0x1E800] =	vst v63  }
.LBB2_2:
0x56: {  	_ =	swait.ge [sflag:s15], $0x2000  }
0x57: {  	p0 =	sne.s32 s3, $0x980;
	[sflag:s15] =	ssyncset.done $0x0  }
0x58: {  	s1 =	sadd.s32 @p0 s3, s22;
	s6 =	simm.s32 @p0 $0x0;
	[sflag:s15] =	ssyncadd.s32 $0xFFFFE000  }
0x59: {  	[tilespmem:s6], [sflag:$0x5] =	stream.linear.gather @p0 [hbm4b:s1+s6], $0x80, $0x38;
	[tilespmem:$0x1E800] =	vst v63  }
0x5a: {  	s1 =	simm.s32 @p0 $0x2  }
0x5b: {  	_ =	swait.ge @p0 [sflag:s1], $0x2000  }
0x5c: {  	s28 =	sadd.s32 @p0 s3, s19;
	s29 =	simm.s32 @p0 $0x80;
	[sflag:s1] =	ssyncset.done @p0 $0x0  }
0x5d: {  	s0 =	simm.s32 @!p0 $0x2;
	s30 =	sadd.s32 @p0 $0x90, s28;
	[sflag:s1] =	ssyncadd.s32 @p0 $0xFFFFE000  }
0x5e: {  	[tilespmem:s29], [sflag:$0x6] =	stream.linear.gather @p0 [hbm4b:s30+s6], $0x80, $0x38;
	[tilespmem:$0x1E800] =	vst v63  }
0x5f: {  	_ =	swait.ge @!p0 [sflag:s0], $0x2000  }
0x60: {  	[sflag:s0] =	ssyncset.done @!p0 $0x0  }
0x61: {  	s18 =	sadd.s32 $0xFFFFFE80, s23;
	[sflag:s0] =	ssyncadd.s32 @!p0 $0xFFFFE000  }
0x62: {  	[spmem:s2] =	stream.indirect.scatter.add.f32 [tilespmem:s7], [sflag:$0xD], $0x80, s18, s26, $0xb8;
	[tilespmem:$0x1E800] =	vst v63  }
0x63: {  	_ =	swait.ge [sflag:s24], $0x4000  }
0x64: {  	[sflag:s24] =	ssyncset.done $0x0  }
0x65: {  	[sflag:s24] =	ssyncadd.s32 $0xFFFFC000  }
0x66: {  	_ =	swait.ge [sflag:s16], $0x80  }
0x67: {  	[sflag:s16] =	ssyncset.done $0x0  }
0x68: {  	s10 =	simm.s32 $0x200;
	[sflag:s16] =	ssyncadd.s32 $0xFFFFFF80  }
0x69: {  	[tilespmem:s7], [sflag:$0x1] =	stream.indirect.gather [hbm4b:s4+s5], $0x80, s10, s5, $0xb8;
	[tilespmem:$0x1E800] =	vst v63  }
0x6a: {  	_ =	swait.ge [sflag:s17], $0x80  }
0x6b: {  	[sflag:s17] =	ssyncset.done $0x0  }
0x6c: {  	s31 =	simm.s32 $0x280;
	s18 =	simm.s32 $0x4C00;
	[sflag:s17] =	ssyncadd.s32 $0xFFFFFF80  }
0x6d: {  	[tilespmem:s18], [sflag:$0x2] =	stream.indirect.gather [hbm4b:s4+s5], $0x80, s31, s5, $0xb8;
	[tilespmem:$0x1E800] =	vst v63  }
0x6e: {  	_ =	swait.ge [sflag:s8], $0x2000  }
0x6f: {  	[sflag:s8] =	ssyncset.done $0x0  }
0x70: {  	s30 =	sadd.s32 @p0 s3, s21;
	s31 =	simm.s32 @p0 $0x100;
	[sflag:s8] =	ssyncadd.s32 $0xFFFFE000  }
0x71: {  	[tilespmem:s31], [sflag:$0x7] =	stream.linear.gather @p0 [hbm4b:s30+s6], $0x80, $0x38;
	[tilespmem:$0x1E800] =	vst v63  }
0x72: {  	s31 =	simm.s32 @p0 $0x4  }
0x73: {  	_ =	swait.ge @p0 [sflag:s31], $0x2000  }
0x74: {  	[sflag:s31] =	ssyncset.done @p0 $0x0  }
0x75: {  	s10 =	simm.s32 @p0 $0x180;
	s30 =	sadd.s32 @p0 $0xB0, s28;
	[sflag:s31] =	ssyncadd.s32 @p0 $0xFFFFE000  }
0x76: {  	[tilespmem:s10], [sflag:$0x8] =	stream.linear.gather @p0 [hbm4b:s30+s6], $0x80, $0x38;
	[tilespmem:$0x1E800] =	vst v63  }
0x77: {  	s30 =	simm.s32 @!p0 $0x4  }
0x78: {  	_ =	swait.ge @!p0 [sflag:s30], $0x2000  }
0x79: {  	[sflag:s30] =	ssyncset.done @!p0 $0x0  }
0x7a: {  	s18 =	sadd.s32 $0xFFFFFF00, s23;
	[sflag:s30] =	ssyncadd.s32 @!p0 $0xFFFFE000  }
0x7b: {  	[spmem:s2] =	stream.indirect.scatter.add.f32 [tilespmem:s12], [sflag:$0xD], $0x80, s18, s26, $0xb8;
	[tilespmem:$0x1E800] =	vst v63  }
0x7c: {  	_ =	swait.ge [sflag:s24], $0x4000  }
0x7d: {  	[sflag:s24] =	ssyncset.done $0x0  }
0x7e: {  	[sflag:s24] =	ssyncadd.s32 $0xFFFFC000  }
0x7f: {  	_ =	swait.ge [sflag:s25], $0x80  }
0x80: {  	[sflag:s25] =	ssyncset.done $0x0  }
0x81: {  	s18 =	simm.s32 $0x300;
	[sflag:s25] =	ssyncadd.s32 $0xFFFFFF80  }
0x82: {  	[tilespmem:s12], [sflag:$0x3] =	stream.indirect.gather [hbm4b:s4+s5], $0x80, s18, s5, $0xb8;
	[tilespmem:$0x1E800] =	vst v63  }
0x83: {  	_ =	swait.ge [sflag:s9], $0x80  }
0x84: {  	[sflag:s9] =	ssyncset.done $0x0  }
0x85: {  	s18 =	simm.s32 $0x380;
	[sflag:s9] =	ssyncadd.s32 $0xFFFFFF80  }
0x86: {  	[tilespmem:s14], [sflag:$0x4] =	stream.indirect.gather [hbm4b:s4+s5], $0x80, s18, s5, $0xb8;
	[tilespmem:$0x1E800] =	vst v63  }
0x87: {  	_ =	swait.ge [sflag:s15], $0x2000  }
0x88: {  	[sflag:s15] =	ssyncset.done $0x0  }
0x89: {  	s10 =	sadd.s32 @p0 s3, s20;
	s18 =	simm.s32 @p0 $0x200;
	[sflag:s15] =	ssyncadd.s32 $0xFFFFE000  }
0x8a: {  	[tilespmem:s18], [sflag:$0x9] =	stream.linear.gather @p0 [hbm4b:s10+s6], $0x80, $0x38;
	[tilespmem:$0x1E800] =	vst v63  }
0x8b: {  	_ =	swait.ge @p0 [sflag:s1], $0x2000  }
0x8c: {  	[sflag:s1] =	ssyncset.done @p0 $0x0  }
0x8d: {  	s10 =	simm.s32 @p0 $0x280;
	[sflag:s1] =	ssyncadd.s32 @p0 $0xFFFFE000;
	s1 =	sadd.s32 @p0 $0xD0, s28  }
0x8e: {  	[tilespmem:s10], [sflag:$0xA] =	stream.linear.gather @p0 [hbm4b:s1+s6], $0x80, $0x38;
	[tilespmem:$0x1E800] =	vst v63  }
0x8f: {  	_ =	swait.ge @!p0 [sflag:s0], $0x2000  }
0x90: {  	[sflag:s0] =	ssyncset.done @!p0 $0x0  }
0x91: {  	s18 =	sadd.s32 $0xFFFFFF80, s23;
	[sflag:s0] =	ssyncadd.s32 @!p0 $0xFFFFE000  }
0x92: {  	[spmem:s2] =	stream.indirect.scatter.add.f32 [tilespmem:s7], [sflag:$0xD], $0x80, s18, s26, $0xb8;
	[tilespmem:$0x1E800] =	vst v63  }
0x93: {  	_ =	swait.ge [sflag:s24], $0x4000  }
0x94: {  	[sflag:s24] =	ssyncset.done $0x0  }
0x95: {  	s0 =	simm.s32 @p0 $0x5;
	[sflag:s24] =	ssyncadd.s32 $0xFFFFC000  }
0x96: {  	_ =	swait.ge @p0 [sflag:s0], $0x80  }
0x97: {  	[sflag:s0] =	ssyncset.done @p0 $0x0  }
0x98: {  	s1 =	simm.s32 @p0 $0x2C00;
	[sflag:s0] =	ssyncadd.s32 @p0 $0xFFFFFF80;
	s0 =	simm.s32 @p0 $0x40  }
0x99: {  	[tilespmem:s1], [sflag:$0x1] =	stream.indirect.gather @p0 [hbm4b:s4+s0], $0x80, s6, s0, $0xb8;
	[tilespmem:$0x1E800] =	vst v63  }
0x9a: {  	s1 =	simm.s32 @p0 $0x6  }
0x9b: {  	_ =	swait.ge @p0 [sflag:s1], $0x80  }
0x9c: {  	[sflag:s1] =	ssyncset.done @p0 $0x0  }
0x9d: {  	[sflag:s1] =	ssyncadd.s32 @p0 $0xFFFFFF80;
	s1 =	simm.s32 @p0 $0x4C00  }
0x9e: {  	[tilespmem:s1], [sflag:$0x2] =	stream.indirect.gather @p0 [hbm4b:s4+s0], $0x80, s29, s0, $0xb8;
	[tilespmem:$0x1E800] =	vst v63  }
0x9f: {  	s0 =	simm.s32 @p0 $0x3  }
0xa0: {  	_ =	swait.ge @p0 [sflag:s0], $0x2000  }
0xa1: {  	[sflag:s0] =	ssyncset.done @p0 $0x0  }
0xa2: {  	[sflag:s0] =	ssyncadd.s32 @p0 $0xFFFFE000;
	s0 =	rddreg [dreg:$0x11]  }
0xa3: {  	s1 =	simm.s32 @p0 $0x300;
	s0 =	sadd.s32 @p0 s3, s0  }
0xa4: {  	[tilespmem:s1], [sflag:$0xB] =	stream.linear.gather @p0 [hbm4b:s0+s6], $0x80, $0x38;
	[tilespmem:$0x1E800] =	vst v63  }
0xa5: {  	_ =	swait.ge @p0 [sflag:s31], $0x2000  }
0xa6: {  	[sflag:s31] =	ssyncset.done @p0 $0x0  }
0xa7: {  	s0 =	sadd.s32 @p0 $0xF0, s28;
	s1 =	simm.s32 @p0 $0x380;
	[sflag:s31] =	ssyncadd.s32 @p0 $0xFFFFE000  }
0xa8: {  	[tilespmem:s1], [sflag:$0xC] =	stream.linear.gather @p0 [hbm4b:s0+s6], $0x80, $0x38;
	[tilespmem:$0x1E800] =	vst v63  }
0xa9: {  	s0 =	simm.s32 @!p0 $0x3  }
0xaa: {  	_ =	swait.ge @!p0 [sflag:s0], $0x2000  }
0xab: {  	[sflag:s0] =	ssyncset.done @!p0 $0x0  }
0xac: {  	[sflag:s0] =	ssyncadd.s32 @!p0 $0xFFFFE000  }
0xad: {  	_ =	swait.ge @!p0 [sflag:s30], $0x2000  }
0xae: {  	[sflag:s30] =	ssyncset.done @!p0 $0x0  }
0xaf: {  	[sflag:s30] =	ssyncadd.s32 @!p0 $0xFFFFE000;
	p0 =	seq.s32 s3, $0x980  }
.Ltmp2:
0xb0: {  	_ = 	snop;
	(pc) =	sbr.rel @p0 .LBB2_4-.Ltmp2, $4  }
0xb1: {  	[spmem:s2] =	stream.indirect.scatter.add.f32 [tilespmem:s12], [sflag:$0xD], $0x80, s23, s26, $0xb8;
	[tilespmem:$0x1E800] =	vst v63  }
0xb2: {  	_ =	swait.ge [sflag:s24], $0x4000  }
0xb3: {  	[sflag:s24] =	ssyncset.done $0x0  }
0xb4: {  	[sflag:s24] =	ssyncadd.s32 $0xFFFFC000  }
0xb5: {  	_ =	swait.ge [sflag:s11], $0x80  }
0xb6: {  	[sflag:s11] =	ssyncset.done $0x0  }
0xb7: {  	s0 =	simm.s32 $0x100;
	[sflag:s11] =	ssyncadd.s32 $0xFFFFFF80  }
0xb8: {  	[tilespmem:s12], [sflag:$0x3] =	stream.indirect.gather [hbm4b:s4+s5], $0x80, s0, s5, $0xb8;
	[tilespmem:$0x1E800] =	vst v63  }
.Ltmp3:
0xb9: {  	_ = 	snop;
	(pc) =	sbr.rel .LBB2_2-.Ltmp3, $4  }
0xba: {  	_ =	swait.ge [sflag:s13], $0x80  }
0xbb: {  	s31 =	simm.s32 $0x180;
	[sflag:s13] =	ssyncset.done $0x0  }
0xbc: {  	s3 =	sadd.s32 $0x80, s3;
	s23 =	sadd.s32 $0x200, s23;
	[sflag:s13] =	ssyncadd.s32 $0xFFFFFF80  }
0xbd: {  	[tilespmem:s14], [sflag:$0x4] =	stream.indirect.gather [hbm4b:s4+s5], $0x80, s31, s5, $0xb8;
	[tilespmem:$0x1E800] =	vst v63  }
.LBB2_5:
0xbe: {  	_ =	sfence.sel $0x180000  }
0xbf: {  	[bflag:$0x0] =	sbarrier.arrive $0xFFFF  }
0xc0: {  	_ =	strace $0x90000047  }
0xc1: {  	s0 =	stileid.u32;
	[bflag:$0x2] =	sbarrier.arrive $0xFFFF  }
0xc2: {  	p0 =	sne.s32 s0, $0x0;
	s0 =	rddreg [dreg:$0x3]  }
0xc3: {  	s0 =	sadd.s32 @!p0 $0x100000, s0  }
0xc4: {  	[sflag:s0] =	ssyncadd.tile.s32 @!p0 $0x1;
	_ =	shalt  }
.Lfunc_end2:
_tile_overlayer_lowered:
.L_overlay_start_2:
0xc5: {  	(tag) =	ssettag $0x2  }
0xc6: {  	s0 =	rddreg [dreg:$0x0];
	s2 =	stileid.u32  }
0xc7: {  	s1 =	rddreg [dreg:$0x1];
	p0 =	sne.s32 s2, $0x0  }
0xc8: {  	s3 =	rddreg [dreg:$0x2];
	[bflag:$0x3] =	sbarrier.arrive $0xFFFF;
	s2 =	simm.s32 @!p0 $0x1C0D  }
0xc9: {  	[timem:s3], [sflag:s2] =	dma.local @!p0 [hbm:s0], s1  }
0xca: {  	s0 =	simm.s32 @!p0 $0xD  }
0xcb: {  	_ =	swait.ge @!p0 [sflag:s0], s1  }
0xcc: {  	s1 =	ssub.s32 @!p0 $0x0, s1;
	[sflag:s0] =	ssyncset.done @!p0 $0x0  }
0xcd: {  	[sflag:s0] =	ssyncadd.s32 @!p0 s1  }
0xce: {  	[bflag:$0x3] =	sbarrier.arrive $0xFFFF  }
0xcf: {  	_ =	shalt  }

</sc_bundles>
